<compile_context>
chip_gen: v7x
topology: tpu7x:2x2x1
jax: 0.10.2.dev20260603
libtpu: 0.0.44.dev20260713+nightly
codegen_flags: <defaults>
</compile_context>

<pallas_src>
import functools
import jax
import jax.numpy as jnp
from jax import lax
from jax.experimental import pallas as pl
from jax.experimental.pallas import tpu as pltpu
from jax.experimental.pallas import tpu_sc as plsc

_B, _N, _MO, _D = 128, 32, 48, 64
_R = _N * _B
_NB = 4
_L = 16
_G = _B // _L


def _sc_cnt_body(cats_hbm, subs_hbm, mask_hbm, cl_hbm, cr_hbm, cnt_hbm,
                 cats_v, subs_v, mask_v, cl_v, cr_v, vc_v,
                 vc_pub, cnt_o, vc_sh):
    c = lax.axis_index("c")
    s = lax.axis_index("s")

    pltpu.sync_copy(cats_hbm, cats_v)
    pltpu.sync_copy(subs_hbm, subs_v)
    pltpu.sync_copy(mask_hbm, mask_v)
    pltpu.sync_copy(cl_hbm, cl_v)
    pltpu.sync_copy(cr_hbm, cr_v)

    lane = lax.iota(jnp.int32, _L)

    for r in range(2):
        row = 2 * s + r
        for g in range(_G):
            sl = pl.ds(row * _B + g * _L, _L)
            b_idx = lane + g * _L
            cats_g = cats_v[sl]
            subs_g = subs_v[sl]
            mask_g = mask_v[sl]
            cl_g = jnp.clip(cl_v[sl], 0, _N - 1)
            flat_l = cl_g * _B + b_idx
            cats_l = plsc.load_gather(cats_v, [flat_l])
            subs_l = plsc.load_gather(subs_v, [flat_l])
            mask_l = plsc.load_gather(mask_v, [flat_l])
            ecat = jnp.where(mask_g != 0, cats_g, 3)
            ecat_l = jnp.where(mask_l != 0, cats_l, 3)
            vpm = jnp.where(ecat == 0, subs_g + 1, subs_l + 1)
            cpm = jnp.where(ecat == 0, 1,
                            jnp.where((ecat == 1) & (ecat_l == 0), subs_g + 2, 0))
            vc_pub[pl.ds(r * _B + g * _L, _L)] = vpm + 8 * cpm

    pltpu.sync_copy(vc_pub, vc_sh.at[pl.ds(2 * s * _B, 2 * _B)])
    plsc.subcore_barrier()
    pltpu.sync_copy(vc_sh, vc_v)

    w = 2 * s + c
    for g in range(_G):
        sl = pl.ds(w * _B + g * _L, _L)
        b_idx = lane + g * _L
        cats_g = cats_v[sl]
        subs_g = subs_v[sl]
        mask_g = mask_v[sl]
        cl_g = jnp.clip(cl_v[sl], 0, _N - 1)
        cr_g = jnp.clip(cr_v[sl], 0, _N - 1)
        vc_g = vc_v[sl]
        ecat = jnp.where(mask_g != 0, cats_g, 3)
        is_after = subs_g == 1
        i_first = jnp.where(is_after, cr_g, cl_g)
        i_second = jnp.where(is_after, cl_g, cr_g)
        pk_f = plsc.load_gather(vc_v, [i_first * _B + b_idx])
        pk_s = plsc.load_gather(vc_v, [i_second * _B + b_idx])
        is_comb = ecat == 2
        c_a = jnp.where(is_comb, pk_f >> 3, vc_g >> 3)
        c_b = jnp.where(is_comb, pk_s >> 3, 0)
        cnt_o[pl.ds(g * _L, _L)] = (c_a + c_b).astype(jnp.float32)

    pltpu.sync_copy(cnt_o, cnt_hbm.at[pl.ds(w * _B, _B)])


_sc_cnt = functools.partial(
    pl.kernel,
    out_type=jax.ShapeDtypeStruct((_R,), jnp.float32),
    mesh=plsc.VectorSubcoreMesh(core_axis_name="c", subcore_axis_name="s"),
    compiler_params=pltpu.CompilerParams(needs_layout_passes=False),
    scratch_types=[pltpu.VMEM((_R,), jnp.int32)] * 6
    + [pltpu.VMEM((2 * _B,), jnp.int32),
       pltpu.VMEM((_B,), jnp.float32),
       pltpu.VMEM_SHARED((_R,), jnp.int32)],
)(_sc_cnt_body)


def _loop_gather(x, idx, rows):
    acc = jnp.zeros((rows, _B), x.dtype)
    for j in range(_N):
        acc = jnp.where(idx == j, x[j:j + 1, :], acc)
    return acc


def _tc_body(cats_ref, subs_ref, mask_ref, cl_ref, cr_ref,
             catsb_ref, subsb_ref, maskb_ref, clb_ref, crb_ref,
             e1_ref, e2_ref, out_ref):
    cats = cats_ref[...]
    subs = subs_ref[...]
    msk = mask_ref[...]
    cl = jnp.clip(cl_ref[...], 0, _N - 1)

    ecat = jnp.where(msk != 0, cats, 3)
    pk_l = _loop_gather(ecat + 4 * subs, cl, _N)
    vpm = jnp.where(ecat == 0, subs + 1, (pk_l >> 2) + 1)
    cpm = jnp.where(ecat == 0, 1,
                    jnp.where((ecat == 1) & ((pk_l & 3) == 0), subs + 2, 0))
    vc = vpm + 8 * cpm

    cats_b = catsb_ref[0]
    subs_b = subsb_ref[0]
    mask_b = maskb_ref[0]
    cl_b = jnp.clip(clb_ref[0], 0, _N - 1)
    cr_b = jnp.clip(crb_ref[0], 0, _N - 1)
    ecat_b = jnp.where(mask_b != 0, cats_b, 3)
    pk_lb = _loop_gather(ecat + 4 * subs, cl_b, _NB)
    vpm_b = jnp.where(ecat_b == 0, subs_b + 1, (pk_lb >> 2) + 1)
    cpm_b = jnp.where(ecat_b == 0, 1,
                      jnp.where((ecat_b == 1) & ((pk_lb & 3) == 0),
                                subs_b + 2, 0))
    is_after = subs_b == 1
    i_first = jnp.where(is_after, cr_b, cl_b)
    i_second = jnp.where(is_after, cl_b, cr_b)
    pk_f = _loop_gather(vc, i_first, _NB)
    pk_s = _loop_gather(vc, i_second, _NB)
    is_comb = ecat_b == 2
    c_a = jnp.where(is_comb, pk_f >> 3, cpm_b)
    v_a = jnp.where(is_comb, pk_f & 7, vpm_b)
    c_b = jnp.where(is_comb, pk_s >> 3, 0)
    v_b = pk_s & 7

    e1 = e1_ref[...]
    e2 = e2_ref[...]
    zero = jnp.zeros((1, 1, 1), jnp.float32)
    p3 = lax.broadcasted_iota(jnp.int32, (_MO, 1, 1), 0)
    cab = c_a + c_b
    for k in range(_NB):
        ca3 = lax.broadcast_in_dim(c_a[k:k + 1, :], (1, 1, _B), (1, 2))
        cab3 = lax.broadcast_in_dim(cab[k:k + 1, :], (1, 1, _B), (1, 2))
        va3 = lax.broadcast_in_dim(v_a[k:k + 1, :], (1, 1, _B), (1, 2))
        vb3 = lax.broadcast_in_dim(v_b[k:k + 1, :], (1, 1, _B), (1, 2))
        ea = jnp.where(va3 == 1, e1, jnp.where(va3 == 2, e2, zero))
        eb = jnp.where(vb3 == 1, e1, jnp.where(vb3 == 2, e2, zero))
        in_a = p3 < ca3
        in_ab = p3 < cab3
        out_ref[k] = jnp.where(in_a, ea, jnp.where(in_ab, eb, zero))


def kernel(node_cats, node_subs, node_mask, child_left, child_right, action_embed):
    mask_i = node_mask.astype(jnp.int32)
    ct, st, mt = node_cats.T, node_subs.T, mask_i.T
    lt, rt = child_left.T, child_right.T

    cnt = _sc_cnt(ct.reshape(_R), st.reshape(_R), mt.reshape(_R),
                  lt.reshape(_R), rt.reshape(_R))

    g = _N // _NB
    full_spec = pl.BlockSpec((_N, _B), lambda i: (0, 0))
    blk_spec = pl.BlockSpec((1, _NB, _B), lambda i: (i, 0, 0))
    evec_spec = pl.BlockSpec((1, _D, 1), lambda i: (0, 0, 0))
    out = pl.pallas_call(
        _tc_body,
        grid=(g,),
        in_specs=[full_spec] * 5 + [blk_spec] * 5 + [evec_spec] * 2,
        out_specs=pl.BlockSpec((_NB, _MO, _D, _B), lambda i: (i, 0, 0, 0)),
        out_shape=jax.ShapeDtypeStruct((_N, _MO, _D, _B), jnp.float32),
    )(ct, st, mt, lt, rt,
      ct.reshape(g, _NB, _B), st.reshape(g, _NB, _B), mt.reshape(g, _NB, _B),
      lt.reshape(g, _NB, _B), rt.reshape(g, _NB, _B),
      action_embed[1].reshape(1, _D, 1), action_embed[2].reshape(1, _D, 1))

    return jnp.transpose(out, (3, 0, 1, 2)), cnt.reshape(_N, _B).T

# --- scband reference (transcript-rebuilt; emitter-appended) ---
"""Pipeline reference for scband-scancircuit-v4-b-27144193310728 (READ-ONLY COPY).

The authoritative reference and input builder live on the scoring server;
editing this copy changes nothing except your own understanding.
"""

import jax, jax.numpy as jnp
import numpy as np

B, N, MO, D = 128, 32, 48, 64
N_ACTIONS = 8
CAT_PRIMITIVE, CAT_MODIFIER, CAT_COMBINATOR = 0, 1, 2


def setup_inputs(seed: int = 0) -> dict:
    key = jax.random.key(seed)
    ks = jax.random.split(key, 6)
    node_cats = jax.random.randint(ks[0], (B, N), 0, 3).astype(jnp.int32)
    node_subs = jax.random.randint(ks[1], (B, N), 0, 2).astype(jnp.int32)
    node_mask = jnp.ones((B, N), dtype=bool)
    child_left = jax.random.randint(ks[2], (B, N), 0, N).astype(jnp.int32)
    child_right = jax.random.randint(ks[3], (B, N), 0, N).astype(jnp.int32)
    action_embed = jax.random.normal(ks[4], (N_ACTIONS, D), dtype=jnp.float32) * 0.1
    return {"node_cats": node_cats, "node_subs": node_subs, "node_mask": node_mask,
            "child_left": child_left, "child_right": child_right, "action_embed": action_embed}


def _prim_op(subs, mask, W):
    action_ids = jnp.clip(subs + 1, 0, N_ACTIONS - 1)
    prim_vecs = jnp.take(W, action_ids, axis=0)  # (B,N,D)
    buffer = jnp.zeros((B, N, MO, D), dtype=jnp.float32)
    buffer = buffer.at[:, :, 0, :].set(prim_vecs * mask[..., None].astype(jnp.float32))
    count = mask.astype(jnp.float32)
    return buffer, count


def _mod_op(child_buffer, child_count, subs):
    repeat = jnp.clip(subs + 2, 1, 3).astype(jnp.float32)
    new_count = jnp.minimum(child_count * repeat, float(MO))
    cc_int = jnp.maximum(jnp.round(child_count).astype(jnp.int32), 1)
    positions = jnp.arange(MO)
    src_pos = positions[None, None, :] % cc_int[..., None]
    src_pos = jnp.clip(src_pos, 0, MO - 1)
    valid = positions[None, None, :] < new_count[..., None]
    gathered = jnp.take_along_axis(child_buffer, src_pos[..., None], axis=2)
    new_buffer = gathered * valid[..., None].astype(jnp.float32)
    return new_buffer, new_count


def _comb_op(left_buf, left_count, right_buf, right_count, subs):
    is_after = (subs == 1)
    first_buf = jnp.where(is_after[..., None, None], right_buf, left_buf)
    second_buf = jnp.where(is_after[..., None, None], left_buf, right_buf)
    first_count = jnp.where(is_after, right_count, left_count)
    second_count = jnp.where(is_after, left_count, right_count)
    fc_int = jnp.maximum(jnp.round(first_count).astype(jnp.int32), 0)
    sc_int = jnp.maximum(jnp.round(second_count).astype(jnp.int32), 0)
    positions = jnp.arange(MO)
    in_first = positions[None, None, :] < fc_int[..., None]
    first_src = jnp.clip(jnp.broadcast_to(positions[None, None, :], (B, N, MO)), 0, MO - 1)
    first_gather = jnp.take_along_axis(first_buf, first_src[..., None], axis=2)
    second_idx = jnp.clip(positions[None, None, :] - fc_int[..., None], 0, MO - 1)
    second_gather = jnp.take_along_axis(second_buf, second_idx[..., None], axis=2)
    in_second = (positions[None, None, :] >= fc_int[..., None]) & (positions[None, None, :] < (fc_int + sc_int)[..., None])
    new_buffer = jnp.zeros((B, N, MO, D), dtype=jnp.float32)
    new_buffer = jnp.where(in_first[..., None], first_gather, new_buffer)
    new_buffer = jnp.where(in_second[..., None], second_gather, new_buffer)
    new_count = jnp.minimum(first_count + second_count, float(MO))
    return new_buffer, new_count


def reference(node_cats, node_subs, node_mask, child_left, child_right, action_embed):
    cats = node_cats
    subs = node_subs
    mask = node_mask
    cl = jnp.clip(child_left, 0, N - 1)
    cr = jnp.clip(child_right, 0, N - 1)
    prim_mask = (cats == CAT_PRIMITIVE) & mask
    mod_mask = (cats == CAT_MODIFIER) & mask
    comb_mask = (cats == CAT_COMBINATOR) & mask
    buffers, counts = _prim_op(subs, prim_mask, action_embed)
    child_buf = jnp.take_along_axis(buffers, cl[:, :, None, None], axis=1)
    child_cnt = jnp.take_along_axis(counts, cl, axis=1)
    mod_buffers, mod_counts = _mod_op(child_buf, child_cnt, subs)
    buffers = jnp.where(mod_mask[..., None, None], mod_buffers, buffers)
    counts = jnp.where(mod_mask, mod_counts, counts)
    left_buf = jnp.take_along_axis(buffers, cl[:, :, None, None], axis=1)
    right_buf = jnp.take_along_axis(buffers, cr[:, :, None, None], axis=1)
    left_cnt = jnp.take_along_axis(counts, cl, axis=1)
    right_cnt = jnp.take_along_axis(counts, cr, axis=1)
    comb_buffers, comb_counts = _comb_op(left_buf, left_cnt, right_buf, right_cnt, subs)
    buffers = jnp.where(comb_mask[..., None, None], comb_buffers, buffers)
    counts = jnp.where(comb_mask, comb_counts, counts)
    return buffers, counts

if __name__ == "__main__":
    import jax
    _d = setup_inputs()
    print(jax.jit(kernel)(*tuple(_d.values())))

</pallas_src>

<mosaic_0001>
#map = affine_map<(d0, d1) -> (0)>
module attributes {stable_mosaic.version = 14 : i64} {
  func.func @_sc_cnt_body(%arg0: i32, %arg1: i32, %arg2: memref<4096xi32, #tpu.memory_space<hbm>>, %arg3: memref<4096xi32, #tpu.memory_space<hbm>>, %arg4: memref<4096xi32, #tpu.memory_space<hbm>>, %arg5: memref<4096xi32, #tpu.memory_space<hbm>>, %arg6: memref<4096xi32, #tpu.memory_space<hbm>>, %arg7: memref<4096xf32, #tpu.memory_space<hbm>>, %arg8: memref<4096xi32, #tpu.memory_space<vmem>>, %arg9: memref<4096xi32, #tpu.memory_space<vmem>>, %arg10: memref<4096xi32, #tpu.memory_space<vmem>>, %arg11: memref<4096xi32, #tpu.memory_space<vmem>>, %arg12: memref<4096xi32, #tpu.memory_space<vmem>>, %arg13: memref<4096xi32, #tpu.memory_space<vmem>>, %arg14: memref<256xi32, #tpu.memory_space<vmem>>, %arg15: memref<128xf32, #tpu.memory_space<vmem>>, %arg16: memref<4096xi32, #tpu.memory_space<vmem_shared>>) attributes {dimension_semantics = [#tpu.dimension_semantics<core_parallel>, #tpu.dimension_semantics<subcore_parallel>], iteration_bounds = array<i64: 2, 16>, scalar_prefetch = 0 : i64, scratch_operands = 9 : i64, tpu.core_type = #tpu.core_type<sc_vector_subcore>, window_params = [{transform_indices = #map}, {transform_indices = #map}, {transform_indices = #map}, {transform_indices = #map}, {transform_indices = #map}, {transform_indices = #map}]} {
    "tpu.region"() ({
      %run_scoped3A = tpu.sem_alloc : memref<!tpu.dma_semaphore, #tpu.memory_space<semaphore_mem>>
      tpu.enqueue_dma source(%arg2 : memref<4096xi32, #tpu.memory_space<hbm>>) target(%arg8 : memref<4096xi32, #tpu.memory_space<vmem>>) target_semaphore(%run_scoped3A : memref<!tpu.dma_semaphore, #tpu.memory_space<semaphore_mem>>)
      tpu.wait_dma2 semaphore(%run_scoped3A : memref<!tpu.dma_semaphore, #tpu.memory_space<semaphore_mem>>) src(%arg2 : memref<4096xi32, #tpu.memory_space<hbm>>) dst(%arg8 : memref<4096xi32, #tpu.memory_space<vmem>>)
      tpu.yield
    }) : () -> ()
    "tpu.region"() ({
      %run_scoped3A = tpu.sem_alloc : memref<!tpu.dma_semaphore, #tpu.memory_space<semaphore_mem>>
      tpu.enqueue_dma source(%arg3 : memref<4096xi32, #tpu.memory_space<hbm>>) target(%arg9 : memref<4096xi32, #tpu.memory_space<vmem>>) target_semaphore(%run_scoped3A : memref<!tpu.dma_semaphore, #tpu.memory_space<semaphore_mem>>)
      tpu.wait_dma2 semaphore(%run_scoped3A : memref<!tpu.dma_semaphore, #tpu.memory_space<semaphore_mem>>) src(%arg3 : memref<4096xi32, #tpu.memory_space<hbm>>) dst(%arg9 : memref<4096xi32, #tpu.memory_space<vmem>>)
      tpu.yield
    }) : () -> ()
    "tpu.region"() ({
      %run_scoped3A = tpu.sem_alloc : memref<!tpu.dma_semaphore, #tpu.memory_space<semaphore_mem>>
      tpu.enqueue_dma source(%arg4 : memref<4096xi32, #tpu.memory_space<hbm>>) target(%arg10 : memref<4096xi32, #tpu.memory_space<vmem>>) target_semaphore(%run_scoped3A : memref<!tpu.dma_semaphore, #tpu.memory_space<semaphore_mem>>)
      tpu.wait_dma2 semaphore(%run_scoped3A : memref<!tpu.dma_semaphore, #tpu.memory_space<semaphore_mem>>) src(%arg4 : memref<4096xi32, #tpu.memory_space<hbm>>) dst(%arg10 : memref<4096xi32, #tpu.memory_space<vmem>>)
      tpu.yield
    }) : () -> ()
    "tpu.region"() ({
      %run_scoped3A = tpu.sem_alloc : memref<!tpu.dma_semaphore, #tpu.memory_space<semaphore_mem>>
      tpu.enqueue_dma source(%arg5 : memref<4096xi32, #tpu.memory_space<hbm>>) target(%arg11 : memref<4096xi32, #tpu.memory_space<vmem>>) target_semaphore(%run_scoped3A : memref<!tpu.dma_semaphore, #tpu.memory_space<semaphore_mem>>)
      tpu.wait_dma2 semaphore(%run_scoped3A : memref<!tpu.dma_semaphore, #tpu.memory_space<semaphore_mem>>) src(%arg5 : memref<4096xi32, #tpu.memory_space<hbm>>) dst(%arg11 : memref<4096xi32, #tpu.memory_space<vmem>>)
      tpu.yield
    }) : () -> ()
    "tpu.region"() ({
      %run_scoped3A = tpu.sem_alloc : memref<!tpu.dma_semaphore, #tpu.memory_space<semaphore_mem>>
      tpu.enqueue_dma source(%arg6 : memref<4096xi32, #tpu.memory_space<hbm>>) target(%arg12 : memref<4096xi32, #tpu.memory_space<vmem>>) target_semaphore(%run_scoped3A : memref<!tpu.dma_semaphore, #tpu.memory_space<semaphore_mem>>)
      tpu.wait_dma2 semaphore(%run_scoped3A : memref<!tpu.dma_semaphore, #tpu.memory_space<semaphore_mem>>) src(%arg6 : memref<4096xi32, #tpu.memory_space<hbm>>) dst(%arg12 : memref<4096xi32, #tpu.memory_space<vmem>>)
      tpu.yield
    }) : () -> ()
    %iota3A = tpu.iota {dimensions = array<i32: 0>} : vector<16xi32>
    %mul3A = arith.constant 2 : i32
    %mul3A_0 = arith.muli %mul3A, %arg1 : i32
    %add3A = arith.constant 0 : i32
    %add3A_1 = arith.addi %mul3A_0, %add3A : i32
    %mul3A_2 = arith.constant 128 : i32
    %mul3A_3 = arith.muli %add3A_1, %mul3A_2 : i32
    %add3A_4 = arith.constant 0 : i32
    %add3A_5 = arith.addi %mul3A_3, %add3A_4 : i32
    %add3A_6 = arith.constant 0 : i32
    %add3A_7 = vector.broadcast %add3A_6 : i32 to vector<16xi32>
    %add3A_8 = arith.addi %iota3A, %add3A_7 : vector<16xi32>
    %get3A = arith.index_cast %add3A_5 : i32 to index
    %get3A_9 = tpu.vector_load %arg8[%get3A] {strides = array<i32>} : memref<4096xi32, #tpu.memory_space<vmem>>, vector<16xi32>,
    %get3A_10 = arith.index_cast %add3A_5 : i32 to index
    %get3A_11 = tpu.vector_load %arg9[%get3A_10] {strides = array<i32>} : memref<4096xi32, #tpu.memory_space<vmem>>, vector<16xi32>,
    %get3A_12 = arith.index_cast %add3A_5 : i32 to index
    %get3A_13 = tpu.vector_load %arg10[%get3A_12] {strides = array<i32>} : memref<4096xi32, #tpu.memory_space<vmem>>, vector<16xi32>,
    %get3A_14 = arith.index_cast %add3A_5 : i32 to index
    %get3A_15 = tpu.vector_load %arg11[%get3A_14] {strides = array<i32>} : memref<4096xi32, #tpu.memory_space<vmem>>, vector<16xi32>,
    %jit3A = arith.constant 0 : i32
    %jit3A_16 = arith.constant 31 : i32
    %max3A = vector.broadcast %jit3A : i32 to vector<16xi32>
    %max3A_17 = arith.maxsi %max3A, %get3A_15 : vector<16xi32>
    %min3A = vector.broadcast %jit3A_16 : i32 to vector<16xi32>
    %min3A_18 = arith.minsi %min3A, %max3A_17 : vector<16xi32>
    %mul3A_19 = arith.constant 128 : i32
    %mul3A_20 = vector.broadcast %mul3A_19 : i32 to vector<16xi32>
    %mul3A_21 = arith.muli %min3A_18, %mul3A_20 : vector<16xi32>
    %add3A_22 = arith.addi %mul3A_21, %add3A_8 : vector<16xi32>
    %gather3A = tpu.vector_load_idx %arg8[%add3A_22] : memref<4096xi32, #tpu.memory_space<vmem>>[vector<16xi32>], vector<16xi32>,
    %gather3A_23 = tpu.vector_load_idx %arg9[%add3A_22] : memref<4096xi32, #tpu.memory_space<vmem>>[vector<16xi32>], vector<16xi32>,
    %gather3A_24 = tpu.vector_load_idx %arg10[%add3A_22] : memref<4096xi32, #tpu.memory_space<vmem>>[vector<16xi32>], vector<16xi32>,
    %ne3A = arith.constant 0 : i32
    %ne3A_25 = vector.broadcast %ne3A : i32 to vector<16xi32>
    %ne3A_26 = arith.cmpi ne, %get3A_13, %ne3A_25 : vector<16xi32>
    %jit3A_27 = arith.constant 3 : i32
    %broadcast_in_dim3A = vector.broadcast %jit3A_27 : i32 to vector<16xi32>
    %select_n3A = arith.select %ne3A_26, %get3A_9, %broadcast_in_dim3A : vector<16xi1>, vector<16xi32>
    %ne3A_28 = arith.constant 0 : i32
    %ne3A_29 = vector.broadcast %ne3A_28 : i32 to vector<16xi32>
    %ne3A_30 = arith.cmpi ne, %gather3A_24, %ne3A_29 : vector<16xi32>
    %jit3A_31 = arith.constant 3 : i32
    %broadcast_in_dim3A_32 = vector.broadcast %jit3A_31 : i32 to vector<16xi32>
    %select_n3A_33 = arith.select %ne3A_30, %gather3A, %broadcast_in_dim3A_32 : vector<16xi1>, vector<16xi32>
    %eq3A = arith.constant 0 : i32
    %eq3A_34 = vector.broadcast %eq3A : i32 to vector<16xi32>
    %eq3A_35 = arith.cmpi eq, %select_n3A, %eq3A_34 : vector<16xi32>
    %add3A_36 = arith.constant 1 : i32
    %add3A_37 = vector.broadcast %add3A_36 : i32 to vector<16xi32>
    %add3A_38 = arith.addi %get3A_11, %add3A_37 : vector<16xi32>
    %add3A_39 = arith.constant 1 : i32
    %add3A_40 = vector.broadcast %add3A_39 : i32 to vector<16xi32>
    %add3A_41 = arith.addi %gather3A_23, %add3A_40 : vector<16xi32>
    %select_n3A_42 = arith.select %eq3A_35, %add3A_38, %add3A_41 : vector<16xi1>, vector<16xi32>
    %eq3A_43 = arith.constant 0 : i32
    %eq3A_44 = vector.broadcast %eq3A_43 : i32 to vector<16xi32>
    %eq3A_45 = arith.cmpi eq, %select_n3A, %eq3A_44 : vector<16xi32>
    %eq3A_46 = arith.constant 1 : i32
    %eq3A_47 = vector.broadcast %eq3A_46 : i32 to vector<16xi32>
    %eq3A_48 = arith.cmpi eq, %select_n3A, %eq3A_47 : vector<16xi32>
    %eq3A_49 = arith.constant 0 : i32
    %eq3A_50 = vector.broadcast %eq3A_49 : i32 to vector<16xi32>
    %eq3A_51 = arith.cmpi eq, %select_n3A_33, %eq3A_50 : vector<16xi32>
    %and3A = arith.andi %eq3A_48, %eq3A_51 : vector<16xi1>
    %add3A_52 = arith.constant 2 : i32
    %add3A_53 = vector.broadcast %add3A_52 : i32 to vector<16xi32>
    %add3A_54 = arith.addi %get3A_11, %add3A_53 : vector<16xi32>
    %jit3A_55 = arith.constant 0 : i32
    %broadcast_in_dim3A_56 = vector.broadcast %jit3A_55 : i32 to vector<16xi32>
    %select_n3A_57 = arith.select %and3A, %add3A_54, %broadcast_in_dim3A_56 : vector<16xi1>, vector<16xi32>
    %jit3A_58 = arith.constant 1 : i32
    %broadcast_in_dim3A_59 = vector.broadcast %jit3A_58 : i32 to vector<16xi32>
    %select_n3A_60 = arith.select %eq3A_45, %broadcast_in_dim3A_59, %select_n3A_57 : vector<16xi1>, vector<16xi32>
    %mul3A_61 = arith.constant 8 : i32
    %mul3A_62 = vector.broadcast %mul3A_61 : i32 to vector<16xi32>
    %mul3A_63 = arith.muli %mul3A_62, %select_n3A_60 : vector<16xi32>
    %add3A_64 = arith.addi %select_n3A_42, %mul3A_63 : vector<16xi32>
    %swap3A = arith.constant 0 : index
    %swap3A_65 = tpu.vector_load %arg14[%swap3A] {strides = array<i32>} : memref<256xi32, #tpu.memory_space<vmem>>, vector<16xi32>,
    tpu.vector_store %arg14[%swap3A], %add3A_64 {strides = array<i32>} : memref<256xi32, #tpu.memory_space<vmem>>, vector<16xi32>,
    %mul3A_66 = arith.constant 128 : i32
    %mul3A_67 = arith.muli %add3A_1, %mul3A_66 : i32
    %add3A_68 = arith.constant 16 : i32
    %add3A_69 = arith.addi %mul3A_67, %add3A_68 : i32
    %add3A_70 = arith.constant 16 : i32
    %add3A_71 = vector.broadcast %add3A_70 : i32 to vector<16xi32>
    %add3A_72 = arith.addi %iota3A, %add3A_71 : vector<16xi32>
    %get3A_73 = arith.index_cast %add3A_69 : i32 to index
    %get3A_74 = tpu.vector_load %arg8[%get3A_73] {strides = array<i32>} : memref<4096xi32, #tpu.memory_space<vmem>>, vector<16xi32>,
    %get3A_75 = arith.index_cast %add3A_69 : i32 to index
    %get3A_76 = tpu.vector_load %arg9[%get3A_75] {strides = array<i32>} : memref<4096xi32, #tpu.memory_space<vmem>>, vector<16xi32>,
    %get3A_77 = arith.index_cast %add3A_69 : i32 to index
    %get3A_78 = tpu.vector_load %arg10[%get3A_77] {strides = array<i32>} : memref<4096xi32, #tpu.memory_space<vmem>>, vector<16xi32>,
    %get3A_79 = arith.index_cast %add3A_69 : i32 to index
    %get3A_80 = tpu.vector_load %arg11[%get3A_79] {strides = array<i32>} : memref<4096xi32, #tpu.memory_space<vmem>>, vector<16xi32>,
    %jit3A_81 = arith.constant 0 : i32
    %jit3A_82 = arith.constant 31 : i32
    %max3A_83 = vector.broadcast %jit3A_81 : i32 to vector<16xi32>
    %max3A_84 = arith.maxsi %max3A_83, %get3A_80 : vector<16xi32>
    %min3A_85 = vector.broadcast %jit3A_82 : i32 to vector<16xi32>
    %min3A_86 = arith.minsi %min3A_85, %max3A_84 : vector<16xi32>
    %mul3A_87 = arith.constant 128 : i32
    %mul3A_88 = vector.broadcast %mul3A_87 : i32 to vector<16xi32>
    %mul3A_89 = arith.muli %min3A_86, %mul3A_88 : vector<16xi32>
    %add3A_90 = arith.addi %mul3A_89, %add3A_72 : vector<16xi32>
    %gather3A_91 = tpu.vector_load_idx %arg8[%add3A_90] : memref<4096xi32, #tpu.memory_space<vmem>>[vector<16xi32>], vector<16xi32>,
    %gather3A_92 = tpu.vector_load_idx %arg9[%add3A_90] : memref<4096xi32, #tpu.memory_space<vmem>>[vector<16xi32>], vector<16xi32>,
    %gather3A_93 = tpu.vector_load_idx %arg10[%add3A_90] : memref<4096xi32, #tpu.memory_space<vmem>>[vector<16xi32>], vector<16xi32>,
    %ne3A_94 = arith.constant 0 : i32
    %ne3A_95 = vector.broadcast %ne3A_94 : i32 to vector<16xi32>
    %ne3A_96 = arith.cmpi ne, %get3A_78, %ne3A_95 : vector<16xi32>
    %jit3A_97 = arith.constant 3 : i32
    %broadcast_in_dim3A_98 = vector.broadcast %jit3A_97 : i32 to vector<16xi32>
    %select_n3A_99 = arith.select %ne3A_96, %get3A_74, %broadcast_in_dim3A_98 : vector<16xi1>, vector<16xi32>
    %ne3A_100 = arith.constant 0 : i32
    %ne3A_101 = vector.broadcast %ne3A_100 : i32 to vector<16xi32>
    %ne3A_102 = arith.cmpi ne, %gather3A_93, %ne3A_101 : vector<16xi32>
    %jit3A_103 = arith.constant 3 : i32
    %broadcast_in_dim3A_104 = vector.broadcast %jit3A_103 : i32 to vector<16xi32>
    %select_n3A_105 = arith.select %ne3A_102, %gather3A_91, %broadcast_in_dim3A_104 : vector<16xi1>, vector<16xi32>
    %eq3A_106 = arith.constant 0 : i32
    %eq3A_107 = vector.broadcast %eq3A_106 : i32 to vector<16xi32>
    %eq3A_108 = arith.cmpi eq, %select_n3A_99, %eq3A_107 : vector<16xi32>
    %add3A_109 = arith.constant 1 : i32
    %add3A_110 = vector.broadcast %add3A_109 : i32 to vector<16xi32>
    %add3A_111 = arith.addi %get3A_76, %add3A_110 : vector<16xi32>
    %add3A_112 = arith.constant 1 : i32
    %add3A_113 = vector.broadcast %add3A_112 : i32 to vector<16xi32>
    %add3A_114 = arith.addi %gather3A_92, %add3A_113 : vector<16xi32>
    %select_n3A_115 = arith.select %eq3A_108, %add3A_111, %add3A_114 : vector<16xi1>, vector<16xi32>
    %eq3A_116 = arith.constant 0 : i32
    %eq3A_117 = vector.broadcast %eq3A_116 : i32 to vector<16xi32>
    %eq3A_118 = arith.cmpi eq, %select_n3A_99, %eq3A_117 : vector<16xi32>
    %eq3A_119 = arith.constant 1 : i32
    %eq3A_120 = vector.broadcast %eq3A_119 : i32 to vector<16xi32>
    %eq3A_121 = arith.cmpi eq, %select_n3A_99, %eq3A_120 : vector<16xi32>
    %eq3A_122 = arith.constant 0 : i32
    %eq3A_123 = vector.broadcast %eq3A_122 : i32 to vector<16xi32>
    %eq3A_124 = arith.cmpi eq, %select_n3A_105, %eq3A_123 : vector<16xi32>
    %and3A_125 = arith.andi %eq3A_121, %eq3A_124 : vector<16xi1>
    %add3A_126 = arith.constant 2 : i32
    %add3A_127 = vector.broadcast %add3A_126 : i32 to vector<16xi32>
    %add3A_128 = arith.addi %get3A_76, %add3A_127 : vector<16xi32>
    %jit3A_129 = arith.constant 0 : i32
    %broadcast_in_dim3A_130 = vector.broadcast %jit3A_129 : i32 to vector<16xi32>
    %select_n3A_131 = arith.select %and3A_125, %add3A_128, %broadcast_in_dim3A_130 : vector<16xi1>, vector<16xi32>
    %jit3A_132 = arith.constant 1 : i32
    %broadcast_in_dim3A_133 = vector.broadcast %jit3A_132 : i32 to vector<16xi32>
    %select_n3A_134 = arith.select %eq3A_118, %broadcast_in_dim3A_133, %select_n3A_131 : vector<16xi1>, vector<16xi32>
    %mul3A_135 = arith.constant 8 : i32
    %mul3A_136 = vector.broadcast %mul3A_135 : i32 to vector<16xi32>
    %mul3A_137 = arith.muli %mul3A_136, %select_n3A_134 : vector<16xi32>
    %add3A_138 = arith.addi %select_n3A_115, %mul3A_137 : vector<16xi32>
    %swap3A_139 = arith.constant 16 : index
    %swap3A_140 = tpu.vector_load %arg14[%swap3A_139] {strides = array<i32>} : memref<256xi32, #tpu.memory_space<vmem>>, vector<16xi32>,
    tpu.vector_store %arg14[%swap3A_139], %add3A_138 {strides = array<i32>} : memref<256xi32, #tpu.memory_space<vmem>>, vector<16xi32>,
    %mul3A_141 = arith.constant 128 : i32
    %mul3A_142 = arith.muli %add3A_1, %mul3A_141 : i32
    %add3A_143 = arith.constant 32 : i32
    %add3A_144 = arith.addi %mul3A_142, %add3A_143 : i32
    %add3A_145 = arith.constant 32 : i32
    %add3A_146 = vector.broadcast %add3A_145 : i32 to vector<16xi32>
    %add3A_147 = arith.addi %iota3A, %add3A_146 : vector<16xi32>
    %get3A_148 = arith.index_cast %add3A_144 : i32 to index
    %get3A_149 = tpu.vector_load %arg8[%get3A_148] {strides = array<i32>} : memref<4096xi32, #tpu.memory_space<vmem>>, vector<16xi32>,
    %get3A_150 = arith.index_cast %add3A_144 : i32 to index
    %get3A_151 = tpu.vector_load %arg9[%get3A_150] {strides = array<i32>} : memref<4096xi32, #tpu.memory_space<vmem>>, vector<16xi32>,
    %get3A_152 = arith.index_cast %add3A_144 : i32 to index
    %get3A_153 = tpu.vector_load %arg10[%get3A_152] {strides = array<i32>} : memref<4096xi32, #tpu.memory_space<vmem>>, vector<16xi32>,
    %get3A_154 = arith.index_cast %add3A_144 : i32 to index
    %get3A_155 = tpu.vector_load %arg11[%get3A_154] {strides = array<i32>} : memref<4096xi32, #tpu.memory_space<vmem>>, vector<16xi32>,
    %jit3A_156 = arith.constant 0 : i32
    %jit3A_157 = arith.constant 31 : i32
    %max3A_158 = vector.broadcast %jit3A_156 : i32 to vector<16xi32>
    %max3A_159 = arith.maxsi %max3A_158, %get3A_155 : vector<16xi32>
    %min3A_160 = vector.broadcast %jit3A_157 : i32 to vector<16xi32>
    %min3A_161 = arith.minsi %min3A_160, %max3A_159 : vector<16xi32>
    %mul3A_162 = arith.constant 128 : i32
    %mul3A_163 = vector.broadcast %mul3A_162 : i32 to vector<16xi32>
    %mul3A_164 = arith.muli %min3A_161, %mul3A_163 : vector<16xi32>
    %add3A_165 = arith.addi %mul3A_164, %add3A_147 : vector<16xi32>
    %gather3A_166 = tpu.vector_load_idx %arg8[%add3A_165] : memref<4096xi32, #tpu.memory_space<vmem>>[vector<16xi32>], vector<16xi32>,
    %gather3A_167 = tpu.vector_load_idx %arg9[%add3A_165] : memref<4096xi32, #tpu.memory_space<vmem>>[vector<16xi32>], vector<16xi32>,
    %gather3A_168 = tpu.vector_load_idx %arg10[%add3A_165] : memref<4096xi32, #tpu.memory_space<vmem>>[vector<16xi32>], vector<16xi32>,
    %ne3A_169 = arith.constant 0 : i32
    %ne3A_170 = vector.broadcast %ne3A_169 : i32 to vector<16xi32>
    %ne3A_171 = arith.cmpi ne, %get3A_153, %ne3A_170 : vector<16xi32>
    %jit3A_172 = arith.constant 3 : i32
    %broadcast_in_dim3A_173 = vector.broadcast %jit3A_172 : i32 to vector<16xi32>
    %select_n3A_174 = arith.select %ne3A_171, %get3A_149, %broadcast_in_dim3A_173 : vector<16xi1>, vector<16xi32>
    %ne3A_175 = arith.constant 0 : i32
    %ne3A_176 = vector.broadcast %ne3A_175 : i32 to vector<16xi32>
    %ne3A_177 = arith.cmpi ne, %gather3A_168, %ne3A_176 : vector<16xi32>
    %jit3A_178 = arith.constant 3 : i32
    %broadcast_in_dim3A_179 = vector.broadcast %jit3A_178 : i32 to vector<16xi32>
    %select_n3A_180 = arith.select %ne3A_177, %gather3A_166, %broadcast_in_dim3A_179 : vector<16xi1>, vector<16xi32>
    %eq3A_181 = arith.constant 0 : i32
    %eq3A_182 = vector.broadcast %eq3A_181 : i32 to vector<16xi32>
    %eq3A_183 = arith.cmpi eq, %select_n3A_174, %eq3A_182 : vector<16xi32>
    %add3A_184 = arith.constant 1 : i32
    %add3A_185 = vector.broadcast %add3A_184 : i32 to vector<16xi32>
    %add3A_186 = arith.addi %get3A_151, %add3A_185 : vector<16xi32>
    %add3A_187 = arith.constant 1 : i32
    %add3A_188 = vector.broadcast %add3A_187 : i32 to vector<16xi32>
    %add3A_189 = arith.addi %gather3A_167, %add3A_188 : vector<16xi32>
    %select_n3A_190 = arith.select %eq3A_183, %add3A_186, %add3A_189 : vector<16xi1>, vector<16xi32>
    %eq3A_191 = arith.constant 0 : i32
    %eq3A_192 = vector.broadcast %eq3A_191 : i32 to vector<16xi32>
    %eq3A_193 = arith.cmpi eq, %select_n3A_174, %eq3A_192 : vector<16xi32>
    %eq3A_194 = arith.constant 1 : i32
    %eq3A_195 = vector.broadcast %eq3A_194 : i32 to vector<16xi32>
    %eq3A_196 = arith.cmpi eq, %select_n3A_174, %eq3A_195 : vector<16xi32>
    %eq3A_197 = arith.constant 0 : i32
    %eq3A_198 = vector.broadcast %eq3A_197 : i32 to vector<16xi32>
    %eq3A_199 = arith.cmpi eq, %select_n3A_180, %eq3A_198 : vector<16xi32>
    %and3A_200 = arith.andi %eq3A_196, %eq3A_199 : vector<16xi1>
    %add3A_201 = arith.constant 2 : i32
    %add3A_202 = vector.broadcast %add3A_201 : i32 to vector<16xi32>
    %add3A_203 = arith.addi %get3A_151, %add3A_202 : vector<16xi32>
    %jit3A_204 = arith.constant 0 : i32
    %broadcast_in_dim3A_205 = vector.broadcast %jit3A_204 : i32 to vector<16xi32>
    %select_n3A_206 = arith.select %and3A_200, %add3A_203, %broadcast_in_dim3A_205 : vector<16xi1>, vector<16xi32>
    %jit3A_207 = arith.constant 1 : i32
    %broadcast_in_dim3A_208 = vector.broadcast %jit3A_207 : i32 to vector<16xi32>
    %select_n3A_209 = arith.select %eq3A_193, %broadcast_in_dim3A_208, %select_n3A_206 : vector<16xi1>, vector<16xi32>
    %mul3A_210 = arith.constant 8 : i32
    %mul3A_211 = vector.broadcast %mul3A_210 : i32 to vector<16xi32>
    %mul3A_212 = arith.muli %mul3A_211, %select_n3A_209 : vector<16xi32>
    %add3A_213 = arith.addi %select_n3A_190, %mul3A_212 : vector<16xi32>
    %swap3A_214 = arith.constant 32 : index
    %swap3A_215 = tpu.vector_load %arg14[%swap3A_214] {strides = array<i32>} : memref<256xi32, #tpu.memory_space<vmem>>, vector<16xi32>,
    tpu.vector_store %arg14[%swap3A_214], %add3A_213 {strides = array<i32>} : memref<256xi32, #tpu.memory_space<vmem>>, vector<16xi32>,
    %mul3A_216 = arith.constant 128 : i32
    %mul3A_217 = arith.muli %add3A_1, %mul3A_216 : i32
    %add3A_218 = arith.constant 48 : i32
    %add3A_219 = arith.addi %mul3A_217, %add3A_218 : i32
    %add3A_220 = arith.constant 48 : i32
    %add3A_221 = vector.broadcast %add3A_220 : i32 to vector<16xi32>
    %add3A_222 = arith.addi %iota3A, %add3A_221 : vector<16xi32>
    %get3A_223 = arith.index_cast %add3A_219 : i32 to index
    %get3A_224 = tpu.vector_load %arg8[%get3A_223] {strides = array<i32>} : memref<4096xi32, #tpu.memory_space<vmem>>, vector<16xi32>,
    %get3A_225 = arith.index_cast %add3A_219 : i32 to index
    %get3A_226 = tpu.vector_load %arg9[%get3A_225] {strides = array<i32>} : memref<4096xi32, #tpu.memory_space<vmem>>, vector<16xi32>,
    %get3A_227 = arith.index_cast %add3A_219 : i32 to index
    %get3A_228 = tpu.vector_load %arg10[%get3A_227] {strides = array<i32>} : memref<4096xi32, #tpu.memory_space<vmem>>, vector<16xi32>,
    %get3A_229 = arith.index_cast %add3A_219 : i32 to index
    %get3A_230 = tpu.vector_load %arg11[%get3A_229] {strides = array<i32>} : memref<4096xi32, #tpu.memory_space<vmem>>, vector<16xi32>,
    %jit3A_231 = arith.constant 0 : i32
    %jit3A_232 = arith.constant 31 : i32
    %max3A_233 = vector.broadcast %jit3A_231 : i32 to vector<16xi32>
    %max3A_234 = arith.maxsi %max3A_233, %get3A_230 : vector<16xi32>
    %min3A_235 = vector.broadcast %jit3A_232 : i32 to vector<16xi32>
    %min3A_236 = arith.minsi %min3A_235, %max3A_234 : vector<16xi32>
    %mul3A_237 = arith.constant 128 : i32
    %mul3A_238 = vector.broadcast %mul3A_237 : i32 to vector<16xi32>
    %mul3A_239 = arith.muli %min3A_236, %mul3A_238 : vector<16xi32>
    %add3A_240 = arith.addi %mul3A_239, %add3A_222 : vector<16xi32>
    %gather3A_241 = tpu.vector_load_idx %arg8[%add3A_240] : memref<4096xi32, #tpu.memory_space<vmem>>[vector<16xi32>], vector<16xi32>,
    %gather3A_242 = tpu.vector_load_idx %arg9[%add3A_240] : memref<4096xi32, #tpu.memory_space<vmem>>[vector<16xi32>], vector<16xi32>,
    %gather3A_243 = tpu.vector_load_idx %arg10[%add3A_240] : memref<4096xi32, #tpu.memory_space<vmem>>[vector<16xi32>], vector<16xi32>,
    %ne3A_244 = arith.constant 0 : i32
    %ne3A_245 = vector.broadcast %ne3A_244 : i32 to vector<16xi32>
    %ne3A_246 = arith.cmpi ne, %get3A_228, %ne3A_245 : vector<16xi32>
    %jit3A_247 = arith.constant 3 : i32
    %broadcast_in_dim3A_248 = vector.broadcast %jit3A_247 : i32 to vector<16xi32>
    %select_n3A_249 = arith.select %ne3A_246, %get3A_224, %broadcast_in_dim3A_248 : vector<16xi1>, vector<16xi32>
    %ne3A_250 = arith.constant 0 : i32
    %ne3A_251 = vector.broadcast %ne3A_250 : i32 to vector<16xi32>
    %ne3A_252 = arith.cmpi ne, %gather3A_243, %ne3A_251 : vector<16xi32>
    %jit3A_253 = arith.constant 3 : i32
    %broadcast_in_dim3A_254 = vector.broadcast %jit3A_253 : i32 to vector<16xi32>
    %select_n3A_255 = arith.select %ne3A_252, %gather3A_241, %broadcast_in_dim3A_254 : vector<16xi1>, vector<16xi32>
    %eq3A_256 = arith.constant 0 : i32
    %eq3A_257 = vector.broadcast %eq3A_256 : i32 to vector<16xi32>
    %eq3A_258 = arith.cmpi eq, %select_n3A_249, %eq3A_257 : vector<16xi32>
    %add3A_259 = arith.constant 1 : i32
    %add3A_260 = vector.broadcast %add3A_259 : i32 to vector<16xi32>
    %add3A_261 = arith.addi %get3A_226, %add3A_260 : vector<16xi32>
    %add3A_262 = arith.constant 1 : i32
    %add3A_263 = vector.broadcast %add3A_262 : i32 to vector<16xi32>
    %add3A_264 = arith.addi %gather3A_242, %add3A_263 : vector<16xi32>
    %select_n3A_265 = arith.select %eq3A_258, %add3A_261, %add3A_264 : vector<16xi1>, vector<16xi32>
    %eq3A_266 = arith.constant 0 : i32
    %eq3A_267 = vector.broadcast %eq3A_266 : i32 to vector<16xi32>
    %eq3A_268 = arith.cmpi eq, %select_n3A_249, %eq3A_267 : vector<16xi32>
    %eq3A_269 = arith.constant 1 : i32
    %eq3A_270 = vector.broadcast %eq3A_269 : i32 to vector<16xi32>
    %eq3A_271 = arith.cmpi eq, %select_n3A_249, %eq3A_270 : vector<16xi32>
    %eq3A_272 = arith.constant 0 : i32
    %eq3A_273 = vector.broadcast %eq3A_272 : i32 to vector<16xi32>
    %eq3A_274 = arith.cmpi eq, %select_n3A_255, %eq3A_273 : vector<16xi32>
    %and3A_275 = arith.andi %eq3A_271, %eq3A_274 : vector<16xi1>
    %add3A_276 = arith.constant 2 : i32
    %add3A_277 = vector.broadcast %add3A_276 : i32 to vector<16xi32>
    %add3A_278 = arith.addi %get3A_226, %add3A_277 : vector<16xi32>
    %jit3A_279 = arith.constant 0 : i32
    %broadcast_in_dim3A_280 = vector.broadcast %jit3A_279 : i32 to vector<16xi32>
    %select_n3A_281 = arith.select %and3A_275, %add3A_278, %broadcast_in_dim3A_280 : vector<16xi1>, vector<16xi32>
    %jit3A_282 = arith.constant 1 : i32
    %broadcast_in_dim3A_283 = vector.broadcast %jit3A_282 : i32 to vector<16xi32>
    %select_n3A_284 = arith.select %eq3A_268, %broadcast_in_dim3A_283, %select_n3A_281 : vector<16xi1>, vector<16xi32>
    %mul3A_285 = arith.constant 8 : i32
    %mul3A_286 = vector.broadcast %mul3A_285 : i32 to vector<16xi32>
    %mul3A_287 = arith.muli %mul3A_286, %select_n3A_284 : vector<16xi32>
    %add3A_288 = arith.addi %select_n3A_265, %mul3A_287 : vector<16xi32>
    %swap3A_289 = arith.constant 48 : index
    %swap3A_290 = tpu.vector_load %arg14[%swap3A_289] {strides = array<i32>} : memref<256xi32, #tpu.memory_space<vmem>>, vector<16xi32>,
    tpu.vector_store %arg14[%swap3A_289], %add3A_288 {strides = array<i32>} : memref<256xi32, #tpu.memory_space<vmem>>, vector<16xi32>,
    %mul3A_291 = arith.constant 128 : i32
    %mul3A_292 = arith.muli %add3A_1, %mul3A_291 : i32
    %add3A_293 = arith.constant 64 : i32
    %add3A_294 = arith.addi %mul3A_292, %add3A_293 : i32
    %add3A_295 = arith.constant 64 : i32
    %add3A_296 = vector.broadcast %add3A_295 : i32 to vector<16xi32>
    %add3A_297 = arith.addi %iota3A, %add3A_296 : vector<16xi32>
    %get3A_298 = arith.index_cast %add3A_294 : i32 to index
    %get3A_299 = tpu.vector_load %arg8[%get3A_298] {strides = array<i32>} : memref<4096xi32, #tpu.memory_space<vmem>>, vector<16xi32>,
    %get3A_300 = arith.index_cast %add3A_294 : i32 to index
    %get3A_301 = tpu.vector_load %arg9[%get3A_300] {strides = array<i32>} : memref<4096xi32, #tpu.memory_space<vmem>>, vector<16xi32>,
    %get3A_302 = arith.index_cast %add3A_294 : i32 to index
    %get3A_303 = tpu.vector_load %arg10[%get3A_302] {strides = array<i32>} : memref<4096xi32, #tpu.memory_space<vmem>>, vector<16xi32>,
    %get3A_304 = arith.index_cast %add3A_294 : i32 to index
    %get3A_305 = tpu.vector_load %arg11[%get3A_304] {strides = array<i32>} : memref<4096xi32, #tpu.memory_space<vmem>>, vector<16xi32>,
    %jit3A_306 = arith.constant 0 : i32
    %jit3A_307 = arith.constant 31 : i32
    %max3A_308 = vector.broadcast %jit3A_306 : i32 to vector<16xi32>
    %max3A_309 = arith.maxsi %max3A_308, %get3A_305 : vector<16xi32>
    %min3A_310 = vector.broadcast %jit3A_307 : i32 to vector<16xi32>
    %min3A_311 = arith.minsi %min3A_310, %max3A_309 : vector<16xi32>
    %mul3A_312 = arith.constant 128 : i32
    %mul3A_313 = vector.broadcast %mul3A_312 : i32 to vector<16xi32>
    %mul3A_314 = arith.muli %min3A_311, %mul3A_313 : vector<16xi32>
    %add3A_315 = arith.addi %mul3A_314, %add3A_297 : vector<16xi32>
    %gather3A_316 = tpu.vector_load_idx %arg8[%add3A_315] : memref<4096xi32, #tpu.memory_space<vmem>>[vector<16xi32>], vector<16xi32>,
    %gather3A_317 = tpu.vector_load_idx %arg9[%add3A_315] : memref<4096xi32, #tpu.memory_space<vmem>>[vector<16xi32>], vector<16xi32>,
    %gather3A_318 = tpu.vector_load_idx %arg10[%add3A_315] : memref<4096xi32, #tpu.memory_space<vmem>>[vector<16xi32>], vector<16xi32>,
    %ne3A_319 = arith.constant 0 : i32
    %ne3A_320 = vector.broadcast %ne3A_319 : i32 to vector<16xi32>
    %ne3A_321 = arith.cmpi ne, %get3A_303, %ne3A_320 : vector<16xi32>
    %jit3A_322 = arith.constant 3 : i32
    %broadcast_in_dim3A_323 = vector.broadcast %jit3A_322 : i32 to vector<16xi32>
    %select_n3A_324 = arith.select %ne3A_321, %get3A_299, %broadcast_in_dim3A_323 : vector<16xi1>, vector<16xi32>
    %ne3A_325 = arith.constant 0 : i32
    %ne3A_326 = vector.broadcast %ne3A_325 : i32 to vector<16xi32>
    %ne3A_327 = arith.cmpi ne, %gather3A_318, %ne3A_326 : vector<16xi32>
    %jit3A_328 = arith.constant 3 : i32
    %broadcast_in_dim3A_329 = vector.broadcast %jit3A_328 : i32 to vector<16xi32>
    %select_n3A_330 = arith.select %ne3A_327, %gather3A_316, %broadcast_in_dim3A_329 : vector<16xi1>, vector<16xi32>
    %eq3A_331 = arith.constant 0 : i32
    %eq3A_332 = vector.broadcast %eq3A_331 : i32 to vector<16xi32>
    %eq3A_333 = arith.cmpi eq, %select_n3A_324, %eq3A_332 : vector<16xi32>
    %add3A_334 = arith.constant 1 : i32
    %add3A_335 = vector.broadcast %add3A_334 : i32 to vector<16xi32>
    %add3A_336 = arith.addi %get3A_301, %add3A_335 : vector<16xi32>
    %add3A_337 = arith.constant 1 : i32
    %add3A_338 = vector.broadcast %add3A_337 : i32 to vector<16xi32>
    %add3A_339 = arith.addi %gather3A_317, %add3A_338 : vector<16xi32>
    %select_n3A_340 = arith.select %eq3A_333, %add3A_336, %add3A_339 : vector<16xi1>, vector<16xi32>
    %eq3A_341 = arith.constant 0 : i32
    %eq3A_342 = vector.broadcast %eq3A_341 : i32 to vector<16xi32>
    %eq3A_343 = arith.cmpi eq, %select_n3A_324, %eq3A_342 : vector<16xi32>
    %eq3A_344 = arith.constant 1 : i32
    %eq3A_345 = vector.broadcast %eq3A_344 : i32 to vector<16xi32>
    %eq3A_346 = arith.cmpi eq, %select_n3A_324, %eq3A_345 : vector<16xi32>
    %eq3A_347 = arith.constant 0 : i32
    %eq3A_348 = vector.broadcast %eq3A_347 : i32 to vector<16xi32>
    %eq3A_349 = arith.cmpi eq, %select_n3A_330, %eq3A_348 : vector<16xi32>
    %and3A_350 = arith.andi %eq3A_346, %eq3A_349 : vector<16xi1>
    %add3A_351 = arith.constant 2 : i32
    %add3A_352 = vector.broadcast %add3A_351 : i32 to vector<16xi32>
    %add3A_353 = arith.addi %get3A_301, %add3A_352 : vector<16xi32>
    %jit3A_354 = arith.constant 0 : i32
    %broadcast_in_dim3A_355 = vector.broadcast %jit3A_354 : i32 to vector<16xi32>
    %select_n3A_356 = arith.select %and3A_350, %add3A_353, %broadcast_in_dim3A_355 : vector<16xi1>, vector<16xi32>
    %jit3A_357 = arith.constant 1 : i32
    %broadcast_in_dim3A_358 = vector.broadcast %jit3A_357 : i32 to vector<16xi32>
    %select_n3A_359 = arith.select %eq3A_343, %broadcast_in_dim3A_358, %select_n3A_356 : vector<16xi1>, vector<16xi32>
    %mul3A_360 = arith.constant 8 : i32
    %mul3A_361 = vector.broadcast %mul3A_360 : i32 to vector<16xi32>
    %mul3A_362 = arith.muli %mul3A_361, %select_n3A_359 : vector<16xi32>
    %add3A_363 = arith.addi %select_n3A_340, %mul3A_362 : vector<16xi32>
    %swap3A_364 = arith.constant 64 : index
    %swap3A_365 = tpu.vector_load %arg14[%swap3A_364] {strides = array<i32>} : memref<256xi32, #tpu.memory_space<vmem>>, vector<16xi32>,
    tpu.vector_store %arg14[%swap3A_364], %add3A_363 {strides = array<i32>} : memref<256xi32, #tpu.memory_space<vmem>>, vector<16xi32>,
    %mul3A_366 = arith.constant 128 : i32
    %mul3A_367 = arith.muli %add3A_1, %mul3A_366 : i32
    %add3A_368 = arith.constant 80 : i32
    %add3A_369 = arith.addi %mul3A_367, %add3A_368 : i32
    %add3A_370 = arith.constant 80 : i32
    %add3A_371 = vector.broadcast %add3A_370 : i32 to vector<16xi32>
    %add3A_372 = arith.addi %iota3A, %add3A_371 : vector<16xi32>
    %get3A_373 = arith.index_cast %add3A_369 : i32 to index
    %get3A_374 = tpu.vector_load %arg8[%get3A_373] {strides = array<i32>} : memref<4096xi32, #tpu.memory_space<vmem>>, vector<16xi32>,
    %get3A_375 = arith.index_cast %add3A_369 : i32 to index
    %get3A_376 = tpu.vector_load %arg9[%get3A_375] {strides = array<i32>} : memref<4096xi32, #tpu.memory_space<vmem>>, vector<16xi32>,
    %get3A_377 = arith.index_cast %add3A_369 : i32 to index
    %get3A_378 = tpu.vector_load %arg10[%get3A_377] {strides = array<i32>} : memref<4096xi32, #tpu.memory_space<vmem>>, vector<16xi32>,
    %get3A_379 = arith.index_cast %add3A_369 : i32 to index
    %get3A_380 = tpu.vector_load %arg11[%get3A_379] {strides = array<i32>} : memref<4096xi32, #tpu.memory_space<vmem>>, vector<16xi32>,
    %jit3A_381 = arith.constant 0 : i32
    %jit3A_382 = arith.constant 31 : i32
    %max3A_383 = vector.broadcast %jit3A_381 : i32 to vector<16xi32>
    %max3A_384 = arith.maxsi %max3A_383, %get3A_380 : vector<16xi32>
    %min3A_385 = vector.broadcast %jit3A_382 : i32 to vector<16xi32>
    %min3A_386 = arith.minsi %min3A_385, %max3A_384 : vector<16xi32>
    %mul3A_387 = arith.constant 128 : i32
    %mul3A_388 = vector.broadcast %mul3A_387 : i32 to vector<16xi32>
    %mul3A_389 = arith.muli %min3A_386, %mul3A_388 : vector<16xi32>
    %add3A_390 = arith.addi %mul3A_389, %add3A_372 : vector<16xi32>
    %gather3A_391 = tpu.vector_load_idx %arg8[%add3A_390] : memref<4096xi32, #tpu.memory_space<vmem>>[vector<16xi32>], vector<16xi32>,
    %gather3A_392 = tpu.vector_load_idx %arg9[%add3A_390] : memref<4096xi32, #tpu.memory_space<vmem>>[vector<16xi32>], vector<16xi32>,
    %gather3A_393 = tpu.vector_load_idx %arg10[%add3A_390] : memref<4096xi32, #tpu.memory_space<vmem>>[vector<16xi32>], vector<16xi32>,
    %ne3A_394 = arith.constant 0 : i32
    %ne3A_395 = vector.broadcast %ne3A_394 : i32 to vector<16xi32>
    %ne3A_396 = arith.cmpi ne, %get3A_378, %ne3A_395 : vector<16xi32>
    %jit3A_397 = arith.constant 3 : i32
    %broadcast_in_dim3A_398 = vector.broadcast %jit3A_397 : i32 to vector<16xi32>
    %select_n3A_399 = arith.select %ne3A_396, %get3A_374, %broadcast_in_dim3A_398 : vector<16xi1>, vector<16xi32>
    %ne3A_400 = arith.constant 0 : i32
    %ne3A_401 = vector.broadcast %ne3A_400 : i32 to vector<16xi32>
    %ne3A_402 = arith.cmpi ne, %gather3A_393, %ne3A_401 : vector<16xi32>
    %jit3A_403 = arith.constant 3 : i32
    %broadcast_in_dim3A_404 = vector.broadcast %jit3A_403 : i32 to vector<16xi32>
    %select_n3A_405 = arith.select %ne3A_402, %gather3A_391, %broadcast_in_dim3A_404 : vector<16xi1>, vector<16xi32>
    %eq3A_406 = arith.constant 0 : i32
    %eq3A_407 = vector.broadcast %eq3A_406 : i32 to vector<16xi32>
    %eq3A_408 = arith.cmpi eq, %select_n3A_399, %eq3A_407 : vector<16xi32>
    %add3A_409 = arith.constant 1 : i32
    %add3A_410 = vector.broadcast %add3A_409 : i32 to vector<16xi32>
    %add3A_411 = arith.addi %get3A_376, %add3A_410 : vector<16xi32>
    %add3A_412 = arith.constant 1 : i32
    %add3A_413 = vector.broadcast %add3A_412 : i32 to vector<16xi32>
    %add3A_414 = arith.addi %gather3A_392, %add3A_413 : vector<16xi32>
    %select_n3A_415 = arith.select %eq3A_408, %add3A_411, %add3A_414 : vector<16xi1>, vector<16xi32>
    %eq3A_416 = arith.constant 0 : i32
    %eq3A_417 = vector.broadcast %eq3A_416 : i32 to vector<16xi32>
    %eq3A_418 = arith.cmpi eq, %select_n3A_399, %eq3A_417 : vector<16xi32>
    %eq3A_419 = arith.constant 1 : i32
    %eq3A_420 = vector.broadcast %eq3A_419 : i32 to vector<16xi32>
    %eq3A_421 = arith.cmpi eq, %select_n3A_399, %eq3A_420 : vector<16xi32>
    %eq3A_422 = arith.constant 0 : i32
    %eq3A_423 = vector.broadcast %eq3A_422 : i32 to vector<16xi32>
    %eq3A_424 = arith.cmpi eq, %select_n3A_405, %eq3A_423 : vector<16xi32>
    %and3A_425 = arith.andi %eq3A_421, %eq3A_424 : vector<16xi1>
    %add3A_426 = arith.constant 2 : i32
    %add3A_427 = vector.broadcast %add3A_426 : i32 to vector<16xi32>
    %add3A_428 = arith.addi %get3A_376, %add3A_427 : vector<16xi32>
    %jit3A_429 = arith.constant 0 : i32
    %broadcast_in_dim3A_430 = vector.broadcast %jit3A_429 : i32 to vector<16xi32>
    %select_n3A_431 = arith.select %and3A_425, %add3A_428, %broadcast_in_dim3A_430 : vector<16xi1>, vector<16xi32>
    %jit3A_432 = arith.constant 1 : i32
    %broadcast_in_dim3A_433 = vector.broadcast %jit3A_432 : i32 to vector<16xi32>
    %select_n3A_434 = arith.select %eq3A_418, %broadcast_in_dim3A_433, %select_n3A_431 : vector<16xi1>, vector<16xi32>
    %mul3A_435 = arith.constant 8 : i32
    %mul3A_436 = vector.broadcast %mul3A_435 : i32 to vector<16xi32>
    %mul3A_437 = arith.muli %mul3A_436, %select_n3A_434 : vector<16xi32>
    %add3A_438 = arith.addi %select_n3A_415, %mul3A_437 : vector<16xi32>
    %swap3A_439 = arith.constant 80 : index
    %swap3A_440 = tpu.vector_load %arg14[%swap3A_439] {strides = array<i32>} : memref<256xi32, #tpu.memory_space<vmem>>, vector<16xi32>,
    tpu.vector_store %arg14[%swap3A_439], %add3A_438 {strides = array<i32>} : memref<256xi32, #tpu.memory_space<vmem>>, vector<16xi32>,
    %mul3A_441 = arith.constant 128 : i32
    %mul3A_442 = arith.muli %add3A_1, %mul3A_441 : i32
    %add3A_443 = arith.constant 96 : i32
    %add3A_444 = arith.addi %mul3A_442, %add3A_443 : i32
    %add3A_445 = arith.constant 96 : i32
    %add3A_446 = vector.broadcast %add3A_445 : i32 to vector<16xi32>
    %add3A_447 = arith.addi %iota3A, %add3A_446 : vector<16xi32>
    %get3A_448 = arith.index_cast %add3A_444 : i32 to index
    %get3A_449 = tpu.vector_load %arg8[%get3A_448] {strides = array<i32>} : memref<4096xi32, #tpu.memory_space<vmem>>, vector<16xi32>,
    %get3A_450 = arith.index_cast %add3A_444 : i32 to index
    %get3A_451 = tpu.vector_load %arg9[%get3A_450] {strides = array<i32>} : memref<4096xi32, #tpu.memory_space<vmem>>, vector<16xi32>,
    %get3A_452 = arith.index_cast %add3A_444 : i32 to index
    %get3A_453 = tpu.vector_load %arg10[%get3A_452] {strides = array<i32>} : memref<4096xi32, #tpu.memory_space<vmem>>, vector<16xi32>,
    %get3A_454 = arith.index_cast %add3A_444 : i32 to index
    %get3A_455 = tpu.vector_load %arg11[%get3A_454] {strides = array<i32>} : memref<4096xi32, #tpu.memory_space<vmem>>, vector<16xi32>,
    %jit3A_456 = arith.constant 0 : i32
    %jit3A_457 = arith.constant 31 : i32
    %max3A_458 = vector.broadcast %jit3A_456 : i32 to vector<16xi32>
    %max3A_459 = arith.maxsi %max3A_458, %get3A_455 : vector<16xi32>
    %min3A_460 = vector.broadcast %jit3A_457 : i32 to vector<16xi32>
    %min3A_461 = arith.minsi %min3A_460, %max3A_459 : vector<16xi32>
    %mul3A_462 = arith.constant 128 : i32
    %mul3A_463 = vector.broadcast %mul3A_462 : i32 to vector<16xi32>
    %mul3A_464 = arith.muli %min3A_461, %mul3A_463 : vector<16xi32>
    %add3A_465 = arith.addi %mul3A_464, %add3A_447 : vector<16xi32>
    %gather3A_466 = tpu.vector_load_idx %arg8[%add3A_465] : memref<4096xi32, #tpu.memory_space<vmem>>[vector<16xi32>], vector<16xi32>,
    %gather3A_467 = tpu.vector_load_idx %arg9[%add3A_465] : memref<4096xi32, #tpu.memory_space<vmem>>[vector<16xi32>], vector<16xi32>,
    %gather3A_468 = tpu.vector_load_idx %arg10[%add3A_465] : memref<4096xi32, #tpu.memory_space<vmem>>[vector<16xi32>], vector<16xi32>,
    %ne3A_469 = arith.constant 0 : i32
    %ne3A_470 = vector.broadcast %ne3A_469 : i32 to vector<16xi32>
    %ne3A_471 = arith.cmpi ne, %get3A_453, %ne3A_470 : vector<16xi32>
    %jit3A_472 = arith.constant 3 : i32
    %broadcast_in_dim3A_473 = vector.broadcast %jit3A_472 : i32 to vector<16xi32>
    %select_n3A_474 = arith.select %ne3A_471, %get3A_449, %broadcast_in_dim3A_473 : vector<16xi1>, vector<16xi32>
    %ne3A_475 = arith.constant 0 : i32
    %ne3A_476 = vector.broadcast %ne3A_475 : i32 to vector<16xi32>
    %ne3A_477 = arith.cmpi ne, %gather3A_468, %ne3A_476 : vector<16xi32>
    %jit3A_478 = arith.constant 3 : i32
    %broadcast_in_dim3A_479 = vector.broadcast %jit3A_478 : i32 to vector<16xi32>
    %select_n3A_480 = arith.select %ne3A_477, %gather3A_466, %broadcast_in_dim3A_479 : vector<16xi1>, vector<16xi32>
    %eq3A_481 = arith.constant 0 : i32
    %eq3A_482 = vector.broadcast %eq3A_481 : i32 to vector<16xi32>
    %eq3A_483 = arith.cmpi eq, %select_n3A_474, %eq3A_482 : vector<16xi32>
    %add3A_484 = arith.constant 1 : i32
    %add3A_485 = vector.broadcast %add3A_484 : i32 to vector<16xi32>
    %add3A_486 = arith.addi %get3A_451, %add3A_485 : vector<16xi32>
    %add3A_487 = arith.constant 1 : i32
    %add3A_488 = vector.broadcast %add3A_487 : i32 to vector<16xi32>
    %add3A_489 = arith.addi %gather3A_467, %add3A_488 : vector<16xi32>
    %select_n3A_490 = arith.select %eq3A_483, %add3A_486, %add3A_489 : vector<16xi1>, vector<16xi32>
    %eq3A_491 = arith.constant 0 : i32
    %eq3A_492 = vector.broadcast %eq3A_491 : i32 to vector<16xi32>
    %eq3A_493 = arith.cmpi eq, %select_n3A_474, %eq3A_492 : vector<16xi32>
    %eq3A_494 = arith.constant 1 : i32
    %eq3A_495 = vector.broadcast %eq3A_494 : i32 to vector<16xi32>
    %eq3A_496 = arith.cmpi eq, %select_n3A_474, %eq3A_495 : vector<16xi32>
    %eq3A_497 = arith.constant 0 : i32
    %eq3A_498 = vector.broadcast %eq3A_497 : i32 to vector<16xi32>
    %eq3A_499 = arith.cmpi eq, %select_n3A_480, %eq3A_498 : vector<16xi32>
    %and3A_500 = arith.andi %eq3A_496, %eq3A_499 : vector<16xi1>
    %add3A_501 = arith.constant 2 : i32
    %add3A_502 = vector.broadcast %add3A_501 : i32 to vector<16xi32>
    %add3A_503 = arith.addi %get3A_451, %add3A_502 : vector<16xi32>
    %jit3A_504 = arith.constant 0 : i32
    %broadcast_in_dim3A_505 = vector.broadcast %jit3A_504 : i32 to vector<16xi32>
    %select_n3A_506 = arith.select %and3A_500, %add3A_503, %broadcast_in_dim3A_505 : vector<16xi1>, vector<16xi32>
    %jit3A_507 = arith.constant 1 : i32
    %broadcast_in_dim3A_508 = vector.broadcast %jit3A_507 : i32 to vector<16xi32>
    %select_n3A_509 = arith.select %eq3A_493, %broadcast_in_dim3A_508, %select_n3A_506 : vector<16xi1>, vector<16xi32>
    %mul3A_510 = arith.constant 8 : i32
    %mul3A_511 = vector.broadcast %mul3A_510 : i32 to vector<16xi32>
    %mul3A_512 = arith.muli %mul3A_511, %select_n3A_509 : vector<16xi32>
    %add3A_513 = arith.addi %select_n3A_490, %mul3A_512 : vector<16xi32>
    %swap3A_514 = arith.constant 96 : index
    %swap3A_515 = tpu.vector_load %arg14[%swap3A_514] {strides = array<i32>} : memref<256xi32, #tpu.memory_space<vmem>>, vector<16xi32>,
    tpu.vector_store %arg14[%swap3A_514], %add3A_513 {strides = array<i32>} : memref<256xi32, #tpu.memory_space<vmem>>, vector<16xi32>,
    %mul3A_516 = arith.constant 128 : i32
    %mul3A_517 = arith.muli %add3A_1, %mul3A_516 : i32
    %add3A_518 = arith.constant 112 : i32
    %add3A_519 = arith.addi %mul3A_517, %add3A_518 : i32
    %add3A_520 = arith.constant 112 : i32
    %add3A_521 = vector.broadcast %add3A_520 : i32 to vector<16xi32>
    %add3A_522 = arith.addi %iota3A, %add3A_521 : vector<16xi32>
    %get3A_523 = arith.index_cast %add3A_519 : i32 to index
    %get3A_524 = tpu.vector_load %arg8[%get3A_523] {strides = array<i32>} : memref<4096xi32, #tpu.memory_space<vmem>>, vector<16xi32>,
    %get3A_525 = arith.index_cast %add3A_519 : i32 to index
    %get3A_526 = tpu.vector_load %arg9[%get3A_525] {strides = array<i32>} : memref<4096xi32, #tpu.memory_space<vmem>>, vector<16xi32>,
    %get3A_527 = arith.index_cast %add3A_519 : i32 to index
    %get3A_528 = tpu.vector_load %arg10[%get3A_527] {strides = array<i32>} : memref<4096xi32, #tpu.memory_space<vmem>>, vector<16xi32>,
    %get3A_529 = arith.index_cast %add3A_519 : i32 to index
    %get3A_530 = tpu.vector_load %arg11[%get3A_529] {strides = array<i32>} : memref<4096xi32, #tpu.memory_space<vmem>>, vector<16xi32>,
    %jit3A_531 = arith.constant 0 : i32
    %jit3A_532 = arith.constant 31 : i32
    %max3A_533 = vector.broadcast %jit3A_531 : i32 to vector<16xi32>
    %max3A_534 = arith.maxsi %max3A_533, %get3A_530 : vector<16xi32>
    %min3A_535 = vector.broadcast %jit3A_532 : i32 to vector<16xi32>
    %min3A_536 = arith.minsi %min3A_535, %max3A_534 : vector<16xi32>
    %mul3A_537 = arith.constant 128 : i32
    %mul3A_538 = vector.broadcast %mul3A_537 : i32 to vector<16xi32>
    %mul3A_539 = arith.muli %min3A_536, %mul3A_538 : vector<16xi32>
    %add3A_540 = arith.addi %mul3A_539, %add3A_522 : vector<16xi32>
    %gather3A_541 = tpu.vector_load_idx %arg8[%add3A_540] : memref<4096xi32, #tpu.memory_space<vmem>>[vector<16xi32>], vector<16xi32>,
    %gather3A_542 = tpu.vector_load_idx %arg9[%add3A_540] : memref<4096xi32, #tpu.memory_space<vmem>>[vector<16xi32>], vector<16xi32>,
    %gather3A_543 = tpu.vector_load_idx %arg10[%add3A_540] : memref<4096xi32, #tpu.memory_space<vmem>>[vector<16xi32>], vector<16xi32>,
    %ne3A_544 = arith.constant 0 : i32
    %ne3A_545 = vector.broadcast %ne3A_544 : i32 to vector<16xi32>
    %ne3A_546 = arith.cmpi ne, %get3A_528, %ne3A_545 : vector<16xi32>
    %jit3A_547 = arith.constant 3 : i32
    %broadcast_in_dim3A_548 = vector.broadcast %jit3A_547 : i32 to vector<16xi32>
    %select_n3A_549 = arith.select %ne3A_546, %get3A_524, %broadcast_in_dim3A_548 : vector<16xi1>, vector<16xi32>
    %ne3A_550 = arith.constant 0 : i32
    %ne3A_551 = vector.broadcast %ne3A_550 : i32 to vector<16xi32>
    %ne3A_552 = arith.cmpi ne, %gather3A_543, %ne3A_551 : vector<16xi32>
    %jit3A_553 = arith.constant 3 : i32
    %broadcast_in_dim3A_554 = vector.broadcast %jit3A_553 : i32 to vector<16xi32>
    %select_n3A_555 = arith.select %ne3A_552, %gather3A_541, %broadcast_in_dim3A_554 : vector<16xi1>, vector<16xi32>
    %eq3A_556 = arith.constant 0 : i32
    %eq3A_557 = vector.broadcast %eq3A_556 : i32 to vector<16xi32>
    %eq3A_558 = arith.cmpi eq, %select_n3A_549, %eq3A_557 : vector<16xi32>
    %add3A_559 = arith.constant 1 : i32
    %add3A_560 = vector.broadcast %add3A_559 : i32 to vector<16xi32>
    %add3A_561 = arith.addi %get3A_526, %add3A_560 : vector<16xi32>
    %add3A_562 = arith.constant 1 : i32
    %add3A_563 = vector.broadcast %add3A_562 : i32 to vector<16xi32>
    %add3A_564 = arith.addi %gather3A_542, %add3A_563 : vector<16xi32>
    %select_n3A_565 = arith.select %eq3A_558, %add3A_561, %add3A_564 : vector<16xi1>, vector<16xi32>
    %eq3A_566 = arith.constant 0 : i32
    %eq3A_567 = vector.broadcast %eq3A_566 : i32 to vector<16xi32>
    %eq3A_568 = arith.cmpi eq, %select_n3A_549, %eq3A_567 : vector<16xi32>
    %eq3A_569 = arith.constant 1 : i32
    %eq3A_570 = vector.broadcast %eq3A_569 : i32 to vector<16xi32>
    %eq3A_571 = arith.cmpi eq, %select_n3A_549, %eq3A_570 : vector<16xi32>
    %eq3A_572 = arith.constant 0 : i32
    %eq3A_573 = vector.broadcast %eq3A_572 : i32 to vector<16xi32>
    %eq3A_574 = arith.cmpi eq, %select_n3A_555, %eq3A_573 : vector<16xi32>
    %and3A_575 = arith.andi %eq3A_571, %eq3A_574 : vector<16xi1>
    %add3A_576 = arith.constant 2 : i32
    %add3A_577 = vector.broadcast %add3A_576 : i32 to vector<16xi32>
    %add3A_578 = arith.addi %get3A_526, %add3A_577 : vector<16xi32>
    %jit3A_579 = arith.constant 0 : i32
    %broadcast_in_dim3A_580 = vector.broadcast %jit3A_579 : i32 to vector<16xi32>
    %select_n3A_581 = arith.select %and3A_575, %add3A_578, %broadcast_in_dim3A_580 : vector<16xi1>, vector<16xi32>
    %jit3A_582 = arith.constant 1 : i32
    %broadcast_in_dim3A_583 = vector.broadcast %jit3A_582 : i32 to vector<16xi32>
    %select_n3A_584 = arith.select %eq3A_568, %broadcast_in_dim3A_583, %select_n3A_581 : vector<16xi1>, vector<16xi32>
    %mul3A_585 = arith.constant 8 : i32
    %mul3A_586 = vector.broadcast %mul3A_585 : i32 to vector<16xi32>
    %mul3A_587 = arith.muli %mul3A_586, %select_n3A_584 : vector<16xi32>
    %add3A_588 = arith.addi %select_n3A_565, %mul3A_587 : vector<16xi32>
    %swap3A_589 = arith.constant 112 : index
    %swap3A_590 = tpu.vector_load %arg14[%swap3A_589] {strides = array<i32>} : memref<256xi32, #tpu.memory_space<vmem>>, vector<16xi32>,
    tpu.vector_store %arg14[%swap3A_589], %add3A_588 {strides = array<i32>} : memref<256xi32, #tpu.memory_space<vmem>>, vector<16xi32>,
    %mul3A_591 = arith.constant 2 : i32
    %mul3A_592 = arith.muli %mul3A_591, %arg1 : i32
    %add3A_593 = arith.constant 1 : i32
    %add3A_594 = arith.addi %mul3A_592, %add3A_593 : i32
    %mul3A_595 = arith.constant 128 : i32
    %mul3A_596 = arith.muli %add3A_594, %mul3A_595 : i32
    %add3A_597 = arith.constant 0 : i32
    %add3A_598 = arith.addi %mul3A_596, %add3A_597 : i32
    %add3A_599 = arith.constant 0 : i32
    %add3A_600 = vector.broadcast %add3A_599 : i32 to vector<16xi32>
    %add3A_601 = arith.addi %iota3A, %add3A_600 : vector<16xi32>
    %get3A_602 = arith.index_cast %add3A_598 : i32 to index
    %get3A_603 = tpu.vector_load %arg8[%get3A_602] {strides = array<i32>} : memref<4096xi32, #tpu.memory_space<vmem>>, vector<16xi32>,
    %get3A_604 = arith.index_cast %add3A_598 : i32 to index
    %get3A_605 = tpu.vector_load %arg9[%get3A_604] {strides = array<i32>} : memref<4096xi32, #tpu.memory_space<vmem>>, vector<16xi32>,
    %get3A_606 = arith.index_cast %add3A_598 : i32 to index
    %get3A_607 = tpu.vector_load %arg10[%get3A_606] {strides = array<i32>} : memref<4096xi32, #tpu.memory_space<vmem>>, vector<16xi32>,
    %get3A_608 = arith.index_cast %add3A_598 : i32 to index
    %get3A_609 = tpu.vector_load %arg11[%get3A_608] {strides = array<i32>} : memref<4096xi32, #tpu.memory_space<vmem>>, vector<16xi32>,
    %jit3A_610 = arith.constant 0 : i32
    %jit3A_611 = arith.constant 31 : i32
    %max3A_612 = vector.broadcast %jit3A_610 : i32 to vector<16xi32>
    %max3A_613 = arith.maxsi %max3A_612, %get3A_609 : vector<16xi32>
    %min3A_614 = vector.broadcast %jit3A_611 : i32 to vector<16xi32>
    %min3A_615 = arith.minsi %min3A_614, %max3A_613 : vector<16xi32>
    %mul3A_616 = arith.constant 128 : i32
    %mul3A_617 = vector.broadcast %mul3A_616 : i32 to vector<16xi32>
    %mul3A_618 = arith.muli %min3A_615, %mul3A_617 : vector<16xi32>
    %add3A_619 = arith.addi %mul3A_618, %add3A_601 : vector<16xi32>
    %gather3A_620 = tpu.vector_load_idx %arg8[%add3A_619] : memref<4096xi32, #tpu.memory_space<vmem>>[vector<16xi32>], vector<16xi32>,
    %gather3A_621 = tpu.vector_load_idx %arg9[%add3A_619] : memref<4096xi32, #tpu.memory_space<vmem>>[vector<16xi32>], vector<16xi32>,
    %gather3A_622 = tpu.vector_load_idx %arg10[%add3A_619] : memref<4096xi32, #tpu.memory_space<vmem>>[vector<16xi32>], vector<16xi32>,
    %ne3A_623 = arith.constant 0 : i32
    %ne3A_624 = vector.broadcast %ne3A_623 : i32 to vector<16xi32>
    %ne3A_625 = arith.cmpi ne, %get3A_607, %ne3A_624 : vector<16xi32>
    %jit3A_626 = arith.constant 3 : i32
    %broadcast_in_dim3A_627 = vector.broadcast %jit3A_626 : i32 to vector<16xi32>
    %select_n3A_628 = arith.select %ne3A_625, %get3A_603, %broadcast_in_dim3A_627 : vector<16xi1>, vector<16xi32>
    %ne3A_629 = arith.constant 0 : i32
    %ne3A_630 = vector.broadcast %ne3A_629 : i32 to vector<16xi32>
    %ne3A_631 = arith.cmpi ne, %gather3A_622, %ne3A_630 : vector<16xi32>
    %jit3A_632 = arith.constant 3 : i32
    %broadcast_in_dim3A_633 = vector.broadcast %jit3A_632 : i32 to vector<16xi32>
    %select_n3A_634 = arith.select %ne3A_631, %gather3A_620, %broadcast_in_dim3A_633 : vector<16xi1>, vector<16xi32>
    %eq3A_635 = arith.constant 0 : i32
    %eq3A_636 = vector.broadcast %eq3A_635 : i32 to vector<16xi32>
    %eq3A_637 = arith.cmpi eq, %select_n3A_628, %eq3A_636 : vector<16xi32>
    %add3A_638 = arith.constant 1 : i32
    %add3A_639 = vector.broadcast %add3A_638 : i32 to vector<16xi32>
    %add3A_640 = arith.addi %get3A_605, %add3A_639 : vector<16xi32>
    %add3A_641 = arith.constant 1 : i32
    %add3A_642 = vector.broadcast %add3A_641 : i32 to vector<16xi32>
    %add3A_643 = arith.addi %gather3A_621, %add3A_642 : vector<16xi32>
    %select_n3A_644 = arith.select %eq3A_637, %add3A_640, %add3A_643 : vector<16xi1>, vector<16xi32>
    %eq3A_645 = arith.constant 0 : i32
    %eq3A_646 = vector.broadcast %eq3A_645 : i32 to vector<16xi32>
    %eq3A_647 = arith.cmpi eq, %select_n3A_628, %eq3A_646 : vector<16xi32>
    %eq3A_648 = arith.constant 1 : i32
    %eq3A_649 = vector.broadcast %eq3A_648 : i32 to vector<16xi32>
    %eq3A_650 = arith.cmpi eq, %select_n3A_628, %eq3A_649 : vector<16xi32>
    %eq3A_651 = arith.constant 0 : i32
    %eq3A_652 = vector.broadcast %eq3A_651 : i32 to vector<16xi32>
    %eq3A_653 = arith.cmpi eq, %select_n3A_634, %eq3A_652 : vector<16xi32>
    %and3A_654 = arith.andi %eq3A_650, %eq3A_653 : vector<16xi1>
    %add3A_655 = arith.constant 2 : i32
    %add3A_656 = vector.broadcast %add3A_655 : i32 to vector<16xi32>
    %add3A_657 = arith.addi %get3A_605, %add3A_656 : vector<16xi32>
    %jit3A_658 = arith.constant 0 : i32
    %broadcast_in_dim3A_659 = vector.broadcast %jit3A_658 : i32 to vector<16xi32>
    %select_n3A_660 = arith.select %and3A_654, %add3A_657, %broadcast_in_dim3A_659 : vector<16xi1>, vector<16xi32>
    %jit3A_661 = arith.constant 1 : i32
    %broadcast_in_dim3A_662 = vector.broadcast %jit3A_661 : i32 to vector<16xi32>
    %select_n3A_663 = arith.select %eq3A_647, %broadcast_in_dim3A_662, %select_n3A_660 : vector<16xi1>, vector<16xi32>
    %mul3A_664 = arith.constant 8 : i32
    %mul3A_665 = vector.broadcast %mul3A_664 : i32 to vector<16xi32>
    %mul3A_666 = arith.muli %mul3A_665, %select_n3A_663 : vector<16xi32>
    %add3A_667 = arith.addi %select_n3A_644, %mul3A_666 : vector<16xi32>
    %swap3A_668 = arith.constant 128 : index
    %swap3A_669 = tpu.vector_load %arg14[%swap3A_668] {strides = array<i32>} : memref<256xi32, #tpu.memory_space<vmem>>, vector<16xi32>,
    tpu.vector_store %arg14[%swap3A_668], %add3A_667 {strides = array<i32>} : memref<256xi32, #tpu.memory_space<vmem>>, vector<16xi32>,
    %mul3A_670 = arith.constant 128 : i32
    %mul3A_671 = arith.muli %add3A_594, %mul3A_670 : i32
    %add3A_672 = arith.constant 16 : i32
    %add3A_673 = arith.addi %mul3A_671, %add3A_672 : i32
    %add3A_674 = arith.constant 16 : i32
    %add3A_675 = vector.broadcast %add3A_674 : i32 to vector<16xi32>
    %add3A_676 = arith.addi %iota3A, %add3A_675 : vector<16xi32>
    %get3A_677 = arith.index_cast %add3A_673 : i32 to index
    %get3A_678 = tpu.vector_load %arg8[%get3A_677] {strides = array<i32>} : memref<4096xi32, #tpu.memory_space<vmem>>, vector<16xi32>,
    %get3A_679 = arith.index_cast %add3A_673 : i32 to index
    %get3A_680 = tpu.vector_load %arg9[%get3A_679] {strides = array<i32>} : memref<4096xi32, #tpu.memory_space<vmem>>, vector<16xi32>,
    %get3A_681 = arith.index_cast %add3A_673 : i32 to index
    %get3A_682 = tpu.vector_load %arg10[%get3A_681] {strides = array<i32>} : memref<4096xi32, #tpu.memory_space<vmem>>, vector<16xi32>,
    %get3A_683 = arith.index_cast %add3A_673 : i32 to index
    %get3A_684 = tpu.vector_load %arg11[%get3A_683] {strides = array<i32>} : memref<4096xi32, #tpu.memory_space<vmem>>, vector<16xi32>,
    %jit3A_685 = arith.constant 0 : i32
    %jit3A_686 = arith.constant 31 : i32
    %max3A_687 = vector.broadcast %jit3A_685 : i32 to vector<16xi32>
    %max3A_688 = arith.maxsi %max3A_687, %get3A_684 : vector<16xi32>
    %min3A_689 = vector.broadcast %jit3A_686 : i32 to vector<16xi32>
    %min3A_690 = arith.minsi %min3A_689, %max3A_688 : vector<16xi32>
    %mul3A_691 = arith.constant 128 : i32
    %mul3A_692 = vector.broadcast %mul3A_691 : i32 to vector<16xi32>
    %mul3A_693 = arith.muli %min3A_690, %mul3A_692 : vector<16xi32>
    %add3A_694 = arith.addi %mul3A_693, %add3A_676 : vector<16xi32>
    %gather3A_695 = tpu.vector_load_idx %arg8[%add3A_694] : memref<4096xi32, #tpu.memory_space<vmem>>[vector<16xi32>], vector<16xi32>,
    %gather3A_696 = tpu.vector_load_idx %arg9[%add3A_694] : memref<4096xi32, #tpu.memory_space<vmem>>[vector<16xi32>], vector<16xi32>,
    %gather3A_697 = tpu.vector_load_idx %arg10[%add3A_694] : memref<4096xi32, #tpu.memory_space<vmem>>[vector<16xi32>], vector<16xi32>,
    %ne3A_698 = arith.constant 0 : i32
    %ne3A_699 = vector.broadcast %ne3A_698 : i32 to vector<16xi32>
    %ne3A_700 = arith.cmpi ne, %get3A_682, %ne3A_699 : vector<16xi32>
    %jit3A_701 = arith.constant 3 : i32
    %broadcast_in_dim3A_702 = vector.broadcast %jit3A_701 : i32 to vector<16xi32>
    %select_n3A_703 = arith.select %ne3A_700, %get3A_678, %broadcast_in_dim3A_702 : vector<16xi1>, vector<16xi32>
    %ne3A_704 = arith.constant 0 : i32
    %ne3A_705 = vector.broadcast %ne3A_704 : i32 to vector<16xi32>
    %ne3A_706 = arith.cmpi ne, %gather3A_697, %ne3A_705 : vector<16xi32>
    %jit3A_707 = arith.constant 3 : i32
    %broadcast_in_dim3A_708 = vector.broadcast %jit3A_707 : i32 to vector<16xi32>
    %select_n3A_709 = arith.select %ne3A_706, %gather3A_695, %broadcast_in_dim3A_708 : vector<16xi1>, vector<16xi32>
    %eq3A_710 = arith.constant 0 : i32
    %eq3A_711 = vector.broadcast %eq3A_710 : i32 to vector<16xi32>
    %eq3A_712 = arith.cmpi eq, %select_n3A_703, %eq3A_711 : vector<16xi32>
    %add3A_713 = arith.constant 1 : i32
    %add3A_714 = vector.broadcast %add3A_713 : i32 to vector<16xi32>
    %add3A_715 = arith.addi %get3A_680, %add3A_714 : vector<16xi32>
    %add3A_716 = arith.constant 1 : i32
    %add3A_717 = vector.broadcast %add3A_716 : i32 to vector<16xi32>
    %add3A_718 = arith.addi %gather3A_696, %add3A_717 : vector<16xi32>
    %select_n3A_719 = arith.select %eq3A_712, %add3A_715, %add3A_718 : vector<16xi1>, vector<16xi32>
    %eq3A_720 = arith.constant 0 : i32
    %eq3A_721 = vector.broadcast %eq3A_720 : i32 to vector<16xi32>
    %eq3A_722 = arith.cmpi eq, %select_n3A_703, %eq3A_721 : vector<16xi32>
    %eq3A_723 = arith.constant 1 : i32
    %eq3A_724 = vector.broadcast %eq3A_723 : i32 to vector<16xi32>
    %eq3A_725 = arith.cmpi eq, %select_n3A_703, %eq3A_724 : vector<16xi32>
    %eq3A_726 = arith.constant 0 : i32
    %eq3A_727 = vector.broadcast %eq3A_726 : i32 to vector<16xi32>
    %eq3A_728 = arith.cmpi eq, %select_n3A_709, %eq3A_727 : vector<16xi32>
    %and3A_729 = arith.andi %eq3A_725, %eq3A_728 : vector<16xi1>
    %add3A_730 = arith.constant 2 : i32
    %add3A_731 = vector.broadcast %add3A_730 : i32 to vector<16xi32>
    %add3A_732 = arith.addi %get3A_680, %add3A_731 : vector<16xi32>
    %jit3A_733 = arith.constant 0 : i32
    %broadcast_in_dim3A_734 = vector.broadcast %jit3A_733 : i32 to vector<16xi32>
    %select_n3A_735 = arith.select %and3A_729, %add3A_732, %broadcast_in_dim3A_734 : vector<16xi1>, vector<16xi32>
    %jit3A_736 = arith.constant 1 : i32
    %broadcast_in_dim3A_737 = vector.broadcast %jit3A_736 : i32 to vector<16xi32>
    %select_n3A_738 = arith.select %eq3A_722, %broadcast_in_dim3A_737, %select_n3A_735 : vector<16xi1>, vector<16xi32>
    %mul3A_739 = arith.constant 8 : i32
    %mul3A_740 = vector.broadcast %mul3A_739 : i32 to vector<16xi32>
    %mul3A_741 = arith.muli %mul3A_740, %select_n3A_738 : vector<16xi32>
    %add3A_742 = arith.addi %select_n3A_719, %mul3A_741 : vector<16xi32>
    %swap3A_743 = arith.constant 144 : index
    %swap3A_744 = tpu.vector_load %arg14[%swap3A_743] {strides = array<i32>} : memref<256xi32, #tpu.memory_space<vmem>>, vector<16xi32>,
    tpu.vector_store %arg14[%swap3A_743], %add3A_742 {strides = array<i32>} : memref<256xi32, #tpu.memory_space<vmem>>, vector<16xi32>,
    %mul3A_745 = arith.constant 128 : i32
    %mul3A_746 = arith.muli %add3A_594, %mul3A_745 : i32
    %add3A_747 = arith.constant 32 : i32
    %add3A_748 = arith.addi %mul3A_746, %add3A_747 : i32
    %add3A_749 = arith.constant 32 : i32
    %add3A_750 = vector.broadcast %add3A_749 : i32 to vector<16xi32>
    %add3A_751 = arith.addi %iota3A, %add3A_750 : vector<16xi32>
    %get3A_752 = arith.index_cast %add3A_748 : i32 to index
    %get3A_753 = tpu.vector_load %arg8[%get3A_752] {strides = array<i32>} : memref<4096xi32, #tpu.memory_space<vmem>>, vector<16xi32>,
    %get3A_754 = arith.index_cast %add3A_748 : i32 to index
    %get3A_755 = tpu.vector_load %arg9[%get3A_754] {strides = array<i32>} : memref<4096xi32, #tpu.memory_space<vmem>>, vector<16xi32>,
    %get3A_756 = arith.index_cast %add3A_748 : i32 to index
    %get3A_757 = tpu.vector_load %arg10[%get3A_756] {strides = array<i32>} : memref<4096xi32, #tpu.memory_space<vmem>>, vector<16xi32>,
    %get3A_758 = arith.index_cast %add3A_748 : i32 to index
    %get3A_759 = tpu.vector_load %arg11[%get3A_758] {strides = array<i32>} : memref<4096xi32, #tpu.memory_space<vmem>>, vector<16xi32>,
    %jit3A_760 = arith.constant 0 : i32
    %jit3A_761 = arith.constant 31 : i32
    %max3A_762 = vector.broadcast %jit3A_760 : i32 to vector<16xi32>
    %max3A_763 = arith.maxsi %max3A_762, %get3A_759 : vector<16xi32>
    %min3A_764 = vector.broadcast %jit3A_761 : i32 to vector<16xi32>
    %min3A_765 = arith.minsi %min3A_764, %max3A_763 : vector<16xi32>
    %mul3A_766 = arith.constant 128 : i32
    %mul3A_767 = vector.broadcast %mul3A_766 : i32 to vector<16xi32>
    %mul3A_768 = arith.muli %min3A_765, %mul3A_767 : vector<16xi32>
    %add3A_769 = arith.addi %mul3A_768, %add3A_751 : vector<16xi32>
    %gather3A_770 = tpu.vector_load_idx %arg8[%add3A_769] : memref<4096xi32, #tpu.memory_space<vmem>>[vector<16xi32>], vector<16xi32>,
    %gather3A_771 = tpu.vector_load_idx %arg9[%add3A_769] : memref<4096xi32, #tpu.memory_space<vmem>>[vector<16xi32>], vector<16xi32>,
    %gather3A_772 = tpu.vector_load_idx %arg10[%add3A_769] : memref<4096xi32, #tpu.memory_space<vmem>>[vector<16xi32>], vector<16xi32>,
    %ne3A_773 = arith.constant 0 : i32
    %ne3A_774 = vector.broadcast %ne3A_773 : i32 to vector<16xi32>
    %ne3A_775 = arith.cmpi ne, %get3A_757, %ne3A_774 : vector<16xi32>
    %jit3A_776 = arith.constant 3 : i32
    %broadcast_in_dim3A_777 = vector.broadcast %jit3A_776 : i32 to vector<16xi32>
    %select_n3A_778 = arith.select %ne3A_775, %get3A_753, %broadcast_in_dim3A_777 : vector<16xi1>, vector<16xi32>
    %ne3A_779 = arith.constant 0 : i32
    %ne3A_780 = vector.broadcast %ne3A_779 : i32 to vector<16xi32>
    %ne3A_781 = arith.cmpi ne, %gather3A_772, %ne3A_780 : vector<16xi32>
    %jit3A_782 = arith.constant 3 : i32
    %broadcast_in_dim3A_783 = vector.broadcast %jit3A_782 : i32 to vector<16xi32>
    %select_n3A_784 = arith.select %ne3A_781, %gather3A_770, %broadcast_in_dim3A_783 : vector<16xi1>, vector<16xi32>
    %eq3A_785 = arith.constant 0 : i32
    %eq3A_786 = vector.broadcast %eq3A_785 : i32 to vector<16xi32>
    %eq3A_787 = arith.cmpi eq, %select_n3A_778, %eq3A_786 : vector<16xi32>
    %add3A_788 = arith.constant 1 : i32
    %add3A_789 = vector.broadcast %add3A_788 : i32 to vector<16xi32>
    %add3A_790 = arith.addi %get3A_755, %add3A_789 : vector<16xi32>
    %add3A_791 = arith.constant 1 : i32
    %add3A_792 = vector.broadcast %add3A_791 : i32 to vector<16xi32>
    %add3A_793 = arith.addi %gather3A_771, %add3A_792 : vector<16xi32>
    %select_n3A_794 = arith.select %eq3A_787, %add3A_790, %add3A_793 : vector<16xi1>, vector<16xi32>
    %eq3A_795 = arith.constant 0 : i32
    %eq3A_796 = vector.broadcast %eq3A_795 : i32 to vector<16xi32>
    %eq3A_797 = arith.cmpi eq, %select_n3A_778, %eq3A_796 : vector<16xi32>
    %eq3A_798 = arith.constant 1 : i32
    %eq3A_799 = vector.broadcast %eq3A_798 : i32 to vector<16xi32>
    %eq3A_800 = arith.cmpi eq, %select_n3A_778, %eq3A_799 : vector<16xi32>
    %eq3A_801 = arith.constant 0 : i32
    %eq3A_802 = vector.broadcast %eq3A_801 : i32 to vector<16xi32>
    %eq3A_803 = arith.cmpi eq, %select_n3A_784, %eq3A_802 : vector<16xi32>
    %and3A_804 = arith.andi %eq3A_800, %eq3A_803 : vector<16xi1>
    %add3A_805 = arith.constant 2 : i32
    %add3A_806 = vector.broadcast %add3A_805 : i32 to vector<16xi32>
    %add3A_807 = arith.addi %get3A_755, %add3A_806 : vector<16xi32>
    %jit3A_808 = arith.constant 0 : i32
    %broadcast_in_dim3A_809 = vector.broadcast %jit3A_808 : i32 to vector<16xi32>
    %select_n3A_810 = arith.select %and3A_804, %add3A_807, %broadcast_in_dim3A_809 : vector<16xi1>, vector<16xi32>
    %jit3A_811 = arith.constant 1 : i32
    %broadcast_in_dim3A_812 = vector.broadcast %jit3A_811 : i32 to vector<16xi32>
    %select_n3A_813 = arith.select %eq3A_797, %broadcast_in_dim3A_812, %select_n3A_810 : vector<16xi1>, vector<16xi32>
    %mul3A_814 = arith.constant 8 : i32
    %mul3A_815 = vector.broadcast %mul3A_814 : i32 to vector<16xi32>
    %mul3A_816 = arith.muli %mul3A_815, %select_n3A_813 : vector<16xi32>
    %add3A_817 = arith.addi %select_n3A_794, %mul3A_816 : vector<16xi32>
    %swap3A_818 = arith.constant 160 : index
    %swap3A_819 = tpu.vector_load %arg14[%swap3A_818] {strides = array<i32>} : memref<256xi32, #tpu.memory_space<vmem>>, vector<16xi32>,
    tpu.vector_store %arg14[%swap3A_818], %add3A_817 {strides = array<i32>} : memref<256xi32, #tpu.memory_space<vmem>>, vector<16xi32>,
    %mul3A_820 = arith.constant 128 : i32
    %mul3A_821 = arith.muli %add3A_594, %mul3A_820 : i32
    %add3A_822 = arith.constant 48 : i32
    %add3A_823 = arith.addi %mul3A_821, %add3A_822 : i32
    %add3A_824 = arith.constant 48 : i32
    %add3A_825 = vector.broadcast %add3A_824 : i32 to vector<16xi32>
    %add3A_826 = arith.addi %iota3A, %add3A_825 : vector<16xi32>
    %get3A_827 = arith.index_cast %add3A_823 : i32 to index
    %get3A_828 = tpu.vector_load %arg8[%get3A_827] {strides = array<i32>} : memref<4096xi32, #tpu.memory_space<vmem>>, vector<16xi32>,
    %get3A_829 = arith.index_cast %add3A_823 : i32 to index
    %get3A_830 = tpu.vector_load %arg9[%get3A_829] {strides = array<i32>} : memref<4096xi32, #tpu.memory_space<vmem>>, vector<16xi32>,
    %get3A_831 = arith.index_cast %add3A_823 : i32 to index
    %get3A_832 = tpu.vector_load %arg10[%get3A_831] {strides = array<i32>} : memref<4096xi32, #tpu.memory_space<vmem>>, vector<16xi32>,
    %get3A_833 = arith.index_cast %add3A_823 : i32 to index
    %get3A_834 = tpu.vector_load %arg11[%get3A_833] {strides = array<i32>} : memref<4096xi32, #tpu.memory_space<vmem>>, vector<16xi32>,
    %jit3A_835 = arith.constant 0 : i32
    %jit3A_836 = arith.constant 31 : i32
    %max3A_837 = vector.broadcast %jit3A_835 : i32 to vector<16xi32>
    %max3A_838 = arith.maxsi %max3A_837, %get3A_834 : vector<16xi32>
    %min3A_839 = vector.broadcast %jit3A_836 : i32 to vector<16xi32>
    %min3A_840 = arith.minsi %min3A_839, %max3A_838 : vector<16xi32>
    %mul3A_841 = arith.constant 128 : i32
    %mul3A_842 = vector.broadcast %mul3A_841 : i32 to vector<16xi32>
    %mul3A_843 = arith.muli %min3A_840, %mul3A_842 : vector<16xi32>
    %add3A_844 = arith.addi %mul3A_843, %add3A_826 : vector<16xi32>
    %gather3A_845 = tpu.vector_load_idx %arg8[%add3A_844] : memref<4096xi32, #tpu.memory_space<vmem>>[vector<16xi32>], vector<16xi32>,
    %gather3A_846 = tpu.vector_load_idx %arg9[%add3A_844] : memref<4096xi32, #tpu.memory_space<vmem>>[vector<16xi32>], vector<16xi32>,
    %gather3A_847 = tpu.vector_load_idx %arg10[%add3A_844] : memref<4096xi32, #tpu.memory_space<vmem>>[vector<16xi32>], vector<16xi32>,
    %ne3A_848 = arith.constant 0 : i32
    %ne3A_849 = vector.broadcast %ne3A_848 : i32 to vector<16xi32>
    %ne3A_850 = arith.cmpi ne, %get3A_832, %ne3A_849 : vector<16xi32>
    %jit3A_851 = arith.constant 3 : i32
    %broadcast_in_dim3A_852 = vector.broadcast %jit3A_851 : i32 to vector<16xi32>
    %select_n3A_853 = arith.select %ne3A_850, %get3A_828, %broadcast_in_dim3A_852 : vector<16xi1>, vector<16xi32>
    %ne3A_854 = arith.constant 0 : i32
    %ne3A_855 = vector.broadcast %ne3A_854 : i32 to vector<16xi32>
    %ne3A_856 = arith.cmpi ne, %gather3A_847, %ne3A_855 : vector<16xi32>
    %jit3A_857 = arith.constant 3 : i32
    %broadcast_in_dim3A_858 = vector.broadcast %jit3A_857 : i32 to vector<16xi32>
    %select_n3A_859 = arith.select %ne3A_856, %gather3A_845, %broadcast_in_dim3A_858 : vector<16xi1>, vector<16xi32>
    %eq3A_860 = arith.constant 0 : i32
    %eq3A_861 = vector.broadcast %eq3A_860 : i32 to vector<16xi32>
    %eq3A_862 = arith.cmpi eq, %select_n3A_853, %eq3A_861 : vector<16xi32>
    %add3A_863 = arith.constant 1 : i32
    %add3A_864 = vector.broadcast %add3A_863 : i32 to vector<16xi32>
    %add3A_865 = arith.addi %get3A_830, %add3A_864 : vector<16xi32>
    %add3A_866 = arith.constant 1 : i32
    %add3A_867 = vector.broadcast %add3A_866 : i32 to vector<16xi32>
    %add3A_868 = arith.addi %gather3A_846, %add3A_867 : vector<16xi32>
    %select_n3A_869 = arith.select %eq3A_862, %add3A_865, %add3A_868 : vector<16xi1>, vector<16xi32>
    %eq3A_870 = arith.constant 0 : i32
    %eq3A_871 = vector.broadcast %eq3A_870 : i32 to vector<16xi32>
    %eq3A_872 = arith.cmpi eq, %select_n3A_853, %eq3A_871 : vector<16xi32>
    %eq3A_873 = arith.constant 1 : i32
    %eq3A_874 = vector.broadcast %eq3A_873 : i32 to vector<16xi32>
    %eq3A_875 = arith.cmpi eq, %select_n3A_853, %eq3A_874 : vector<16xi32>
    %eq3A_876 = arith.constant 0 : i32
    %eq3A_877 = vector.broadcast %eq3A_876 : i32 to vector<16xi32>
    %eq3A_878 = arith.cmpi eq, %select_n3A_859, %eq3A_877 : vector<16xi32>
    %and3A_879 = arith.andi %eq3A_875, %eq3A_878 : vector<16xi1>
    %add3A_880 = arith.constant 2 : i32
    %add3A_881 = vector.broadcast %add3A_880 : i32 to vector<16xi32>
    %add3A_882 = arith.addi %get3A_830, %add3A_881 : vector<16xi32>
    %jit3A_883 = arith.constant 0 : i32
    %broadcast_in_dim3A_884 = vector.broadcast %jit3A_883 : i32 to vector<16xi32>
    %select_n3A_885 = arith.select %and3A_879, %add3A_882, %broadcast_in_dim3A_884 : vector<16xi1>, vector<16xi32>
    %jit3A_886 = arith.constant 1 : i32
    %broadcast_in_dim3A_887 = vector.broadcast %jit3A_886 : i32 to vector<16xi32>
    %select_n3A_888 = arith.select %eq3A_872, %broadcast_in_dim3A_887, %select_n3A_885 : vector<16xi1>, vector<16xi32>
    %mul3A_889 = arith.constant 8 : i32
    %mul3A_890 = vector.broadcast %mul3A_889 : i32 to vector<16xi32>
    %mul3A_891 = arith.muli %mul3A_890, %select_n3A_888 : vector<16xi32>
    %add3A_892 = arith.addi %select_n3A_869, %mul3A_891 : vector<16xi32>
    %swap3A_893 = arith.constant 176 : index
    %swap3A_894 = tpu.vector_load %arg14[%swap3A_893] {strides = array<i32>} : memref<256xi32, #tpu.memory_space<vmem>>, vector<16xi32>,
    tpu.vector_store %arg14[%swap3A_893], %add3A_892 {strides = array<i32>} : memref<256xi32, #tpu.memory_space<vmem>>, vector<16xi32>,
    %mul3A_895 = arith.constant 128 : i32
    %mul3A_896 = arith.muli %add3A_594, %mul3A_895 : i32
    %add3A_897 = arith.constant 64 : i32
    %add3A_898 = arith.addi %mul3A_896, %add3A_897 : i32
    %add3A_899 = arith.constant 64 : i32
    %add3A_900 = vector.broadcast %add3A_899 : i32 to vector<16xi32>
    %add3A_901 = arith.addi %iota3A, %add3A_900 : vector<16xi32>
    %get3A_902 = arith.index_cast %add3A_898 : i32 to index
    %get3A_903 = tpu.vector_load %arg8[%get3A_902] {strides = array<i32>} : memref<4096xi32, #tpu.memory_space<vmem>>, vector<16xi32>,
    %get3A_904 = arith.index_cast %add3A_898 : i32 to index
    %get3A_905 = tpu.vector_load %arg9[%get3A_904] {strides = array<i32>} : memref<4096xi32, #tpu.memory_space<vmem>>, vector<16xi32>,
    %get3A_906 = arith.index_cast %add3A_898 : i32 to index
    %get3A_907 = tpu.vector_load %arg10[%get3A_906] {strides = array<i32>} : memref<4096xi32, #tpu.memory_space<vmem>>, vector<16xi32>,
    %get3A_908 = arith.index_cast %add3A_898 : i32 to index
    %get3A_909 = tpu.vector_load %arg11[%get3A_908] {strides = array<i32>} : memref<4096xi32, #tpu.memory_space<vmem>>, vector<16xi32>,
    %jit3A_910 = arith.constant 0 : i32
    %jit3A_911 = arith.constant 31 : i32
    %max3A_912 = vector.broadcast %jit3A_910 : i32 to vector<16xi32>
    %max3A_913 = arith.maxsi %max3A_912, %get3A_909 : vector<16xi32>
    %min3A_914 = vector.broadcast %jit3A_911 : i32 to vector<16xi32>
    %min3A_915 = arith.minsi %min3A_914, %max3A_913 : vector<16xi32>
    %mul3A_916 = arith.constant 128 : i32
    %mul3A_917 = vector.broadcast %mul3A_916 : i32 to vector<16xi32>
    %mul3A_918 = arith.muli %min3A_915, %mul3A_917 : vector<16xi32>
    %add3A_919 = arith.addi %mul3A_918, %add3A_901 : vector<16xi32>
    %gather3A_920 = tpu.vector_load_idx %arg8[%add3A_919] : memref<4096xi32, #tpu.memory_space<vmem>>[vector<16xi32>], vector<16xi32>,
    %gather3A_921 = tpu.vector_load_idx %arg9[%add3A_919] : memref<4096xi32, #tpu.memory_space<vmem>>[vector<16xi32>], vector<16xi32>,
    %gather3A_922 = tpu.vector_load_idx %arg10[%add3A_919] : memref<4096xi32, #tpu.memory_space<vmem>>[vector<16xi32>], vector<16xi32>,
    %ne3A_923 = arith.constant 0 : i32
    %ne3A_924 = vector.broadcast %ne3A_923 : i32 to vector<16xi32>
    %ne3A_925 = arith.cmpi ne, %get3A_907, %ne3A_924 : vector<16xi32>
    %jit3A_926 = arith.constant 3 : i32
    %broadcast_in_dim3A_927 = vector.broadcast %jit3A_926 : i32 to vector<16xi32>
    %select_n3A_928 = arith.select %ne3A_925, %get3A_903, %broadcast_in_dim3A_927 : vector<16xi1>, vector<16xi32>
    %ne3A_929 = arith.constant 0 : i32
    %ne3A_930 = vector.broadcast %ne3A_929 : i32 to vector<16xi32>
    %ne3A_931 = arith.cmpi ne, %gather3A_922, %ne3A_930 : vector<16xi32>
    %jit3A_932 = arith.constant 3 : i32
    %broadcast_in_dim3A_933 = vector.broadcast %jit3A_932 : i32 to vector<16xi32>
    %select_n3A_934 = arith.select %ne3A_931, %gather3A_920, %broadcast_in_dim3A_933 : vector<16xi1>, vector<16xi32>
    %eq3A_935 = arith.constant 0 : i32
    %eq3A_936 = vector.broadcast %eq3A_935 : i32 to vector<16xi32>
    %eq3A_937 = arith.cmpi eq, %select_n3A_928, %eq3A_936 : vector<16xi32>
    %add3A_938 = arith.constant 1 : i32
    %add3A_939 = vector.broadcast %add3A_938 : i32 to vector<16xi32>
    %add3A_940 = arith.addi %get3A_905, %add3A_939 : vector<16xi32>
    %add3A_941 = arith.constant 1 : i32
    %add3A_942 = vector.broadcast %add3A_941 : i32 to vector<16xi32>
    %add3A_943 = arith.addi %gather3A_921, %add3A_942 : vector<16xi32>
    %select_n3A_944 = arith.select %eq3A_937, %add3A_940, %add3A_943 : vector<16xi1>, vector<16xi32>
    %eq3A_945 = arith.constant 0 : i32
    %eq3A_946 = vector.broadcast %eq3A_945 : i32 to vector<16xi32>
    %eq3A_947 = arith.cmpi eq, %select_n3A_928, %eq3A_946 : vector<16xi32>
    %eq3A_948 = arith.constant 1 : i32
    %eq3A_949 = vector.broadcast %eq3A_948 : i32 to vector<16xi32>
    %eq3A_950 = arith.cmpi eq, %select_n3A_928, %eq3A_949 : vector<16xi32>
    %eq3A_951 = arith.constant 0 : i32
    %eq3A_952 = vector.broadcast %eq3A_951 : i32 to vector<16xi32>
    %eq3A_953 = arith.cmpi eq, %select_n3A_934, %eq3A_952 : vector<16xi32>
    %and3A_954 = arith.andi %eq3A_950, %eq3A_953 : vector<16xi1>
    %add3A_955 = arith.constant 2 : i32
    %add3A_956 = vector.broadcast %add3A_955 : i32 to vector<16xi32>
    %add3A_957 = arith.addi %get3A_905, %add3A_956 : vector<16xi32>
    %jit3A_958 = arith.constant 0 : i32
    %broadcast_in_dim3A_959 = vector.broadcast %jit3A_958 : i32 to vector<16xi32>
    %select_n3A_960 = arith.select %and3A_954, %add3A_957, %broadcast_in_dim3A_959 : vector<16xi1>, vector<16xi32>
    %jit3A_961 = arith.constant 1 : i32
    %broadcast_in_dim3A_962 = vector.broadcast %jit3A_961 : i32 to vector<16xi32>
    %select_n3A_963 = arith.select %eq3A_947, %broadcast_in_dim3A_962, %select_n3A_960 : vector<16xi1>, vector<16xi32>
    %mul3A_964 = arith.constant 8 : i32
    %mul3A_965 = vector.broadcast %mul3A_964 : i32 to vector<16xi32>
    %mul3A_966 = arith.muli %mul3A_965, %select_n3A_963 : vector<16xi32>
    %add3A_967 = arith.addi %select_n3A_944, %mul3A_966 : vector<16xi32>
    %swap3A_968 = arith.constant 192 : index
    %swap3A_969 = tpu.vector_load %arg14[%swap3A_968] {strides = array<i32>} : memref<256xi32, #tpu.memory_space<vmem>>, vector<16xi32>,
    tpu.vector_store %arg14[%swap3A_968], %add3A_967 {strides = array<i32>} : memref<256xi32, #tpu.memory_space<vmem>>, vector<16xi32>,
    %mul3A_970 = arith.constant 128 : i32
    %mul3A_971 = arith.muli %add3A_594, %mul3A_970 : i32
    %add3A_972 = arith.constant 80 : i32
    %add3A_973 = arith.addi %mul3A_971, %add3A_972 : i32
    %add3A_974 = arith.constant 80 : i32
    %add3A_975 = vector.broadcast %add3A_974 : i32 to vector<16xi32>
    %add3A_976 = arith.addi %iota3A, %add3A_975 : vector<16xi32>
    %get3A_977 = arith.index_cast %add3A_973 : i32 to index
    %get3A_978 = tpu.vector_load %arg8[%get3A_977] {strides = array<i32>} : memref<4096xi32, #tpu.memory_space<vmem>>, vector<16xi32>,
    %get3A_979 = arith.index_cast %add3A_973 : i32 to index
    %get3A_980 = tpu.vector_load %arg9[%get3A_979] {strides = array<i32>} : memref<4096xi32, #tpu.memory_space<vmem>>, vector<16xi32>,
    %get3A_981 = arith.index_cast %add3A_973 : i32 to index
    %get3A_982 = tpu.vector_load %arg10[%get3A_981] {strides = array<i32>} : memref<4096xi32, #tpu.memory_space<vmem>>, vector<16xi32>,
    %get3A_983 = arith.index_cast %add3A_973 : i32 to index
    %get3A_984 = tpu.vector_load %arg11[%get3A_983] {strides = array<i32>} : memref<4096xi32, #tpu.memory_space<vmem>>, vector<16xi32>,
    %jit3A_985 = arith.constant 0 : i32
    %jit3A_986 = arith.constant 31 : i32
    %max3A_987 = vector.broadcast %jit3A_985 : i32 to vector<16xi32>
    %max3A_988 = arith.maxsi %max3A_987, %get3A_984 : vector<16xi32>
    %min3A_989 = vector.broadcast %jit3A_986 : i32 to vector<16xi32>
    %min3A_990 = arith.minsi %min3A_989, %max3A_988 : vector<16xi32>
    %mul3A_991 = arith.constant 128 : i32
    %mul3A_992 = vector.broadcast %mul3A_991 : i32 to vector<16xi32>
    %mul3A_993 = arith.muli %min3A_990, %mul3A_992 : vector<16xi32>
    %add3A_994 = arith.addi %mul3A_993, %add3A_976 : vector<16xi32>
    %gather3A_995 = tpu.vector_load_idx %arg8[%add3A_994] : memref<4096xi32, #tpu.memory_space<vmem>>[vector<16xi32>], vector<16xi32>,
    %gather3A_996 = tpu.vector_load_idx %arg9[%add3A_994] : memref<4096xi32, #tpu.memory_space<vmem>>[vector<16xi32>], vector<16xi32>,
    %gather3A_997 = tpu.vector_load_idx %arg10[%add3A_994] : memref<4096xi32, #tpu.memory_space<vmem>>[vector<16xi32>], vector<16xi32>,
    %ne3A_998 = arith.constant 0 : i32
    %ne3A_999 = vector.broadcast %ne3A_998 : i32 to vector<16xi32>
    %ne3A_1000 = arith.cmpi ne, %get3A_982, %ne3A_999 : vector<16xi32>
    %jit3A_1001 = arith.constant 3 : i32
    %broadcast_in_dim3A_1002 = vector.broadcast %jit3A_1001 : i32 to vector<16xi32>
    %select_n3A_1003 = arith.select %ne3A_1000, %get3A_978, %broadcast_in_dim3A_1002 : vector<16xi1>, vector<16xi32>
    %ne3A_1004 = arith.constant 0 : i32
    %ne3A_1005 = vector.broadcast %ne3A_1004 : i32 to vector<16xi32>
    %ne3A_1006 = arith.cmpi ne, %gather3A_997, %ne3A_1005 : vector<16xi32>
    %jit3A_1007 = arith.constant 3 : i32
    %broadcast_in_dim3A_1008 = vector.broadcast %jit3A_1007 : i32 to vector<16xi32>
    %select_n3A_1009 = arith.select %ne3A_1006, %gather3A_995, %broadcast_in_dim3A_1008 : vector<16xi1>, vector<16xi32>
    %eq3A_1010 = arith.constant 0 : i32
    %eq3A_1011 = vector.broadcast %eq3A_1010 : i32 to vector<16xi32>
    %eq3A_1012 = arith.cmpi eq, %select_n3A_1003, %eq3A_1011 : vector<16xi32>
    %add3A_1013 = arith.constant 1 : i32
    %add3A_1014 = vector.broadcast %add3A_1013 : i32 to vector<16xi32>
    %add3A_1015 = arith.addi %get3A_980, %add3A_1014 : vector<16xi32>
    %add3A_1016 = arith.constant 1 : i32
    %add3A_1017 = vector.broadcast %add3A_1016 : i32 to vector<16xi32>
    %add3A_1018 = arith.addi %gather3A_996, %add3A_1017 : vector<16xi32>
    %select_n3A_1019 = arith.select %eq3A_1012, %add3A_1015, %add3A_1018 : vector<16xi1>, vector<16xi32>
    %eq3A_1020 = arith.constant 0 : i32
    %eq3A_1021 = vector.broadcast %eq3A_1020 : i32 to vector<16xi32>
    %eq3A_1022 = arith.cmpi eq, %select_n3A_1003, %eq3A_1021 : vector<16xi32>
    %eq3A_1023 = arith.constant 1 : i32
    %eq3A_1024 = vector.broadcast %eq3A_1023 : i32 to vector<16xi32>
    %eq3A_1025 = arith.cmpi eq, %select_n3A_1003, %eq3A_1024 : vector<16xi32>
    %eq3A_1026 = arith.constant 0 : i32
    %eq3A_1027 = vector.broadcast %eq3A_1026 : i32 to vector<16xi32>
    %eq3A_1028 = arith.cmpi eq, %select_n3A_1009, %eq3A_1027 : vector<16xi32>
    %and3A_1029 = arith.andi %eq3A_1025, %eq3A_1028 : vector<16xi1>
    %add3A_1030 = arith.constant 2 : i32
    %add3A_1031 = vector.broadcast %add3A_1030 : i32 to vector<16xi32>
    %add3A_1032 = arith.addi %get3A_980, %add3A_1031 : vector<16xi32>
    %jit3A_1033 = arith.constant 0 : i32
    %broadcast_in_dim3A_1034 = vector.broadcast %jit3A_1033 : i32 to vector<16xi32>
    %select_n3A_1035 = arith.select %and3A_1029, %add3A_1032, %broadcast_in_dim3A_1034 : vector<16xi1>, vector<16xi32>
    %jit3A_1036 = arith.constant 1 : i32
    %broadcast_in_dim3A_1037 = vector.broadcast %jit3A_1036 : i32 to vector<16xi32>
    %select_n3A_1038 = arith.select %eq3A_1022, %broadcast_in_dim3A_1037, %select_n3A_1035 : vector<16xi1>, vector<16xi32>
    %mul3A_1039 = arith.constant 8 : i32
    %mul3A_1040 = vector.broadcast %mul3A_1039 : i32 to vector<16xi32>
    %mul3A_1041 = arith.muli %mul3A_1040, %select_n3A_1038 : vector<16xi32>
    %add3A_1042 = arith.addi %select_n3A_1019, %mul3A_1041 : vector<16xi32>
    %swap3A_1043 = arith.constant 208 : index
    %swap3A_1044 = tpu.vector_load %arg14[%swap3A_1043] {strides = array<i32>} : memref<256xi32, #tpu.memory_space<vmem>>, vector<16xi32>,
    tpu.vector_store %arg14[%swap3A_1043], %add3A_1042 {strides = array<i32>} : memref<256xi32, #tpu.memory_space<vmem>>, vector<16xi32>,
    %mul3A_1045 = arith.constant 128 : i32
    %mul3A_1046 = arith.muli %add3A_594, %mul3A_1045 : i32
    %add3A_1047 = arith.constant 96 : i32
    %add3A_1048 = arith.addi %mul3A_1046, %add3A_1047 : i32
    %add3A_1049 = arith.constant 96 : i32
    %add3A_1050 = vector.broadcast %add3A_1049 : i32 to vector<16xi32>
    %add3A_1051 = arith.addi %iota3A, %add3A_1050 : vector<16xi32>
    %get3A_1052 = arith.index_cast %add3A_1048 : i32 to index
    %get3A_1053 = tpu.vector_load %arg8[%get3A_1052] {strides = array<i32>} : memref<4096xi32, #tpu.memory_space<vmem>>, vector<16xi32>,
    %get3A_1054 = arith.index_cast %add3A_1048 : i32 to index
    %get3A_1055 = tpu.vector_load %arg9[%get3A_1054] {strides = array<i32>} : memref<4096xi32, #tpu.memory_space<vmem>>, vector<16xi32>,
    %get3A_1056 = arith.index_cast %add3A_1048 : i32 to index
    %get3A_1057 = tpu.vector_load %arg10[%get3A_1056] {strides = array<i32>} : memref<4096xi32, #tpu.memory_space<vmem>>, vector<16xi32>,
    %get3A_1058 = arith.index_cast %add3A_1048 : i32 to index
    %get3A_1059 = tpu.vector_load %arg11[%get3A_1058] {strides = array<i32>} : memref<4096xi32, #tpu.memory_space<vmem>>, vector<16xi32>,
    %jit3A_1060 = arith.constant 0 : i32
    %jit3A_1061 = arith.constant 31 : i32
    %max3A_1062 = vector.broadcast %jit3A_1060 : i32 to vector<16xi32>
    %max3A_1063 = arith.maxsi %max3A_1062, %get3A_1059 : vector<16xi32>
    %min3A_1064 = vector.broadcast %jit3A_1061 : i32 to vector<16xi32>
    %min3A_1065 = arith.minsi %min3A_1064, %max3A_1063 : vector<16xi32>
    %mul3A_1066 = arith.constant 128 : i32
    %mul3A_1067 = vector.broadcast %mul3A_1066 : i32 to vector<16xi32>
    %mul3A_1068 = arith.muli %min3A_1065, %mul3A_1067 : vector<16xi32>
    %add3A_1069 = arith.addi %mul3A_1068, %add3A_1051 : vector<16xi32>
    %gather3A_1070 = tpu.vector_load_idx %arg8[%add3A_1069] : memref<4096xi32, #tpu.memory_space<vmem>>[vector<16xi32>], vector<16xi32>,
    %gather3A_1071 = tpu.vector_load_idx %arg9[%add3A_1069] : memref<4096xi32, #tpu.memory_space<vmem>>[vector<16xi32>], vector<16xi32>,
    %gather3A_1072 = tpu.vector_load_idx %arg10[%add3A_1069] : memref<4096xi32, #tpu.memory_space<vmem>>[vector<16xi32>], vector<16xi32>,
    %ne3A_1073 = arith.constant 0 : i32
    %ne3A_1074 = vector.broadcast %ne3A_1073 : i32 to vector<16xi32>
    %ne3A_1075 = arith.cmpi ne, %get3A_1057, %ne3A_1074 : vector<16xi32>
    %jit3A_1076 = arith.constant 3 : i32
    %broadcast_in_dim3A_1077 = vector.broadcast %jit3A_1076 : i32 to vector<16xi32>
    %select_n3A_1078 = arith.select %ne3A_1075, %get3A_1053, %broadcast_in_dim3A_1077 : vector<16xi1>, vector<16xi32>
    %ne3A_1079 = arith.constant 0 : i32
    %ne3A_1080 = vector.broadcast %ne3A_1079 : i32 to vector<16xi32>
    %ne3A_1081 = arith.cmpi ne, %gather3A_1072, %ne3A_1080 : vector<16xi32>
    %jit3A_1082 = arith.constant 3 : i32
    %broadcast_in_dim3A_1083 = vector.broadcast %jit3A_1082 : i32 to vector<16xi32>
    %select_n3A_1084 = arith.select %ne3A_1081, %gather3A_1070, %broadcast_in_dim3A_1083 : vector<16xi1>, vector<16xi32>
    %eq3A_1085 = arith.constant 0 : i32
    %eq3A_1086 = vector.broadcast %eq3A_1085 : i32 to vector<16xi32>
    %eq3A_1087 = arith.cmpi eq, %select_n3A_1078, %eq3A_1086 : vector<16xi32>
    %add3A_1088 = arith.constant 1 : i32
    %add3A_1089 = vector.broadcast %add3A_1088 : i32 to vector<16xi32>
    %add3A_1090 = arith.addi %get3A_1055, %add3A_1089 : vector<16xi32>
    %add3A_1091 = arith.constant 1 : i32
    %add3A_1092 = vector.broadcast %add3A_1091 : i32 to vector<16xi32>
    %add3A_1093 = arith.addi %gather3A_1071, %add3A_1092 : vector<16xi32>
    %select_n3A_1094 = arith.select %eq3A_1087, %add3A_1090, %add3A_1093 : vector<16xi1>, vector<16xi32>
    %eq3A_1095 = arith.constant 0 : i32
    %eq3A_1096 = vector.broadcast %eq3A_1095 : i32 to vector<16xi32>
    %eq3A_1097 = arith.cmpi eq, %select_n3A_1078, %eq3A_1096 : vector<16xi32>
    %eq3A_1098 = arith.constant 1 : i32
    %eq3A_1099 = vector.broadcast %eq3A_1098 : i32 to vector<16xi32>
    %eq3A_1100 = arith.cmpi eq, %select_n3A_1078, %eq3A_1099 : vector<16xi32>
    %eq3A_1101 = arith.constant 0 : i32
    %eq3A_1102 = vector.broadcast %eq3A_1101 : i32 to vector<16xi32>
    %eq3A_1103 = arith.cmpi eq, %select_n3A_1084, %eq3A_1102 : vector<16xi32>
    %and3A_1104 = arith.andi %eq3A_1100, %eq3A_1103 : vector<16xi1>
    %add3A_1105 = arith.constant 2 : i32
    %add3A_1106 = vector.broadcast %add3A_1105 : i32 to vector<16xi32>
    %add3A_1107 = arith.addi %get3A_1055, %add3A_1106 : vector<16xi32>
    %jit3A_1108 = arith.constant 0 : i32
    %broadcast_in_dim3A_1109 = vector.broadcast %jit3A_1108 : i32 to vector<16xi32>
    %select_n3A_1110 = arith.select %and3A_1104, %add3A_1107, %broadcast_in_dim3A_1109 : vector<16xi1>, vector<16xi32>
    %jit3A_1111 = arith.constant 1 : i32
    %broadcast_in_dim3A_1112 = vector.broadcast %jit3A_1111 : i32 to vector<16xi32>
    %select_n3A_1113 = arith.select %eq3A_1097, %broadcast_in_dim3A_1112, %select_n3A_1110 : vector<16xi1>, vector<16xi32>
    %mul3A_1114 = arith.constant 8 : i32
    %mul3A_1115 = vector.broadcast %mul3A_1114 : i32 to vector<16xi32>
    %mul3A_1116 = arith.muli %mul3A_1115, %select_n3A_1113 : vector<16xi32>
    %add3A_1117 = arith.addi %select_n3A_1094, %mul3A_1116 : vector<16xi32>
    %swap3A_1118 = arith.constant 224 : index
    %swap3A_1119 = tpu.vector_load %arg14[%swap3A_1118] {strides = array<i32>} : memref<256xi32, #tpu.memory_space<vmem>>, vector<16xi32>,
    tpu.vector_store %arg14[%swap3A_1118], %add3A_1117 {strides = array<i32>} : memref<256xi32, #tpu.memory_space<vmem>>, vector<16xi32>,
    %mul3A_1120 = arith.constant 128 : i32
    %mul3A_1121 = arith.muli %add3A_594, %mul3A_1120 : i32
    %add3A_1122 = arith.constant 112 : i32
    %add3A_1123 = arith.addi %mul3A_1121, %add3A_1122 : i32
    %add3A_1124 = arith.constant 112 : i32
    %add3A_1125 = vector.broadcast %add3A_1124 : i32 to vector<16xi32>
    %add3A_1126 = arith.addi %iota3A, %add3A_1125 : vector<16xi32>
    %get3A_1127 = arith.index_cast %add3A_1123 : i32 to index
    %get3A_1128 = tpu.vector_load %arg8[%get3A_1127] {strides = array<i32>} : memref<4096xi32, #tpu.memory_space<vmem>>, vector<16xi32>,
    %get3A_1129 = arith.index_cast %add3A_1123 : i32 to index
    %get3A_1130 = tpu.vector_load %arg9[%get3A_1129] {strides = array<i32>} : memref<4096xi32, #tpu.memory_space<vmem>>, vector<16xi32>,
    %get3A_1131 = arith.index_cast %add3A_1123 : i32 to index
    %get3A_1132 = tpu.vector_load %arg10[%get3A_1131] {strides = array<i32>} : memref<4096xi32, #tpu.memory_space<vmem>>, vector<16xi32>,
    %get3A_1133 = arith.index_cast %add3A_1123 : i32 to index
    %get3A_1134 = tpu.vector_load %arg11[%get3A_1133] {strides = array<i32>} : memref<4096xi32, #tpu.memory_space<vmem>>, vector<16xi32>,
    %jit3A_1135 = arith.constant 0 : i32
    %jit3A_1136 = arith.constant 31 : i32
    %max3A_1137 = vector.broadcast %jit3A_1135 : i32 to vector<16xi32>
    %max3A_1138 = arith.maxsi %max3A_1137, %get3A_1134 : vector<16xi32>
    %min3A_1139 = vector.broadcast %jit3A_1136 : i32 to vector<16xi32>
    %min3A_1140 = arith.minsi %min3A_1139, %max3A_1138 : vector<16xi32>
    %mul3A_1141 = arith.constant 128 : i32
    %mul3A_1142 = vector.broadcast %mul3A_1141 : i32 to vector<16xi32>
    %mul3A_1143 = arith.muli %min3A_1140, %mul3A_1142 : vector<16xi32>
    %add3A_1144 = arith.addi %mul3A_1143, %add3A_1126 : vector<16xi32>
    %gather3A_1145 = tpu.vector_load_idx %arg8[%add3A_1144] : memref<4096xi32, #tpu.memory_space<vmem>>[vector<16xi32>], vector<16xi32>,
    %gather3A_1146 = tpu.vector_load_idx %arg9[%add3A_1144] : memref<4096xi32, #tpu.memory_space<vmem>>[vector<16xi32>], vector<16xi32>,
    %gather3A_1147 = tpu.vector_load_idx %arg10[%add3A_1144] : memref<4096xi32, #tpu.memory_space<vmem>>[vector<16xi32>], vector<16xi32>,
    %ne3A_1148 = arith.constant 0 : i32
    %ne3A_1149 = vector.broadcast %ne3A_1148 : i32 to vector<16xi32>
    %ne3A_1150 = arith.cmpi ne, %get3A_1132, %ne3A_1149 : vector<16xi32>
    %jit3A_1151 = arith.constant 3 : i32
    %broadcast_in_dim3A_1152 = vector.broadcast %jit3A_1151 : i32 to vector<16xi32>
    %select_n3A_1153 = arith.select %ne3A_1150, %get3A_1128, %broadcast_in_dim3A_1152 : vector<16xi1>, vector<16xi32>
    %ne3A_1154 = arith.constant 0 : i32
    %ne3A_1155 = vector.broadcast %ne3A_1154 : i32 to vector<16xi32>
    %ne3A_1156 = arith.cmpi ne, %gather3A_1147, %ne3A_1155 : vector<16xi32>
    %jit3A_1157 = arith.constant 3 : i32
    %broadcast_in_dim3A_1158 = vector.broadcast %jit3A_1157 : i32 to vector<16xi32>
    %select_n3A_1159 = arith.select %ne3A_1156, %gather3A_1145, %broadcast_in_dim3A_1158 : vector<16xi1>, vector<16xi32>
    %eq3A_1160 = arith.constant 0 : i32
    %eq3A_1161 = vector.broadcast %eq3A_1160 : i32 to vector<16xi32>
    %eq3A_1162 = arith.cmpi eq, %select_n3A_1153, %eq3A_1161 : vector<16xi32>
    %add3A_1163 = arith.constant 1 : i32
    %add3A_1164 = vector.broadcast %add3A_1163 : i32 to vector<16xi32>
    %add3A_1165 = arith.addi %get3A_1130, %add3A_1164 : vector<16xi32>
    %add3A_1166 = arith.constant 1 : i32
    %add3A_1167 = vector.broadcast %add3A_1166 : i32 to vector<16xi32>
    %add3A_1168 = arith.addi %gather3A_1146, %add3A_1167 : vector<16xi32>
    %select_n3A_1169 = arith.select %eq3A_1162, %add3A_1165, %add3A_1168 : vector<16xi1>, vector<16xi32>
    %eq3A_1170 = arith.constant 0 : i32
    %eq3A_1171 = vector.broadcast %eq3A_1170 : i32 to vector<16xi32>
    %eq3A_1172 = arith.cmpi eq, %select_n3A_1153, %eq3A_1171 : vector<16xi32>
    %eq3A_1173 = arith.constant 1 : i32
    %eq3A_1174 = vector.broadcast %eq3A_1173 : i32 to vector<16xi32>
    %eq3A_1175 = arith.cmpi eq, %select_n3A_1153, %eq3A_1174 : vector<16xi32>
    %eq3A_1176 = arith.constant 0 : i32
    %eq3A_1177 = vector.broadcast %eq3A_1176 : i32 to vector<16xi32>
    %eq3A_1178 = arith.cmpi eq, %select_n3A_1159, %eq3A_1177 : vector<16xi32>
    %and3A_1179 = arith.andi %eq3A_1175, %eq3A_1178 : vector<16xi1>
    %add3A_1180 = arith.constant 2 : i32
    %add3A_1181 = vector.broadcast %add3A_1180 : i32 to vector<16xi32>
    %add3A_1182 = arith.addi %get3A_1130, %add3A_1181 : vector<16xi32>
    %jit3A_1183 = arith.constant 0 : i32
    %broadcast_in_dim3A_1184 = vector.broadcast %jit3A_1183 : i32 to vector<16xi32>
    %select_n3A_1185 = arith.select %and3A_1179, %add3A_1182, %broadcast_in_dim3A_1184 : vector<16xi1>, vector<16xi32>
    %jit3A_1186 = arith.constant 1 : i32
    %broadcast_in_dim3A_1187 = vector.broadcast %jit3A_1186 : i32 to vector<16xi32>
    %select_n3A_1188 = arith.select %eq3A_1172, %broadcast_in_dim3A_1187, %select_n3A_1185 : vector<16xi1>, vector<16xi32>
    %mul3A_1189 = arith.constant 8 : i32
    %mul3A_1190 = vector.broadcast %mul3A_1189 : i32 to vector<16xi32>
    %mul3A_1191 = arith.muli %mul3A_1190, %select_n3A_1188 : vector<16xi32>
    %add3A_1192 = arith.addi %select_n3A_1169, %mul3A_1191 : vector<16xi32>
    %swap3A_1193 = arith.constant 240 : index
    %swap3A_1194 = tpu.vector_load %arg14[%swap3A_1193] {strides = array<i32>} : memref<256xi32, #tpu.memory_space<vmem>>, vector<16xi32>,
    tpu.vector_store %arg14[%swap3A_1193], %add3A_1192 {strides = array<i32>} : memref<256xi32, #tpu.memory_space<vmem>>, vector<16xi32>,
    %mul3A_1195 = arith.constant 2 : i32
    %mul3A_1196 = arith.muli %mul3A_1195, %arg1 : i32
    %mul3A_1197 = arith.constant 128 : i32
    %mul3A_1198 = arith.muli %mul3A_1196, %mul3A_1197 : i32
    "tpu.region"() ({
      %run_scoped3A = tpu.sem_alloc : memref<!tpu.dma_semaphore, #tpu.memory_space<semaphore_mem>>
      %dma_start3A = tpu.memref_slice %arg16[%mul3A_1198] : memref<4096xi32, #tpu.memory_space<vmem_shared>> -> memref<256xi32, #tpu.memory_space<vmem_shared>>
      %dma_start3A_1778 = tpu.memref_slice %arg16[%mul3A_1198] : memref<4096xi32, #tpu.memory_space<vmem_shared>> -> memref<256xi32, #tpu.memory_space<vmem_shared>>
      tpu.enqueue_dma source(%arg14 : memref<256xi32, #tpu.memory_space<vmem>>) target(%dma_start3A_1778 : memref<256xi32, #tpu.memory_space<vmem_shared>>) target_semaphore(%run_scoped3A : memref<!tpu.dma_semaphore, #tpu.memory_space<semaphore_mem>>)
      %dma_wait3A = tpu.memref_slice %arg16[%mul3A_1198] : memref<4096xi32, #tpu.memory_space<vmem_shared>> -> memref<256xi32, #tpu.memory_space<vmem_shared>>
      %dma_wait3A_1779 = tpu.memref_slice %arg16[%mul3A_1198] : memref<4096xi32, #tpu.memory_space<vmem_shared>> -> memref<256xi32, #tpu.memory_space<vmem_shared>>
      tpu.wait_dma2 semaphore(%run_scoped3A : memref<!tpu.dma_semaphore, #tpu.memory_space<semaphore_mem>>) src(%arg14 : memref<256xi32, #tpu.memory_space<vmem>>) dst(%dma_wait3A_1779 : memref<256xi32, #tpu.memory_space<vmem_shared>>)
      tpu.yield
    }) : () -> ()
    %barrier3A = arith.constant 0 : index
    tpu.barrier barrier_id(%barrier3A)
    "tpu.region"() ({
      %run_scoped3A = tpu.sem_alloc : memref<!tpu.dma_semaphore, #tpu.memory_space<semaphore_mem>>
      tpu.enqueue_dma source(%arg16 : memref<4096xi32, #tpu.memory_space<vmem_shared>>) target(%arg13 : memref<4096xi32, #tpu.memory_space<vmem>>) target_semaphore(%run_scoped3A : memref<!tpu.dma_semaphore, #tpu.memory_space<semaphore_mem>>)
      tpu.wait_dma2 semaphore(%run_scoped3A : memref<!tpu.dma_semaphore, #tpu.memory_space<semaphore_mem>>) src(%arg16 : memref<4096xi32, #tpu.memory_space<vmem_shared>>) dst(%arg13 : memref<4096xi32, #tpu.memory_space<vmem>>)
      tpu.yield
    }) : () -> ()
    %mul3A_1199 = arith.constant 2 : i32
    %mul3A_1200 = arith.muli %mul3A_1199, %arg1 : i32
    %add3A_1201 = arith.addi %mul3A_1200, %arg0 : i32
    %mul3A_1202 = arith.constant 128 : i32
    %mul3A_1203 = arith.muli %add3A_1201, %mul3A_1202 : i32
    %add3A_1204 = arith.constant 0 : i32
    %add3A_1205 = arith.addi %mul3A_1203, %add3A_1204 : i32
    %add3A_1206 = arith.constant 0 : i32
    %add3A_1207 = vector.broadcast %add3A_1206 : i32 to vector<16xi32>
    %add3A_1208 = arith.addi %iota3A, %add3A_1207 : vector<16xi32>
    %get3A_1209 = arith.index_cast %add3A_1205 : i32 to index
    %get3A_1210 = tpu.vector_load %arg8[%get3A_1209] {strides = array<i32>} : memref<4096xi32, #tpu.memory_space<vmem>>, vector<16xi32>,
    %get3A_1211 = arith.index_cast %add3A_1205 : i32 to index
    %get3A_1212 = tpu.vector_load %arg9[%get3A_1211] {strides = array<i32>} : memref<4096xi32, #tpu.memory_space<vmem>>, vector<16xi32>,
    %get3A_1213 = arith.index_cast %add3A_1205 : i32 to index
    %get3A_1214 = tpu.vector_load %arg10[%get3A_1213] {strides = array<i32>} : memref<4096xi32, #tpu.memory_space<vmem>>, vector<16xi32>,
    %get3A_1215 = arith.index_cast %add3A_1205 : i32 to index
    %get3A_1216 = tpu.vector_load %arg11[%get3A_1215] {strides = array<i32>} : memref<4096xi32, #tpu.memory_space<vmem>>, vector<16xi32>,
    %jit3A_1217 = arith.constant 0 : i32
    %jit3A_1218 = arith.constant 31 : i32
    %max3A_1219 = vector.broadcast %jit3A_1217 : i32 to vector<16xi32>
    %max3A_1220 = arith.maxsi %max3A_1219, %get3A_1216 : vector<16xi32>
    %min3A_1221 = vector.broadcast %jit3A_1218 : i32 to vector<16xi32>
    %min3A_1222 = arith.minsi %min3A_1221, %max3A_1220 : vector<16xi32>
    %get3A_1223 = arith.index_cast %add3A_1205 : i32 to index
    %get3A_1224 = tpu.vector_load %arg12[%get3A_1223] {strides = array<i32>} : memref<4096xi32, #tpu.memory_space<vmem>>, vector<16xi32>,
    %jit3A_1225 = arith.constant 0 : i32
    %jit3A_1226 = arith.constant 31 : i32
    %max3A_1227 = vector.broadcast %jit3A_1225 : i32 to vector<16xi32>
    %max3A_1228 = arith.maxsi %max3A_1227, %get3A_1224 : vector<16xi32>
    %min3A_1229 = vector.broadcast %jit3A_1226 : i32 to vector<16xi32>
    %min3A_1230 = arith.minsi %min3A_1229, %max3A_1228 : vector<16xi32>
    %get3A_1231 = arith.index_cast %add3A_1205 : i32 to index
    %get3A_1232 = tpu.vector_load %arg13[%get3A_1231] {strides = array<i32>} : memref<4096xi32, #tpu.memory_space<vmem>>, vector<16xi32>,
    %ne3A_1233 = arith.constant 0 : i32
    %ne3A_1234 = vector.broadcast %ne3A_1233 : i32 to vector<16xi32>
    %ne3A_1235 = arith.cmpi ne, %get3A_1214, %ne3A_1234 : vector<16xi32>
    %jit3A_1236 = arith.constant 3 : i32
    %broadcast_in_dim3A_1237 = vector.broadcast %jit3A_1236 : i32 to vector<16xi32>
    %select_n3A_1238 = arith.select %ne3A_1235, %get3A_1210, %broadcast_in_dim3A_1237 : vector<16xi1>, vector<16xi32>
    %eq3A_1239 = arith.constant 1 : i32
    %eq3A_1240 = vector.broadcast %eq3A_1239 : i32 to vector<16xi32>
    %eq3A_1241 = arith.cmpi eq, %get3A_1212, %eq3A_1240 : vector<16xi32>
    %select_n3A_1242 = arith.select %eq3A_1241, %min3A_1230, %min3A_1222 : vector<16xi1>, vector<16xi32>
    %select_n3A_1243 = arith.select %eq3A_1241, %min3A_1222, %min3A_1230 : vector<16xi1>, vector<16xi32>
    %mul3A_1244 = arith.constant 128 : i32
    %mul3A_1245 = vector.broadcast %mul3A_1244 : i32 to vector<16xi32>
    %mul3A_1246 = arith.muli %select_n3A_1242, %mul3A_1245 : vector<16xi32>
    %add3A_1247 = arith.addi %mul3A_1246, %add3A_1208 : vector<16xi32>
    %gather3A_1248 = tpu.vector_load_idx %arg13[%add3A_1247] : memref<4096xi32, #tpu.memory_space<vmem>>[vector<16xi32>], vector<16xi32>,
    %mul3A_1249 = arith.constant 128 : i32
    %mul3A_1250 = vector.broadcast %mul3A_1249 : i32 to vector<16xi32>
    %mul3A_1251 = arith.muli %select_n3A_1243, %mul3A_1250 : vector<16xi32>
    %add3A_1252 = arith.addi %mul3A_1251, %add3A_1208 : vector<16xi32>
    %gather3A_1253 = tpu.vector_load_idx %arg13[%add3A_1252] : memref<4096xi32, #tpu.memory_space<vmem>>[vector<16xi32>], vector<16xi32>,
    %eq3A_1254 = arith.constant 2 : i32
    %eq3A_1255 = vector.broadcast %eq3A_1254 : i32 to vector<16xi32>
    %eq3A_1256 = arith.cmpi eq, %select_n3A_1238, %eq3A_1255 : vector<16xi32>
    %shift_right_arithmetic3A = arith.constant 3 : i32
    %shift_right_arithmetic3A_1257 = vector.broadcast %shift_right_arithmetic3A : i32 to vector<16xi32>
    %shift_right_arithmetic3A_1258 = arith.shrsi %gather3A_1248, %shift_right_arithmetic3A_1257 : vector<16xi32>
    %shift_right_arithmetic3A_1259 = arith.constant 3 : i32
    %shift_right_arithmetic3A_1260 = vector.broadcast %shift_right_arithmetic3A_1259 : i32 to vector<16xi32>
    %shift_right_arithmetic3A_1261 = arith.shrsi %get3A_1232, %shift_right_arithmetic3A_1260 : vector<16xi32>
    %select_n3A_1262 = arith.select %eq3A_1256, %shift_right_arithmetic3A_1258, %shift_right_arithmetic3A_1261 : vector<16xi1>, vector<16xi32>
    %shift_right_arithmetic3A_1263 = arith.constant 3 : i32
    %shift_right_arithmetic3A_1264 = vector.broadcast %shift_right_arithmetic3A_1263 : i32 to vector<16xi32>
    %shift_right_arithmetic3A_1265 = arith.shrsi %gather3A_1253, %shift_right_arithmetic3A_1264 : vector<16xi32>
    %jit3A_1266 = arith.constant 0 : i32
    %broadcast_in_dim3A_1267 = vector.broadcast %jit3A_1266 : i32 to vector<16xi32>
    %select_n3A_1268 = arith.select %eq3A_1256, %shift_right_arithmetic3A_1265, %broadcast_in_dim3A_1267 : vector<16xi1>, vector<16xi32>
    %add3A_1269 = arith.addi %select_n3A_1262, %select_n3A_1268 : vector<16xi32>
    %convert_element_type3A = arith.sitofp %add3A_1269 : vector<16xi32> to vector<16xf32>
    %swap3A_1270 = arith.constant 0 : index
    %swap3A_1271 = tpu.vector_load %arg15[%swap3A_1270] {strides = array<i32>} : memref<128xf32, #tpu.memory_space<vmem>>, vector<16xf32>,
    tpu.vector_store %arg15[%swap3A_1270], %convert_element_type3A {strides = array<i32>} : memref<128xf32, #tpu.memory_space<vmem>>, vector<16xf32>,
    %mul3A_1272 = arith.constant 128 : i32
    %mul3A_1273 = arith.muli %add3A_1201, %mul3A_1272 : i32
    %add3A_1274 = arith.constant 16 : i32
    %add3A_1275 = arith.addi %mul3A_1273, %add3A_1274 : i32
    %add3A_1276 = arith.constant 16 : i32
    %add3A_1277 = vector.broadcast %add3A_1276 : i32 to vector<16xi32>
    %add3A_1278 = arith.addi %iota3A, %add3A_1277 : vector<16xi32>
    %get3A_1279 = arith.index_cast %add3A_1275 : i32 to index
    %get3A_1280 = tpu.vector_load %arg8[%get3A_1279] {strides = array<i32>} : memref<4096xi32, #tpu.memory_space<vmem>>, vector<16xi32>,
    %get3A_1281 = arith.index_cast %add3A_1275 : i32 to index
    %get3A_1282 = tpu.vector_load %arg9[%get3A_1281] {strides = array<i32>} : memref<4096xi32, #tpu.memory_space<vmem>>, vector<16xi32>,
    %get3A_1283 = arith.index_cast %add3A_1275 : i32 to index
    %get3A_1284 = tpu.vector_load %arg10[%get3A_1283] {strides = array<i32>} : memref<4096xi32, #tpu.memory_space<vmem>>, vector<16xi32>,
    %get3A_1285 = arith.index_cast %add3A_1275 : i32 to index
    %get3A_1286 = tpu.vector_load %arg11[%get3A_1285] {strides = array<i32>} : memref<4096xi32, #tpu.memory_space<vmem>>, vector<16xi32>,
    %jit3A_1287 = arith.constant 0 : i32
    %jit3A_1288 = arith.constant 31 : i32
    %max3A_1289 = vector.broadcast %jit3A_1287 : i32 to vector<16xi32>
    %max3A_1290 = arith.maxsi %max3A_1289, %get3A_1286 : vector<16xi32>
    %min3A_1291 = vector.broadcast %jit3A_1288 : i32 to vector<16xi32>
    %min3A_1292 = arith.minsi %min3A_1291, %max3A_1290 : vector<16xi32>
    %get3A_1293 = arith.index_cast %add3A_1275 : i32 to index
    %get3A_1294 = tpu.vector_load %arg12[%get3A_1293] {strides = array<i32>} : memref<4096xi32, #tpu.memory_space<vmem>>, vector<16xi32>,
    %jit3A_1295 = arith.constant 0 : i32
    %jit3A_1296 = arith.constant 31 : i32
    %max3A_1297 = vector.broadcast %jit3A_1295 : i32 to vector<16xi32>
    %max3A_1298 = arith.maxsi %max3A_1297, %get3A_1294 : vector<16xi32>
    %min3A_1299 = vector.broadcast %jit3A_1296 : i32 to vector<16xi32>
    %min3A_1300 = arith.minsi %min3A_1299, %max3A_1298 : vector<16xi32>
    %get3A_1301 = arith.index_cast %add3A_1275 : i32 to index
    %get3A_1302 = tpu.vector_load %arg13[%get3A_1301] {strides = array<i32>} : memref<4096xi32, #tpu.memory_space<vmem>>, vector<16xi32>,
    %ne3A_1303 = arith.constant 0 : i32
    %ne3A_1304 = vector.broadcast %ne3A_1303 : i32 to vector<16xi32>
    %ne3A_1305 = arith.cmpi ne, %get3A_1284, %ne3A_1304 : vector<16xi32>
    %jit3A_1306 = arith.constant 3 : i32
    %broadcast_in_dim3A_1307 = vector.broadcast %jit3A_1306 : i32 to vector<16xi32>
    %select_n3A_1308 = arith.select %ne3A_1305, %get3A_1280, %broadcast_in_dim3A_1307 : vector<16xi1>, vector<16xi32>
    %eq3A_1309 = arith.constant 1 : i32
    %eq3A_1310 = vector.broadcast %eq3A_1309 : i32 to vector<16xi32>
    %eq3A_1311 = arith.cmpi eq, %get3A_1282, %eq3A_1310 : vector<16xi32>
    %select_n3A_1312 = arith.select %eq3A_1311, %min3A_1300, %min3A_1292 : vector<16xi1>, vector<16xi32>
    %select_n3A_1313 = arith.select %eq3A_1311, %min3A_1292, %min3A_1300 : vector<16xi1>, vector<16xi32>
    %mul3A_1314 = arith.constant 128 : i32
    %mul3A_1315 = vector.broadcast %mul3A_1314 : i32 to vector<16xi32>
    %mul3A_1316 = arith.muli %select_n3A_1312, %mul3A_1315 : vector<16xi32>
    %add3A_1317 = arith.addi %mul3A_1316, %add3A_1278 : vector<16xi32>
    %gather3A_1318 = tpu.vector_load_idx %arg13[%add3A_1317] : memref<4096xi32, #tpu.memory_space<vmem>>[vector<16xi32>], vector<16xi32>,
    %mul3A_1319 = arith.constant 128 : i32
    %mul3A_1320 = vector.broadcast %mul3A_1319 : i32 to vector<16xi32>
    %mul3A_1321 = arith.muli %select_n3A_1313, %mul3A_1320 : vector<16xi32>
    %add3A_1322 = arith.addi %mul3A_1321, %add3A_1278 : vector<16xi32>
    %gather3A_1323 = tpu.vector_load_idx %arg13[%add3A_1322] : memref<4096xi32, #tpu.memory_space<vmem>>[vector<16xi32>], vector<16xi32>,
    %eq3A_1324 = arith.constant 2 : i32
    %eq3A_1325 = vector.broadcast %eq3A_1324 : i32 to vector<16xi32>
    %eq3A_1326 = arith.cmpi eq, %select_n3A_1308, %eq3A_1325 : vector<16xi32>
    %shift_right_arithmetic3A_1327 = arith.constant 3 : i32
    %shift_right_arithmetic3A_1328 = vector.broadcast %shift_right_arithmetic3A_1327 : i32 to vector<16xi32>
    %shift_right_arithmetic3A_1329 = arith.shrsi %gather3A_1318, %shift_right_arithmetic3A_1328 : vector<16xi32>
    %shift_right_arithmetic3A_1330 = arith.constant 3 : i32
    %shift_right_arithmetic3A_1331 = vector.broadcast %shift_right_arithmetic3A_1330 : i32 to vector<16xi32>
    %shift_right_arithmetic3A_1332 = arith.shrsi %get3A_1302, %shift_right_arithmetic3A_1331 : vector<16xi32>
    %select_n3A_1333 = arith.select %eq3A_1326, %shift_right_arithmetic3A_1329, %shift_right_arithmetic3A_1332 : vector<16xi1>, vector<16xi32>
    %shift_right_arithmetic3A_1334 = arith.constant 3 : i32
    %shift_right_arithmetic3A_1335 = vector.broadcast %shift_right_arithmetic3A_1334 : i32 to vector<16xi32>
    %shift_right_arithmetic3A_1336 = arith.shrsi %gather3A_1323, %shift_right_arithmetic3A_1335 : vector<16xi32>
    %jit3A_1337 = arith.constant 0 : i32
    %broadcast_in_dim3A_1338 = vector.broadcast %jit3A_1337 : i32 to vector<16xi32>
    %select_n3A_1339 = arith.select %eq3A_1326, %shift_right_arithmetic3A_1336, %broadcast_in_dim3A_1338 : vector<16xi1>, vector<16xi32>
    %add3A_1340 = arith.addi %select_n3A_1333, %select_n3A_1339 : vector<16xi32>
    %convert_element_type3A_1341 = arith.sitofp %add3A_1340 : vector<16xi32> to vector<16xf32>
    %swap3A_1342 = arith.constant 16 : index
    %swap3A_1343 = tpu.vector_load %arg15[%swap3A_1342] {strides = array<i32>} : memref<128xf32, #tpu.memory_space<vmem>>, vector<16xf32>,
    tpu.vector_store %arg15[%swap3A_1342], %convert_element_type3A_1341 {strides = array<i32>} : memref<128xf32, #tpu.memory_space<vmem>>, vector<16xf32>,
    %mul3A_1344 = arith.constant 128 : i32
    %mul3A_1345 = arith.muli %add3A_1201, %mul3A_1344 : i32
    %add3A_1346 = arith.constant 32 : i32
    %add3A_1347 = arith.addi %mul3A_1345, %add3A_1346 : i32
    %add3A_1348 = arith.constant 32 : i32
    %add3A_1349 = vector.broadcast %add3A_1348 : i32 to vector<16xi32>
    %add3A_1350 = arith.addi %iota3A, %add3A_1349 : vector<16xi32>
    %get3A_1351 = arith.index_cast %add3A_1347 : i32 to index
    %get3A_1352 = tpu.vector_load %arg8[%get3A_1351] {strides = array<i32>} : memref<4096xi32, #tpu.memory_space<vmem>>, vector<16xi32>,
    %get3A_1353 = arith.index_cast %add3A_1347 : i32 to index
    %get3A_1354 = tpu.vector_load %arg9[%get3A_1353] {strides = array<i32>} : memref<4096xi32, #tpu.memory_space<vmem>>, vector<16xi32>,
    %get3A_1355 = arith.index_cast %add3A_1347 : i32 to index
    %get3A_1356 = tpu.vector_load %arg10[%get3A_1355] {strides = array<i32>} : memref<4096xi32, #tpu.memory_space<vmem>>, vector<16xi32>,
    %get3A_1357 = arith.index_cast %add3A_1347 : i32 to index
    %get3A_1358 = tpu.vector_load %arg11[%get3A_1357] {strides = array<i32>} : memref<4096xi32, #tpu.memory_space<vmem>>, vector<16xi32>,
    %jit3A_1359 = arith.constant 0 : i32
    %jit3A_1360 = arith.constant 31 : i32
    %max3A_1361 = vector.broadcast %jit3A_1359 : i32 to vector<16xi32>
    %max3A_1362 = arith.maxsi %max3A_1361, %get3A_1358 : vector<16xi32>
    %min3A_1363 = vector.broadcast %jit3A_1360 : i32 to vector<16xi32>
    %min3A_1364 = arith.minsi %min3A_1363, %max3A_1362 : vector<16xi32>
    %get3A_1365 = arith.index_cast %add3A_1347 : i32 to index
    %get3A_1366 = tpu.vector_load %arg12[%get3A_1365] {strides = array<i32>} : memref<4096xi32, #tpu.memory_space<vmem>>, vector<16xi32>,
    %jit3A_1367 = arith.constant 0 : i32
    %jit3A_1368 = arith.constant 31 : i32
    %max3A_1369 = vector.broadcast %jit3A_1367 : i32 to vector<16xi32>
    %max3A_1370 = arith.maxsi %max3A_1369, %get3A_1366 : vector<16xi32>
    %min3A_1371 = vector.broadcast %jit3A_1368 : i32 to vector<16xi32>
    %min3A_1372 = arith.minsi %min3A_1371, %max3A_1370 : vector<16xi32>
    %get3A_1373 = arith.index_cast %add3A_1347 : i32 to index
    %get3A_1374 = tpu.vector_load %arg13[%get3A_1373] {strides = array<i32>} : memref<4096xi32, #tpu.memory_space<vmem>>, vector<16xi32>,
    %ne3A_1375 = arith.constant 0 : i32
    %ne3A_1376 = vector.broadcast %ne3A_1375 : i32 to vector<16xi32>
    %ne3A_1377 = arith.cmpi ne, %get3A_1356, %ne3A_1376 : vector<16xi32>
    %jit3A_1378 = arith.constant 3 : i32
    %broadcast_in_dim3A_1379 = vector.broadcast %jit3A_1378 : i32 to vector<16xi32>
    %select_n3A_1380 = arith.select %ne3A_1377, %get3A_1352, %broadcast_in_dim3A_1379 : vector<16xi1>, vector<16xi32>
    %eq3A_1381 = arith.constant 1 : i32
    %eq3A_1382 = vector.broadcast %eq3A_1381 : i32 to vector<16xi32>
    %eq3A_1383 = arith.cmpi eq, %get3A_1354, %eq3A_1382 : vector<16xi32>
    %select_n3A_1384 = arith.select %eq3A_1383, %min3A_1372, %min3A_1364 : vector<16xi1>, vector<16xi32>
    %select_n3A_1385 = arith.select %eq3A_1383, %min3A_1364, %min3A_1372 : vector<16xi1>, vector<16xi32>
    %mul3A_1386 = arith.constant 128 : i32
    %mul3A_1387 = vector.broadcast %mul3A_1386 : i32 to vector<16xi32>
    %mul3A_1388 = arith.muli %select_n3A_1384, %mul3A_1387 : vector<16xi32>
    %add3A_1389 = arith.addi %mul3A_1388, %add3A_1350 : vector<16xi32>
    %gather3A_1390 = tpu.vector_load_idx %arg13[%add3A_1389] : memref<4096xi32, #tpu.memory_space<vmem>>[vector<16xi32>], vector<16xi32>,
    %mul3A_1391 = arith.constant 128 : i32
    %mul3A_1392 = vector.broadcast %mul3A_1391 : i32 to vector<16xi32>
    %mul3A_1393 = arith.muli %select_n3A_1385, %mul3A_1392 : vector<16xi32>
    %add3A_1394 = arith.addi %mul3A_1393, %add3A_1350 : vector<16xi32>
    %gather3A_1395 = tpu.vector_load_idx %arg13[%add3A_1394] : memref<4096xi32, #tpu.memory_space<vmem>>[vector<16xi32>], vector<16xi32>,
    %eq3A_1396 = arith.constant 2 : i32
    %eq3A_1397 = vector.broadcast %eq3A_1396 : i32 to vector<16xi32>
    %eq3A_1398 = arith.cmpi eq, %select_n3A_1380, %eq3A_1397 : vector<16xi32>
    %shift_right_arithmetic3A_1399 = arith.constant 3 : i32
    %shift_right_arithmetic3A_1400 = vector.broadcast %shift_right_arithmetic3A_1399 : i32 to vector<16xi32>
    %shift_right_arithmetic3A_1401 = arith.shrsi %gather3A_1390, %shift_right_arithmetic3A_1400 : vector<16xi32>
    %shift_right_arithmetic3A_1402 = arith.constant 3 : i32
    %shift_right_arithmetic3A_1403 = vector.broadcast %shift_right_arithmetic3A_1402 : i32 to vector<16xi32>
    %shift_right_arithmetic3A_1404 = arith.shrsi %get3A_1374, %shift_right_arithmetic3A_1403 : vector<16xi32>
    %select_n3A_1405 = arith.select %eq3A_1398, %shift_right_arithmetic3A_1401, %shift_right_arithmetic3A_1404 : vector<16xi1>, vector<16xi32>
    %shift_right_arithmetic3A_1406 = arith.constant 3 : i32
    %shift_right_arithmetic3A_1407 = vector.broadcast %shift_right_arithmetic3A_1406 : i32 to vector<16xi32>
    %shift_right_arithmetic3A_1408 = arith.shrsi %gather3A_1395, %shift_right_arithmetic3A_1407 : vector<16xi32>
    %jit3A_1409 = arith.constant 0 : i32
    %broadcast_in_dim3A_1410 = vector.broadcast %jit3A_1409 : i32 to vector<16xi32>
    %select_n3A_1411 = arith.select %eq3A_1398, %shift_right_arithmetic3A_1408, %broadcast_in_dim3A_1410 : vector<16xi1>, vector<16xi32>
    %add3A_1412 = arith.addi %select_n3A_1405, %select_n3A_1411 : vector<16xi32>
    %convert_element_type3A_1413 = arith.sitofp %add3A_1412 : vector<16xi32> to vector<16xf32>
    %swap3A_1414 = arith.constant 32 : index
    %swap3A_1415 = tpu.vector_load %arg15[%swap3A_1414] {strides = array<i32>} : memref<128xf32, #tpu.memory_space<vmem>>, vector<16xf32>,
    tpu.vector_store %arg15[%swap3A_1414], %convert_element_type3A_1413 {strides = array<i32>} : memref<128xf32, #tpu.memory_space<vmem>>, vector<16xf32>,
    %mul3A_1416 = arith.constant 128 : i32
    %mul3A_1417 = arith.muli %add3A_1201, %mul3A_1416 : i32
    %add3A_1418 = arith.constant 48 : i32
    %add3A_1419 = arith.addi %mul3A_1417, %add3A_1418 : i32
    %add3A_1420 = arith.constant 48 : i32
    %add3A_1421 = vector.broadcast %add3A_1420 : i32 to vector<16xi32>
    %add3A_1422 = arith.addi %iota3A, %add3A_1421 : vector<16xi32>
    %get3A_1423 = arith.index_cast %add3A_1419 : i32 to index
    %get3A_1424 = tpu.vector_load %arg8[%get3A_1423] {strides = array<i32>} : memref<4096xi32, #tpu.memory_space<vmem>>, vector<16xi32>,
    %get3A_1425 = arith.index_cast %add3A_1419 : i32 to index
    %get3A_1426 = tpu.vector_load %arg9[%get3A_1425] {strides = array<i32>} : memref<4096xi32, #tpu.memory_space<vmem>>, vector<16xi32>,
    %get3A_1427 = arith.index_cast %add3A_1419 : i32 to index
    %get3A_1428 = tpu.vector_load %arg10[%get3A_1427] {strides = array<i32>} : memref<4096xi32, #tpu.memory_space<vmem>>, vector<16xi32>,
    %get3A_1429 = arith.index_cast %add3A_1419 : i32 to index
    %get3A_1430 = tpu.vector_load %arg11[%get3A_1429] {strides = array<i32>} : memref<4096xi32, #tpu.memory_space<vmem>>, vector<16xi32>,
    %jit3A_1431 = arith.constant 0 : i32
    %jit3A_1432 = arith.constant 31 : i32
    %max3A_1433 = vector.broadcast %jit3A_1431 : i32 to vector<16xi32>
    %max3A_1434 = arith.maxsi %max3A_1433, %get3A_1430 : vector<16xi32>
    %min3A_1435 = vector.broadcast %jit3A_1432 : i32 to vector<16xi32>
    %min3A_1436 = arith.minsi %min3A_1435, %max3A_1434 : vector<16xi32>
    %get3A_1437 = arith.index_cast %add3A_1419 : i32 to index
    %get3A_1438 = tpu.vector_load %arg12[%get3A_1437] {strides = array<i32>} : memref<4096xi32, #tpu.memory_space<vmem>>, vector<16xi32>,
    %jit3A_1439 = arith.constant 0 : i32
    %jit3A_1440 = arith.constant 31 : i32
    %max3A_1441 = vector.broadcast %jit3A_1439 : i32 to vector<16xi32>
    %max3A_1442 = arith.maxsi %max3A_1441, %get3A_1438 : vector<16xi32>
    %min3A_1443 = vector.broadcast %jit3A_1440 : i32 to vector<16xi32>
    %min3A_1444 = arith.minsi %min3A_1443, %max3A_1442 : vector<16xi32>
    %get3A_1445 = arith.index_cast %add3A_1419 : i32 to index
    %get3A_1446 = tpu.vector_load %arg13[%get3A_1445] {strides = array<i32>} : memref<4096xi32, #tpu.memory_space<vmem>>, vector<16xi32>,
    %ne3A_1447 = arith.constant 0 : i32
    %ne3A_1448 = vector.broadcast %ne3A_1447 : i32 to vector<16xi32>
    %ne3A_1449 = arith.cmpi ne, %get3A_1428, %ne3A_1448 : vector<16xi32>
    %jit3A_1450 = arith.constant 3 : i32
    %broadcast_in_dim3A_1451 = vector.broadcast %jit3A_1450 : i32 to vector<16xi32>
    %select_n3A_1452 = arith.select %ne3A_1449, %get3A_1424, %broadcast_in_dim3A_1451 : vector<16xi1>, vector<16xi32>
    %eq3A_1453 = arith.constant 1 : i32
    %eq3A_1454 = vector.broadcast %eq3A_1453 : i32 to vector<16xi32>
    %eq3A_1455 = arith.cmpi eq, %get3A_1426, %eq3A_1454 : vector<16xi32>
    %select_n3A_1456 = arith.select %eq3A_1455, %min3A_1444, %min3A_1436 : vector<16xi1>, vector<16xi32>
    %select_n3A_1457 = arith.select %eq3A_1455, %min3A_1436, %min3A_1444 : vector<16xi1>, vector<16xi32>
    %mul3A_1458 = arith.constant 128 : i32
    %mul3A_1459 = vector.broadcast %mul3A_1458 : i32 to vector<16xi32>
    %mul3A_1460 = arith.muli %select_n3A_1456, %mul3A_1459 : vector<16xi32>
    %add3A_1461 = arith.addi %mul3A_1460, %add3A_1422 : vector<16xi32>
    %gather3A_1462 = tpu.vector_load_idx %arg13[%add3A_1461] : memref<4096xi32, #tpu.memory_space<vmem>>[vector<16xi32>], vector<16xi32>,
    %mul3A_1463 = arith.constant 128 : i32
    %mul3A_1464 = vector.broadcast %mul3A_1463 : i32 to vector<16xi32>
    %mul3A_1465 = arith.muli %select_n3A_1457, %mul3A_1464 : vector<16xi32>
    %add3A_1466 = arith.addi %mul3A_1465, %add3A_1422 : vector<16xi32>
    %gather3A_1467 = tpu.vector_load_idx %arg13[%add3A_1466] : memref<4096xi32, #tpu.memory_space<vmem>>[vector<16xi32>], vector<16xi32>,
    %eq3A_1468 = arith.constant 2 : i32
    %eq3A_1469 = vector.broadcast %eq3A_1468 : i32 to vector<16xi32>
    %eq3A_1470 = arith.cmpi eq, %select_n3A_1452, %eq3A_1469 : vector<16xi32>
    %shift_right_arithmetic3A_1471 = arith.constant 3 : i32
    %shift_right_arithmetic3A_1472 = vector.broadcast %shift_right_arithmetic3A_1471 : i32 to vector<16xi32>
    %shift_right_arithmetic3A_1473 = arith.shrsi %gather3A_1462, %shift_right_arithmetic3A_1472 : vector<16xi32>
    %shift_right_arithmetic3A_1474 = arith.constant 3 : i32
    %shift_right_arithmetic3A_1475 = vector.broadcast %shift_right_arithmetic3A_1474 : i32 to vector<16xi32>
    %shift_right_arithmetic3A_1476 = arith.shrsi %get3A_1446, %shift_right_arithmetic3A_1475 : vector<16xi32>
    %select_n3A_1477 = arith.select %eq3A_1470, %shift_right_arithmetic3A_1473, %shift_right_arithmetic3A_1476 : vector<16xi1>, vector<16xi32>
    %shift_right_arithmetic3A_1478 = arith.constant 3 : i32
    %shift_right_arithmetic3A_1479 = vector.broadcast %shift_right_arithmetic3A_1478 : i32 to vector<16xi32>
    %shift_right_arithmetic3A_1480 = arith.shrsi %gather3A_1467, %shift_right_arithmetic3A_1479 : vector<16xi32>
    %jit3A_1481 = arith.constant 0 : i32
    %broadcast_in_dim3A_1482 = vector.broadcast %jit3A_1481 : i32 to vector<16xi32>
    %select_n3A_1483 = arith.select %eq3A_1470, %shift_right_arithmetic3A_1480, %broadcast_in_dim3A_1482 : vector<16xi1>, vector<16xi32>
    %add3A_1484 = arith.addi %select_n3A_1477, %select_n3A_1483 : vector<16xi32>
    %convert_element_type3A_1485 = arith.sitofp %add3A_1484 : vector<16xi32> to vector<16xf32>
    %swap3A_1486 = arith.constant 48 : index
    %swap3A_1487 = tpu.vector_load %arg15[%swap3A_1486] {strides = array<i32>} : memref<128xf32, #tpu.memory_space<vmem>>, vector<16xf32>,
    tpu.vector_store %arg15[%swap3A_1486], %convert_element_type3A_1485 {strides = array<i32>} : memref<128xf32, #tpu.memory_space<vmem>>, vector<16xf32>,
    %mul3A_1488 = arith.constant 128 : i32
    %mul3A_1489 = arith.muli %add3A_1201, %mul3A_1488 : i32
    %add3A_1490 = arith.constant 64 : i32
    %add3A_1491 = arith.addi %mul3A_1489, %add3A_1490 : i32
    %add3A_1492 = arith.constant 64 : i32
    %add3A_1493 = vector.broadcast %add3A_1492 : i32 to vector<16xi32>
    %add3A_1494 = arith.addi %iota3A, %add3A_1493 : vector<16xi32>
    %get3A_1495 = arith.index_cast %add3A_1491 : i32 to index
    %get3A_1496 = tpu.vector_load %arg8[%get3A_1495] {strides = array<i32>} : memref<4096xi32, #tpu.memory_space<vmem>>, vector<16xi32>,
    %get3A_1497 = arith.index_cast %add3A_1491 : i32 to index
    %get3A_1498 = tpu.vector_load %arg9[%get3A_1497] {strides = array<i32>} : memref<4096xi32, #tpu.memory_space<vmem>>, vector<16xi32>,
    %get3A_1499 = arith.index_cast %add3A_1491 : i32 to index
    %get3A_1500 = tpu.vector_load %arg10[%get3A_1499] {strides = array<i32>} : memref<4096xi32, #tpu.memory_space<vmem>>, vector<16xi32>,
    %get3A_1501 = arith.index_cast %add3A_1491 : i32 to index
    %get3A_1502 = tpu.vector_load %arg11[%get3A_1501] {strides = array<i32>} : memref<4096xi32, #tpu.memory_space<vmem>>, vector<16xi32>,
    %jit3A_1503 = arith.constant 0 : i32
    %jit3A_1504 = arith.constant 31 : i32
    %max3A_1505 = vector.broadcast %jit3A_1503 : i32 to vector<16xi32>
    %max3A_1506 = arith.maxsi %max3A_1505, %get3A_1502 : vector<16xi32>
    %min3A_1507 = vector.broadcast %jit3A_1504 : i32 to vector<16xi32>
    %min3A_1508 = arith.minsi %min3A_1507, %max3A_1506 : vector<16xi32>
    %get3A_1509 = arith.index_cast %add3A_1491 : i32 to index
    %get3A_1510 = tpu.vector_load %arg12[%get3A_1509] {strides = array<i32>} : memref<4096xi32, #tpu.memory_space<vmem>>, vector<16xi32>,
    %jit3A_1511 = arith.constant 0 : i32
    %jit3A_1512 = arith.constant 31 : i32
    %max3A_1513 = vector.broadcast %jit3A_1511 : i32 to vector<16xi32>
    %max3A_1514 = arith.maxsi %max3A_1513, %get3A_1510 : vector<16xi32>
    %min3A_1515 = vector.broadcast %jit3A_1512 : i32 to vector<16xi32>
    %min3A_1516 = arith.minsi %min3A_1515, %max3A_1514 : vector<16xi32>
    %get3A_1517 = arith.index_cast %add3A_1491 : i32 to index
    %get3A_1518 = tpu.vector_load %arg13[%get3A_1517] {strides = array<i32>} : memref<4096xi32, #tpu.memory_space<vmem>>, vector<16xi32>,
    %ne3A_1519 = arith.constant 0 : i32
    %ne3A_1520 = vector.broadcast %ne3A_1519 : i32 to vector<16xi32>
    %ne3A_1521 = arith.cmpi ne, %get3A_1500, %ne3A_1520 : vector<16xi32>
    %jit3A_1522 = arith.constant 3 : i32
    %broadcast_in_dim3A_1523 = vector.broadcast %jit3A_1522 : i32 to vector<16xi32>
    %select_n3A_1524 = arith.select %ne3A_1521, %get3A_1496, %broadcast_in_dim3A_1523 : vector<16xi1>, vector<16xi32>
    %eq3A_1525 = arith.constant 1 : i32
    %eq3A_1526 = vector.broadcast %eq3A_1525 : i32 to vector<16xi32>
    %eq3A_1527 = arith.cmpi eq, %get3A_1498, %eq3A_1526 : vector<16xi32>
    %select_n3A_1528 = arith.select %eq3A_1527, %min3A_1516, %min3A_1508 : vector<16xi1>, vector<16xi32>
    %select_n3A_1529 = arith.select %eq3A_1527, %min3A_1508, %min3A_1516 : vector<16xi1>, vector<16xi32>
    %mul3A_1530 = arith.constant 128 : i32
    %mul3A_1531 = vector.broadcast %mul3A_1530 : i32 to vector<16xi32>
    %mul3A_1532 = arith.muli %select_n3A_1528, %mul3A_1531 : vector<16xi32>
    %add3A_1533 = arith.addi %mul3A_1532, %add3A_1494 : vector<16xi32>
    %gather3A_1534 = tpu.vector_load_idx %arg13[%add3A_1533] : memref<4096xi32, #tpu.memory_space<vmem>>[vector<16xi32>], vector<16xi32>,
    %mul3A_1535 = arith.constant 128 : i32
    %mul3A_1536 = vector.broadcast %mul3A_1535 : i32 to vector<16xi32>
    %mul3A_1537 = arith.muli %select_n3A_1529, %mul3A_1536 : vector<16xi32>
    %add3A_1538 = arith.addi %mul3A_1537, %add3A_1494 : vector<16xi32>
    %gather3A_1539 = tpu.vector_load_idx %arg13[%add3A_1538] : memref<4096xi32, #tpu.memory_space<vmem>>[vector<16xi32>], vector<16xi32>,
    %eq3A_1540 = arith.constant 2 : i32
    %eq3A_1541 = vector.broadcast %eq3A_1540 : i32 to vector<16xi32>
    %eq3A_1542 = arith.cmpi eq, %select_n3A_1524, %eq3A_1541 : vector<16xi32>
    %shift_right_arithmetic3A_1543 = arith.constant 3 : i32
    %shift_right_arithmetic3A_1544 = vector.broadcast %shift_right_arithmetic3A_1543 : i32 to vector<16xi32>
    %shift_right_arithmetic3A_1545 = arith.shrsi %gather3A_1534, %shift_right_arithmetic3A_1544 : vector<16xi32>
    %shift_right_arithmetic3A_1546 = arith.constant 3 : i32
    %shift_right_arithmetic3A_1547 = vector.broadcast %shift_right_arithmetic3A_1546 : i32 to vector<16xi32>
    %shift_right_arithmetic3A_1548 = arith.shrsi %get3A_1518, %shift_right_arithmetic3A_1547 : vector<16xi32>
    %select_n3A_1549 = arith.select %eq3A_1542, %shift_right_arithmetic3A_1545, %shift_right_arithmetic3A_1548 : vector<16xi1>, vector<16xi32>
    %shift_right_arithmetic3A_1550 = arith.constant 3 : i32
    %shift_right_arithmetic3A_1551 = vector.broadcast %shift_right_arithmetic3A_1550 : i32 to vector<16xi32>
    %shift_right_arithmetic3A_1552 = arith.shrsi %gather3A_1539, %shift_right_arithmetic3A_1551 : vector<16xi32>
    %jit3A_1553 = arith.constant 0 : i32
    %broadcast_in_dim3A_1554 = vector.broadcast %jit3A_1553 : i32 to vector<16xi32>
    %select_n3A_1555 = arith.select %eq3A_1542, %shift_right_arithmetic3A_1552, %broadcast_in_dim3A_1554 : vector<16xi1>, vector<16xi32>
    %add3A_1556 = arith.addi %select_n3A_1549, %select_n3A_1555 : vector<16xi32>
    %convert_element_type3A_1557 = arith.sitofp %add3A_1556 : vector<16xi32> to vector<16xf32>
    %swap3A_1558 = arith.constant 64 : index
    %swap3A_1559 = tpu.vector_load %arg15[%swap3A_1558] {strides = array<i32>} : memref<128xf32, #tpu.memory_space<vmem>>, vector<16xf32>,
    tpu.vector_store %arg15[%swap3A_1558], %convert_element_type3A_1557 {strides = array<i32>} : memref<128xf32, #tpu.memory_space<vmem>>, vector<16xf32>,
    %mul3A_1560 = arith.constant 128 : i32
    %mul3A_1561 = arith.muli %add3A_1201, %mul3A_1560 : i32
    %add3A_1562 = arith.constant 80 : i32
    %add3A_1563 = arith.addi %mul3A_1561, %add3A_1562 : i32
    %add3A_1564 = arith.constant 80 : i32
    %add3A_1565 = vector.broadcast %add3A_1564 : i32 to vector<16xi32>
    %add3A_1566 = arith.addi %iota3A, %add3A_1565 : vector<16xi32>
    %get3A_1567 = arith.index_cast %add3A_1563 : i32 to index
    %get3A_1568 = tpu.vector_load %arg8[%get3A_1567] {strides = array<i32>} : memref<4096xi32, #tpu.memory_space<vmem>>, vector<16xi32>,
    %get3A_1569 = arith.index_cast %add3A_1563 : i32 to index
    %get3A_1570 = tpu.vector_load %arg9[%get3A_1569] {strides = array<i32>} : memref<4096xi32, #tpu.memory_space<vmem>>, vector<16xi32>,
    %get3A_1571 = arith.index_cast %add3A_1563 : i32 to index
    %get3A_1572 = tpu.vector_load %arg10[%get3A_1571] {strides = array<i32>} : memref<4096xi32, #tpu.memory_space<vmem>>, vector<16xi32>,
    %get3A_1573 = arith.index_cast %add3A_1563 : i32 to index
    %get3A_1574 = tpu.vector_load %arg11[%get3A_1573] {strides = array<i32>} : memref<4096xi32, #tpu.memory_space<vmem>>, vector<16xi32>,
    %jit3A_1575 = arith.constant 0 : i32
    %jit3A_1576 = arith.constant 31 : i32
    %max3A_1577 = vector.broadcast %jit3A_1575 : i32 to vector<16xi32>
    %max3A_1578 = arith.maxsi %max3A_1577, %get3A_1574 : vector<16xi32>
    %min3A_1579 = vector.broadcast %jit3A_1576 : i32 to vector<16xi32>
    %min3A_1580 = arith.minsi %min3A_1579, %max3A_1578 : vector<16xi32>
    %get3A_1581 = arith.index_cast %add3A_1563 : i32 to index
    %get3A_1582 = tpu.vector_load %arg12[%get3A_1581] {strides = array<i32>} : memref<4096xi32, #tpu.memory_space<vmem>>, vector<16xi32>,
    %jit3A_1583 = arith.constant 0 : i32
    %jit3A_1584 = arith.constant 31 : i32
    %max3A_1585 = vector.broadcast %jit3A_1583 : i32 to vector<16xi32>
    %max3A_1586 = arith.maxsi %max3A_1585, %get3A_1582 : vector<16xi32>
    %min3A_1587 = vector.broadcast %jit3A_1584 : i32 to vector<16xi32>
    %min3A_1588 = arith.minsi %min3A_1587, %max3A_1586 : vector<16xi32>
    %get3A_1589 = arith.index_cast %add3A_1563 : i32 to index
    %get3A_1590 = tpu.vector_load %arg13[%get3A_1589] {strides = array<i32>} : memref<4096xi32, #tpu.memory_space<vmem>>, vector<16xi32>,
    %ne3A_1591 = arith.constant 0 : i32
    %ne3A_1592 = vector.broadcast %ne3A_1591 : i32 to vector<16xi32>
    %ne3A_1593 = arith.cmpi ne, %get3A_1572, %ne3A_1592 : vector<16xi32>
    %jit3A_1594 = arith.constant 3 : i32
    %broadcast_in_dim3A_1595 = vector.broadcast %jit3A_1594 : i32 to vector<16xi32>
    %select_n3A_1596 = arith.select %ne3A_1593, %get3A_1568, %broadcast_in_dim3A_1595 : vector<16xi1>, vector<16xi32>
    %eq3A_1597 = arith.constant 1 : i32
    %eq3A_1598 = vector.broadcast %eq3A_1597 : i32 to vector<16xi32>
    %eq3A_1599 = arith.cmpi eq, %get3A_1570, %eq3A_1598 : vector<16xi32>
    %select_n3A_1600 = arith.select %eq3A_1599, %min3A_1588, %min3A_1580 : vector<16xi1>, vector<16xi32>
    %select_n3A_1601 = arith.select %eq3A_1599, %min3A_1580, %min3A_1588 : vector<16xi1>, vector<16xi32>
    %mul3A_1602 = arith.constant 128 : i32
    %mul3A_1603 = vector.broadcast %mul3A_1602 : i32 to vector<16xi32>
    %mul3A_1604 = arith.muli %select_n3A_1600, %mul3A_1603 : vector<16xi32>
    %add3A_1605 = arith.addi %mul3A_1604, %add3A_1566 : vector<16xi32>
    %gather3A_1606 = tpu.vector_load_idx %arg13[%add3A_1605] : memref<4096xi32, #tpu.memory_space<vmem>>[vector<16xi32>], vector<16xi32>,
    %mul3A_1607 = arith.constant 128 : i32
    %mul3A_1608 = vector.broadcast %mul3A_1607 : i32 to vector<16xi32>
    %mul3A_1609 = arith.muli %select_n3A_1601, %mul3A_1608 : vector<16xi32>
    %add3A_1610 = arith.addi %mul3A_1609, %add3A_1566 : vector<16xi32>
    %gather3A_1611 = tpu.vector_load_idx %arg13[%add3A_1610] : memref<4096xi32, #tpu.memory_space<vmem>>[vector<16xi32>], vector<16xi32>,
    %eq3A_1612 = arith.constant 2 : i32
    %eq3A_1613 = vector.broadcast %eq3A_1612 : i32 to vector<16xi32>
    %eq3A_1614 = arith.cmpi eq, %select_n3A_1596, %eq3A_1613 : vector<16xi32>
    %shift_right_arithmetic3A_1615 = arith.constant 3 : i32
    %shift_right_arithmetic3A_1616 = vector.broadcast %shift_right_arithmetic3A_1615 : i32 to vector<16xi32>
    %shift_right_arithmetic3A_1617 = arith.shrsi %gather3A_1606, %shift_right_arithmetic3A_1616 : vector<16xi32>
    %shift_right_arithmetic3A_1618 = arith.constant 3 : i32
    %shift_right_arithmetic3A_1619 = vector.broadcast %shift_right_arithmetic3A_1618 : i32 to vector<16xi32>
    %shift_right_arithmetic3A_1620 = arith.shrsi %get3A_1590, %shift_right_arithmetic3A_1619 : vector<16xi32>
    %select_n3A_1621 = arith.select %eq3A_1614, %shift_right_arithmetic3A_1617, %shift_right_arithmetic3A_1620 : vector<16xi1>, vector<16xi32>
    %shift_right_arithmetic3A_1622 = arith.constant 3 : i32
    %shift_right_arithmetic3A_1623 = vector.broadcast %shift_right_arithmetic3A_1622 : i32 to vector<16xi32>
    %shift_right_arithmetic3A_1624 = arith.shrsi %gather3A_1611, %shift_right_arithmetic3A_1623 : vector<16xi32>
    %jit3A_1625 = arith.constant 0 : i32
    %broadcast_in_dim3A_1626 = vector.broadcast %jit3A_1625 : i32 to vector<16xi32>
    %select_n3A_1627 = arith.select %eq3A_1614, %shift_right_arithmetic3A_1624, %broadcast_in_dim3A_1626 : vector<16xi1>, vector<16xi32>
    %add3A_1628 = arith.addi %select_n3A_1621, %select_n3A_1627 : vector<16xi32>
    %convert_element_type3A_1629 = arith.sitofp %add3A_1628 : vector<16xi32> to vector<16xf32>
    %swap3A_1630 = arith.constant 80 : index
    %swap3A_1631 = tpu.vector_load %arg15[%swap3A_1630] {strides = array<i32>} : memref<128xf32, #tpu.memory_space<vmem>>, vector<16xf32>,
    tpu.vector_store %arg15[%swap3A_1630], %convert_element_type3A_1629 {strides = array<i32>} : memref<128xf32, #tpu.memory_space<vmem>>, vector<16xf32>,
    %mul3A_1632 = arith.constant 128 : i32
    %mul3A_1633 = arith.muli %add3A_1201, %mul3A_1632 : i32
    %add3A_1634 = arith.constant 96 : i32
    %add3A_1635 = arith.addi %mul3A_1633, %add3A_1634 : i32
    %add3A_1636 = arith.constant 96 : i32
    %add3A_1637 = vector.broadcast %add3A_1636 : i32 to vector<16xi32>
    %add3A_1638 = arith.addi %iota3A, %add3A_1637 : vector<16xi32>
    %get3A_1639 = arith.index_cast %add3A_1635 : i32 to index
    %get3A_1640 = tpu.vector_load %arg8[%get3A_1639] {strides = array<i32>} : memref<4096xi32, #tpu.memory_space<vmem>>, vector<16xi32>,
    %get3A_1641 = arith.index_cast %add3A_1635 : i32 to index
    %get3A_1642 = tpu.vector_load %arg9[%get3A_1641] {strides = array<i32>} : memref<4096xi32, #tpu.memory_space<vmem>>, vector<16xi32>,
    %get3A_1643 = arith.index_cast %add3A_1635 : i32 to index
    %get3A_1644 = tpu.vector_load %arg10[%get3A_1643] {strides = array<i32>} : memref<4096xi32, #tpu.memory_space<vmem>>, vector<16xi32>,
    %get3A_1645 = arith.index_cast %add3A_1635 : i32 to index
    %get3A_1646 = tpu.vector_load %arg11[%get3A_1645] {strides = array<i32>} : memref<4096xi32, #tpu.memory_space<vmem>>, vector<16xi32>,
    %jit3A_1647 = arith.constant 0 : i32
    %jit3A_1648 = arith.constant 31 : i32
    %max3A_1649 = vector.broadcast %jit3A_1647 : i32 to vector<16xi32>
    %max3A_1650 = arith.maxsi %max3A_1649, %get3A_1646 : vector<16xi32>
    %min3A_1651 = vector.broadcast %jit3A_1648 : i32 to vector<16xi32>
    %min3A_1652 = arith.minsi %min3A_1651, %max3A_1650 : vector<16xi32>
    %get3A_1653 = arith.index_cast %add3A_1635 : i32 to index
    %get3A_1654 = tpu.vector_load %arg12[%get3A_1653] {strides = array<i32>} : memref<4096xi32, #tpu.memory_space<vmem>>, vector<16xi32>,
    %jit3A_1655 = arith.constant 0 : i32
    %jit3A_1656 = arith.constant 31 : i32
    %max3A_1657 = vector.broadcast %jit3A_1655 : i32 to vector<16xi32>
    %max3A_1658 = arith.maxsi %max3A_1657, %get3A_1654 : vector<16xi32>
    %min3A_1659 = vector.broadcast %jit3A_1656 : i32 to vector<16xi32>
    %min3A_1660 = arith.minsi %min3A_1659, %max3A_1658 : vector<16xi32>
    %get3A_1661 = arith.index_cast %add3A_1635 : i32 to index
    %get3A_1662 = tpu.vector_load %arg13[%get3A_1661] {strides = array<i32>} : memref<4096xi32, #tpu.memory_space<vmem>>, vector<16xi32>,
    %ne3A_1663 = arith.constant 0 : i32
    %ne3A_1664 = vector.broadcast %ne3A_1663 : i32 to vector<16xi32>
    %ne3A_1665 = arith.cmpi ne, %get3A_1644, %ne3A_1664 : vector<16xi32>
    %jit3A_1666 = arith.constant 3 : i32
    %broadcast_in_dim3A_1667 = vector.broadcast %jit3A_1666 : i32 to vector<16xi32>
    %select_n3A_1668 = arith.select %ne3A_1665, %get3A_1640, %broadcast_in_dim3A_1667 : vector<16xi1>, vector<16xi32>
    %eq3A_1669 = arith.constant 1 : i32
    %eq3A_1670 = vector.broadcast %eq3A_1669 : i32 to vector<16xi32>
    %eq3A_1671 = arith.cmpi eq, %get3A_1642, %eq3A_1670 : vector<16xi32>
    %select_n3A_1672 = arith.select %eq3A_1671, %min3A_1660, %min3A_1652 : vector<16xi1>, vector<16xi32>
    %select_n3A_1673 = arith.select %eq3A_1671, %min3A_1652, %min3A_1660 : vector<16xi1>, vector<16xi32>
    %mul3A_1674 = arith.constant 128 : i32
    %mul3A_1675 = vector.broadcast %mul3A_1674 : i32 to vector<16xi32>
    %mul3A_1676 = arith.muli %select_n3A_1672, %mul3A_1675 : vector<16xi32>
    %add3A_1677 = arith.addi %mul3A_1676, %add3A_1638 : vector<16xi32>
    %gather3A_1678 = tpu.vector_load_idx %arg13[%add3A_1677] : memref<4096xi32, #tpu.memory_space<vmem>>[vector<16xi32>], vector<16xi32>,
    %mul3A_1679 = arith.constant 128 : i32
    %mul3A_1680 = vector.broadcast %mul3A_1679 : i32 to vector<16xi32>
    %mul3A_1681 = arith.muli %select_n3A_1673, %mul3A_1680 : vector<16xi32>
    %add3A_1682 = arith.addi %mul3A_1681, %add3A_1638 : vector<16xi32>
    %gather3A_1683 = tpu.vector_load_idx %arg13[%add3A_1682] : memref<4096xi32, #tpu.memory_space<vmem>>[vector<16xi32>], vector<16xi32>,
    %eq3A_1684 = arith.constant 2 : i32
    %eq3A_1685 = vector.broadcast %eq3A_1684 : i32 to vector<16xi32>
    %eq3A_1686 = arith.cmpi eq, %select_n3A_1668, %eq3A_1685 : vector<16xi32>
    %shift_right_arithmetic3A_1687 = arith.constant 3 : i32
    %shift_right_arithmetic3A_1688 = vector.broadcast %shift_right_arithmetic3A_1687 : i32 to vector<16xi32>
    %shift_right_arithmetic3A_1689 = arith.shrsi %gather3A_1678, %shift_right_arithmetic3A_1688 : vector<16xi32>
    %shift_right_arithmetic3A_1690 = arith.constant 3 : i32
    %shift_right_arithmetic3A_1691 = vector.broadcast %shift_right_arithmetic3A_1690 : i32 to vector<16xi32>
    %shift_right_arithmetic3A_1692 = arith.shrsi %get3A_1662, %shift_right_arithmetic3A_1691 : vector<16xi32>
    %select_n3A_1693 = arith.select %eq3A_1686, %shift_right_arithmetic3A_1689, %shift_right_arithmetic3A_1692 : vector<16xi1>, vector<16xi32>
    %shift_right_arithmetic3A_1694 = arith.constant 3 : i32
    %shift_right_arithmetic3A_1695 = vector.broadcast %shift_right_arithmetic3A_1694 : i32 to vector<16xi32>
    %shift_right_arithmetic3A_1696 = arith.shrsi %gather3A_1683, %shift_right_arithmetic3A_1695 : vector<16xi32>
    %jit3A_1697 = arith.constant 0 : i32
    %broadcast_in_dim3A_1698 = vector.broadcast %jit3A_1697 : i32 to vector<16xi32>
    %select_n3A_1699 = arith.select %eq3A_1686, %shift_right_arithmetic3A_1696, %broadcast_in_dim3A_1698 : vector<16xi1>, vector<16xi32>
    %add3A_1700 = arith.addi %select_n3A_1693, %select_n3A_1699 : vector<16xi32>
    %convert_element_type3A_1701 = arith.sitofp %add3A_1700 : vector<16xi32> to vector<16xf32>
    %swap3A_1702 = arith.constant 96 : index
    %swap3A_1703 = tpu.vector_load %arg15[%swap3A_1702] {strides = array<i32>} : memref<128xf32, #tpu.memory_space<vmem>>, vector<16xf32>,
    tpu.vector_store %arg15[%swap3A_1702], %convert_element_type3A_1701 {strides = array<i32>} : memref<128xf32, #tpu.memory_space<vmem>>, vector<16xf32>,
    %mul3A_1704 = arith.constant 128 : i32
    %mul3A_1705 = arith.muli %add3A_1201, %mul3A_1704 : i32
    %add3A_1706 = arith.constant 112 : i32
    %add3A_1707 = arith.addi %mul3A_1705, %add3A_1706 : i32
    %add3A_1708 = arith.constant 112 : i32
    %add3A_1709 = vector.broadcast %add3A_1708 : i32 to vector<16xi32>
    %add3A_1710 = arith.addi %iota3A, %add3A_1709 : vector<16xi32>
    %get3A_1711 = arith.index_cast %add3A_1707 : i32 to index
    %get3A_1712 = tpu.vector_load %arg8[%get3A_1711] {strides = array<i32>} : memref<4096xi32, #tpu.memory_space<vmem>>, vector<16xi32>,
    %get3A_1713 = arith.index_cast %add3A_1707 : i32 to index
    %get3A_1714 = tpu.vector_load %arg9[%get3A_1713] {strides = array<i32>} : memref<4096xi32, #tpu.memory_space<vmem>>, vector<16xi32>,
    %get3A_1715 = arith.index_cast %add3A_1707 : i32 to index
    %get3A_1716 = tpu.vector_load %arg10[%get3A_1715] {strides = array<i32>} : memref<4096xi32, #tpu.memory_space<vmem>>, vector<16xi32>,
    %get3A_1717 = arith.index_cast %add3A_1707 : i32 to index
    %get3A_1718 = tpu.vector_load %arg11[%get3A_1717] {strides = array<i32>} : memref<4096xi32, #tpu.memory_space<vmem>>, vector<16xi32>,
    %jit3A_1719 = arith.constant 0 : i32
    %jit3A_1720 = arith.constant 31 : i32
    %max3A_1721 = vector.broadcast %jit3A_1719 : i32 to vector<16xi32>
    %max3A_1722 = arith.maxsi %max3A_1721, %get3A_1718 : vector<16xi32>
    %min3A_1723 = vector.broadcast %jit3A_1720 : i32 to vector<16xi32>
    %min3A_1724 = arith.minsi %min3A_1723, %max3A_1722 : vector<16xi32>
    %get3A_1725 = arith.index_cast %add3A_1707 : i32 to index
    %get3A_1726 = tpu.vector_load %arg12[%get3A_1725] {strides = array<i32>} : memref<4096xi32, #tpu.memory_space<vmem>>, vector<16xi32>,
    %jit3A_1727 = arith.constant 0 : i32
    %jit3A_1728 = arith.constant 31 : i32
    %max3A_1729 = vector.broadcast %jit3A_1727 : i32 to vector<16xi32>
    %max3A_1730 = arith.maxsi %max3A_1729, %get3A_1726 : vector<16xi32>
    %min3A_1731 = vector.broadcast %jit3A_1728 : i32 to vector<16xi32>
    %min3A_1732 = arith.minsi %min3A_1731, %max3A_1730 : vector<16xi32>
    %get3A_1733 = arith.index_cast %add3A_1707 : i32 to index
    %get3A_1734 = tpu.vector_load %arg13[%get3A_1733] {strides = array<i32>} : memref<4096xi32, #tpu.memory_space<vmem>>, vector<16xi32>,
    %ne3A_1735 = arith.constant 0 : i32
    %ne3A_1736 = vector.broadcast %ne3A_1735 : i32 to vector<16xi32>
    %ne3A_1737 = arith.cmpi ne, %get3A_1716, %ne3A_1736 : vector<16xi32>
    %jit3A_1738 = arith.constant 3 : i32
    %broadcast_in_dim3A_1739 = vector.broadcast %jit3A_1738 : i32 to vector<16xi32>
    %select_n3A_1740 = arith.select %ne3A_1737, %get3A_1712, %broadcast_in_dim3A_1739 : vector<16xi1>, vector<16xi32>
    %eq3A_1741 = arith.constant 1 : i32
    %eq3A_1742 = vector.broadcast %eq3A_1741 : i32 to vector<16xi32>
    %eq3A_1743 = arith.cmpi eq, %get3A_1714, %eq3A_1742 : vector<16xi32>
    %select_n3A_1744 = arith.select %eq3A_1743, %min3A_1732, %min3A_1724 : vector<16xi1>, vector<16xi32>
    %select_n3A_1745 = arith.select %eq3A_1743, %min3A_1724, %min3A_1732 : vector<16xi1>, vector<16xi32>
    %mul3A_1746 = arith.constant 128 : i32
    %mul3A_1747 = vector.broadcast %mul3A_1746 : i32 to vector<16xi32>
    %mul3A_1748 = arith.muli %select_n3A_1744, %mul3A_1747 : vector<16xi32>
    %add3A_1749 = arith.addi %mul3A_1748, %add3A_1710 : vector<16xi32>
    %gather3A_1750 = tpu.vector_load_idx %arg13[%add3A_1749] : memref<4096xi32, #tpu.memory_space<vmem>>[vector<16xi32>], vector<16xi32>,
    %mul3A_1751 = arith.constant 128 : i32
    %mul3A_1752 = vector.broadcast %mul3A_1751 : i32 to vector<16xi32>
    %mul3A_1753 = arith.muli %select_n3A_1745, %mul3A_1752 : vector<16xi32>
    %add3A_1754 = arith.addi %mul3A_1753, %add3A_1710 : vector<16xi32>
    %gather3A_1755 = tpu.vector_load_idx %arg13[%add3A_1754] : memref<4096xi32, #tpu.memory_space<vmem>>[vector<16xi32>], vector<16xi32>,
    %eq3A_1756 = arith.constant 2 : i32
    %eq3A_1757 = vector.broadcast %eq3A_1756 : i32 to vector<16xi32>
    %eq3A_1758 = arith.cmpi eq, %select_n3A_1740, %eq3A_1757 : vector<16xi32>
    %shift_right_arithmetic3A_1759 = arith.constant 3 : i32
    %shift_right_arithmetic3A_1760 = vector.broadcast %shift_right_arithmetic3A_1759 : i32 to vector<16xi32>
    %shift_right_arithmetic3A_1761 = arith.shrsi %gather3A_1750, %shift_right_arithmetic3A_1760 : vector<16xi32>
    %shift_right_arithmetic3A_1762 = arith.constant 3 : i32
    %shift_right_arithmetic3A_1763 = vector.broadcast %shift_right_arithmetic3A_1762 : i32 to vector<16xi32>
    %shift_right_arithmetic3A_1764 = arith.shrsi %get3A_1734, %shift_right_arithmetic3A_1763 : vector<16xi32>
    %select_n3A_1765 = arith.select %eq3A_1758, %shift_right_arithmetic3A_1761, %shift_right_arithmetic3A_1764 : vector<16xi1>, vector<16xi32>
    %shift_right_arithmetic3A_1766 = arith.constant 3 : i32
    %shift_right_arithmetic3A_1767 = vector.broadcast %shift_right_arithmetic3A_1766 : i32 to vector<16xi32>
    %shift_right_arithmetic3A_1768 = arith.shrsi %gather3A_1755, %shift_right_arithmetic3A_1767 : vector<16xi32>
    %jit3A_1769 = arith.constant 0 : i32
    %broadcast_in_dim3A_1770 = vector.broadcast %jit3A_1769 : i32 to vector<16xi32>
    %select_n3A_1771 = arith.select %eq3A_1758, %shift_right_arithmetic3A_1768, %broadcast_in_dim3A_1770 : vector<16xi1>, vector<16xi32>
    %add3A_1772 = arith.addi %select_n3A_1765, %select_n3A_1771 : vector<16xi32>
    %convert_element_type3A_1773 = arith.sitofp %add3A_1772 : vector<16xi32> to vector<16xf32>
    %swap3A_1774 = arith.constant 112 : index
    %swap3A_1775 = tpu.vector_load %arg15[%swap3A_1774] {strides = array<i32>} : memref<128xf32, #tpu.memory_space<vmem>>, vector<16xf32>,
    tpu.vector_store %arg15[%swap3A_1774], %convert_element_type3A_1773 {strides = array<i32>} : memref<128xf32, #tpu.memory_space<vmem>>, vector<16xf32>,
    %mul3A_1776 = arith.constant 128 : i32
    %mul3A_1777 = arith.muli %add3A_1201, %mul3A_1776 : i32
    "tpu.region"() ({
      %run_scoped3A = tpu.sem_alloc : memref<!tpu.dma_semaphore, #tpu.memory_space<semaphore_mem>>
      %dma_start3A = tpu.memref_slice %arg7[%mul3A_1777] : memref<4096xf32, #tpu.memory_space<hbm>> -> memref<128xf32, #tpu.memory_space<hbm>>
      %dma_start3A_1778 = tpu.memref_slice %arg7[%mul3A_1777] : memref<4096xf32, #tpu.memory_space<hbm>> -> memref<128xf32, #tpu.memory_space<hbm>>
      tpu.enqueue_dma source(%arg15 : memref<128xf32, #tpu.memory_space<vmem>>) target(%dma_start3A_1778 : memref<128xf32, #tpu.memory_space<hbm>>) target_semaphore(%run_scoped3A : memref<!tpu.dma_semaphore, #tpu.memory_space<semaphore_mem>>)
      %dma_wait3A = tpu.memref_slice %arg7[%mul3A_1777] : memref<4096xf32, #tpu.memory_space<hbm>> -> memref<128xf32, #tpu.memory_space<hbm>>
      %dma_wait3A_1779 = tpu.memref_slice %arg7[%mul3A_1777] : memref<4096xf32, #tpu.memory_space<hbm>> -> memref<128xf32, #tpu.memory_space<hbm>>
      tpu.wait_dma2 semaphore(%run_scoped3A : memref<!tpu.dma_semaphore, #tpu.memory_space<semaphore_mem>>) src(%arg15 : memref<128xf32, #tpu.memory_space<vmem>>) dst(%dma_wait3A_1779 : memref<128xf32, #tpu.memory_space<hbm>>)
      tpu.yield
    }) : () -> ()
    return
  }
}

module attributes {stable_mosaic.version = 14 : i64} {
  func.func @_tc_body(%arg0: i32, %arg1: memref<32x128xi32, #tpu.memory_space<vmem>>, %arg2: memref<32x128xi32, #tpu.memory_space<vmem>>, %arg3: memref<32x128xi32, #tpu.memory_space<vmem>>, %arg4: memref<32x128xi32, #tpu.memory_space<vmem>>, %arg5: memref<32x128xi32, #tpu.memory_space<vmem>>, %arg6: memref<1x4x128xi32, #tpu.memory_space<vmem>>, %arg7: memref<1x4x128xi32, #tpu.memory_space<vmem>>, %arg8: memref<1x4x128xi32, #tpu.memory_space<vmem>>, %arg9: memref<1x4x128xi32, #tpu.memory_space<vmem>>, %arg10: memref<1x4x128xi32, #tpu.memory_space<vmem>>, %arg11: memref<1x64x1xf32, #tpu.memory_space<vmem>>, %arg12: memref<1x64x1xf32, #tpu.memory_space<vmem>>, %arg13: memref<4x48x64x128xf32, #tpu.memory_space<vmem>>) attributes {dimension_semantics = [#tpu.dimension_semantics<arbitrary>], iteration_bounds = array<i64: 8>, scalar_prefetch = 0 : i64, scratch_operands = 0 : i64, tpu.core_type = #tpu.core_type<tc>, window_params = [{pipeline_mode = #tpu.pipeline_mode<synchronous>, transform_indices = @transform_0, window_bounds = array<i64: 32, 128>}, {pipeline_mode = #tpu.pipeline_mode<synchronous>, transform_indices = @transform_1, window_bounds = array<i64: 32, 128>}, {pipeline_mode = #tpu.pipeline_mode<synchronous>, transform_indices = @transform_2, window_bounds = array<i64: 32, 128>}, {pipeline_mode = #tpu.pipeline_mode<synchronous>, transform_indices = @transform_3, window_bounds = array<i64: 32, 128>}, {pipeline_mode = #tpu.pipeline_mode<synchronous>, transform_indices = @transform_4, window_bounds = array<i64: 32, 128>}, {transform_indices = @transform_5, window_bounds = array<i64: 1, 4, 128>}, {transform_indices = @transform_6, window_bounds = array<i64: 1, 4, 128>}, {transform_indices = @transform_7, window_bounds = array<i64: 1, 4, 128>}, {transform_indices = @transform_8, window_bounds = array<i64: 1, 4, 128>}, {transform_indices = @transform_9, window_bounds = array<i64: 1, 4, 128>}, {pipeline_mode = #tpu.pipeline_mode<synchronous>, transform_indices = @transform_10, window_bounds = array<i64: 1, 64, 1>}, {pipeline_mode = #tpu.pipeline_mode<synchronous>, transform_indices = @transform_11, window_bounds = array<i64: 1, 64, 1>}, {transform_indices = @transform_12, window_bounds = array<i64: 4, 48, 64, 128>}]} {
    %get3A = arith.constant 0 : index
    %get3A_0 = arith.constant 0 : index
    %get3A_1 = vector.load %arg1[%get3A, %get3A_0] : memref<32x128xi32, #tpu.memory_space<vmem>>, vector<32x128xi32>
    %get3A_2 = arith.constant 0 : index
    %get3A_3 = arith.constant 0 : index
    %get3A_4 = vector.load %arg2[%get3A_2, %get3A_3] : memref<32x128xi32, #tpu.memory_space<vmem>>, vector<32x128xi32>
    %get3A_5 = arith.constant 0 : index
    %get3A_6 = arith.constant 0 : index
    %get3A_7 = vector.load %arg3[%get3A_5, %get3A_6] : memref<32x128xi32, #tpu.memory_space<vmem>>, vector<32x128xi32>
    %get3A_8 = arith.constant 0 : index
    %get3A_9 = arith.constant 0 : index
    %get3A_10 = vector.load %arg4[%get3A_8, %get3A_9] : memref<32x128xi32, #tpu.memory_space<vmem>>, vector<32x128xi32>
    %jit3A = arith.constant 0 : i32
    %jit3A_11 = arith.constant 31 : i32
    %max3A = vector.broadcast %jit3A : i32 to vector<32x128xi32>
    %max3A_12 = arith.maxsi %max3A, %get3A_10 : vector<32x128xi32>
    %min3A = vector.broadcast %jit3A_11 : i32 to vector<32x128xi32>
    %min3A_13 = arith.minsi %min3A, %max3A_12 : vector<32x128xi32>
    %ne3A = arith.constant 0 : i32
    %ne3A_14 = vector.broadcast %ne3A : i32 to vector<32x128xi32>
    %ne3A_15 = arith.cmpi ne, %get3A_7, %ne3A_14 : vector<32x128xi32>
    %jit3A_16 = arith.constant 3 : i32
    %broadcast_in_dim3A = vector.broadcast %jit3A_16 : i32 to vector<32x128xi32>
    %select_n3A = arith.select %ne3A_15, %get3A_1, %broadcast_in_dim3A : vector<32x128xi1>, vector<32x128xi32>
    %mul3A = arith.constant 4 : i32
    %mul3A_17 = vector.broadcast %mul3A : i32 to vector<32x128xi32>
    %mul3A_18 = arith.muli %mul3A_17, %get3A_4 : vector<32x128xi32>
    %add3A = arith.addi %select_n3A, %mul3A_18 : vector<32x128xi32>
    %broadcast_in_dim3A_19 = arith.constant 0 : i32
    %broadcast_in_dim3A_20 = vector.broadcast %broadcast_in_dim3A_19 : i32 to vector<32x128xi32>
    %eq3A = arith.constant 0 : i32
    %eq3A_21 = vector.broadcast %eq3A : i32 to vector<32x128xi32>
    %eq3A_22 = arith.cmpi eq, %min3A_13, %eq3A_21 : vector<32x128xi32>
    %slice3A = vector.extract_strided_slice %add3A {offsets = [0, 0], sizes = [1, 128], strides = [1, 1]} : vector<32x128xi32> to vector<1x128xi32>
    %broadcast_in_dim3A_23 = vector.shape_cast %slice3A : vector<1x128xi32> to vector<1x128xi32>
    %broadcast_in_dim3A_24 = vector.broadcast %broadcast_in_dim3A_23 : vector<1x128xi32> to vector<32x128xi32>
    %select_n3A_25 = arith.select %eq3A_22, %broadcast_in_dim3A_24, %broadcast_in_dim3A_20 : vector<32x128xi1>, vector<32x128xi32>
    %eq3A_26 = arith.constant 1 : i32
    %eq3A_27 = vector.broadcast %eq3A_26 : i32 to vector<32x128xi32>
    %eq3A_28 = arith.cmpi eq, %min3A_13, %eq3A_27 : vector<32x128xi32>
    %slice3A_29 = vector.extract_strided_slice %add3A {offsets = [1, 0], sizes = [1, 128], strides = [1, 1]} : vector<32x128xi32> to vector<1x128xi32>
    %broadcast_in_dim3A_30 = vector.shape_cast %slice3A_29 : vector<1x128xi32> to vector<1x128xi32>
    %broadcast_in_dim3A_31 = vector.broadcast %broadcast_in_dim3A_30 : vector<1x128xi32> to vector<32x128xi32>
    %select_n3A_32 = arith.select %eq3A_28, %broadcast_in_dim3A_31, %select_n3A_25 : vector<32x128xi1>, vector<32x128xi32>
    %eq3A_33 = arith.constant 2 : i32
    %eq3A_34 = vector.broadcast %eq3A_33 : i32 to vector<32x128xi32>
    %eq3A_35 = arith.cmpi eq, %min3A_13, %eq3A_34 : vector<32x128xi32>
    %slice3A_36 = vector.extract_strided_slice %add3A {offsets = [2, 0], sizes = [1, 128], strides = [1, 1]} : vector<32x128xi32> to vector<1x128xi32>
    %broadcast_in_dim3A_37 = vector.shape_cast %slice3A_36 : vector<1x128xi32> to vector<1x128xi32>
    %broadcast_in_dim3A_38 = vector.broadcast %broadcast_in_dim3A_37 : vector<1x128xi32> to vector<32x128xi32>
    %select_n3A_39 = arith.select %eq3A_35, %broadcast_in_dim3A_38, %select_n3A_32 : vector<32x128xi1>, vector<32x128xi32>
    %eq3A_40 = arith.constant 3 : i32
    %eq3A_41 = vector.broadcast %eq3A_40 : i32 to vector<32x128xi32>
    %eq3A_42 = arith.cmpi eq, %min3A_13, %eq3A_41 : vector<32x128xi32>
    %slice3A_43 = vector.extract_strided_slice %add3A {offsets = [3, 0], sizes = [1, 128], strides = [1, 1]} : vector<32x128xi32> to vector<1x128xi32>
    %broadcast_in_dim3A_44 = vector.shape_cast %slice3A_43 : vector<1x128xi32> to vector<1x128xi32>
    %broadcast_in_dim3A_45 = vector.broadcast %broadcast_in_dim3A_44 : vector<1x128xi32> to vector<32x128xi32>
    %select_n3A_46 = arith.select %eq3A_42, %broadcast_in_dim3A_45, %select_n3A_39 : vector<32x128xi1>, vector<32x128xi32>
    %eq3A_47 = arith.constant 4 : i32
    %eq3A_48 = vector.broadcast %eq3A_47 : i32 to vector<32x128xi32>
    %eq3A_49 = arith.cmpi eq, %min3A_13, %eq3A_48 : vector<32x128xi32>
    %slice3A_50 = vector.extract_strided_slice %add3A {offsets = [4, 0], sizes = [1, 128], strides = [1, 1]} : vector<32x128xi32> to vector<1x128xi32>
    %broadcast_in_dim3A_51 = vector.shape_cast %slice3A_50 : vector<1x128xi32> to vector<1x128xi32>
    %broadcast_in_dim3A_52 = vector.broadcast %broadcast_in_dim3A_51 : vector<1x128xi32> to vector<32x128xi32>
    %select_n3A_53 = arith.select %eq3A_49, %broadcast_in_dim3A_52, %select_n3A_46 : vector<32x128xi1>, vector<32x128xi32>
    %eq3A_54 = arith.constant 5 : i32
    %eq3A_55 = vector.broadcast %eq3A_54 : i32 to vector<32x128xi32>
    %eq3A_56 = arith.cmpi eq, %min3A_13, %eq3A_55 : vector<32x128xi32>
    %slice3A_57 = vector.extract_strided_slice %add3A {offsets = [5, 0], sizes = [1, 128], strides = [1, 1]} : vector<32x128xi32> to vector<1x128xi32>
    %broadcast_in_dim3A_58 = vector.shape_cast %slice3A_57 : vector<1x128xi32> to vector<1x128xi32>
    %broadcast_in_dim3A_59 = vector.broadcast %broadcast_in_dim3A_58 : vector<1x128xi32> to vector<32x128xi32>
    %select_n3A_60 = arith.select %eq3A_56, %broadcast_in_dim3A_59, %select_n3A_53 : vector<32x128xi1>, vector<32x128xi32>
    %eq3A_61 = arith.constant 6 : i32
    %eq3A_62 = vector.broadcast %eq3A_61 : i32 to vector<32x128xi32>
    %eq3A_63 = arith.cmpi eq, %min3A_13, %eq3A_62 : vector<32x128xi32>
    %slice3A_64 = vector.extract_strided_slice %add3A {offsets = [6, 0], sizes = [1, 128], strides = [1, 1]} : vector<32x128xi32> to vector<1x128xi32>
    %broadcast_in_dim3A_65 = vector.shape_cast %slice3A_64 : vector<1x128xi32> to vector<1x128xi32>
    %broadcast_in_dim3A_66 = vector.broadcast %broadcast_in_dim3A_65 : vector<1x128xi32> to vector<32x128xi32>
    %select_n3A_67 = arith.select %eq3A_63, %broadcast_in_dim3A_66, %select_n3A_60 : vector<32x128xi1>, vector<32x128xi32>
    %eq3A_68 = arith.constant 7 : i32
    %eq3A_69 = vector.broadcast %eq3A_68 : i32 to vector<32x128xi32>
    %eq3A_70 = arith.cmpi eq, %min3A_13, %eq3A_69 : vector<32x128xi32>
    %slice3A_71 = vector.extract_strided_slice %add3A {offsets = [7, 0], sizes = [1, 128], strides = [1, 1]} : vector<32x128xi32> to vector<1x128xi32>
    %broadcast_in_dim3A_72 = vector.shape_cast %slice3A_71 : vector<1x128xi32> to vector<1x128xi32>
    %broadcast_in_dim3A_73 = vector.broadcast %broadcast_in_dim3A_72 : vector<1x128xi32> to vector<32x128xi32>
    %select_n3A_74 = arith.select %eq3A_70, %broadcast_in_dim3A_73, %select_n3A_67 : vector<32x128xi1>, vector<32x128xi32>
    %eq3A_75 = arith.constant 8 : i32
    %eq3A_76 = vector.broadcast %eq3A_75 : i32 to vector<32x128xi32>
    %eq3A_77 = arith.cmpi eq, %min3A_13, %eq3A_76 : vector<32x128xi32>
    %slice3A_78 = vector.extract_strided_slice %add3A {offsets = [8, 0], sizes = [1, 128], strides = [1, 1]} : vector<32x128xi32> to vector<1x128xi32>
    %broadcast_in_dim3A_79 = vector.shape_cast %slice3A_78 : vector<1x128xi32> to vector<1x128xi32>
    %broadcast_in_dim3A_80 = vector.broadcast %broadcast_in_dim3A_79 : vector<1x128xi32> to vector<32x128xi32>
    %select_n3A_81 = arith.select %eq3A_77, %broadcast_in_dim3A_80, %select_n3A_74 : vector<32x128xi1>, vector<32x128xi32>
    %eq3A_82 = arith.constant 9 : i32
    %eq3A_83 = vector.broadcast %eq3A_82 : i32 to vector<32x128xi32>
    %eq3A_84 = arith.cmpi eq, %min3A_13, %eq3A_83 : vector<32x128xi32>
    %slice3A_85 = vector.extract_strided_slice %add3A {offsets = [9, 0], sizes = [1, 128], strides = [1, 1]} : vector<32x128xi32> to vector<1x128xi32>
    %broadcast_in_dim3A_86 = vector.shape_cast %slice3A_85 : vector<1x128xi32> to vector<1x128xi32>
    %broadcast_in_dim3A_87 = vector.broadcast %broadcast_in_dim3A_86 : vector<1x128xi32> to vector<32x128xi32>
    %select_n3A_88 = arith.select %eq3A_84, %broadcast_in_dim3A_87, %select_n3A_81 : vector<32x128xi1>, vector<32x128xi32>
    %eq3A_89 = arith.constant 10 : i32
    %eq3A_90 = vector.broadcast %eq3A_89 : i32 to vector<32x128xi32>
    %eq3A_91 = arith.cmpi eq, %min3A_13, %eq3A_90 : vector<32x128xi32>
    %slice3A_92 = vector.extract_strided_slice %add3A {offsets = [10, 0], sizes = [1, 128], strides = [1, 1]} : vector<32x128xi32> to vector<1x128xi32>
    %broadcast_in_dim3A_93 = vector.shape_cast %slice3A_92 : vector<1x128xi32> to vector<1x128xi32>
    %broadcast_in_dim3A_94 = vector.broadcast %broadcast_in_dim3A_93 : vector<1x128xi32> to vector<32x128xi32>
    %select_n3A_95 = arith.select %eq3A_91, %broadcast_in_dim3A_94, %select_n3A_88 : vector<32x128xi1>, vector<32x128xi32>
    %eq3A_96 = arith.constant 11 : i32
    %eq3A_97 = vector.broadcast %eq3A_96 : i32 to vector<32x128xi32>
    %eq3A_98 = arith.cmpi eq, %min3A_13, %eq3A_97 : vector<32x128xi32>
    %slice3A_99 = vector.extract_strided_slice %add3A {offsets = [11, 0], sizes = [1, 128], strides = [1, 1]} : vector<32x128xi32> to vector<1x128xi32>
    %broadcast_in_dim3A_100 = vector.shape_cast %slice3A_99 : vector<1x128xi32> to vector<1x128xi32>
    %broadcast_in_dim3A_101 = vector.broadcast %broadcast_in_dim3A_100 : vector<1x128xi32> to vector<32x128xi32>
    %select_n3A_102 = arith.select %eq3A_98, %broadcast_in_dim3A_101, %select_n3A_95 : vector<32x128xi1>, vector<32x128xi32>
    %eq3A_103 = arith.constant 12 : i32
    %eq3A_104 = vector.broadcast %eq3A_103 : i32 to vector<32x128xi32>
    %eq3A_105 = arith.cmpi eq, %min3A_13, %eq3A_104 : vector<32x128xi32>
    %slice3A_106 = vector.extract_strided_slice %add3A {offsets = [12, 0], sizes = [1, 128], strides = [1, 1]} : vector<32x128xi32> to vector<1x128xi32>
    %broadcast_in_dim3A_107 = vector.shape_cast %slice3A_106 : vector<1x128xi32> to vector<1x128xi32>
    %broadcast_in_dim3A_108 = vector.broadcast %broadcast_in_dim3A_107 : vector<1x128xi32> to vector<32x128xi32>
    %select_n3A_109 = arith.select %eq3A_105, %broadcast_in_dim3A_108, %select_n3A_102 : vector<32x128xi1>, vector<32x128xi32>
    %eq3A_110 = arith.constant 13 : i32
    %eq3A_111 = vector.broadcast %eq3A_110 : i32 to vector<32x128xi32>
    %eq3A_112 = arith.cmpi eq, %min3A_13, %eq3A_111 : vector<32x128xi32>
    %slice3A_113 = vector.extract_strided_slice %add3A {offsets = [13, 0], sizes = [1, 128], strides = [1, 1]} : vector<32x128xi32> to vector<1x128xi32>
    %broadcast_in_dim3A_114 = vector.shape_cast %slice3A_113 : vector<1x128xi32> to vector<1x128xi32>
    %broadcast_in_dim3A_115 = vector.broadcast %broadcast_in_dim3A_114 : vector<1x128xi32> to vector<32x128xi32>
    %select_n3A_116 = arith.select %eq3A_112, %broadcast_in_dim3A_115, %select_n3A_109 : vector<32x128xi1>, vector<32x128xi32>
    %eq3A_117 = arith.constant 14 : i32
    %eq3A_118 = vector.broadcast %eq3A_117 : i32 to vector<32x128xi32>
    %eq3A_119 = arith.cmpi eq, %min3A_13, %eq3A_118 : vector<32x128xi32>
    %slice3A_120 = vector.extract_strided_slice %add3A {offsets = [14, 0], sizes = [1, 128], strides = [1, 1]} : vector<32x128xi32> to vector<1x128xi32>
    %broadcast_in_dim3A_121 = vector.shape_cast %slice3A_120 : vector<1x128xi32> to vector<1x128xi32>
    %broadcast_in_dim3A_122 = vector.broadcast %broadcast_in_dim3A_121 : vector<1x128xi32> to vector<32x128xi32>
    %select_n3A_123 = arith.select %eq3A_119, %broadcast_in_dim3A_122, %select_n3A_116 : vector<32x128xi1>, vector<32x128xi32>
    %eq3A_124 = arith.constant 15 : i32
    %eq3A_125 = vector.broadcast %eq3A_124 : i32 to vector<32x128xi32>
    %eq3A_126 = arith.cmpi eq, %min3A_13, %eq3A_125 : vector<32x128xi32>
    %slice3A_127 = vector.extract_strided_slice %add3A {offsets = [15, 0], sizes = [1, 128], strides = [1, 1]} : vector<32x128xi32> to vector<1x128xi32>
    %broadcast_in_dim3A_128 = vector.shape_cast %slice3A_127 : vector<1x128xi32> to vector<1x128xi32>
    %broadcast_in_dim3A_129 = vector.broadcast %broadcast_in_dim3A_128 : vector<1x128xi32> to vector<32x128xi32>
    %select_n3A_130 = arith.select %eq3A_126, %broadcast_in_dim3A_129, %select_n3A_123 : vector<32x128xi1>, vector<32x128xi32>
    %eq3A_131 = arith.constant 16 : i32
    %eq3A_132 = vector.broadcast %eq3A_131 : i32 to vector<32x128xi32>
    %eq3A_133 = arith.cmpi eq, %min3A_13, %eq3A_132 : vector<32x128xi32>
    %slice3A_134 = vector.extract_strided_slice %add3A {offsets = [16, 0], sizes = [1, 128], strides = [1, 1]} : vector<32x128xi32> to vector<1x128xi32>
    %broadcast_in_dim3A_135 = vector.shape_cast %slice3A_134 : vector<1x128xi32> to vector<1x128xi32>
    %broadcast_in_dim3A_136 = vector.broadcast %broadcast_in_dim3A_135 : vector<1x128xi32> to vector<32x128xi32>
    %select_n3A_137 = arith.select %eq3A_133, %broadcast_in_dim3A_136, %select_n3A_130 : vector<32x128xi1>, vector<32x128xi32>
    %eq3A_138 = arith.constant 17 : i32
    %eq3A_139 = vector.broadcast %eq3A_138 : i32 to vector<32x128xi32>
    %eq3A_140 = arith.cmpi eq, %min3A_13, %eq3A_139 : vector<32x128xi32>
    %slice3A_141 = vector.extract_strided_slice %add3A {offsets = [17, 0], sizes = [1, 128], strides = [1, 1]} : vector<32x128xi32> to vector<1x128xi32>
    %broadcast_in_dim3A_142 = vector.shape_cast %slice3A_141 : vector<1x128xi32> to vector<1x128xi32>
    %broadcast_in_dim3A_143 = vector.broadcast %broadcast_in_dim3A_142 : vector<1x128xi32> to vector<32x128xi32>
    %select_n3A_144 = arith.select %eq3A_140, %broadcast_in_dim3A_143, %select_n3A_137 : vector<32x128xi1>, vector<32x128xi32>
    %eq3A_145 = arith.constant 18 : i32
    %eq3A_146 = vector.broadcast %eq3A_145 : i32 to vector<32x128xi32>
    %eq3A_147 = arith.cmpi eq, %min3A_13, %eq3A_146 : vector<32x128xi32>
    %slice3A_148 = vector.extract_strided_slice %add3A {offsets = [18, 0], sizes = [1, 128], strides = [1, 1]} : vector<32x128xi32> to vector<1x128xi32>
    %broadcast_in_dim3A_149 = vector.shape_cast %slice3A_148 : vector<1x128xi32> to vector<1x128xi32>
    %broadcast_in_dim3A_150 = vector.broadcast %broadcast_in_dim3A_149 : vector<1x128xi32> to vector<32x128xi32>
    %select_n3A_151 = arith.select %eq3A_147, %broadcast_in_dim3A_150, %select_n3A_144 : vector<32x128xi1>, vector<32x128xi32>
    %eq3A_152 = arith.constant 19 : i32
    %eq3A_153 = vector.broadcast %eq3A_152 : i32 to vector<32x128xi32>
    %eq3A_154 = arith.cmpi eq, %min3A_13, %eq3A_153 : vector<32x128xi32>
    %slice3A_155 = vector.extract_strided_slice %add3A {offsets = [19, 0], sizes = [1, 128], strides = [1, 1]} : vector<32x128xi32> to vector<1x128xi32>
    %broadcast_in_dim3A_156 = vector.shape_cast %slice3A_155 : vector<1x128xi32> to vector<1x128xi32>
    %broadcast_in_dim3A_157 = vector.broadcast %broadcast_in_dim3A_156 : vector<1x128xi32> to vector<32x128xi32>
    %select_n3A_158 = arith.select %eq3A_154, %broadcast_in_dim3A_157, %select_n3A_151 : vector<32x128xi1>, vector<32x128xi32>
    %eq3A_159 = arith.constant 20 : i32
    %eq3A_160 = vector.broadcast %eq3A_159 : i32 to vector<32x128xi32>
    %eq3A_161 = arith.cmpi eq, %min3A_13, %eq3A_160 : vector<32x128xi32>
    %slice3A_162 = vector.extract_strided_slice %add3A {offsets = [20, 0], sizes = [1, 128], strides = [1, 1]} : vector<32x128xi32> to vector<1x128xi32>
    %broadcast_in_dim3A_163 = vector.shape_cast %slice3A_162 : vector<1x128xi32> to vector<1x128xi32>
    %broadcast_in_dim3A_164 = vector.broadcast %broadcast_in_dim3A_163 : vector<1x128xi32> to vector<32x128xi32>
    %select_n3A_165 = arith.select %eq3A_161, %broadcast_in_dim3A_164, %select_n3A_158 : vector<32x128xi1>, vector<32x128xi32>
    %eq3A_166 = arith.constant 21 : i32
    %eq3A_167 = vector.broadcast %eq3A_166 : i32 to vector<32x128xi32>
    %eq3A_168 = arith.cmpi eq, %min3A_13, %eq3A_167 : vector<32x128xi32>
    %slice3A_169 = vector.extract_strided_slice %add3A {offsets = [21, 0], sizes = [1, 128], strides = [1, 1]} : vector<32x128xi32> to vector<1x128xi32>
    %broadcast_in_dim3A_170 = vector.shape_cast %slice3A_169 : vector<1x128xi32> to vector<1x128xi32>
    %broadcast_in_dim3A_171 = vector.broadcast %broadcast_in_dim3A_170 : vector<1x128xi32> to vector<32x128xi32>
    %select_n3A_172 = arith.select %eq3A_168, %broadcast_in_dim3A_171, %select_n3A_165 : vector<32x128xi1>, vector<32x128xi32>
    %eq3A_173 = arith.constant 22 : i32
    %eq3A_174 = vector.broadcast %eq3A_173 : i32 to vector<32x128xi32>
    %eq3A_175 = arith.cmpi eq, %min3A_13, %eq3A_174 : vector<32x128xi32>
    %slice3A_176 = vector.extract_strided_slice %add3A {offsets = [22, 0], sizes = [1, 128], strides = [1, 1]} : vector<32x128xi32> to vector<1x128xi32>
    %broadcast_in_dim3A_177 = vector.shape_cast %slice3A_176 : vector<1x128xi32> to vector<1x128xi32>
    %broadcast_in_dim3A_178 = vector.broadcast %broadcast_in_dim3A_177 : vector<1x128xi32> to vector<32x128xi32>
    %select_n3A_179 = arith.select %eq3A_175, %broadcast_in_dim3A_178, %select_n3A_172 : vector<32x128xi1>, vector<32x128xi32>
    %eq3A_180 = arith.constant 23 : i32
    %eq3A_181 = vector.broadcast %eq3A_180 : i32 to vector<32x128xi32>
    %eq3A_182 = arith.cmpi eq, %min3A_13, %eq3A_181 : vector<32x128xi32>
    %slice3A_183 = vector.extract_strided_slice %add3A {offsets = [23, 0], sizes = [1, 128], strides = [1, 1]} : vector<32x128xi32> to vector<1x128xi32>
    %broadcast_in_dim3A_184 = vector.shape_cast %slice3A_183 : vector<1x128xi32> to vector<1x128xi32>
    %broadcast_in_dim3A_185 = vector.broadcast %broadcast_in_dim3A_184 : vector<1x128xi32> to vector<32x128xi32>
    %select_n3A_186 = arith.select %eq3A_182, %broadcast_in_dim3A_185, %select_n3A_179 : vector<32x128xi1>, vector<32x128xi32>
    %eq3A_187 = arith.constant 24 : i32
    %eq3A_188 = vector.broadcast %eq3A_187 : i32 to vector<32x128xi32>
    %eq3A_189 = arith.cmpi eq, %min3A_13, %eq3A_188 : vector<32x128xi32>
    %slice3A_190 = vector.extract_strided_slice %add3A {offsets = [24, 0], sizes = [1, 128], strides = [1, 1]} : vector<32x128xi32> to vector<1x128xi32>
    %broadcast_in_dim3A_191 = vector.shape_cast %slice3A_190 : vector<1x128xi32> to vector<1x128xi32>
    %broadcast_in_dim3A_192 = vector.broadcast %broadcast_in_dim3A_191 : vector<1x128xi32> to vector<32x128xi32>
    %select_n3A_193 = arith.select %eq3A_189, %broadcast_in_dim3A_192, %select_n3A_186 : vector<32x128xi1>, vector<32x128xi32>
    %eq3A_194 = arith.constant 25 : i32
    %eq3A_195 = vector.broadcast %eq3A_194 : i32 to vector<32x128xi32>
    %eq3A_196 = arith.cmpi eq, %min3A_13, %eq3A_195 : vector<32x128xi32>
    %slice3A_197 = vector.extract_strided_slice %add3A {offsets = [25, 0], sizes = [1, 128], strides = [1, 1]} : vector<32x128xi32> to vector<1x128xi32>
    %broadcast_in_dim3A_198 = vector.shape_cast %slice3A_197 : vector<1x128xi32> to vector<1x128xi32>
    %broadcast_in_dim3A_199 = vector.broadcast %broadcast_in_dim3A_198 : vector<1x128xi32> to vector<32x128xi32>
    %select_n3A_200 = arith.select %eq3A_196, %broadcast_in_dim3A_199, %select_n3A_193 : vector<32x128xi1>, vector<32x128xi32>
    %eq3A_201 = arith.constant 26 : i32
    %eq3A_202 = vector.broadcast %eq3A_201 : i32 to vector<32x128xi32>
    %eq3A_203 = arith.cmpi eq, %min3A_13, %eq3A_202 : vector<32x128xi32>
    %slice3A_204 = vector.extract_strided_slice %add3A {offsets = [26, 0], sizes = [1, 128], strides = [1, 1]} : vector<32x128xi32> to vector<1x128xi32>
    %broadcast_in_dim3A_205 = vector.shape_cast %slice3A_204 : vector<1x128xi32> to vector<1x128xi32>
    %broadcast_in_dim3A_206 = vector.broadcast %broadcast_in_dim3A_205 : vector<1x128xi32> to vector<32x128xi32>
    %select_n3A_207 = arith.select %eq3A_203, %broadcast_in_dim3A_206, %select_n3A_200 : vector<32x128xi1>, vector<32x128xi32>
    %eq3A_208 = arith.constant 27 : i32
    %eq3A_209 = vector.broadcast %eq3A_208 : i32 to vector<32x128xi32>
    %eq3A_210 = arith.cmpi eq, %min3A_13, %eq3A_209 : vector<32x128xi32>
    %slice3A_211 = vector.extract_strided_slice %add3A {offsets = [27, 0], sizes = [1, 128], strides = [1, 1]} : vector<32x128xi32> to vector<1x128xi32>
    %broadcast_in_dim3A_212 = vector.shape_cast %slice3A_211 : vector<1x128xi32> to vector<1x128xi32>
    %broadcast_in_dim3A_213 = vector.broadcast %broadcast_in_dim3A_212 : vector<1x128xi32> to vector<32x128xi32>
    %select_n3A_214 = arith.select %eq3A_210, %broadcast_in_dim3A_213, %select_n3A_207 : vector<32x128xi1>, vector<32x128xi32>
    %eq3A_215 = arith.constant 28 : i32
    %eq3A_216 = vector.broadcast %eq3A_215 : i32 to vector<32x128xi32>
    %eq3A_217 = arith.cmpi eq, %min3A_13, %eq3A_216 : vector<32x128xi32>
    %slice3A_218 = vector.extract_strided_slice %add3A {offsets = [28, 0], sizes = [1, 128], strides = [1, 1]} : vector<32x128xi32> to vector<1x128xi32>
    %broadcast_in_dim3A_219 = vector.shape_cast %slice3A_218 : vector<1x128xi32> to vector<1x128xi32>
    %broadcast_in_dim3A_220 = vector.broadcast %broadcast_in_dim3A_219 : vector<1x128xi32> to vector<32x128xi32>
    %select_n3A_221 = arith.select %eq3A_217, %broadcast_in_dim3A_220, %select_n3A_214 : vector<32x128xi1>, vector<32x128xi32>
    %eq3A_222 = arith.constant 29 : i32
    %eq3A_223 = vector.broadcast %eq3A_222 : i32 to vector<32x128xi32>
    %eq3A_224 = arith.cmpi eq, %min3A_13, %eq3A_223 : vector<32x128xi32>
    %slice3A_225 = vector.extract_strided_slice %add3A {offsets = [29, 0], sizes = [1, 128], strides = [1, 1]} : vector<32x128xi32> to vector<1x128xi32>
    %broadcast_in_dim3A_226 = vector.shape_cast %slice3A_225 : vector<1x128xi32> to vector<1x128xi32>
    %broadcast_in_dim3A_227 = vector.broadcast %broadcast_in_dim3A_226 : vector<1x128xi32> to vector<32x128xi32>
    %select_n3A_228 = arith.select %eq3A_224, %broadcast_in_dim3A_227, %select_n3A_221 : vector<32x128xi1>, vector<32x128xi32>
    %eq3A_229 = arith.constant 30 : i32
    %eq3A_230 = vector.broadcast %eq3A_229 : i32 to vector<32x128xi32>
    %eq3A_231 = arith.cmpi eq, %min3A_13, %eq3A_230 : vector<32x128xi32>
    %slice3A_232 = vector.extract_strided_slice %add3A {offsets = [30, 0], sizes = [1, 128], strides = [1, 1]} : vector<32x128xi32> to vector<1x128xi32>
    %broadcast_in_dim3A_233 = vector.shape_cast %slice3A_232 : vector<1x128xi32> to vector<1x128xi32>
    %broadcast_in_dim3A_234 = vector.broadcast %broadcast_in_dim3A_233 : vector<1x128xi32> to vector<32x128xi32>
    %select_n3A_235 = arith.select %eq3A_231, %broadcast_in_dim3A_234, %select_n3A_228 : vector<32x128xi1>, vector<32x128xi32>
    %eq3A_236 = arith.constant 31 : i32
    %eq3A_237 = vector.broadcast %eq3A_236 : i32 to vector<32x128xi32>
    %eq3A_238 = arith.cmpi eq, %min3A_13, %eq3A_237 : vector<32x128xi32>
    %slice3A_239 = vector.extract_strided_slice %add3A {offsets = [31, 0], sizes = [1, 128], strides = [1, 1]} : vector<32x128xi32> to vector<1x128xi32>
    %broadcast_in_dim3A_240 = vector.shape_cast %slice3A_239 : vector<1x128xi32> to vector<1x128xi32>
    %broadcast_in_dim3A_241 = vector.broadcast %broadcast_in_dim3A_240 : vector<1x128xi32> to vector<32x128xi32>
    %select_n3A_242 = arith.select %eq3A_238, %broadcast_in_dim3A_241, %select_n3A_235 : vector<32x128xi1>, vector<32x128xi32>
    %eq3A_243 = arith.constant 0 : i32
    %eq3A_244 = vector.broadcast %eq3A_243 : i32 to vector<32x128xi32>
    %eq3A_245 = arith.cmpi eq, %select_n3A, %eq3A_244 : vector<32x128xi32>
    %add3A_246 = arith.constant 1 : i32
    %add3A_247 = vector.broadcast %add3A_246 : i32 to vector<32x128xi32>
    %add3A_248 = arith.addi %get3A_4, %add3A_247 : vector<32x128xi32>
    %shift_right_arithmetic3A = arith.constant 2 : i32
    %shift_right_arithmetic3A_249 = vector.broadcast %shift_right_arithmetic3A : i32 to vector<32x128xi32>
    %shift_right_arithmetic3A_250 = arith.shrsi %select_n3A_242, %shift_right_arithmetic3A_249 : vector<32x128xi32>
    %add3A_251 = arith.constant 1 : i32
    %add3A_252 = vector.broadcast %add3A_251 : i32 to vector<32x128xi32>
    %add3A_253 = arith.addi %shift_right_arithmetic3A_250, %add3A_252 : vector<32x128xi32>
    %select_n3A_254 = arith.select %eq3A_245, %add3A_248, %add3A_253 : vector<32x128xi1>, vector<32x128xi32>
    %eq3A_255 = arith.constant 0 : i32
    %eq3A_256 = vector.broadcast %eq3A_255 : i32 to vector<32x128xi32>
    %eq3A_257 = arith.cmpi eq, %select_n3A, %eq3A_256 : vector<32x128xi32>
    %eq3A_258 = arith.constant 1 : i32
    %eq3A_259 = vector.broadcast %eq3A_258 : i32 to vector<32x128xi32>
    %eq3A_260 = arith.cmpi eq, %select_n3A, %eq3A_259 : vector<32x128xi32>
    %and3A = arith.constant 3 : i32
    %and3A_261 = vector.broadcast %and3A : i32 to vector<32x128xi32>
    %and3A_262 = arith.andi %select_n3A_242, %and3A_261 : vector<32x128xi32>
    %eq3A_263 = arith.constant 0 : i32
    %eq3A_264 = vector.broadcast %eq3A_263 : i32 to vector<32x128xi32>
    %eq3A_265 = arith.cmpi eq, %and3A_262, %eq3A_264 : vector<32x128xi32>
    %and3A_266 = arith.andi %eq3A_260, %eq3A_265 : vector<32x128xi1>
    %add3A_267 = arith.constant 2 : i32
    %add3A_268 = vector.broadcast %add3A_267 : i32 to vector<32x128xi32>
    %add3A_269 = arith.addi %get3A_4, %add3A_268 : vector<32x128xi32>
    %jit3A_270 = arith.constant 0 : i32
    %broadcast_in_dim3A_271 = vector.broadcast %jit3A_270 : i32 to vector<32x128xi32>
    %select_n3A_272 = arith.select %and3A_266, %add3A_269, %broadcast_in_dim3A_271 : vector<32x128xi1>, vector<32x128xi32>
    %jit3A_273 = arith.constant 1 : i32
    %broadcast_in_dim3A_274 = vector.broadcast %jit3A_273 : i32 to vector<32x128xi32>
    %select_n3A_275 = arith.select %eq3A_257, %broadcast_in_dim3A_274, %select_n3A_272 : vector<32x128xi1>, vector<32x128xi32>
    %mul3A_276 = arith.constant 8 : i32
    %mul3A_277 = vector.broadcast %mul3A_276 : i32 to vector<32x128xi32>
    %mul3A_278 = arith.muli %mul3A_277, %select_n3A_275 : vector<32x128xi32>
    %add3A_279 = arith.addi %select_n3A_254, %mul3A_278 : vector<32x128xi32>
    %get3A_280 = arith.constant 0 : index
    %get3A_281 = arith.constant 0 : index
    %get3A_282 = arith.constant 0 : index
    %get3A_283 = vector.load %arg6[%get3A_280, %get3A_281, %get3A_282] : memref<1x4x128xi32, #tpu.memory_space<vmem>>, vector<1x4x128xi32>
    %get3A_284 = vector.shape_cast %get3A_283 : vector<1x4x128xi32> to vector<4x128xi32>
    %get3A_285 = arith.constant 0 : index
    %get3A_286 = arith.constant 0 : index
    %get3A_287 = arith.constant 0 : index
    %get3A_288 = vector.load %arg7[%get3A_285, %get3A_286, %get3A_287] : memref<1x4x128xi32, #tpu.memory_space<vmem>>, vector<1x4x128xi32>
    %get3A_289 = vector.shape_cast %get3A_288 : vector<1x4x128xi32> to vector<4x128xi32>
    %get3A_290 = arith.constant 0 : index
    %get3A_291 = arith.constant 0 : index
    %get3A_292 = arith.constant 0 : index
    %get3A_293 = vector.load %arg8[%get3A_290, %get3A_291, %get3A_292] : memref<1x4x128xi32, #tpu.memory_space<vmem>>, vector<1x4x128xi32>
    %get3A_294 = vector.shape_cast %get3A_293 : vector<1x4x128xi32> to vector<4x128xi32>
    %get3A_295 = arith.constant 0 : index
    %get3A_296 = arith.constant 0 : index
    %get3A_297 = arith.constant 0 : index
    %get3A_298 = vector.load %arg9[%get3A_295, %get3A_296, %get3A_297] : memref<1x4x128xi32, #tpu.memory_space<vmem>>, vector<1x4x128xi32>
    %get3A_299 = vector.shape_cast %get3A_298 : vector<1x4x128xi32> to vector<4x128xi32>
    %jit3A_300 = arith.constant 0 : i32
    %jit3A_301 = arith.constant 31 : i32
    %max3A_302 = vector.broadcast %jit3A_300 : i32 to vector<4x128xi32>
    %max3A_303 = arith.maxsi %max3A_302, %get3A_299 : vector<4x128xi32>
    %min3A_304 = vector.broadcast %jit3A_301 : i32 to vector<4x128xi32>
    %min3A_305 = arith.minsi %min3A_304, %max3A_303 : vector<4x128xi32>
    %get3A_306 = arith.constant 0 : index
    %get3A_307 = arith.constant 0 : index
    %get3A_308 = arith.constant 0 : index
    %get3A_309 = vector.load %arg10[%get3A_306, %get3A_307, %get3A_308] : memref<1x4x128xi32, #tpu.memory_space<vmem>>, vector<1x4x128xi32>
    %get3A_310 = vector.shape_cast %get3A_309 : vector<1x4x128xi32> to vector<4x128xi32>
    %jit3A_311 = arith.constant 0 : i32
    %jit3A_312 = arith.constant 31 : i32
    %max3A_313 = vector.broadcast %jit3A_311 : i32 to vector<4x128xi32>
    %max3A_314 = arith.maxsi %max3A_313, %get3A_310 : vector<4x128xi32>
    %min3A_315 = vector.broadcast %jit3A_312 : i32 to vector<4x128xi32>
    %min3A_316 = arith.minsi %min3A_315, %max3A_314 : vector<4x128xi32>
    %ne3A_317 = arith.constant 0 : i32
    %ne3A_318 = vector.broadcast %ne3A_317 : i32 to vector<4x128xi32>
    %ne3A_319 = arith.cmpi ne, %get3A_294, %ne3A_318 : vector<4x128xi32>
    %jit3A_320 = arith.constant 3 : i32
    %broadcast_in_dim3A_321 = vector.broadcast %jit3A_320 : i32 to vector<4x128xi32>
    %select_n3A_322 = arith.select %ne3A_319, %get3A_284, %broadcast_in_dim3A_321 : vector<4x128xi1>, vector<4x128xi32>
    %mul3A_323 = arith.constant 4 : i32
    %mul3A_324 = vector.broadcast %mul3A_323 : i32 to vector<32x128xi32>
    %mul3A_325 = arith.muli %mul3A_324, %get3A_4 : vector<32x128xi32>
    %add3A_326 = arith.addi %select_n3A, %mul3A_325 : vector<32x128xi32>
    %broadcast_in_dim3A_327 = arith.constant 0 : i32
    %broadcast_in_dim3A_328 = vector.broadcast %broadcast_in_dim3A_327 : i32 to vector<4x128xi32>
    %eq3A_329 = arith.constant 0 : i32
    %eq3A_330 = vector.broadcast %eq3A_329 : i32 to vector<4x128xi32>
    %eq3A_331 = arith.cmpi eq, %min3A_305, %eq3A_330 : vector<4x128xi32>
    %slice3A_332 = vector.extract_strided_slice %add3A_326 {offsets = [0, 0], sizes = [1, 128], strides = [1, 1]} : vector<32x128xi32> to vector<1x128xi32>
    %broadcast_in_dim3A_333 = vector.shape_cast %slice3A_332 : vector<1x128xi32> to vector<1x128xi32>
    %broadcast_in_dim3A_334 = vector.broadcast %broadcast_in_dim3A_333 : vector<1x128xi32> to vector<4x128xi32>
    %select_n3A_335 = arith.select %eq3A_331, %broadcast_in_dim3A_334, %broadcast_in_dim3A_328 : vector<4x128xi1>, vector<4x128xi32>
    %eq3A_336 = arith.constant 1 : i32
    %eq3A_337 = vector.broadcast %eq3A_336 : i32 to vector<4x128xi32>
    %eq3A_338 = arith.cmpi eq, %min3A_305, %eq3A_337 : vector<4x128xi32>
    %slice3A_339 = vector.extract_strided_slice %add3A_326 {offsets = [1, 0], sizes = [1, 128], strides = [1, 1]} : vector<32x128xi32> to vector<1x128xi32>
    %broadcast_in_dim3A_340 = vector.shape_cast %slice3A_339 : vector<1x128xi32> to vector<1x128xi32>
    %broadcast_in_dim3A_341 = vector.broadcast %broadcast_in_dim3A_340 : vector<1x128xi32> to vector<4x128xi32>
    %select_n3A_342 = arith.select %eq3A_338, %broadcast_in_dim3A_341, %select_n3A_335 : vector<4x128xi1>, vector<4x128xi32>
    %eq3A_343 = arith.constant 2 : i32
    %eq3A_344 = vector.broadcast %eq3A_343 : i32 to vector<4x128xi32>
    %eq3A_345 = arith.cmpi eq, %min3A_305, %eq3A_344 : vector<4x128xi32>
    %slice3A_346 = vector.extract_strided_slice %add3A_326 {offsets = [2, 0], sizes = [1, 128], strides = [1, 1]} : vector<32x128xi32> to vector<1x128xi32>
    %broadcast_in_dim3A_347 = vector.shape_cast %slice3A_346 : vector<1x128xi32> to vector<1x128xi32>
    %broadcast_in_dim3A_348 = vector.broadcast %broadcast_in_dim3A_347 : vector<1x128xi32> to vector<4x128xi32>
    %select_n3A_349 = arith.select %eq3A_345, %broadcast_in_dim3A_348, %select_n3A_342 : vector<4x128xi1>, vector<4x128xi32>
    %eq3A_350 = arith.constant 3 : i32
    %eq3A_351 = vector.broadcast %eq3A_350 : i32 to vector<4x128xi32>
    %eq3A_352 = arith.cmpi eq, %min3A_305, %eq3A_351 : vector<4x128xi32>
    %slice3A_353 = vector.extract_strided_slice %add3A_326 {offsets = [3, 0], sizes = [1, 128], strides = [1, 1]} : vector<32x128xi32> to vector<1x128xi32>
    %broadcast_in_dim3A_354 = vector.shape_cast %slice3A_353 : vector<1x128xi32> to vector<1x128xi32>
    %broadcast_in_dim3A_355 = vector.broadcast %broadcast_in_dim3A_354 : vector<1x128xi32> to vector<4x128xi32>
    %select_n3A_356 = arith.select %eq3A_352, %broadcast_in_dim3A_355, %select_n3A_349 : vector<4x128xi1>, vector<4x128xi32>
    %eq3A_357 = arith.constant 4 : i32
    %eq3A_358 = vector.broadcast %eq3A_357 : i32 to vector<4x128xi32>
    %eq3A_359 = arith.cmpi eq, %min3A_305, %eq3A_358 : vector<4x128xi32>
    %slice3A_360 = vector.extract_strided_slice %add3A_326 {offsets = [4, 0], sizes = [1, 128], strides = [1, 1]} : vector<32x128xi32> to vector<1x128xi32>
    %broadcast_in_dim3A_361 = vector.shape_cast %slice3A_360 : vector<1x128xi32> to vector<1x128xi32>
    %broadcast_in_dim3A_362 = vector.broadcast %broadcast_in_dim3A_361 : vector<1x128xi32> to vector<4x128xi32>
    %select_n3A_363 = arith.select %eq3A_359, %broadcast_in_dim3A_362, %select_n3A_356 : vector<4x128xi1>, vector<4x128xi32>
    %eq3A_364 = arith.constant 5 : i32
    %eq3A_365 = vector.broadcast %eq3A_364 : i32 to vector<4x128xi32>
    %eq3A_366 = arith.cmpi eq, %min3A_305, %eq3A_365 : vector<4x128xi32>
    %slice3A_367 = vector.extract_strided_slice %add3A_326 {offsets = [5, 0], sizes = [1, 128], strides = [1, 1]} : vector<32x128xi32> to vector<1x128xi32>
    %broadcast_in_dim3A_368 = vector.shape_cast %slice3A_367 : vector<1x128xi32> to vector<1x128xi32>
    %broadcast_in_dim3A_369 = vector.broadcast %broadcast_in_dim3A_368 : vector<1x128xi32> to vector<4x128xi32>
    %select_n3A_370 = arith.select %eq3A_366, %broadcast_in_dim3A_369, %select_n3A_363 : vector<4x128xi1>, vector<4x128xi32>
    %eq3A_371 = arith.constant 6 : i32
    %eq3A_372 = vector.broadcast %eq3A_371 : i32 to vector<4x128xi32>
    %eq3A_373 = arith.cmpi eq, %min3A_305, %eq3A_372 : vector<4x128xi32>
    %slice3A_374 = vector.extract_strided_slice %add3A_326 {offsets = [6, 0], sizes = [1, 128], strides = [1, 1]} : vector<32x128xi32> to vector<1x128xi32>
    %broadcast_in_dim3A_375 = vector.shape_cast %slice3A_374 : vector<1x128xi32> to vector<1x128xi32>
    %broadcast_in_dim3A_376 = vector.broadcast %broadcast_in_dim3A_375 : vector<1x128xi32> to vector<4x128xi32>
    %select_n3A_377 = arith.select %eq3A_373, %broadcast_in_dim3A_376, %select_n3A_370 : vector<4x128xi1>, vector<4x128xi32>
    %eq3A_378 = arith.constant 7 : i32
    %eq3A_379 = vector.broadcast %eq3A_378 : i32 to vector<4x128xi32>
    %eq3A_380 = arith.cmpi eq, %min3A_305, %eq3A_379 : vector<4x128xi32>
    %slice3A_381 = vector.extract_strided_slice %add3A_326 {offsets = [7, 0], sizes = [1, 128], strides = [1, 1]} : vector<32x128xi32> to vector<1x128xi32>
    %broadcast_in_dim3A_382 = vector.shape_cast %slice3A_381 : vector<1x128xi32> to vector<1x128xi32>
    %broadcast_in_dim3A_383 = vector.broadcast %broadcast_in_dim3A_382 : vector<1x128xi32> to vector<4x128xi32>
    %select_n3A_384 = arith.select %eq3A_380, %broadcast_in_dim3A_383, %select_n3A_377 : vector<4x128xi1>, vector<4x128xi32>
    %eq3A_385 = arith.constant 8 : i32
    %eq3A_386 = vector.broadcast %eq3A_385 : i32 to vector<4x128xi32>
    %eq3A_387 = arith.cmpi eq, %min3A_305, %eq3A_386 : vector<4x128xi32>
    %slice3A_388 = vector.extract_strided_slice %add3A_326 {offsets = [8, 0], sizes = [1, 128], strides = [1, 1]} : vector<32x128xi32> to vector<1x128xi32>
    %broadcast_in_dim3A_389 = vector.shape_cast %slice3A_388 : vector<1x128xi32> to vector<1x128xi32>
    %broadcast_in_dim3A_390 = vector.broadcast %broadcast_in_dim3A_389 : vector<1x128xi32> to vector<4x128xi32>
    %select_n3A_391 = arith.select %eq3A_387, %broadcast_in_dim3A_390, %select_n3A_384 : vector<4x128xi1>, vector<4x128xi32>
    %eq3A_392 = arith.constant 9 : i32
    %eq3A_393 = vector.broadcast %eq3A_392 : i32 to vector<4x128xi32>
    %eq3A_394 = arith.cmpi eq, %min3A_305, %eq3A_393 : vector<4x128xi32>
    %slice3A_395 = vector.extract_strided_slice %add3A_326 {offsets = [9, 0], sizes = [1, 128], strides = [1, 1]} : vector<32x128xi32> to vector<1x128xi32>
    %broadcast_in_dim3A_396 = vector.shape_cast %slice3A_395 : vector<1x128xi32> to vector<1x128xi32>
    %broadcast_in_dim3A_397 = vector.broadcast %broadcast_in_dim3A_396 : vector<1x128xi32> to vector<4x128xi32>
    %select_n3A_398 = arith.select %eq3A_394, %broadcast_in_dim3A_397, %select_n3A_391 : vector<4x128xi1>, vector<4x128xi32>
    %eq3A_399 = arith.constant 10 : i32
    %eq3A_400 = vector.broadcast %eq3A_399 : i32 to vector<4x128xi32>
    %eq3A_401 = arith.cmpi eq, %min3A_305, %eq3A_400 : vector<4x128xi32>
    %slice3A_402 = vector.extract_strided_slice %add3A_326 {offsets = [10, 0], sizes = [1, 128], strides = [1, 1]} : vector<32x128xi32> to vector<1x128xi32>
    %broadcast_in_dim3A_403 = vector.shape_cast %slice3A_402 : vector<1x128xi32> to vector<1x128xi32>
    %broadcast_in_dim3A_404 = vector.broadcast %broadcast_in_dim3A_403 : vector<1x128xi32> to vector<4x128xi32>
    %select_n3A_405 = arith.select %eq3A_401, %broadcast_in_dim3A_404, %select_n3A_398 : vector<4x128xi1>, vector<4x128xi32>
    %eq3A_406 = arith.constant 11 : i32
    %eq3A_407 = vector.broadcast %eq3A_406 : i32 to vector<4x128xi32>
    %eq3A_408 = arith.cmpi eq, %min3A_305, %eq3A_407 : vector<4x128xi32>
    %slice3A_409 = vector.extract_strided_slice %add3A_326 {offsets = [11, 0], sizes = [1, 128], strides = [1, 1]} : vector<32x128xi32> to vector<1x128xi32>
    %broadcast_in_dim3A_410 = vector.shape_cast %slice3A_409 : vector<1x128xi32> to vector<1x128xi32>
    %broadcast_in_dim3A_411 = vector.broadcast %broadcast_in_dim3A_410 : vector<1x128xi32> to vector<4x128xi32>
    %select_n3A_412 = arith.select %eq3A_408, %broadcast_in_dim3A_411, %select_n3A_405 : vector<4x128xi1>, vector<4x128xi32>
    %eq3A_413 = arith.constant 12 : i32
    %eq3A_414 = vector.broadcast %eq3A_413 : i32 to vector<4x128xi32>
    %eq3A_415 = arith.cmpi eq, %min3A_305, %eq3A_414 : vector<4x128xi32>
    %slice3A_416 = vector.extract_strided_slice %add3A_326 {offsets = [12, 0], sizes = [1, 128], strides = [1, 1]} : vector<32x128xi32> to vector<1x128xi32>
    %broadcast_in_dim3A_417 = vector.shape_cast %slice3A_416 : vector<1x128xi32> to vector<1x128xi32>
    %broadcast_in_dim3A_418 = vector.broadcast %broadcast_in_dim3A_417 : vector<1x128xi32> to vector<4x128xi32>
    %select_n3A_419 = arith.select %eq3A_415, %broadcast_in_dim3A_418, %select_n3A_412 : vector<4x128xi1>, vector<4x128xi32>
    %eq3A_420 = arith.constant 13 : i32
    %eq3A_421 = vector.broadcast %eq3A_420 : i32 to vector<4x128xi32>
    %eq3A_422 = arith.cmpi eq, %min3A_305, %eq3A_421 : vector<4x128xi32>
    %slice3A_423 = vector.extract_strided_slice %add3A_326 {offsets = [13, 0], sizes = [1, 128], strides = [1, 1]} : vector<32x128xi32> to vector<1x128xi32>
    %broadcast_in_dim3A_424 = vector.shape_cast %slice3A_423 : vector<1x128xi32> to vector<1x128xi32>
    %broadcast_in_dim3A_425 = vector.broadcast %broadcast_in_dim3A_424 : vector<1x128xi32> to vector<4x128xi32>
    %select_n3A_426 = arith.select %eq3A_422, %broadcast_in_dim3A_425, %select_n3A_419 : vector<4x128xi1>, vector<4x128xi32>
    %eq3A_427 = arith.constant 14 : i32
    %eq3A_428 = vector.broadcast %eq3A_427 : i32 to vector<4x128xi32>
    %eq3A_429 = arith.cmpi eq, %min3A_305, %eq3A_428 : vector<4x128xi32>
    %slice3A_430 = vector.extract_strided_slice %add3A_326 {offsets = [14, 0], sizes = [1, 128], strides = [1, 1]} : vector<32x128xi32> to vector<1x128xi32>
    %broadcast_in_dim3A_431 = vector.shape_cast %slice3A_430 : vector<1x128xi32> to vector<1x128xi32>
    %broadcast_in_dim3A_432 = vector.broadcast %broadcast_in_dim3A_431 : vector<1x128xi32> to vector<4x128xi32>
    %select_n3A_433 = arith.select %eq3A_429, %broadcast_in_dim3A_432, %select_n3A_426 : vector<4x128xi1>, vector<4x128xi32>
    %eq3A_434 = arith.constant 15 : i32
    %eq3A_435 = vector.broadcast %eq3A_434 : i32 to vector<4x128xi32>
    %eq3A_436 = arith.cmpi eq, %min3A_305, %eq3A_435 : vector<4x128xi32>
    %slice3A_437 = vector.extract_strided_slice %add3A_326 {offsets = [15, 0], sizes = [1, 128], strides = [1, 1]} : vector<32x128xi32> to vector<1x128xi32>
    %broadcast_in_dim3A_438 = vector.shape_cast %slice3A_437 : vector<1x128xi32> to vector<1x128xi32>
    %broadcast_in_dim3A_439 = vector.broadcast %broadcast_in_dim3A_438 : vector<1x128xi32> to vector<4x128xi32>
    %select_n3A_440 = arith.select %eq3A_436, %broadcast_in_dim3A_439, %select_n3A_433 : vector<4x128xi1>, vector<4x128xi32>
    %eq3A_441 = arith.constant 16 : i32
    %eq3A_442 = vector.broadcast %eq3A_441 : i32 to vector<4x128xi32>
    %eq3A_443 = arith.cmpi eq, %min3A_305, %eq3A_442 : vector<4x128xi32>
    %slice3A_444 = vector.extract_strided_slice %add3A_326 {offsets = [16, 0], sizes = [1, 128], strides = [1, 1]} : vector<32x128xi32> to vector<1x128xi32>
    %broadcast_in_dim3A_445 = vector.shape_cast %slice3A_444 : vector<1x128xi32> to vector<1x128xi32>
    %broadcast_in_dim3A_446 = vector.broadcast %broadcast_in_dim3A_445 : vector<1x128xi32> to vector<4x128xi32>
    %select_n3A_447 = arith.select %eq3A_443, %broadcast_in_dim3A_446, %select_n3A_440 : vector<4x128xi1>, vector<4x128xi32>
    %eq3A_448 = arith.constant 17 : i32
    %eq3A_449 = vector.broadcast %eq3A_448 : i32 to vector<4x128xi32>
    %eq3A_450 = arith.cmpi eq, %min3A_305, %eq3A_449 : vector<4x128xi32>
    %slice3A_451 = vector.extract_strided_slice %add3A_326 {offsets = [17, 0], sizes = [1, 128], strides = [1, 1]} : vector<32x128xi32> to vector<1x128xi32>
    %broadcast_in_dim3A_452 = vector.shape_cast %slice3A_451 : vector<1x128xi32> to vector<1x128xi32>
    %broadcast_in_dim3A_453 = vector.broadcast %broadcast_in_dim3A_452 : vector<1x128xi32> to vector<4x128xi32>
    %select_n3A_454 = arith.select %eq3A_450, %broadcast_in_dim3A_453, %select_n3A_447 : vector<4x128xi1>, vector<4x128xi32>
    %eq3A_455 = arith.constant 18 : i32
    %eq3A_456 = vector.broadcast %eq3A_455 : i32 to vector<4x128xi32>
    %eq3A_457 = arith.cmpi eq, %min3A_305, %eq3A_456 : vector<4x128xi32>
    %slice3A_458 = vector.extract_strided_slice %add3A_326 {offsets = [18, 0], sizes = [1, 128], strides = [1, 1]} : vector<32x128xi32> to vector<1x128xi32>
    %broadcast_in_dim3A_459 = vector.shape_cast %slice3A_458 : vector<1x128xi32> to vector<1x128xi32>
    %broadcast_in_dim3A_460 = vector.broadcast %broadcast_in_dim3A_459 : vector<1x128xi32> to vector<4x128xi32>
    %select_n3A_461 = arith.select %eq3A_457, %broadcast_in_dim3A_460, %select_n3A_454 : vector<4x128xi1>, vector<4x128xi32>
    %eq3A_462 = arith.constant 19 : i32
    %eq3A_463 = vector.broadcast %eq3A_462 : i32 to vector<4x128xi32>
    %eq3A_464 = arith.cmpi eq, %min3A_305, %eq3A_463 : vector<4x128xi32>
    %slice3A_465 = vector.extract_strided_slice %add3A_326 {offsets = [19, 0], sizes = [1, 128], strides = [1, 1]} : vector<32x128xi32> to vector<1x128xi32>
    %broadcast_in_dim3A_466 = vector.shape_cast %slice3A_465 : vector<1x128xi32> to vector<1x128xi32>
    %broadcast_in_dim3A_467 = vector.broadcast %broadcast_in_dim3A_466 : vector<1x128xi32> to vector<4x128xi32>
    %select_n3A_468 = arith.select %eq3A_464, %broadcast_in_dim3A_467, %select_n3A_461 : vector<4x128xi1>, vector<4x128xi32>
    %eq3A_469 = arith.constant 20 : i32
    %eq3A_470 = vector.broadcast %eq3A_469 : i32 to vector<4x128xi32>
    %eq3A_471 = arith.cmpi eq, %min3A_305, %eq3A_470 : vector<4x128xi32>
    %slice3A_472 = vector.extract_strided_slice %add3A_326 {offsets = [20, 0], sizes = [1, 128], strides = [1, 1]} : vector<32x128xi32> to vector<1x128xi32>
    %broadcast_in_dim3A_473 = vector.shape_cast %slice3A_472 : vector<1x128xi32> to vector<1x128xi32>
    %broadcast_in_dim3A_474 = vector.broadcast %broadcast_in_dim3A_473 : vector<1x128xi32> to vector<4x128xi32>
    %select_n3A_475 = arith.select %eq3A_471, %broadcast_in_dim3A_474, %select_n3A_468 : vector<4x128xi1>, vector<4x128xi32>
    %eq3A_476 = arith.constant 21 : i32
    %eq3A_477 = vector.broadcast %eq3A_476 : i32 to vector<4x128xi32>
    %eq3A_478 = arith.cmpi eq, %min3A_305, %eq3A_477 : vector<4x128xi32>
    %slice3A_479 = vector.extract_strided_slice %add3A_326 {offsets = [21, 0], sizes = [1, 128], strides = [1, 1]} : vector<32x128xi32> to vector<1x128xi32>
    %broadcast_in_dim3A_480 = vector.shape_cast %slice3A_479 : vector<1x128xi32> to vector<1x128xi32>
    %broadcast_in_dim3A_481 = vector.broadcast %broadcast_in_dim3A_480 : vector<1x128xi32> to vector<4x128xi32>
    %select_n3A_482 = arith.select %eq3A_478, %broadcast_in_dim3A_481, %select_n3A_475 : vector<4x128xi1>, vector<4x128xi32>
    %eq3A_483 = arith.constant 22 : i32
    %eq3A_484 = vector.broadcast %eq3A_483 : i32 to vector<4x128xi32>
    %eq3A_485 = arith.cmpi eq, %min3A_305, %eq3A_484 : vector<4x128xi32>
    %slice3A_486 = vector.extract_strided_slice %add3A_326 {offsets = [22, 0], sizes = [1, 128], strides = [1, 1]} : vector<32x128xi32> to vector<1x128xi32>
    %broadcast_in_dim3A_487 = vector.shape_cast %slice3A_486 : vector<1x128xi32> to vector<1x128xi32>
    %broadcast_in_dim3A_488 = vector.broadcast %broadcast_in_dim3A_487 : vector<1x128xi32> to vector<4x128xi32>
    %select_n3A_489 = arith.select %eq3A_485, %broadcast_in_dim3A_488, %select_n3A_482 : vector<4x128xi1>, vector<4x128xi32>
    %eq3A_490 = arith.constant 23 : i32
    %eq3A_491 = vector.broadcast %eq3A_490 : i32 to vector<4x128xi32>
    %eq3A_492 = arith.cmpi eq, %min3A_305, %eq3A_491 : vector<4x128xi32>
    %slice3A_493 = vector.extract_strided_slice %add3A_326 {offsets = [23, 0], sizes = [1, 128], strides = [1, 1]} : vector<32x128xi32> to vector<1x128xi32>
    %broadcast_in_dim3A_494 = vector.shape_cast %slice3A_493 : vector<1x128xi32> to vector<1x128xi32>
    %broadcast_in_dim3A_495 = vector.broadcast %broadcast_in_dim3A_494 : vector<1x128xi32> to vector<4x128xi32>
    %select_n3A_496 = arith.select %eq3A_492, %broadcast_in_dim3A_495, %select_n3A_489 : vector<4x128xi1>, vector<4x128xi32>
    %eq3A_497 = arith.constant 24 : i32
    %eq3A_498 = vector.broadcast %eq3A_497 : i32 to vector<4x128xi32>
    %eq3A_499 = arith.cmpi eq, %min3A_305, %eq3A_498 : vector<4x128xi32>
    %slice3A_500 = vector.extract_strided_slice %add3A_326 {offsets = [24, 0], sizes = [1, 128], strides = [1, 1]} : vector<32x128xi32> to vector<1x128xi32>
    %broadcast_in_dim3A_501 = vector.shape_cast %slice3A_500 : vector<1x128xi32> to vector<1x128xi32>
    %broadcast_in_dim3A_502 = vector.broadcast %broadcast_in_dim3A_501 : vector<1x128xi32> to vector<4x128xi32>
    %select_n3A_503 = arith.select %eq3A_499, %broadcast_in_dim3A_502, %select_n3A_496 : vector<4x128xi1>, vector<4x128xi32>
    %eq3A_504 = arith.constant 25 : i32
    %eq3A_505 = vector.broadcast %eq3A_504 : i32 to vector<4x128xi32>
    %eq3A_506 = arith.cmpi eq, %min3A_305, %eq3A_505 : vector<4x128xi32>
    %slice3A_507 = vector.extract_strided_slice %add3A_326 {offsets = [25, 0], sizes = [1, 128], strides = [1, 1]} : vector<32x128xi32> to vector<1x128xi32>
    %broadcast_in_dim3A_508 = vector.shape_cast %slice3A_507 : vector<1x128xi32> to vector<1x128xi32>
    %broadcast_in_dim3A_509 = vector.broadcast %broadcast_in_dim3A_508 : vector<1x128xi32> to vector<4x128xi32>
    %select_n3A_510 = arith.select %eq3A_506, %broadcast_in_dim3A_509, %select_n3A_503 : vector<4x128xi1>, vector<4x128xi32>
    %eq3A_511 = arith.constant 26 : i32
    %eq3A_512 = vector.broadcast %eq3A_511 : i32 to vector<4x128xi32>
    %eq3A_513 = arith.cmpi eq, %min3A_305, %eq3A_512 : vector<4x128xi32>
    %slice3A_514 = vector.extract_strided_slice %add3A_326 {offsets = [26, 0], sizes = [1, 128], strides = [1, 1]} : vector<32x128xi32> to vector<1x128xi32>
    %broadcast_in_dim3A_515 = vector.shape_cast %slice3A_514 : vector<1x128xi32> to vector<1x128xi32>
    %broadcast_in_dim3A_516 = vector.broadcast %broadcast_in_dim3A_515 : vector<1x128xi32> to vector<4x128xi32>
    %select_n3A_517 = arith.select %eq3A_513, %broadcast_in_dim3A_516, %select_n3A_510 : vector<4x128xi1>, vector<4x128xi32>
    %eq3A_518 = arith.constant 27 : i32
    %eq3A_519 = vector.broadcast %eq3A_518 : i32 to vector<4x128xi32>
    %eq3A_520 = arith.cmpi eq, %min3A_305, %eq3A_519 : vector<4x128xi32>
    %slice3A_521 = vector.extract_strided_slice %add3A_326 {offsets = [27, 0], sizes = [1, 128], strides = [1, 1]} : vector<32x128xi32> to vector<1x128xi32>
    %broadcast_in_dim3A_522 = vector.shape_cast %slice3A_521 : vector<1x128xi32> to vector<1x128xi32>
    %broadcast_in_dim3A_523 = vector.broadcast %broadcast_in_dim3A_522 : vector<1x128xi32> to vector<4x128xi32>
    %select_n3A_524 = arith.select %eq3A_520, %broadcast_in_dim3A_523, %select_n3A_517 : vector<4x128xi1>, vector<4x128xi32>
    %eq3A_525 = arith.constant 28 : i32
    %eq3A_526 = vector.broadcast %eq3A_525 : i32 to vector<4x128xi32>
    %eq3A_527 = arith.cmpi eq, %min3A_305, %eq3A_526 : vector<4x128xi32>
    %slice3A_528 = vector.extract_strided_slice %add3A_326 {offsets = [28, 0], sizes = [1, 128], strides = [1, 1]} : vector<32x128xi32> to vector<1x128xi32>
    %broadcast_in_dim3A_529 = vector.shape_cast %slice3A_528 : vector<1x128xi32> to vector<1x128xi32>
    %broadcast_in_dim3A_530 = vector.broadcast %broadcast_in_dim3A_529 : vector<1x128xi32> to vector<4x128xi32>
    %select_n3A_531 = arith.select %eq3A_527, %broadcast_in_dim3A_530, %select_n3A_524 : vector<4x128xi1>, vector<4x128xi32>
    %eq3A_532 = arith.constant 29 : i32
    %eq3A_533 = vector.broadcast %eq3A_532 : i32 to vector<4x128xi32>
    %eq3A_534 = arith.cmpi eq, %min3A_305, %eq3A_533 : vector<4x128xi32>
    %slice3A_535 = vector.extract_strided_slice %add3A_326 {offsets = [29, 0], sizes = [1, 128], strides = [1, 1]} : vector<32x128xi32> to vector<1x128xi32>
    %broadcast_in_dim3A_536 = vector.shape_cast %slice3A_535 : vector<1x128xi32> to vector<1x128xi32>
    %broadcast_in_dim3A_537 = vector.broadcast %broadcast_in_dim3A_536 : vector<1x128xi32> to vector<4x128xi32>
    %select_n3A_538 = arith.select %eq3A_534, %broadcast_in_dim3A_537, %select_n3A_531 : vector<4x128xi1>, vector<4x128xi32>
    %eq3A_539 = arith.constant 30 : i32
    %eq3A_540 = vector.broadcast %eq3A_539 : i32 to vector<4x128xi32>
    %eq3A_541 = arith.cmpi eq, %min3A_305, %eq3A_540 : vector<4x128xi32>
    %slice3A_542 = vector.extract_strided_slice %add3A_326 {offsets = [30, 0], sizes = [1, 128], strides = [1, 1]} : vector<32x128xi32> to vector<1x128xi32>
    %broadcast_in_dim3A_543 = vector.shape_cast %slice3A_542 : vector<1x128xi32> to vector<1x128xi32>
    %broadcast_in_dim3A_544 = vector.broadcast %broadcast_in_dim3A_543 : vector<1x128xi32> to vector<4x128xi32>
    %select_n3A_545 = arith.select %eq3A_541, %broadcast_in_dim3A_544, %select_n3A_538 : vector<4x128xi1>, vector<4x128xi32>
    %eq3A_546 = arith.constant 31 : i32
    %eq3A_547 = vector.broadcast %eq3A_546 : i32 to vector<4x128xi32>
    %eq3A_548 = arith.cmpi eq, %min3A_305, %eq3A_547 : vector<4x128xi32>
    %slice3A_549 = vector.extract_strided_slice %add3A_326 {offsets = [31, 0], sizes = [1, 128], strides = [1, 1]} : vector<32x128xi32> to vector<1x128xi32>
    %broadcast_in_dim3A_550 = vector.shape_cast %slice3A_549 : vector<1x128xi32> to vector<1x128xi32>
    %broadcast_in_dim3A_551 = vector.broadcast %broadcast_in_dim3A_550 : vector<1x128xi32> to vector<4x128xi32>
    %select_n3A_552 = arith.select %eq3A_548, %broadcast_in_dim3A_551, %select_n3A_545 : vector<4x128xi1>, vector<4x128xi32>
    %eq3A_553 = arith.constant 0 : i32
    %eq3A_554 = vector.broadcast %eq3A_553 : i32 to vector<4x128xi32>
    %eq3A_555 = arith.cmpi eq, %select_n3A_322, %eq3A_554 : vector<4x128xi32>
    %add3A_556 = arith.constant 1 : i32
    %add3A_557 = vector.broadcast %add3A_556 : i32 to vector<4x128xi32>
    %add3A_558 = arith.addi %get3A_289, %add3A_557 : vector<4x128xi32>
    %shift_right_arithmetic3A_559 = arith.constant 2 : i32
    %shift_right_arithmetic3A_560 = vector.broadcast %shift_right_arithmetic3A_559 : i32 to vector<4x128xi32>
    %shift_right_arithmetic3A_561 = arith.shrsi %select_n3A_552, %shift_right_arithmetic3A_560 : vector<4x128xi32>
    %add3A_562 = arith.constant 1 : i32
    %add3A_563 = vector.broadcast %add3A_562 : i32 to vector<4x128xi32>
    %add3A_564 = arith.addi %shift_right_arithmetic3A_561, %add3A_563 : vector<4x128xi32>
    %select_n3A_565 = arith.select %eq3A_555, %add3A_558, %add3A_564 : vector<4x128xi1>, vector<4x128xi32>
    %eq3A_566 = arith.constant 0 : i32
    %eq3A_567 = vector.broadcast %eq3A_566 : i32 to vector<4x128xi32>
    %eq3A_568 = arith.cmpi eq, %select_n3A_322, %eq3A_567 : vector<4x128xi32>
    %eq3A_569 = arith.constant 1 : i32
    %eq3A_570 = vector.broadcast %eq3A_569 : i32 to vector<4x128xi32>
    %eq3A_571 = arith.cmpi eq, %select_n3A_322, %eq3A_570 : vector<4x128xi32>
    %and3A_572 = arith.constant 3 : i32
    %and3A_573 = vector.broadcast %and3A_572 : i32 to vector<4x128xi32>
    %and3A_574 = arith.andi %select_n3A_552, %and3A_573 : vector<4x128xi32>
    %eq3A_575 = arith.constant 0 : i32
    %eq3A_576 = vector.broadcast %eq3A_575 : i32 to vector<4x128xi32>
    %eq3A_577 = arith.cmpi eq, %and3A_574, %eq3A_576 : vector<4x128xi32>
    %and3A_578 = arith.andi %eq3A_571, %eq3A_577 : vector<4x128xi1>
    %add3A_579 = arith.constant 2 : i32
    %add3A_580 = vector.broadcast %add3A_579 : i32 to vector<4x128xi32>
    %add3A_581 = arith.addi %get3A_289, %add3A_580 : vector<4x128xi32>
    %jit3A_582 = arith.constant 0 : i32
    %broadcast_in_dim3A_583 = vector.broadcast %jit3A_582 : i32 to vector<4x128xi32>
    %select_n3A_584 = arith.select %and3A_578, %add3A_581, %broadcast_in_dim3A_583 : vector<4x128xi1>, vector<4x128xi32>
    %jit3A_585 = arith.constant 1 : i32
    %broadcast_in_dim3A_586 = vector.broadcast %jit3A_585 : i32 to vector<4x128xi32>
    %select_n3A_587 = arith.select %eq3A_568, %broadcast_in_dim3A_586, %select_n3A_584 : vector<4x128xi1>, vector<4x128xi32>
    %eq3A_588 = arith.constant 1 : i32
    %eq3A_589 = vector.broadcast %eq3A_588 : i32 to vector<4x128xi32>
    %eq3A_590 = arith.cmpi eq, %get3A_289, %eq3A_589 : vector<4x128xi32>
    %select_n3A_591 = arith.select %eq3A_590, %min3A_316, %min3A_305 : vector<4x128xi1>, vector<4x128xi32>
    %select_n3A_592 = arith.select %eq3A_590, %min3A_305, %min3A_316 : vector<4x128xi1>, vector<4x128xi32>
    %broadcast_in_dim3A_593 = arith.constant 0 : i32
    %broadcast_in_dim3A_594 = vector.broadcast %broadcast_in_dim3A_593 : i32 to vector<4x128xi32>
    %eq3A_595 = arith.constant 0 : i32
    %eq3A_596 = vector.broadcast %eq3A_595 : i32 to vector<4x128xi32>
    %eq3A_597 = arith.cmpi eq, %select_n3A_591, %eq3A_596 : vector<4x128xi32>
    %slice3A_598 = vector.extract_strided_slice %add3A_279 {offsets = [0, 0], sizes = [1, 128], strides = [1, 1]} : vector<32x128xi32> to vector<1x128xi32>
    %broadcast_in_dim3A_599 = vector.shape_cast %slice3A_598 : vector<1x128xi32> to vector<1x128xi32>
    %broadcast_in_dim3A_600 = vector.broadcast %broadcast_in_dim3A_599 : vector<1x128xi32> to vector<4x128xi32>
    %select_n3A_601 = arith.select %eq3A_597, %broadcast_in_dim3A_600, %broadcast_in_dim3A_594 : vector<4x128xi1>, vector<4x128xi32>
    %eq3A_602 = arith.constant 1 : i32
    %eq3A_603 = vector.broadcast %eq3A_602 : i32 to vector<4x128xi32>
    %eq3A_604 = arith.cmpi eq, %select_n3A_591, %eq3A_603 : vector<4x128xi32>
    %slice3A_605 = vector.extract_strided_slice %add3A_279 {offsets = [1, 0], sizes = [1, 128], strides = [1, 1]} : vector<32x128xi32> to vector<1x128xi32>
    %broadcast_in_dim3A_606 = vector.shape_cast %slice3A_605 : vector<1x128xi32> to vector<1x128xi32>
    %broadcast_in_dim3A_607 = vector.broadcast %broadcast_in_dim3A_606 : vector<1x128xi32> to vector<4x128xi32>
    %select_n3A_608 = arith.select %eq3A_604, %broadcast_in_dim3A_607, %select_n3A_601 : vector<4x128xi1>, vector<4x128xi32>
    %eq3A_609 = arith.constant 2 : i32
    %eq3A_610 = vector.broadcast %eq3A_609 : i32 to vector<4x128xi32>
    %eq3A_611 = arith.cmpi eq, %select_n3A_591, %eq3A_610 : vector<4x128xi32>
    %slice3A_612 = vector.extract_strided_slice %add3A_279 {offsets = [2, 0], sizes = [1, 128], strides = [1, 1]} : vector<32x128xi32> to vector<1x128xi32>
    %broadcast_in_dim3A_613 = vector.shape_cast %slice3A_612 : vector<1x128xi32> to vector<1x128xi32>
    %broadcast_in_dim3A_614 = vector.broadcast %broadcast_in_dim3A_613 : vector<1x128xi32> to vector<4x128xi32>
    %select_n3A_615 = arith.select %eq3A_611, %broadcast_in_dim3A_614, %select_n3A_608 : vector<4x128xi1>, vector<4x128xi32>
    %eq3A_616 = arith.constant 3 : i32
    %eq3A_617 = vector.broadcast %eq3A_616 : i32 to vector<4x128xi32>
    %eq3A_618 = arith.cmpi eq, %select_n3A_591, %eq3A_617 : vector<4x128xi32>
    %slice3A_619 = vector.extract_strided_slice %add3A_279 {offsets = [3, 0], sizes = [1, 128], strides = [1, 1]} : vector<32x128xi32> to vector<1x128xi32>
    %broadcast_in_dim3A_620 = vector.shape_cast %slice3A_619 : vector<1x128xi32> to vector<1x128xi32>
    %broadcast_in_dim3A_621 = vector.broadcast %broadcast_in_dim3A_620 : vector<1x128xi32> to vector<4x128xi32>
    %select_n3A_622 = arith.select %eq3A_618, %broadcast_in_dim3A_621, %select_n3A_615 : vector<4x128xi1>, vector<4x128xi32>
    %eq3A_623 = arith.constant 4 : i32
    %eq3A_624 = vector.broadcast %eq3A_623 : i32 to vector<4x128xi32>
    %eq3A_625 = arith.cmpi eq, %select_n3A_591, %eq3A_624 : vector<4x128xi32>
    %slice3A_626 = vector.extract_strided_slice %add3A_279 {offsets = [4, 0], sizes = [1, 128], strides = [1, 1]} : vector<32x128xi32> to vector<1x128xi32>
    %broadcast_in_dim3A_627 = vector.shape_cast %slice3A_626 : vector<1x128xi32> to vector<1x128xi32>
    %broadcast_in_dim3A_628 = vector.broadcast %broadcast_in_dim3A_627 : vector<1x128xi32> to vector<4x128xi32>
    %select_n3A_629 = arith.select %eq3A_625, %broadcast_in_dim3A_628, %select_n3A_622 : vector<4x128xi1>, vector<4x128xi32>
    %eq3A_630 = arith.constant 5 : i32
    %eq3A_631 = vector.broadcast %eq3A_630 : i32 to vector<4x128xi32>
    %eq3A_632 = arith.cmpi eq, %select_n3A_591, %eq3A_631 : vector<4x128xi32>
    %slice3A_633 = vector.extract_strided_slice %add3A_279 {offsets = [5, 0], sizes = [1, 128], strides = [1, 1]} : vector<32x128xi32> to vector<1x128xi32>
    %broadcast_in_dim3A_634 = vector.shape_cast %slice3A_633 : vector<1x128xi32> to vector<1x128xi32>
    %broadcast_in_dim3A_635 = vector.broadcast %broadcast_in_dim3A_634 : vector<1x128xi32> to vector<4x128xi32>
    %select_n3A_636 = arith.select %eq3A_632, %broadcast_in_dim3A_635, %select_n3A_629 : vector<4x128xi1>, vector<4x128xi32>
    %eq3A_637 = arith.constant 6 : i32
    %eq3A_638 = vector.broadcast %eq3A_637 : i32 to vector<4x128xi32>
    %eq3A_639 = arith.cmpi eq, %select_n3A_591, %eq3A_638 : vector<4x128xi32>
    %slice3A_640 = vector.extract_strided_slice %add3A_279 {offsets = [6, 0], sizes = [1, 128], strides = [1, 1]} : vector<32x128xi32> to vector<1x128xi32>
    %broadcast_in_dim3A_641 = vector.shape_cast %slice3A_640 : vector<1x128xi32> to vector<1x128xi32>
    %broadcast_in_dim3A_642 = vector.broadcast %broadcast_in_dim3A_641 : vector<1x128xi32> to vector<4x128xi32>
    %select_n3A_643 = arith.select %eq3A_639, %broadcast_in_dim3A_642, %select_n3A_636 : vector<4x128xi1>, vector<4x128xi32>
    %eq3A_644 = arith.constant 7 : i32
    %eq3A_645 = vector.broadcast %eq3A_644 : i32 to vector<4x128xi32>
    %eq3A_646 = arith.cmpi eq, %select_n3A_591, %eq3A_645 : vector<4x128xi32>
    %slice3A_647 = vector.extract_strided_slice %add3A_279 {offsets = [7, 0], sizes = [1, 128], strides = [1, 1]} : vector<32x128xi32> to vector<1x128xi32>
    %broadcast_in_dim3A_648 = vector.shape_cast %slice3A_647 : vector<1x128xi32> to vector<1x128xi32>
    %broadcast_in_dim3A_649 = vector.broadcast %broadcast_in_dim3A_648 : vector<1x128xi32> to vector<4x128xi32>
    %select_n3A_650 = arith.select %eq3A_646, %broadcast_in_dim3A_649, %select_n3A_643 : vector<4x128xi1>, vector<4x128xi32>
    %eq3A_651 = arith.constant 8 : i32
    %eq3A_652 = vector.broadcast %eq3A_651 : i32 to vector<4x128xi32>
    %eq3A_653 = arith.cmpi eq, %select_n3A_591, %eq3A_652 : vector<4x128xi32>
    %slice3A_654 = vector.extract_strided_slice %add3A_279 {offsets = [8, 0], sizes = [1, 128], strides = [1, 1]} : vector<32x128xi32> to vector<1x128xi32>
    %broadcast_in_dim3A_655 = vector.shape_cast %slice3A_654 : vector<1x128xi32> to vector<1x128xi32>
    %broadcast_in_dim3A_656 = vector.broadcast %broadcast_in_dim3A_655 : vector<1x128xi32> to vector<4x128xi32>
    %select_n3A_657 = arith.select %eq3A_653, %broadcast_in_dim3A_656, %select_n3A_650 : vector<4x128xi1>, vector<4x128xi32>
    %eq3A_658 = arith.constant 9 : i32
    %eq3A_659 = vector.broadcast %eq3A_658 : i32 to vector<4x128xi32>
    %eq3A_660 = arith.cmpi eq, %select_n3A_591, %eq3A_659 : vector<4x128xi32>
    %slice3A_661 = vector.extract_strided_slice %add3A_279 {offsets = [9, 0], sizes = [1, 128], strides = [1, 1]} : vector<32x128xi32> to vector<1x128xi32>
    %broadcast_in_dim3A_662 = vector.shape_cast %slice3A_661 : vector<1x128xi32> to vector<1x128xi32>
    %broadcast_in_dim3A_663 = vector.broadcast %broadcast_in_dim3A_662 : vector<1x128xi32> to vector<4x128xi32>
    %select_n3A_664 = arith.select %eq3A_660, %broadcast_in_dim3A_663, %select_n3A_657 : vector<4x128xi1>, vector<4x128xi32>
    %eq3A_665 = arith.constant 10 : i32
    %eq3A_666 = vector.broadcast %eq3A_665 : i32 to vector<4x128xi32>
    %eq3A_667 = arith.cmpi eq, %select_n3A_591, %eq3A_666 : vector<4x128xi32>
    %slice3A_668 = vector.extract_strided_slice %add3A_279 {offsets = [10, 0], sizes = [1, 128], strides = [1, 1]} : vector<32x128xi32> to vector<1x128xi32>
    %broadcast_in_dim3A_669 = vector.shape_cast %slice3A_668 : vector<1x128xi32> to vector<1x128xi32>
    %broadcast_in_dim3A_670 = vector.broadcast %broadcast_in_dim3A_669 : vector<1x128xi32> to vector<4x128xi32>
    %select_n3A_671 = arith.select %eq3A_667, %broadcast_in_dim3A_670, %select_n3A_664 : vector<4x128xi1>, vector<4x128xi32>
    %eq3A_672 = arith.constant 11 : i32
    %eq3A_673 = vector.broadcast %eq3A_672 : i32 to vector<4x128xi32>
    %eq3A_674 = arith.cmpi eq, %select_n3A_591, %eq3A_673 : vector<4x128xi32>
    %slice3A_675 = vector.extract_strided_slice %add3A_279 {offsets = [11, 0], sizes = [1, 128], strides = [1, 1]} : vector<32x128xi32> to vector<1x128xi32>
    %broadcast_in_dim3A_676 = vector.shape_cast %slice3A_675 : vector<1x128xi32> to vector<1x128xi32>
    %broadcast_in_dim3A_677 = vector.broadcast %broadcast_in_dim3A_676 : vector<1x128xi32> to vector<4x128xi32>
    %select_n3A_678 = arith.select %eq3A_674, %broadcast_in_dim3A_677, %select_n3A_671 : vector<4x128xi1>, vector<4x128xi32>
    %eq3A_679 = arith.constant 12 : i32
    %eq3A_680 = vector.broadcast %eq3A_679 : i32 to vector<4x128xi32>
    %eq3A_681 = arith.cmpi eq, %select_n3A_591, %eq3A_680 : vector<4x128xi32>
    %slice3A_682 = vector.extract_strided_slice %add3A_279 {offsets = [12, 0], sizes = [1, 128], strides = [1, 1]} : vector<32x128xi32> to vector<1x128xi32>
    %broadcast_in_dim3A_683 = vector.shape_cast %slice3A_682 : vector<1x128xi32> to vector<1x128xi32>
    %broadcast_in_dim3A_684 = vector.broadcast %broadcast_in_dim3A_683 : vector<1x128xi32> to vector<4x128xi32>
    %select_n3A_685 = arith.select %eq3A_681, %broadcast_in_dim3A_684, %select_n3A_678 : vector<4x128xi1>, vector<4x128xi32>
    %eq3A_686 = arith.constant 13 : i32
    %eq3A_687 = vector.broadcast %eq3A_686 : i32 to vector<4x128xi32>
    %eq3A_688 = arith.cmpi eq, %select_n3A_591, %eq3A_687 : vector<4x128xi32>
    %slice3A_689 = vector.extract_strided_slice %add3A_279 {offsets = [13, 0], sizes = [1, 128], strides = [1, 1]} : vector<32x128xi32> to vector<1x128xi32>
    %broadcast_in_dim3A_690 = vector.shape_cast %slice3A_689 : vector<1x128xi32> to vector<1x128xi32>
    %broadcast_in_dim3A_691 = vector.broadcast %broadcast_in_dim3A_690 : vector<1x128xi32> to vector<4x128xi32>
    %select_n3A_692 = arith.select %eq3A_688, %broadcast_in_dim3A_691, %select_n3A_685 : vector<4x128xi1>, vector<4x128xi32>
    %eq3A_693 = arith.constant 14 : i32
    %eq3A_694 = vector.broadcast %eq3A_693 : i32 to vector<4x128xi32>
    %eq3A_695 = arith.cmpi eq, %select_n3A_591, %eq3A_694 : vector<4x128xi32>
    %slice3A_696 = vector.extract_strided_slice %add3A_279 {offsets = [14, 0], sizes = [1, 128], strides = [1, 1]} : vector<32x128xi32> to vector<1x128xi32>
    %broadcast_in_dim3A_697 = vector.shape_cast %slice3A_696 : vector<1x128xi32> to vector<1x128xi32>
    %broadcast_in_dim3A_698 = vector.broadcast %broadcast_in_dim3A_697 : vector<1x128xi32> to vector<4x128xi32>
    %select_n3A_699 = arith.select %eq3A_695, %broadcast_in_dim3A_698, %select_n3A_692 : vector<4x128xi1>, vector<4x128xi32>
    %eq3A_700 = arith.constant 15 : i32
    %eq3A_701 = vector.broadcast %eq3A_700 : i32 to vector<4x128xi32>
    %eq3A_702 = arith.cmpi eq, %select_n3A_591, %eq3A_701 : vector<4x128xi32>
    %slice3A_703 = vector.extract_strided_slice %add3A_279 {offsets = [15, 0], sizes = [1, 128], strides = [1, 1]} : vector<32x128xi32> to vector<1x128xi32>
    %broadcast_in_dim3A_704 = vector.shape_cast %slice3A_703 : vector<1x128xi32> to vector<1x128xi32>
    %broadcast_in_dim3A_705 = vector.broadcast %broadcast_in_dim3A_704 : vector<1x128xi32> to vector<4x128xi32>
    %select_n3A_706 = arith.select %eq3A_702, %broadcast_in_dim3A_705, %select_n3A_699 : vector<4x128xi1>, vector<4x128xi32>
    %eq3A_707 = arith.constant 16 : i32
    %eq3A_708 = vector.broadcast %eq3A_707 : i32 to vector<4x128xi32>
    %eq3A_709 = arith.cmpi eq, %select_n3A_591, %eq3A_708 : vector<4x128xi32>
    %slice3A_710 = vector.extract_strided_slice %add3A_279 {offsets = [16, 0], sizes = [1, 128], strides = [1, 1]} : vector<32x128xi32> to vector<1x128xi32>
    %broadcast_in_dim3A_711 = vector.shape_cast %slice3A_710 : vector<1x128xi32> to vector<1x128xi32>
    %broadcast_in_dim3A_712 = vector.broadcast %broadcast_in_dim3A_711 : vector<1x128xi32> to vector<4x128xi32>
    %select_n3A_713 = arith.select %eq3A_709, %broadcast_in_dim3A_712, %select_n3A_706 : vector<4x128xi1>, vector<4x128xi32>
    %eq3A_714 = arith.constant 17 : i32
    %eq3A_715 = vector.broadcast %eq3A_714 : i32 to vector<4x128xi32>
    %eq3A_716 = arith.cmpi eq, %select_n3A_591, %eq3A_715 : vector<4x128xi32>
    %slice3A_717 = vector.extract_strided_slice %add3A_279 {offsets = [17, 0], sizes = [1, 128], strides = [1, 1]} : vector<32x128xi32> to vector<1x128xi32>
    %broadcast_in_dim3A_718 = vector.shape_cast %slice3A_717 : vector<1x128xi32> to vector<1x128xi32>
    %broadcast_in_dim3A_719 = vector.broadcast %broadcast_in_dim3A_718 : vector<1x128xi32> to vector<4x128xi32>
    %select_n3A_720 = arith.select %eq3A_716, %broadcast_in_dim3A_719, %select_n3A_713 : vector<4x128xi1>, vector<4x128xi32>
    %eq3A_721 = arith.constant 18 : i32
    %eq3A_722 = vector.broadcast %eq3A_721 : i32 to vector<4x128xi32>
    %eq3A_723 = arith.cmpi eq, %select_n3A_591, %eq3A_722 : vector<4x128xi32>
    %slice3A_724 = vector.extract_strided_slice %add3A_279 {offsets = [18, 0], sizes = [1, 128], strides = [1, 1]} : vector<32x128xi32> to vector<1x128xi32>
    %broadcast_in_dim3A_725 = vector.shape_cast %slice3A_724 : vector<1x128xi32> to vector<1x128xi32>
    %broadcast_in_dim3A_726 = vector.broadcast %broadcast_in_dim3A_725 : vector<1x128xi32> to vector<4x128xi32>
    %select_n3A_727 = arith.select %eq3A_723, %broadcast_in_dim3A_726, %select_n3A_720 : vector<4x128xi1>, vector<4x128xi32>
    %eq3A_728 = arith.constant 19 : i32
    %eq3A_729 = vector.broadcast %eq3A_728 : i32 to vector<4x128xi32>
    %eq3A_730 = arith.cmpi eq, %select_n3A_591, %eq3A_729 : vector<4x128xi32>
    %slice3A_731 = vector.extract_strided_slice %add3A_279 {offsets = [19, 0], sizes = [1, 128], strides = [1, 1]} : vector<32x128xi32> to vector<1x128xi32>
    %broadcast_in_dim3A_732 = vector.shape_cast %slice3A_731 : vector<1x128xi32> to vector<1x128xi32>
    %broadcast_in_dim3A_733 = vector.broadcast %broadcast_in_dim3A_732 : vector<1x128xi32> to vector<4x128xi32>
    %select_n3A_734 = arith.select %eq3A_730, %broadcast_in_dim3A_733, %select_n3A_727 : vector<4x128xi1>, vector<4x128xi32>
    %eq3A_735 = arith.constant 20 : i32
    %eq3A_736 = vector.broadcast %eq3A_735 : i32 to vector<4x128xi32>
    %eq3A_737 = arith.cmpi eq, %select_n3A_591, %eq3A_736 : vector<4x128xi32>
    %slice3A_738 = vector.extract_strided_slice %add3A_279 {offsets = [20, 0], sizes = [1, 128], strides = [1, 1]} : vector<32x128xi32> to vector<1x128xi32>
    %broadcast_in_dim3A_739 = vector.shape_cast %slice3A_738 : vector<1x128xi32> to vector<1x128xi32>
    %broadcast_in_dim3A_740 = vector.broadcast %broadcast_in_dim3A_739 : vector<1x128xi32> to vector<4x128xi32>
    %select_n3A_741 = arith.select %eq3A_737, %broadcast_in_dim3A_740, %select_n3A_734 : vector<4x128xi1>, vector<4x128xi32>
    %eq3A_742 = arith.constant 21 : i32
    %eq3A_743 = vector.broadcast %eq3A_742 : i32 to vector<4x128xi32>
    %eq3A_744 = arith.cmpi eq, %select_n3A_591, %eq3A_743 : vector<4x128xi32>
    %slice3A_745 = vector.extract_strided_slice %add3A_279 {offsets = [21, 0], sizes = [1, 128], strides = [1, 1]} : vector<32x128xi32> to vector<1x128xi32>
    %broadcast_in_dim3A_746 = vector.shape_cast %slice3A_745 : vector<1x128xi32> to vector<1x128xi32>
    %broadcast_in_dim3A_747 = vector.broadcast %broadcast_in_dim3A_746 : vector<1x128xi32> to vector<4x128xi32>
    %select_n3A_748 = arith.select %eq3A_744, %broadcast_in_dim3A_747, %select_n3A_741 : vector<4x128xi1>, vector<4x128xi32>
    %eq3A_749 = arith.constant 22 : i32
    %eq3A_750 = vector.broadcast %eq3A_749 : i32 to vector<4x128xi32>
    %eq3A_751 = arith.cmpi eq, %select_n3A_591, %eq3A_750 : vector<4x128xi32>
    %slice3A_752 = vector.extract_strided_slice %add3A_279 {offsets = [22, 0], sizes = [1, 128], strides = [1, 1]} : vector<32x128xi32> to vector<1x128xi32>
    %broadcast_in_dim3A_753 = vector.shape_cast %slice3A_752 : vector<1x128xi32> to vector<1x128xi32>
    %broadcast_in_dim3A_754 = vector.broadcast %broadcast_in_dim3A_753 : vector<1x128xi32> to vector<4x128xi32>
    %select_n3A_755 = arith.select %eq3A_751, %broadcast_in_dim3A_754, %select_n3A_748 : vector<4x128xi1>, vector<4x128xi32>
    %eq3A_756 = arith.constant 23 : i32
    %eq3A_757 = vector.broadcast %eq3A_756 : i32 to vector<4x128xi32>
    %eq3A_758 = arith.cmpi eq, %select_n3A_591, %eq3A_757 : vector<4x128xi32>
    %slice3A_759 = vector.extract_strided_slice %add3A_279 {offsets = [23, 0], sizes = [1, 128], strides = [1, 1]} : vector<32x128xi32> to vector<1x128xi32>
    %broadcast_in_dim3A_760 = vector.shape_cast %slice3A_759 : vector<1x128xi32> to vector<1x128xi32>
    %broadcast_in_dim3A_761 = vector.broadcast %broadcast_in_dim3A_760 : vector<1x128xi32> to vector<4x128xi32>
    %select_n3A_762 = arith.select %eq3A_758, %broadcast_in_dim3A_761, %select_n3A_755 : vector<4x128xi1>, vector<4x128xi32>
    %eq3A_763 = arith.constant 24 : i32
    %eq3A_764 = vector.broadcast %eq3A_763 : i32 to vector<4x128xi32>
    %eq3A_765 = arith.cmpi eq, %select_n3A_591, %eq3A_764 : vector<4x128xi32>
    %slice3A_766 = vector.extract_strided_slice %add3A_279 {offsets = [24, 0], sizes = [1, 128], strides = [1, 1]} : vector<32x128xi32> to vector<1x128xi32>
    %broadcast_in_dim3A_767 = vector.shape_cast %slice3A_766 : vector<1x128xi32> to vector<1x128xi32>
    %broadcast_in_dim3A_768 = vector.broadcast %broadcast_in_dim3A_767 : vector<1x128xi32> to vector<4x128xi32>
    %select_n3A_769 = arith.select %eq3A_765, %broadcast_in_dim3A_768, %select_n3A_762 : vector<4x128xi1>, vector<4x128xi32>
    %eq3A_770 = arith.constant 25 : i32
    %eq3A_771 = vector.broadcast %eq3A_770 : i32 to vector<4x128xi32>
    %eq3A_772 = arith.cmpi eq, %select_n3A_591, %eq3A_771 : vector<4x128xi32>
    %slice3A_773 = vector.extract_strided_slice %add3A_279 {offsets = [25, 0], sizes = [1, 128], strides = [1, 1]} : vector<32x128xi32> to vector<1x128xi32>
    %broadcast_in_dim3A_774 = vector.shape_cast %slice3A_773 : vector<1x128xi32> to vector<1x128xi32>
    %broadcast_in_dim3A_775 = vector.broadcast %broadcast_in_dim3A_774 : vector<1x128xi32> to vector<4x128xi32>
    %select_n3A_776 = arith.select %eq3A_772, %broadcast_in_dim3A_775, %select_n3A_769 : vector<4x128xi1>, vector<4x128xi32>
    %eq3A_777 = arith.constant 26 : i32
    %eq3A_778 = vector.broadcast %eq3A_777 : i32 to vector<4x128xi32>
    %eq3A_779 = arith.cmpi eq, %select_n3A_591, %eq3A_778 : vector<4x128xi32>
    %slice3A_780 = vector.extract_strided_slice %add3A_279 {offsets = [26, 0], sizes = [1, 128], strides = [1, 1]} : vector<32x128xi32> to vector<1x128xi32>
    %broadcast_in_dim3A_781 = vector.shape_cast %slice3A_780 : vector<1x128xi32> to vector<1x128xi32>
    %broadcast_in_dim3A_782 = vector.broadcast %broadcast_in_dim3A_781 : vector<1x128xi32> to vector<4x128xi32>
    %select_n3A_783 = arith.select %eq3A_779, %broadcast_in_dim3A_782, %select_n3A_776 : vector<4x128xi1>, vector<4x128xi32>
    %eq3A_784 = arith.constant 27 : i32
    %eq3A_785 = vector.broadcast %eq3A_784 : i32 to vector<4x128xi32>
    %eq3A_786 = arith.cmpi eq, %select_n3A_591, %eq3A_785 : vector<4x128xi32>
    %slice3A_787 = vector.extract_strided_slice %add3A_279 {offsets = [27, 0], sizes = [1, 128], strides = [1, 1]} : vector<32x128xi32> to vector<1x128xi32>
    %broadcast_in_dim3A_788 = vector.shape_cast %slice3A_787 : vector<1x128xi32> to vector<1x128xi32>
    %broadcast_in_dim3A_789 = vector.broadcast %broadcast_in_dim3A_788 : vector<1x128xi32> to vector<4x128xi32>
    %select_n3A_790 = arith.select %eq3A_786, %broadcast_in_dim3A_789, %select_n3A_783 : vector<4x128xi1>, vector<4x128xi32>
    %eq3A_791 = arith.constant 28 : i32
    %eq3A_792 = vector.broadcast %eq3A_791 : i32 to vector<4x128xi32>
    %eq3A_793 = arith.cmpi eq, %select_n3A_591, %eq3A_792 : vector<4x128xi32>
    %slice3A_794 = vector.extract_strided_slice %add3A_279 {offsets = [28, 0], sizes = [1, 128], strides = [1, 1]} : vector<32x128xi32> to vector<1x128xi32>
    %broadcast_in_dim3A_795 = vector.shape_cast %slice3A_794 : vector<1x128xi32> to vector<1x128xi32>
    %broadcast_in_dim3A_796 = vector.broadcast %broadcast_in_dim3A_795 : vector<1x128xi32> to vector<4x128xi32>
    %select_n3A_797 = arith.select %eq3A_793, %broadcast_in_dim3A_796, %select_n3A_790 : vector<4x128xi1>, vector<4x128xi32>
    %eq3A_798 = arith.constant 29 : i32
    %eq3A_799 = vector.broadcast %eq3A_798 : i32 to vector<4x128xi32>
    %eq3A_800 = arith.cmpi eq, %select_n3A_591, %eq3A_799 : vector<4x128xi32>
    %slice3A_801 = vector.extract_strided_slice %add3A_279 {offsets = [29, 0], sizes = [1, 128], strides = [1, 1]} : vector<32x128xi32> to vector<1x128xi32>
    %broadcast_in_dim3A_802 = vector.shape_cast %slice3A_801 : vector<1x128xi32> to vector<1x128xi32>
    %broadcast_in_dim3A_803 = vector.broadcast %broadcast_in_dim3A_802 : vector<1x128xi32> to vector<4x128xi32>
    %select_n3A_804 = arith.select %eq3A_800, %broadcast_in_dim3A_803, %select_n3A_797 : vector<4x128xi1>, vector<4x128xi32>
    %eq3A_805 = arith.constant 30 : i32
    %eq3A_806 = vector.broadcast %eq3A_805 : i32 to vector<4x128xi32>
    %eq3A_807 = arith.cmpi eq, %select_n3A_591, %eq3A_806 : vector<4x128xi32>
    %slice3A_808 = vector.extract_strided_slice %add3A_279 {offsets = [30, 0], sizes = [1, 128], strides = [1, 1]} : vector<32x128xi32> to vector<1x128xi32>
    %broadcast_in_dim3A_809 = vector.shape_cast %slice3A_808 : vector<1x128xi32> to vector<1x128xi32>
    %broadcast_in_dim3A_810 = vector.broadcast %broadcast_in_dim3A_809 : vector<1x128xi32> to vector<4x128xi32>
    %select_n3A_811 = arith.select %eq3A_807, %broadcast_in_dim3A_810, %select_n3A_804 : vector<4x128xi1>, vector<4x128xi32>
    %eq3A_812 = arith.constant 31 : i32
    %eq3A_813 = vector.broadcast %eq3A_812 : i32 to vector<4x128xi32>
    %eq3A_814 = arith.cmpi eq, %select_n3A_591, %eq3A_813 : vector<4x128xi32>
    %slice3A_815 = vector.extract_strided_slice %add3A_279 {offsets = [31, 0], sizes = [1, 128], strides = [1, 1]} : vector<32x128xi32> to vector<1x128xi32>
    %broadcast_in_dim3A_816 = vector.shape_cast %slice3A_815 : vector<1x128xi32> to vector<1x128xi32>
    %broadcast_in_dim3A_817 = vector.broadcast %broadcast_in_dim3A_816 : vector<1x128xi32> to vector<4x128xi32>
    %select_n3A_818 = arith.select %eq3A_814, %broadcast_in_dim3A_817, %select_n3A_811 : vector<4x128xi1>, vector<4x128xi32>
    %broadcast_in_dim3A_819 = arith.constant 0 : i32
    %broadcast_in_dim3A_820 = vector.broadcast %broadcast_in_dim3A_819 : i32 to vector<4x128xi32>
    %eq3A_821 = arith.constant 0 : i32
    %eq3A_822 = vector.broadcast %eq3A_821 : i32 to vector<4x128xi32>
    %eq3A_823 = arith.cmpi eq, %select_n3A_592, %eq3A_822 : vector<4x128xi32>
    %slice3A_824 = vector.extract_strided_slice %add3A_279 {offsets = [0, 0], sizes = [1, 128], strides = [1, 1]} : vector<32x128xi32> to vector<1x128xi32>
    %broadcast_in_dim3A_825 = vector.shape_cast %slice3A_824 : vector<1x128xi32> to vector<1x128xi32>
    %broadcast_in_dim3A_826 = vector.broadcast %broadcast_in_dim3A_825 : vector<1x128xi32> to vector<4x128xi32>
    %select_n3A_827 = arith.select %eq3A_823, %broadcast_in_dim3A_826, %broadcast_in_dim3A_820 : vector<4x128xi1>, vector<4x128xi32>
    %eq3A_828 = arith.constant 1 : i32
    %eq3A_829 = vector.broadcast %eq3A_828 : i32 to vector<4x128xi32>
    %eq3A_830 = arith.cmpi eq, %select_n3A_592, %eq3A_829 : vector<4x128xi32>
    %slice3A_831 = vector.extract_strided_slice %add3A_279 {offsets = [1, 0], sizes = [1, 128], strides = [1, 1]} : vector<32x128xi32> to vector<1x128xi32>
    %broadcast_in_dim3A_832 = vector.shape_cast %slice3A_831 : vector<1x128xi32> to vector<1x128xi32>
    %broadcast_in_dim3A_833 = vector.broadcast %broadcast_in_dim3A_832 : vector<1x128xi32> to vector<4x128xi32>
    %select_n3A_834 = arith.select %eq3A_830, %broadcast_in_dim3A_833, %select_n3A_827 : vector<4x128xi1>, vector<4x128xi32>
    %eq3A_835 = arith.constant 2 : i32
    %eq3A_836 = vector.broadcast %eq3A_835 : i32 to vector<4x128xi32>
    %eq3A_837 = arith.cmpi eq, %select_n3A_592, %eq3A_836 : vector<4x128xi32>
    %slice3A_838 = vector.extract_strided_slice %add3A_279 {offsets = [2, 0], sizes = [1, 128], strides = [1, 1]} : vector<32x128xi32> to vector<1x128xi32>
    %broadcast_in_dim3A_839 = vector.shape_cast %slice3A_838 : vector<1x128xi32> to vector<1x128xi32>
    %broadcast_in_dim3A_840 = vector.broadcast %broadcast_in_dim3A_839 : vector<1x128xi32> to vector<4x128xi32>
    %select_n3A_841 = arith.select %eq3A_837, %broadcast_in_dim3A_840, %select_n3A_834 : vector<4x128xi1>, vector<4x128xi32>
    %eq3A_842 = arith.constant 3 : i32
    %eq3A_843 = vector.broadcast %eq3A_842 : i32 to vector<4x128xi32>
    %eq3A_844 = arith.cmpi eq, %select_n3A_592, %eq3A_843 : vector<4x128xi32>
    %slice3A_845 = vector.extract_strided_slice %add3A_279 {offsets = [3, 0], sizes = [1, 128], strides = [1, 1]} : vector<32x128xi32> to vector<1x128xi32>
    %broadcast_in_dim3A_846 = vector.shape_cast %slice3A_845 : vector<1x128xi32> to vector<1x128xi32>
    %broadcast_in_dim3A_847 = vector.broadcast %broadcast_in_dim3A_846 : vector<1x128xi32> to vector<4x128xi32>
    %select_n3A_848 = arith.select %eq3A_844, %broadcast_in_dim3A_847, %select_n3A_841 : vector<4x128xi1>, vector<4x128xi32>
    %eq3A_849 = arith.constant 4 : i32
    %eq3A_850 = vector.broadcast %eq3A_849 : i32 to vector<4x128xi32>
    %eq3A_851 = arith.cmpi eq, %select_n3A_592, %eq3A_850 : vector<4x128xi32>
    %slice3A_852 = vector.extract_strided_slice %add3A_279 {offsets = [4, 0], sizes = [1, 128], strides = [1, 1]} : vector<32x128xi32> to vector<1x128xi32>
    %broadcast_in_dim3A_853 = vector.shape_cast %slice3A_852 : vector<1x128xi32> to vector<1x128xi32>
    %broadcast_in_dim3A_854 = vector.broadcast %broadcast_in_dim3A_853 : vector<1x128xi32> to vector<4x128xi32>
    %select_n3A_855 = arith.select %eq3A_851, %broadcast_in_dim3A_854, %select_n3A_848 : vector<4x128xi1>, vector<4x128xi32>
    %eq3A_856 = arith.constant 5 : i32
    %eq3A_857 = vector.broadcast %eq3A_856 : i32 to vector<4x128xi32>
    %eq3A_858 = arith.cmpi eq, %select_n3A_592, %eq3A_857 : vector<4x128xi32>
    %slice3A_859 = vector.extract_strided_slice %add3A_279 {offsets = [5, 0], sizes = [1, 128], strides = [1, 1]} : vector<32x128xi32> to vector<1x128xi32>
    %broadcast_in_dim3A_860 = vector.shape_cast %slice3A_859 : vector<1x128xi32> to vector<1x128xi32>
    %broadcast_in_dim3A_861 = vector.broadcast %broadcast_in_dim3A_860 : vector<1x128xi32> to vector<4x128xi32>
    %select_n3A_862 = arith.select %eq3A_858, %broadcast_in_dim3A_861, %select_n3A_855 : vector<4x128xi1>, vector<4x128xi32>
    %eq3A_863 = arith.constant 6 : i32
    %eq3A_864 = vector.broadcast %eq3A_863 : i32 to vector<4x128xi32>
    %eq3A_865 = arith.cmpi eq, %select_n3A_592, %eq3A_864 : vector<4x128xi32>
    %slice3A_866 = vector.extract_strided_slice %add3A_279 {offsets = [6, 0], sizes = [1, 128], strides = [1, 1]} : vector<32x128xi32> to vector<1x128xi32>
    %broadcast_in_dim3A_867 = vector.shape_cast %slice3A_866 : vector<1x128xi32> to vector<1x128xi32>
    %broadcast_in_dim3A_868 = vector.broadcast %broadcast_in_dim3A_867 : vector<1x128xi32> to vector<4x128xi32>
    %select_n3A_869 = arith.select %eq3A_865, %broadcast_in_dim3A_868, %select_n3A_862 : vector<4x128xi1>, vector<4x128xi32>
    %eq3A_870 = arith.constant 7 : i32
    %eq3A_871 = vector.broadcast %eq3A_870 : i32 to vector<4x128xi32>
    %eq3A_872 = arith.cmpi eq, %select_n3A_592, %eq3A_871 : vector<4x128xi32>
    %slice3A_873 = vector.extract_strided_slice %add3A_279 {offsets = [7, 0], sizes = [1, 128], strides = [1, 1]} : vector<32x128xi32> to vector<1x128xi32>
    %broadcast_in_dim3A_874 = vector.shape_cast %slice3A_873 : vector<1x128xi32> to vector<1x128xi32>
    %broadcast_in_dim3A_875 = vector.broadcast %broadcast_in_dim3A_874 : vector<1x128xi32> to vector<4x128xi32>
    %select_n3A_876 = arith.select %eq3A_872, %broadcast_in_dim3A_875, %select_n3A_869 : vector<4x128xi1>, vector<4x128xi32>
    %eq3A_877 = arith.constant 8 : i32
    %eq3A_878 = vector.broadcast %eq3A_877 : i32 to vector<4x128xi32>
    %eq3A_879 = arith.cmpi eq, %select_n3A_592, %eq3A_878 : vector<4x128xi32>
    %slice3A_880 = vector.extract_strided_slice %add3A_279 {offsets = [8, 0], sizes = [1, 128], strides = [1, 1]} : vector<32x128xi32> to vector<1x128xi32>
    %broadcast_in_dim3A_881 = vector.shape_cast %slice3A_880 : vector<1x128xi32> to vector<1x128xi32>
    %broadcast_in_dim3A_882 = vector.broadcast %broadcast_in_dim3A_881 : vector<1x128xi32> to vector<4x128xi32>
    %select_n3A_883 = arith.select %eq3A_879, %broadcast_in_dim3A_882, %select_n3A_876 : vector<4x128xi1>, vector<4x128xi32>
    %eq3A_884 = arith.constant 9 : i32
    %eq3A_885 = vector.broadcast %eq3A_884 : i32 to vector<4x128xi32>
    %eq3A_886 = arith.cmpi eq, %select_n3A_592, %eq3A_885 : vector<4x128xi32>
    %slice3A_887 = vector.extract_strided_slice %add3A_279 {offsets = [9, 0], sizes = [1, 128], strides = [1, 1]} : vector<32x128xi32> to vector<1x128xi32>
    %broadcast_in_dim3A_888 = vector.shape_cast %slice3A_887 : vector<1x128xi32> to vector<1x128xi32>
    %broadcast_in_dim3A_889 = vector.broadcast %broadcast_in_dim3A_888 : vector<1x128xi32> to vector<4x128xi32>
    %select_n3A_890 = arith.select %eq3A_886, %broadcast_in_dim3A_889, %select_n3A_883 : vector<4x128xi1>, vector<4x128xi32>
    %eq3A_891 = arith.constant 10 : i32
    %eq3A_892 = vector.broadcast %eq3A_891 : i32 to vector<4x128xi32>
    %eq3A_893 = arith.cmpi eq, %select_n3A_592, %eq3A_892 : vector<4x128xi32>
    %slice3A_894 = vector.extract_strided_slice %add3A_279 {offsets = [10, 0], sizes = [1, 128], strides = [1, 1]} : vector<32x128xi32> to vector<1x128xi32>
    %broadcast_in_dim3A_895 = vector.shape_cast %slice3A_894 : vector<1x128xi32> to vector<1x128xi32>
    %broadcast_in_dim3A_896 = vector.broadcast %broadcast_in_dim3A_895 : vector<1x128xi32> to vector<4x128xi32>
    %select_n3A_897 = arith.select %eq3A_893, %broadcast_in_dim3A_896, %select_n3A_890 : vector<4x128xi1>, vector<4x128xi32>
    %eq3A_898 = arith.constant 11 : i32
    %eq3A_899 = vector.broadcast %eq3A_898 : i32 to vector<4x128xi32>
    %eq3A_900 = arith.cmpi eq, %select_n3A_592, %eq3A_899 : vector<4x128xi32>
    %slice3A_901 = vector.extract_strided_slice %add3A_279 {offsets = [11, 0], sizes = [1, 128], strides = [1, 1]} : vector<32x128xi32> to vector<1x128xi32>
    %broadcast_in_dim3A_902 = vector.shape_cast %slice3A_901 : vector<1x128xi32> to vector<1x128xi32>
    %broadcast_in_dim3A_903 = vector.broadcast %broadcast_in_dim3A_902 : vector<1x128xi32> to vector<4x128xi32>
    %select_n3A_904 = arith.select %eq3A_900, %broadcast_in_dim3A_903, %select_n3A_897 : vector<4x128xi1>, vector<4x128xi32>
    %eq3A_905 = arith.constant 12 : i32
    %eq3A_906 = vector.broadcast %eq3A_905 : i32 to vector<4x128xi32>
    %eq3A_907 = arith.cmpi eq, %select_n3A_592, %eq3A_906 : vector<4x128xi32>
    %slice3A_908 = vector.extract_strided_slice %add3A_279 {offsets = [12, 0], sizes = [1, 128], strides = [1, 1]} : vector<32x128xi32> to vector<1x128xi32>
    %broadcast_in_dim3A_909 = vector.shape_cast %slice3A_908 : vector<1x128xi32> to vector<1x128xi32>
    %broadcast_in_dim3A_910 = vector.broadcast %broadcast_in_dim3A_909 : vector<1x128xi32> to vector<4x128xi32>
    %select_n3A_911 = arith.select %eq3A_907, %broadcast_in_dim3A_910, %select_n3A_904 : vector<4x128xi1>, vector<4x128xi32>
    %eq3A_912 = arith.constant 13 : i32
    %eq3A_913 = vector.broadcast %eq3A_912 : i32 to vector<4x128xi32>
    %eq3A_914 = arith.cmpi eq, %select_n3A_592, %eq3A_913 : vector<4x128xi32>
    %slice3A_915 = vector.extract_strided_slice %add3A_279 {offsets = [13, 0], sizes = [1, 128], strides = [1, 1]} : vector<32x128xi32> to vector<1x128xi32>
    %broadcast_in_dim3A_916 = vector.shape_cast %slice3A_915 : vector<1x128xi32> to vector<1x128xi32>
    %broadcast_in_dim3A_917 = vector.broadcast %broadcast_in_dim3A_916 : vector<1x128xi32> to vector<4x128xi32>
    %select_n3A_918 = arith.select %eq3A_914, %broadcast_in_dim3A_917, %select_n3A_911 : vector<4x128xi1>, vector<4x128xi32>
    %eq3A_919 = arith.constant 14 : i32
    %eq3A_920 = vector.broadcast %eq3A_919 : i32 to vector<4x128xi32>
    %eq3A_921 = arith.cmpi eq, %select_n3A_592, %eq3A_920 : vector<4x128xi32>
    %slice3A_922 = vector.extract_strided_slice %add3A_279 {offsets = [14, 0], sizes = [1, 128], strides = [1, 1]} : vector<32x128xi32> to vector<1x128xi32>
    %broadcast_in_dim3A_923 = vector.shape_cast %slice3A_922 : vector<1x128xi32> to vector<1x128xi32>
    %broadcast_in_dim3A_924 = vector.broadcast %broadcast_in_dim3A_923 : vector<1x128xi32> to vector<4x128xi32>
    %select_n3A_925 = arith.select %eq3A_921, %broadcast_in_dim3A_924, %select_n3A_918 : vector<4x128xi1>, vector<4x128xi32>
    %eq3A_926 = arith.constant 15 : i32
    %eq3A_927 = vector.broadcast %eq3A_926 : i32 to vector<4x128xi32>
    %eq3A_928 = arith.cmpi eq, %select_n3A_592, %eq3A_927 : vector<4x128xi32>
    %slice3A_929 = vector.extract_strided_slice %add3A_279 {offsets = [15, 0], sizes = [1, 128], strides = [1, 1]} : vector<32x128xi32> to vector<1x128xi32>
    %broadcast_in_dim3A_930 = vector.shape_cast %slice3A_929 : vector<1x128xi32> to vector<1x128xi32>
    %broadcast_in_dim3A_931 = vector.broadcast %broadcast_in_dim3A_930 : vector<1x128xi32> to vector<4x128xi32>
    %select_n3A_932 = arith.select %eq3A_928, %broadcast_in_dim3A_931, %select_n3A_925 : vector<4x128xi1>, vector<4x128xi32>
    %eq3A_933 = arith.constant 16 : i32
    %eq3A_934 = vector.broadcast %eq3A_933 : i32 to vector<4x128xi32>
    %eq3A_935 = arith.cmpi eq, %select_n3A_592, %eq3A_934 : vector<4x128xi32>
    %slice3A_936 = vector.extract_strided_slice %add3A_279 {offsets = [16, 0], sizes = [1, 128], strides = [1, 1]} : vector<32x128xi32> to vector<1x128xi32>
    %broadcast_in_dim3A_937 = vector.shape_cast %slice3A_936 : vector<1x128xi32> to vector<1x128xi32>
    %broadcast_in_dim3A_938 = vector.broadcast %broadcast_in_dim3A_937 : vector<1x128xi32> to vector<4x128xi32>
    %select_n3A_939 = arith.select %eq3A_935, %broadcast_in_dim3A_938, %select_n3A_932 : vector<4x128xi1>, vector<4x128xi32>
    %eq3A_940 = arith.constant 17 : i32
    %eq3A_941 = vector.broadcast %eq3A_940 : i32 to vector<4x128xi32>
    %eq3A_942 = arith.cmpi eq, %select_n3A_592, %eq3A_941 : vector<4x128xi32>
    %slice3A_943 = vector.extract_strided_slice %add3A_279 {offsets = [17, 0], sizes = [1, 128], strides = [1, 1]} : vector<32x128xi32> to vector<1x128xi32>
    %broadcast_in_dim3A_944 = vector.shape_cast %slice3A_943 : vector<1x128xi32> to vector<1x128xi32>
    %broadcast_in_dim3A_945 = vector.broadcast %broadcast_in_dim3A_944 : vector<1x128xi32> to vector<4x128xi32>
    %select_n3A_946 = arith.select %eq3A_942, %broadcast_in_dim3A_945, %select_n3A_939 : vector<4x128xi1>, vector<4x128xi32>
    %eq3A_947 = arith.constant 18 : i32
    %eq3A_948 = vector.broadcast %eq3A_947 : i32 to vector<4x128xi32>
    %eq3A_949 = arith.cmpi eq, %select_n3A_592, %eq3A_948 : vector<4x128xi32>
    %slice3A_950 = vector.extract_strided_slice %add3A_279 {offsets = [18, 0], sizes = [1, 128], strides = [1, 1]} : vector<32x128xi32> to vector<1x128xi32>
    %broadcast_in_dim3A_951 = vector.shape_cast %slice3A_950 : vector<1x128xi32> to vector<1x128xi32>
    %broadcast_in_dim3A_952 = vector.broadcast %broadcast_in_dim3A_951 : vector<1x128xi32> to vector<4x128xi32>
    %select_n3A_953 = arith.select %eq3A_949, %broadcast_in_dim3A_952, %select_n3A_946 : vector<4x128xi1>, vector<4x128xi32>
    %eq3A_954 = arith.constant 19 : i32
    %eq3A_955 = vector.broadcast %eq3A_954 : i32 to vector<4x128xi32>
    %eq3A_956 = arith.cmpi eq, %select_n3A_592, %eq3A_955 : vector<4x128xi32>
    %slice3A_957 = vector.extract_strided_slice %add3A_279 {offsets = [19, 0], sizes = [1, 128], strides = [1, 1]} : vector<32x128xi32> to vector<1x128xi32>
    %broadcast_in_dim3A_958 = vector.shape_cast %slice3A_957 : vector<1x128xi32> to vector<1x128xi32>
    %broadcast_in_dim3A_959 = vector.broadcast %broadcast_in_dim3A_958 : vector<1x128xi32> to vector<4x128xi32>
    %select_n3A_960 = arith.select %eq3A_956, %broadcast_in_dim3A_959, %select_n3A_953 : vector<4x128xi1>, vector<4x128xi32>
    %eq3A_961 = arith.constant 20 : i32
    %eq3A_962 = vector.broadcast %eq3A_961 : i32 to vector<4x128xi32>
    %eq3A_963 = arith.cmpi eq, %select_n3A_592, %eq3A_962 : vector<4x128xi32>
    %slice3A_964 = vector.extract_strided_slice %add3A_279 {offsets = [20, 0], sizes = [1, 128], strides = [1, 1]} : vector<32x128xi32> to vector<1x128xi32>
    %broadcast_in_dim3A_965 = vector.shape_cast %slice3A_964 : vector<1x128xi32> to vector<1x128xi32>
    %broadcast_in_dim3A_966 = vector.broadcast %broadcast_in_dim3A_965 : vector<1x128xi32> to vector<4x128xi32>
    %select_n3A_967 = arith.select %eq3A_963, %broadcast_in_dim3A_966, %select_n3A_960 : vector<4x128xi1>, vector<4x128xi32>
    %eq3A_968 = arith.constant 21 : i32
    %eq3A_969 = vector.broadcast %eq3A_968 : i32 to vector<4x128xi32>
    %eq3A_970 = arith.cmpi eq, %select_n3A_592, %eq3A_969 : vector<4x128xi32>
    %slice3A_971 = vector.extract_strided_slice %add3A_279 {offsets = [21, 0], sizes = [1, 128], strides = [1, 1]} : vector<32x128xi32> to vector<1x128xi32>
    %broadcast_in_dim3A_972 = vector.shape_cast %slice3A_971 : vector<1x128xi32> to vector<1x128xi32>
    %broadcast_in_dim3A_973 = vector.broadcast %broadcast_in_dim3A_972 : vector<1x128xi32> to vector<4x128xi32>
    %select_n3A_974 = arith.select %eq3A_970, %broadcast_in_dim3A_973, %select_n3A_967 : vector<4x128xi1>, vector<4x128xi32>
    %eq3A_975 = arith.constant 22 : i32
    %eq3A_976 = vector.broadcast %eq3A_975 : i32 to vector<4x128xi32>
    %eq3A_977 = arith.cmpi eq, %select_n3A_592, %eq3A_976 : vector<4x128xi32>
    %slice3A_978 = vector.extract_strided_slice %add3A_279 {offsets = [22, 0], sizes = [1, 128], strides = [1, 1]} : vector<32x128xi32> to vector<1x128xi32>
    %broadcast_in_dim3A_979 = vector.shape_cast %slice3A_978 : vector<1x128xi32> to vector<1x128xi32>
    %broadcast_in_dim3A_980 = vector.broadcast %broadcast_in_dim3A_979 : vector<1x128xi32> to vector<4x128xi32>
    %select_n3A_981 = arith.select %eq3A_977, %broadcast_in_dim3A_980, %select_n3A_974 : vector<4x128xi1>, vector<4x128xi32>
    %eq3A_982 = arith.constant 23 : i32
    %eq3A_983 = vector.broadcast %eq3A_982 : i32 to vector<4x128xi32>
    %eq3A_984 = arith.cmpi eq, %select_n3A_592, %eq3A_983 : vector<4x128xi32>
    %slice3A_985 = vector.extract_strided_slice %add3A_279 {offsets = [23, 0], sizes = [1, 128], strides = [1, 1]} : vector<32x128xi32> to vector<1x128xi32>
    %broadcast_in_dim3A_986 = vector.shape_cast %slice3A_985 : vector<1x128xi32> to vector<1x128xi32>
    %broadcast_in_dim3A_987 = vector.broadcast %broadcast_in_dim3A_986 : vector<1x128xi32> to vector<4x128xi32>
    %select_n3A_988 = arith.select %eq3A_984, %broadcast_in_dim3A_987, %select_n3A_981 : vector<4x128xi1>, vector<4x128xi32>
    %eq3A_989 = arith.constant 24 : i32
    %eq3A_990 = vector.broadcast %eq3A_989 : i32 to vector<4x128xi32>
    %eq3A_991 = arith.cmpi eq, %select_n3A_592, %eq3A_990 : vector<4x128xi32>
    %slice3A_992 = vector.extract_strided_slice %add3A_279 {offsets = [24, 0], sizes = [1, 128], strides = [1, 1]} : vector<32x128xi32> to vector<1x128xi32>
    %broadcast_in_dim3A_993 = vector.shape_cast %slice3A_992 : vector<1x128xi32> to vector<1x128xi32>
    %broadcast_in_dim3A_994 = vector.broadcast %broadcast_in_dim3A_993 : vector<1x128xi32> to vector<4x128xi32>
    %select_n3A_995 = arith.select %eq3A_991, %broadcast_in_dim3A_994, %select_n3A_988 : vector<4x128xi1>, vector<4x128xi32>
    %eq3A_996 = arith.constant 25 : i32
    %eq3A_997 = vector.broadcast %eq3A_996 : i32 to vector<4x128xi32>
    %eq3A_998 = arith.cmpi eq, %select_n3A_592, %eq3A_997 : vector<4x128xi32>
    %slice3A_999 = vector.extract_strided_slice %add3A_279 {offsets = [25, 0], sizes = [1, 128], strides = [1, 1]} : vector<32x128xi32> to vector<1x128xi32>
    %broadcast_in_dim3A_1000 = vector.shape_cast %slice3A_999 : vector<1x128xi32> to vector<1x128xi32>
    %broadcast_in_dim3A_1001 = vector.broadcast %broadcast_in_dim3A_1000 : vector<1x128xi32> to vector<4x128xi32>
    %select_n3A_1002 = arith.select %eq3A_998, %broadcast_in_dim3A_1001, %select_n3A_995 : vector<4x128xi1>, vector<4x128xi32>
    %eq3A_1003 = arith.constant 26 : i32
    %eq3A_1004 = vector.broadcast %eq3A_1003 : i32 to vector<4x128xi32>
    %eq3A_1005 = arith.cmpi eq, %select_n3A_592, %eq3A_1004 : vector<4x128xi32>
    %slice3A_1006 = vector.extract_strided_slice %add3A_279 {offsets = [26, 0], sizes = [1, 128], strides = [1, 1]} : vector<32x128xi32> to vector<1x128xi32>
    %broadcast_in_dim3A_1007 = vector.shape_cast %slice3A_1006 : vector<1x128xi32> to vector<1x128xi32>
    %broadcast_in_dim3A_1008 = vector.broadcast %broadcast_in_dim3A_1007 : vector<1x128xi32> to vector<4x128xi32>
    %select_n3A_1009 = arith.select %eq3A_1005, %broadcast_in_dim3A_1008, %select_n3A_1002 : vector<4x128xi1>, vector<4x128xi32>
    %eq3A_1010 = arith.constant 27 : i32
    %eq3A_1011 = vector.broadcast %eq3A_1010 : i32 to vector<4x128xi32>
    %eq3A_1012 = arith.cmpi eq, %select_n3A_592, %eq3A_1011 : vector<4x128xi32>
    %slice3A_1013 = vector.extract_strided_slice %add3A_279 {offsets = [27, 0], sizes = [1, 128], strides = [1, 1]} : vector<32x128xi32> to vector<1x128xi32>
    %broadcast_in_dim3A_1014 = vector.shape_cast %slice3A_1013 : vector<1x128xi32> to vector<1x128xi32>
    %broadcast_in_dim3A_1015 = vector.broadcast %broadcast_in_dim3A_1014 : vector<1x128xi32> to vector<4x128xi32>
    %select_n3A_1016 = arith.select %eq3A_1012, %broadcast_in_dim3A_1015, %select_n3A_1009 : vector<4x128xi1>, vector<4x128xi32>
    %eq3A_1017 = arith.constant 28 : i32
    %eq3A_1018 = vector.broadcast %eq3A_1017 : i32 to vector<4x128xi32>
    %eq3A_1019 = arith.cmpi eq, %select_n3A_592, %eq3A_1018 : vector<4x128xi32>
    %slice3A_1020 = vector.extract_strided_slice %add3A_279 {offsets = [28, 0], sizes = [1, 128], strides = [1, 1]} : vector<32x128xi32> to vector<1x128xi32>
    %broadcast_in_dim3A_1021 = vector.shape_cast %slice3A_1020 : vector<1x128xi32> to vector<1x128xi32>
    %broadcast_in_dim3A_1022 = vector.broadcast %broadcast_in_dim3A_1021 : vector<1x128xi32> to vector<4x128xi32>
    %select_n3A_1023 = arith.select %eq3A_1019, %broadcast_in_dim3A_1022, %select_n3A_1016 : vector<4x128xi1>, vector<4x128xi32>
    %eq3A_1024 = arith.constant 29 : i32
    %eq3A_1025 = vector.broadcast %eq3A_1024 : i32 to vector<4x128xi32>
    %eq3A_1026 = arith.cmpi eq, %select_n3A_592, %eq3A_1025 : vector<4x128xi32>
    %slice3A_1027 = vector.extract_strided_slice %add3A_279 {offsets = [29, 0], sizes = [1, 128], strides = [1, 1]} : vector<32x128xi32> to vector<1x128xi32>
    %broadcast_in_dim3A_1028 = vector.shape_cast %slice3A_1027 : vector<1x128xi32> to vector<1x128xi32>
    %broadcast_in_dim3A_1029 = vector.broadcast %broadcast_in_dim3A_1028 : vector<1x128xi32> to vector<4x128xi32>
    %select_n3A_1030 = arith.select %eq3A_1026, %broadcast_in_dim3A_1029, %select_n3A_1023 : vector<4x128xi1>, vector<4x128xi32>
    %eq3A_1031 = arith.constant 30 : i32
    %eq3A_1032 = vector.broadcast %eq3A_1031 : i32 to vector<4x128xi32>
    %eq3A_1033 = arith.cmpi eq, %select_n3A_592, %eq3A_1032 : vector<4x128xi32>
    %slice3A_1034 = vector.extract_strided_slice %add3A_279 {offsets = [30, 0], sizes = [1, 128], strides = [1, 1]} : vector<32x128xi32> to vector<1x128xi32>
    %broadcast_in_dim3A_1035 = vector.shape_cast %slice3A_1034 : vector<1x128xi32> to vector<1x128xi32>
    %broadcast_in_dim3A_1036 = vector.broadcast %broadcast_in_dim3A_1035 : vector<1x128xi32> to vector<4x128xi32>
    %select_n3A_1037 = arith.select %eq3A_1033, %broadcast_in_dim3A_1036, %select_n3A_1030 : vector<4x128xi1>, vector<4x128xi32>
    %eq3A_1038 = arith.constant 31 : i32
    %eq3A_1039 = vector.broadcast %eq3A_1038 : i32 to vector<4x128xi32>
    %eq3A_1040 = arith.cmpi eq, %select_n3A_592, %eq3A_1039 : vector<4x128xi32>
    %slice3A_1041 = vector.extract_strided_slice %add3A_279 {offsets = [31, 0], sizes = [1, 128], strides = [1, 1]} : vector<32x128xi32> to vector<1x128xi32>
    %broadcast_in_dim3A_1042 = vector.shape_cast %slice3A_1041 : vector<1x128xi32> to vector<1x128xi32>
    %broadcast_in_dim3A_1043 = vector.broadcast %broadcast_in_dim3A_1042 : vector<1x128xi32> to vector<4x128xi32>
    %select_n3A_1044 = arith.select %eq3A_1040, %broadcast_in_dim3A_1043, %select_n3A_1037 : vector<4x128xi1>, vector<4x128xi32>
    %eq3A_1045 = arith.constant 2 : i32
    %eq3A_1046 = vector.broadcast %eq3A_1045 : i32 to vector<4x128xi32>
    %eq3A_1047 = arith.cmpi eq, %select_n3A_322, %eq3A_1046 : vector<4x128xi32>
    %shift_right_arithmetic3A_1048 = arith.constant 3 : i32
    %shift_right_arithmetic3A_1049 = vector.broadcast %shift_right_arithmetic3A_1048 : i32 to vector<4x128xi32>
    %shift_right_arithmetic3A_1050 = arith.shrsi %select_n3A_818, %shift_right_arithmetic3A_1049 : vector<4x128xi32>
    %select_n3A_1051 = arith.select %eq3A_1047, %shift_right_arithmetic3A_1050, %select_n3A_587 : vector<4x128xi1>, vector<4x128xi32>
    %and3A_1052 = arith.constant 7 : i32
    %and3A_1053 = vector.broadcast %and3A_1052 : i32 to vector<4x128xi32>
    %and3A_1054 = arith.andi %select_n3A_818, %and3A_1053 : vector<4x128xi32>
    %select_n3A_1055 = arith.select %eq3A_1047, %and3A_1054, %select_n3A_565 : vector<4x128xi1>, vector<4x128xi32>
    %shift_right_arithmetic3A_1056 = arith.constant 3 : i32
    %shift_right_arithmetic3A_1057 = vector.broadcast %shift_right_arithmetic3A_1056 : i32 to vector<4x128xi32>
    %shift_right_arithmetic3A_1058 = arith.shrsi %select_n3A_1044, %shift_right_arithmetic3A_1057 : vector<4x128xi32>
    %jit3A_1059 = arith.constant 0 : i32
    %broadcast_in_dim3A_1060 = vector.broadcast %jit3A_1059 : i32 to vector<4x128xi32>
    %select_n3A_1061 = arith.select %eq3A_1047, %shift_right_arithmetic3A_1058, %broadcast_in_dim3A_1060 : vector<4x128xi1>, vector<4x128xi32>
    %and3A_1062 = arith.constant 7 : i32
    %and3A_1063 = vector.broadcast %and3A_1062 : i32 to vector<4x128xi32>
    %and3A_1064 = arith.andi %select_n3A_1044, %and3A_1063 : vector<4x128xi32>
    %get3A_1065 = arith.constant 0 : index
    %get3A_1066 = arith.constant 0 : index
    %get3A_1067 = arith.constant 0 : index
    %get3A_1068 = vector.load %arg11[%get3A_1065, %get3A_1066, %get3A_1067] : memref<1x64x1xf32, #tpu.memory_space<vmem>>, vector<1x64x1xf32>
    %get3A_1069 = arith.constant 0 : index
    %get3A_1070 = arith.constant 0 : index
    %get3A_1071 = arith.constant 0 : index
    %get3A_1072 = vector.load %arg12[%get3A_1069, %get3A_1070, %get3A_1071] : memref<1x64x1xf32, #tpu.memory_space<vmem>>, vector<1x64x1xf32>
    %broadcast_in_dim3A_1073 = arith.constant 0.000000e+00 : f32
    %broadcast_in_dim3A_1074 = vector.broadcast %broadcast_in_dim3A_1073 : f32 to vector<1x1x1xf32>
    %iota3A = tpu.iota {dimensions = array<i32: 0>} : vector<48x1x1xi32>
    %add3A_1075 = arith.addi %select_n3A_1051, %select_n3A_1061 : vector<4x128xi32>
    %slice3A_1076 = vector.extract_strided_slice %select_n3A_1051 {offsets = [0, 0], sizes = [1, 128], strides = [1, 1]} : vector<4x128xi32> to vector<1x128xi32>
    %broadcast_in_dim3A_1077 = vector.shape_cast %slice3A_1076 : vector<1x128xi32> to vector<1x1x128xi32>
    %slice3A_1078 = vector.extract_strided_slice %add3A_1075 {offsets = [0, 0], sizes = [1, 128], strides = [1, 1]} : vector<4x128xi32> to vector<1x128xi32>
    %broadcast_in_dim3A_1079 = vector.shape_cast %slice3A_1078 : vector<1x128xi32> to vector<1x1x128xi32>
    %slice3A_1080 = vector.extract_strided_slice %select_n3A_1055 {offsets = [0, 0], sizes = [1, 128], strides = [1, 1]} : vector<4x128xi32> to vector<1x128xi32>
    %broadcast_in_dim3A_1081 = vector.shape_cast %slice3A_1080 : vector<1x128xi32> to vector<1x1x128xi32>
    %slice3A_1082 = vector.extract_strided_slice %and3A_1064 {offsets = [0, 0], sizes = [1, 128], strides = [1, 1]} : vector<4x128xi32> to vector<1x128xi32>
    %broadcast_in_dim3A_1083 = vector.shape_cast %slice3A_1082 : vector<1x128xi32> to vector<1x1x128xi32>
    %eq3A_1084 = arith.constant 1 : i32
    %eq3A_1085 = vector.broadcast %eq3A_1084 : i32 to vector<1x1x128xi32>
    %eq3A_1086 = arith.cmpi eq, %broadcast_in_dim3A_1081, %eq3A_1085 : vector<1x1x128xi32>
    %eq3A_1087 = arith.constant 2 : i32
    %eq3A_1088 = vector.broadcast %eq3A_1087 : i32 to vector<1x1x128xi32>
    %eq3A_1089 = arith.cmpi eq, %broadcast_in_dim3A_1081, %eq3A_1088 : vector<1x1x128xi32>
    %broadcast_in_dim3A_1090 = vector.shape_cast %eq3A_1089 : vector<1x1x128xi1> to vector<1x1x128xi1>
    %broadcast_in_dim3A_1091 = vector.broadcast %broadcast_in_dim3A_1090 : vector<1x1x128xi1> to vector<1x64x128xi1>
    %broadcast_in_dim3A_1092 = vector.shape_cast %get3A_1072 : vector<1x64x1xf32> to vector<1x64x1xf32>
    %broadcast_in_dim3A_1093 = vector.broadcast %broadcast_in_dim3A_1092 : vector<1x64x1xf32> to vector<1x64x128xf32>
    %broadcast_in_dim3A_1094 = vector.shape_cast %broadcast_in_dim3A_1074 : vector<1x1x1xf32> to vector<1x1x1xf32>
    %broadcast_in_dim3A_1095 = vector.broadcast %broadcast_in_dim3A_1094 : vector<1x1x1xf32> to vector<1x64x128xf32>
    %select_n3A_1096 = arith.select %broadcast_in_dim3A_1091, %broadcast_in_dim3A_1093, %broadcast_in_dim3A_1095 : vector<1x64x128xi1>, vector<1x64x128xf32>
    %broadcast_in_dim3A_1097 = vector.shape_cast %eq3A_1086 : vector<1x1x128xi1> to vector<1x1x128xi1>
    %broadcast_in_dim3A_1098 = vector.broadcast %broadcast_in_dim3A_1097 : vector<1x1x128xi1> to vector<1x64x128xi1>
    %broadcast_in_dim3A_1099 = vector.shape_cast %get3A_1068 : vector<1x64x1xf32> to vector<1x64x1xf32>
    %broadcast_in_dim3A_1100 = vector.broadcast %broadcast_in_dim3A_1099 : vector<1x64x1xf32> to vector<1x64x128xf32>
    %select_n3A_1101 = arith.select %broadcast_in_dim3A_1098, %broadcast_in_dim3A_1100, %select_n3A_1096 : vector<1x64x128xi1>, vector<1x64x128xf32>
    %eq3A_1102 = arith.constant 1 : i32
    %eq3A_1103 = vector.broadcast %eq3A_1102 : i32 to vector<1x1x128xi32>
    %eq3A_1104 = arith.cmpi eq, %broadcast_in_dim3A_1083, %eq3A_1103 : vector<1x1x128xi32>
    %eq3A_1105 = arith.constant 2 : i32
    %eq3A_1106 = vector.broadcast %eq3A_1105 : i32 to vector<1x1x128xi32>
    %eq3A_1107 = arith.cmpi eq, %broadcast_in_dim3A_1083, %eq3A_1106 : vector<1x1x128xi32>
    %broadcast_in_dim3A_1108 = vector.shape_cast %eq3A_1107 : vector<1x1x128xi1> to vector<1x1x128xi1>
    %broadcast_in_dim3A_1109 = vector.broadcast %broadcast_in_dim3A_1108 : vector<1x1x128xi1> to vector<1x64x128xi1>
    %broadcast_in_dim3A_1110 = vector.shape_cast %get3A_1072 : vector<1x64x1xf32> to vector<1x64x1xf32>
    %broadcast_in_dim3A_1111 = vector.broadcast %broadcast_in_dim3A_1110 : vector<1x64x1xf32> to vector<1x64x128xf32>
    %broadcast_in_dim3A_1112 = vector.shape_cast %broadcast_in_dim3A_1074 : vector<1x1x1xf32> to vector<1x1x1xf32>
    %broadcast_in_dim3A_1113 = vector.broadcast %broadcast_in_dim3A_1112 : vector<1x1x1xf32> to vector<1x64x128xf32>
    %select_n3A_1114 = arith.select %broadcast_in_dim3A_1109, %broadcast_in_dim3A_1111, %broadcast_in_dim3A_1113 : vector<1x64x128xi1>, vector<1x64x128xf32>
    %broadcast_in_dim3A_1115 = vector.shape_cast %eq3A_1104 : vector<1x1x128xi1> to vector<1x1x128xi1>
    %broadcast_in_dim3A_1116 = vector.broadcast %broadcast_in_dim3A_1115 : vector<1x1x128xi1> to vector<1x64x128xi1>
    %broadcast_in_dim3A_1117 = vector.shape_cast %get3A_1068 : vector<1x64x1xf32> to vector<1x64x1xf32>
    %broadcast_in_dim3A_1118 = vector.broadcast %broadcast_in_dim3A_1117 : vector<1x64x1xf32> to vector<1x64x128xf32>
    %select_n3A_1119 = arith.select %broadcast_in_dim3A_1116, %broadcast_in_dim3A_1118, %select_n3A_1114 : vector<1x64x128xi1>, vector<1x64x128xf32>
    %lt3A = vector.broadcast %iota3A : vector<48x1x1xi32> to vector<48x1x128xi32>
    %lt3A_1120 = vector.broadcast %broadcast_in_dim3A_1077 : vector<1x1x128xi32> to vector<48x1x128xi32>
    %lt3A_1121 = arith.cmpi slt, %lt3A, %lt3A_1120 : vector<48x1x128xi32>
    %lt3A_1122 = vector.broadcast %iota3A : vector<48x1x1xi32> to vector<48x1x128xi32>
    %lt3A_1123 = vector.broadcast %broadcast_in_dim3A_1079 : vector<1x1x128xi32> to vector<48x1x128xi32>
    %lt3A_1124 = arith.cmpi slt, %lt3A_1122, %lt3A_1123 : vector<48x1x128xi32>
    %broadcast_in_dim3A_1125 = vector.shape_cast %lt3A_1124 : vector<48x1x128xi1> to vector<48x1x128xi1>
    %broadcast_in_dim3A_1126 = vector.broadcast %broadcast_in_dim3A_1125 : vector<48x1x128xi1> to vector<48x64x128xi1>
    %broadcast_in_dim3A_1127 = vector.shape_cast %select_n3A_1119 : vector<1x64x128xf32> to vector<1x64x128xf32>
    %broadcast_in_dim3A_1128 = vector.broadcast %broadcast_in_dim3A_1127 : vector<1x64x128xf32> to vector<48x64x128xf32>
    %broadcast_in_dim3A_1129 = vector.shape_cast %broadcast_in_dim3A_1074 : vector<1x1x1xf32> to vector<1x1x1xf32>
    %broadcast_in_dim3A_1130 = vector.broadcast %broadcast_in_dim3A_1129 : vector<1x1x1xf32> to vector<48x64x128xf32>
    %select_n3A_1131 = arith.select %broadcast_in_dim3A_1126, %broadcast_in_dim3A_1128, %broadcast_in_dim3A_1130 : vector<48x64x128xi1>, vector<48x64x128xf32>
    %broadcast_in_dim3A_1132 = vector.shape_cast %lt3A_1121 : vector<48x1x128xi1> to vector<48x1x128xi1>
    %broadcast_in_dim3A_1133 = vector.broadcast %broadcast_in_dim3A_1132 : vector<48x1x128xi1> to vector<48x64x128xi1>
    %broadcast_in_dim3A_1134 = vector.shape_cast %select_n3A_1101 : vector<1x64x128xf32> to vector<1x64x128xf32>
    %broadcast_in_dim3A_1135 = vector.broadcast %broadcast_in_dim3A_1134 : vector<1x64x128xf32> to vector<48x64x128xf32>
    %select_n3A_1136 = arith.select %broadcast_in_dim3A_1133, %broadcast_in_dim3A_1135, %select_n3A_1131 : vector<48x64x128xi1>, vector<48x64x128xf32>
    %swap3A = arith.constant 0 : index
    %swap3A_1137 = arith.constant 0 : index
    %swap3A_1138 = arith.constant 0 : index
    %swap3A_1139 = arith.constant 0 : index
    %swap3A_1140 = vector.load %arg13[%swap3A, %swap3A_1137, %swap3A_1138, %swap3A_1139] : memref<4x48x64x128xf32, #tpu.memory_space<vmem>>, vector<1x48x64x128xf32>
    %swap3A_1141 = vector.shape_cast %swap3A_1140 : vector<1x48x64x128xf32> to vector<48x64x128xf32>
    %swap3A_1142 = vector.shape_cast %select_n3A_1136 : vector<48x64x128xf32> to vector<1x48x64x128xf32>
    tpu.vector_store %arg13[%swap3A, %swap3A_1137, %swap3A_1138, %swap3A_1139], %swap3A_1142 {strides = array<i32>} : memref<4x48x64x128xf32, #tpu.memory_space<vmem>>, vector<1x48x64x128xf32>,
    %slice3A_1143 = vector.extract_strided_slice %select_n3A_1051 {offsets = [1, 0], sizes = [1, 128], strides = [1, 1]} : vector<4x128xi32> to vector<1x128xi32>
    %broadcast_in_dim3A_1144 = vector.shape_cast %slice3A_1143 : vector<1x128xi32> to vector<1x1x128xi32>
    %slice3A_1145 = vector.extract_strided_slice %add3A_1075 {offsets = [1, 0], sizes = [1, 128], strides = [1, 1]} : vector<4x128xi32> to vector<1x128xi32>
    %broadcast_in_dim3A_1146 = vector.shape_cast %slice3A_1145 : vector<1x128xi32> to vector<1x1x128xi32>
    %slice3A_1147 = vector.extract_strided_slice %select_n3A_1055 {offsets = [1, 0], sizes = [1, 128], strides = [1, 1]} : vector<4x128xi32> to vector<1x128xi32>
    %broadcast_in_dim3A_1148 = vector.shape_cast %slice3A_1147 : vector<1x128xi32> to vector<1x1x128xi32>
    %slice3A_1149 = vector.extract_strided_slice %and3A_1064 {offsets = [1, 0], sizes = [1, 128], strides = [1, 1]} : vector<4x128xi32> to vector<1x128xi32>
    %broadcast_in_dim3A_1150 = vector.shape_cast %slice3A_1149 : vector<1x128xi32> to vector<1x1x128xi32>
    %eq3A_1151 = arith.constant 1 : i32
    %eq3A_1152 = vector.broadcast %eq3A_1151 : i32 to vector<1x1x128xi32>
    %eq3A_1153 = arith.cmpi eq, %broadcast_in_dim3A_1148, %eq3A_1152 : vector<1x1x128xi32>
    %eq3A_1154 = arith.constant 2 : i32
    %eq3A_1155 = vector.broadcast %eq3A_1154 : i32 to vector<1x1x128xi32>
    %eq3A_1156 = arith.cmpi eq, %broadcast_in_dim3A_1148, %eq3A_1155 : vector<1x1x128xi32>
    %broadcast_in_dim3A_1157 = vector.shape_cast %eq3A_1156 : vector<1x1x128xi1> to vector<1x1x128xi1>
    %broadcast_in_dim3A_1158 = vector.broadcast %broadcast_in_dim3A_1157 : vector<1x1x128xi1> to vector<1x64x128xi1>
    %broadcast_in_dim3A_1159 = vector.shape_cast %get3A_1072 : vector<1x64x1xf32> to vector<1x64x1xf32>
    %broadcast_in_dim3A_1160 = vector.broadcast %broadcast_in_dim3A_1159 : vector<1x64x1xf32> to vector<1x64x128xf32>
    %broadcast_in_dim3A_1161 = vector.shape_cast %broadcast_in_dim3A_1074 : vector<1x1x1xf32> to vector<1x1x1xf32>
    %broadcast_in_dim3A_1162 = vector.broadcast %broadcast_in_dim3A_1161 : vector<1x1x1xf32> to vector<1x64x128xf32>
    %select_n3A_1163 = arith.select %broadcast_in_dim3A_1158, %broadcast_in_dim3A_1160, %broadcast_in_dim3A_1162 : vector<1x64x128xi1>, vector<1x64x128xf32>
    %broadcast_in_dim3A_1164 = vector.shape_cast %eq3A_1153 : vector<1x1x128xi1> to vector<1x1x128xi1>
    %broadcast_in_dim3A_1165 = vector.broadcast %broadcast_in_dim3A_1164 : vector<1x1x128xi1> to vector<1x64x128xi1>
    %broadcast_in_dim3A_1166 = vector.shape_cast %get3A_1068 : vector<1x64x1xf32> to vector<1x64x1xf32>
    %broadcast_in_dim3A_1167 = vector.broadcast %broadcast_in_dim3A_1166 : vector<1x64x1xf32> to vector<1x64x128xf32>
    %select_n3A_1168 = arith.select %broadcast_in_dim3A_1165, %broadcast_in_dim3A_1167, %select_n3A_1163 : vector<1x64x128xi1>, vector<1x64x128xf32>
    %eq3A_1169 = arith.constant 1 : i32
    %eq3A_1170 = vector.broadcast %eq3A_1169 : i32 to vector<1x1x128xi32>
    %eq3A_1171 = arith.cmpi eq, %broadcast_in_dim3A_1150, %eq3A_1170 : vector<1x1x128xi32>
    %eq3A_1172 = arith.constant 2 : i32
    %eq3A_1173 = vector.broadcast %eq3A_1172 : i32 to vector<1x1x128xi32>
    %eq3A_1174 = arith.cmpi eq, %broadcast_in_dim3A_1150, %eq3A_1173 : vector<1x1x128xi32>
    %broadcast_in_dim3A_1175 = vector.shape_cast %eq3A_1174 : vector<1x1x128xi1> to vector<1x1x128xi1>
    %broadcast_in_dim3A_1176 = vector.broadcast %broadcast_in_dim3A_1175 : vector<1x1x128xi1> to vector<1x64x128xi1>
    %broadcast_in_dim3A_1177 = vector.shape_cast %get3A_1072 : vector<1x64x1xf32> to vector<1x64x1xf32>
    %broadcast_in_dim3A_1178 = vector.broadcast %broadcast_in_dim3A_1177 : vector<1x64x1xf32> to vector<1x64x128xf32>
    %broadcast_in_dim3A_1179 = vector.shape_cast %broadcast_in_dim3A_1074 : vector<1x1x1xf32> to vector<1x1x1xf32>
    %broadcast_in_dim3A_1180 = vector.broadcast %broadcast_in_dim3A_1179 : vector<1x1x1xf32> to vector<1x64x128xf32>
    %select_n3A_1181 = arith.select %broadcast_in_dim3A_1176, %broadcast_in_dim3A_1178, %broadcast_in_dim3A_1180 : vector<1x64x128xi1>, vector<1x64x128xf32>
    %broadcast_in_dim3A_1182 = vector.shape_cast %eq3A_1171 : vector<1x1x128xi1> to vector<1x1x128xi1>
    %broadcast_in_dim3A_1183 = vector.broadcast %broadcast_in_dim3A_1182 : vector<1x1x128xi1> to vector<1x64x128xi1>
    %broadcast_in_dim3A_1184 = vector.shape_cast %get3A_1068 : vector<1x64x1xf32> to vector<1x64x1xf32>
    %broadcast_in_dim3A_1185 = vector.broadcast %broadcast_in_dim3A_1184 : vector<1x64x1xf32> to vector<1x64x128xf32>
    %select_n3A_1186 = arith.select %broadcast_in_dim3A_1183, %broadcast_in_dim3A_1185, %select_n3A_1181 : vector<1x64x128xi1>, vector<1x64x128xf32>
    %lt3A_1187 = vector.broadcast %iota3A : vector<48x1x1xi32> to vector<48x1x128xi32>
    %lt3A_1188 = vector.broadcast %broadcast_in_dim3A_1144 : vector<1x1x128xi32> to vector<48x1x128xi32>
    %lt3A_1189 = arith.cmpi slt, %lt3A_1187, %lt3A_1188 : vector<48x1x128xi32>
    %lt3A_1190 = vector.broadcast %iota3A : vector<48x1x1xi32> to vector<48x1x128xi32>
    %lt3A_1191 = vector.broadcast %broadcast_in_dim3A_1146 : vector<1x1x128xi32> to vector<48x1x128xi32>
    %lt3A_1192 = arith.cmpi slt, %lt3A_1190, %lt3A_1191 : vector<48x1x128xi32>
    %broadcast_in_dim3A_1193 = vector.shape_cast %lt3A_1192 : vector<48x1x128xi1> to vector<48x1x128xi1>
    %broadcast_in_dim3A_1194 = vector.broadcast %broadcast_in_dim3A_1193 : vector<48x1x128xi1> to vector<48x64x128xi1>
    %broadcast_in_dim3A_1195 = vector.shape_cast %select_n3A_1186 : vector<1x64x128xf32> to vector<1x64x128xf32>
    %broadcast_in_dim3A_1196 = vector.broadcast %broadcast_in_dim3A_1195 : vector<1x64x128xf32> to vector<48x64x128xf32>
    %broadcast_in_dim3A_1197 = vector.shape_cast %broadcast_in_dim3A_1074 : vector<1x1x1xf32> to vector<1x1x1xf32>
    %broadcast_in_dim3A_1198 = vector.broadcast %broadcast_in_dim3A_1197 : vector<1x1x1xf32> to vector<48x64x128xf32>
    %select_n3A_1199 = arith.select %broadcast_in_dim3A_1194, %broadcast_in_dim3A_1196, %broadcast_in_dim3A_1198 : vector<48x64x128xi1>, vector<48x64x128xf32>
    %broadcast_in_dim3A_1200 = vector.shape_cast %lt3A_1189 : vector<48x1x128xi1> to vector<48x1x128xi1>
    %broadcast_in_dim3A_1201 = vector.broadcast %broadcast_in_dim3A_1200 : vector<48x1x128xi1> to vector<48x64x128xi1>
    %broadcast_in_dim3A_1202 = vector.shape_cast %select_n3A_1168 : vector<1x64x128xf32> to vector<1x64x128xf32>
    %broadcast_in_dim3A_1203 = vector.broadcast %broadcast_in_dim3A_1202 : vector<1x64x128xf32> to vector<48x64x128xf32>
    %select_n3A_1204 = arith.select %broadcast_in_dim3A_1201, %broadcast_in_dim3A_1203, %select_n3A_1199 : vector<48x64x128xi1>, vector<48x64x128xf32>
    %swap3A_1205 = arith.constant 1 : index
    %swap3A_1206 = arith.constant 0 : index
    %swap3A_1207 = arith.constant 0 : index
    %swap3A_1208 = arith.constant 0 : index
    %swap3A_1209 = vector.load %arg13[%swap3A_1205, %swap3A_1206, %swap3A_1207, %swap3A_1208] : memref<4x48x64x128xf32, #tpu.memory_space<vmem>>, vector<1x48x64x128xf32>
    %swap3A_1210 = vector.shape_cast %swap3A_1209 : vector<1x48x64x128xf32> to vector<48x64x128xf32>
    %swap3A_1211 = vector.shape_cast %select_n3A_1204 : vector<48x64x128xf32> to vector<1x48x64x128xf32>
    tpu.vector_store %arg13[%swap3A_1205, %swap3A_1206, %swap3A_1207, %swap3A_1208], %swap3A_1211 {strides = array<i32>} : memref<4x48x64x128xf32, #tpu.memory_space<vmem>>, vector<1x48x64x128xf32>,
    %slice3A_1212 = vector.extract_strided_slice %select_n3A_1051 {offsets = [2, 0], sizes = [1, 128], strides = [1, 1]} : vector<4x128xi32> to vector<1x128xi32>
    %broadcast_in_dim3A_1213 = vector.shape_cast %slice3A_1212 : vector<1x128xi32> to vector<1x1x128xi32>
    %slice3A_1214 = vector.extract_strided_slice %add3A_1075 {offsets = [2, 0], sizes = [1, 128], strides = [1, 1]} : vector<4x128xi32> to vector<1x128xi32>
    %broadcast_in_dim3A_1215 = vector.shape_cast %slice3A_1214 : vector<1x128xi32> to vector<1x1x128xi32>
    %slice3A_1216 = vector.extract_strided_slice %select_n3A_1055 {offsets = [2, 0], sizes = [1, 128], strides = [1, 1]} : vector<4x128xi32> to vector<1x128xi32>
    %broadcast_in_dim3A_1217 = vector.shape_cast %slice3A_1216 : vector<1x128xi32> to vector<1x1x128xi32>
    %slice3A_1218 = vector.extract_strided_slice %and3A_1064 {offsets = [2, 0], sizes = [1, 128], strides = [1, 1]} : vector<4x128xi32> to vector<1x128xi32>
    %broadcast_in_dim3A_1219 = vector.shape_cast %slice3A_1218 : vector<1x128xi32> to vector<1x1x128xi32>
    %eq3A_1220 = arith.constant 1 : i32
    %eq3A_1221 = vector.broadcast %eq3A_1220 : i32 to vector<1x1x128xi32>
    %eq3A_1222 = arith.cmpi eq, %broadcast_in_dim3A_1217, %eq3A_1221 : vector<1x1x128xi32>
    %eq3A_1223 = arith.constant 2 : i32
    %eq3A_1224 = vector.broadcast %eq3A_1223 : i32 to vector<1x1x128xi32>
    %eq3A_1225 = arith.cmpi eq, %broadcast_in_dim3A_1217, %eq3A_1224 : vector<1x1x128xi32>
    %broadcast_in_dim3A_1226 = vector.shape_cast %eq3A_1225 : vector<1x1x128xi1> to vector<1x1x128xi1>
    %broadcast_in_dim3A_1227 = vector.broadcast %broadcast_in_dim3A_1226 : vector<1x1x128xi1> to vector<1x64x128xi1>
    %broadcast_in_dim3A_1228 = vector.shape_cast %get3A_1072 : vector<1x64x1xf32> to vector<1x64x1xf32>
    %broadcast_in_dim3A_1229 = vector.broadcast %broadcast_in_dim3A_1228 : vector<1x64x1xf32> to vector<1x64x128xf32>
    %broadcast_in_dim3A_1230 = vector.shape_cast %broadcast_in_dim3A_1074 : vector<1x1x1xf32> to vector<1x1x1xf32>
    %broadcast_in_dim3A_1231 = vector.broadcast %broadcast_in_dim3A_1230 : vector<1x1x1xf32> to vector<1x64x128xf32>
    %select_n3A_1232 = arith.select %broadcast_in_dim3A_1227, %broadcast_in_dim3A_1229, %broadcast_in_dim3A_1231 : vector<1x64x128xi1>, vector<1x64x128xf32>
    %broadcast_in_dim3A_1233 = vector.shape_cast %eq3A_1222 : vector<1x1x128xi1> to vector<1x1x128xi1>
    %broadcast_in_dim3A_1234 = vector.broadcast %broadcast_in_dim3A_1233 : vector<1x1x128xi1> to vector<1x64x128xi1>
    %broadcast_in_dim3A_1235 = vector.shape_cast %get3A_1068 : vector<1x64x1xf32> to vector<1x64x1xf32>
    %broadcast_in_dim3A_1236 = vector.broadcast %broadcast_in_dim3A_1235 : vector<1x64x1xf32> to vector<1x64x128xf32>
    %select_n3A_1237 = arith.select %broadcast_in_dim3A_1234, %broadcast_in_dim3A_1236, %select_n3A_1232 : vector<1x64x128xi1>, vector<1x64x128xf32>
    %eq3A_1238 = arith.constant 1 : i32
    %eq3A_1239 = vector.broadcast %eq3A_1238 : i32 to vector<1x1x128xi32>
    %eq3A_1240 = arith.cmpi eq, %broadcast_in_dim3A_1219, %eq3A_1239 : vector<1x1x128xi32>
    %eq3A_1241 = arith.constant 2 : i32
    %eq3A_1242 = vector.broadcast %eq3A_1241 : i32 to vector<1x1x128xi32>
    %eq3A_1243 = arith.cmpi eq, %broadcast_in_dim3A_1219, %eq3A_1242 : vector<1x1x128xi32>
    %broadcast_in_dim3A_1244 = vector.shape_cast %eq3A_1243 : vector<1x1x128xi1> to vector<1x1x128xi1>
    %broadcast_in_dim3A_1245 = vector.broadcast %broadcast_in_dim3A_1244 : vector<1x1x128xi1> to vector<1x64x128xi1>
    %broadcast_in_dim3A_1246 = vector.shape_cast %get3A_1072 : vector<1x64x1xf32> to vector<1x64x1xf32>
    %broadcast_in_dim3A_1247 = vector.broadcast %broadcast_in_dim3A_1246 : vector<1x64x1xf32> to vector<1x64x128xf32>
    %broadcast_in_dim3A_1248 = vector.shape_cast %broadcast_in_dim3A_1074 : vector<1x1x1xf32> to vector<1x1x1xf32>
    %broadcast_in_dim3A_1249 = vector.broadcast %broadcast_in_dim3A_1248 : vector<1x1x1xf32> to vector<1x64x128xf32>
    %select_n3A_1250 = arith.select %broadcast_in_dim3A_1245, %broadcast_in_dim3A_1247, %broadcast_in_dim3A_1249 : vector<1x64x128xi1>, vector<1x64x128xf32>
    %broadcast_in_dim3A_1251 = vector.shape_cast %eq3A_1240 : vector<1x1x128xi1> to vector<1x1x128xi1>
    %broadcast_in_dim3A_1252 = vector.broadcast %broadcast_in_dim3A_1251 : vector<1x1x128xi1> to vector<1x64x128xi1>
    %broadcast_in_dim3A_1253 = vector.shape_cast %get3A_1068 : vector<1x64x1xf32> to vector<1x64x1xf32>
    %broadcast_in_dim3A_1254 = vector.broadcast %broadcast_in_dim3A_1253 : vector<1x64x1xf32> to vector<1x64x128xf32>
    %select_n3A_1255 = arith.select %broadcast_in_dim3A_1252, %broadcast_in_dim3A_1254, %select_n3A_1250 : vector<1x64x128xi1>, vector<1x64x128xf32>
    %lt3A_1256 = vector.broadcast %iota3A : vector<48x1x1xi32> to vector<48x1x128xi32>
    %lt3A_1257 = vector.broadcast %broadcast_in_dim3A_1213 : vector<1x1x128xi32> to vector<48x1x128xi32>
    %lt3A_1258 = arith.cmpi slt, %lt3A_1256, %lt3A_1257 : vector<48x1x128xi32>
    %lt3A_1259 = vector.broadcast %iota3A : vector<48x1x1xi32> to vector<48x1x128xi32>
    %lt3A_1260 = vector.broadcast %broadcast_in_dim3A_1215 : vector<1x1x128xi32> to vector<48x1x128xi32>
    %lt3A_1261 = arith.cmpi slt, %lt3A_1259, %lt3A_1260 : vector<48x1x128xi32>
    %broadcast_in_dim3A_1262 = vector.shape_cast %lt3A_1261 : vector<48x1x128xi1> to vector<48x1x128xi1>
    %broadcast_in_dim3A_1263 = vector.broadcast %broadcast_in_dim3A_1262 : vector<48x1x128xi1> to vector<48x64x128xi1>
    %broadcast_in_dim3A_1264 = vector.shape_cast %select_n3A_1255 : vector<1x64x128xf32> to vector<1x64x128xf32>
    %broadcast_in_dim3A_1265 = vector.broadcast %broadcast_in_dim3A_1264 : vector<1x64x128xf32> to vector<48x64x128xf32>
    %broadcast_in_dim3A_1266 = vector.shape_cast %broadcast_in_dim3A_1074 : vector<1x1x1xf32> to vector<1x1x1xf32>
    %broadcast_in_dim3A_1267 = vector.broadcast %broadcast_in_dim3A_1266 : vector<1x1x1xf32> to vector<48x64x128xf32>
    %select_n3A_1268 = arith.select %broadcast_in_dim3A_1263, %broadcast_in_dim3A_1265, %broadcast_in_dim3A_1267 : vector<48x64x128xi1>, vector<48x64x128xf32>
    %broadcast_in_dim3A_1269 = vector.shape_cast %lt3A_1258 : vector<48x1x128xi1> to vector<48x1x128xi1>
    %broadcast_in_dim3A_1270 = vector.broadcast %broadcast_in_dim3A_1269 : vector<48x1x128xi1> to vector<48x64x128xi1>
    %broadcast_in_dim3A_1271 = vector.shape_cast %select_n3A_1237 : vector<1x64x128xf32> to vector<1x64x128xf32>
    %broadcast_in_dim3A_1272 = vector.broadcast %broadcast_in_dim3A_1271 : vector<1x64x128xf32> to vector<48x64x128xf32>
    %select_n3A_1273 = arith.select %broadcast_in_dim3A_1270, %broadcast_in_dim3A_1272, %select_n3A_1268 : vector<48x64x128xi1>, vector<48x64x128xf32>
    %swap3A_1274 = arith.constant 2 : index
    %swap3A_1275 = arith.constant 0 : index
    %swap3A_1276 = arith.constant 0 : index
    %swap3A_1277 = arith.constant 0 : index
    %swap3A_1278 = vector.load %arg13[%swap3A_1274, %swap3A_1275, %swap3A_1276, %swap3A_1277] : memref<4x48x64x128xf32, #tpu.memory_space<vmem>>, vector<1x48x64x128xf32>
    %swap3A_1279 = vector.shape_cast %swap3A_1278 : vector<1x48x64x128xf32> to vector<48x64x128xf32>
    %swap3A_1280 = vector.shape_cast %select_n3A_1273 : vector<48x64x128xf32> to vector<1x48x64x128xf32>
    tpu.vector_store %arg13[%swap3A_1274, %swap3A_1275, %swap3A_1276, %swap3A_1277], %swap3A_1280 {strides = array<i32>} : memref<4x48x64x128xf32, #tpu.memory_space<vmem>>, vector<1x48x64x128xf32>,
    %slice3A_1281 = vector.extract_strided_slice %select_n3A_1051 {offsets = [3, 0], sizes = [1, 128], strides = [1, 1]} : vector<4x128xi32> to vector<1x128xi32>
    %broadcast_in_dim3A_1282 = vector.shape_cast %slice3A_1281 : vector<1x128xi32> to vector<1x1x128xi32>
    %slice3A_1283 = vector.extract_strided_slice %add3A_1075 {offsets = [3, 0], sizes = [1, 128], strides = [1, 1]} : vector<4x128xi32> to vector<1x128xi32>
    %broadcast_in_dim3A_1284 = vector.shape_cast %slice3A_1283 : vector<1x128xi32> to vector<1x1x128xi32>
    %slice3A_1285 = vector.extract_strided_slice %select_n3A_1055 {offsets = [3, 0], sizes = [1, 128], strides = [1, 1]} : vector<4x128xi32> to vector<1x128xi32>
    %broadcast_in_dim3A_1286 = vector.shape_cast %slice3A_1285 : vector<1x128xi32> to vector<1x1x128xi32>
    %slice3A_1287 = vector.extract_strided_slice %and3A_1064 {offsets = [3, 0], sizes = [1, 128], strides = [1, 1]} : vector<4x128xi32> to vector<1x128xi32>
    %broadcast_in_dim3A_1288 = vector.shape_cast %slice3A_1287 : vector<1x128xi32> to vector<1x1x128xi32>
    %eq3A_1289 = arith.constant 1 : i32
    %eq3A_1290 = vector.broadcast %eq3A_1289 : i32 to vector<1x1x128xi32>
    %eq3A_1291 = arith.cmpi eq, %broadcast_in_dim3A_1286, %eq3A_1290 : vector<1x1x128xi32>
    %eq3A_1292 = arith.constant 2 : i32
    %eq3A_1293 = vector.broadcast %eq3A_1292 : i32 to vector<1x1x128xi32>
    %eq3A_1294 = arith.cmpi eq, %broadcast_in_dim3A_1286, %eq3A_1293 : vector<1x1x128xi32>
    %broadcast_in_dim3A_1295 = vector.shape_cast %eq3A_1294 : vector<1x1x128xi1> to vector<1x1x128xi1>
    %broadcast_in_dim3A_1296 = vector.broadcast %broadcast_in_dim3A_1295 : vector<1x1x128xi1> to vector<1x64x128xi1>
    %broadcast_in_dim3A_1297 = vector.shape_cast %get3A_1072 : vector<1x64x1xf32> to vector<1x64x1xf32>
    %broadcast_in_dim3A_1298 = vector.broadcast %broadcast_in_dim3A_1297 : vector<1x64x1xf32> to vector<1x64x128xf32>
    %broadcast_in_dim3A_1299 = vector.shape_cast %broadcast_in_dim3A_1074 : vector<1x1x1xf32> to vector<1x1x1xf32>
    %broadcast_in_dim3A_1300 = vector.broadcast %broadcast_in_dim3A_1299 : vector<1x1x1xf32> to vector<1x64x128xf32>
    %select_n3A_1301 = arith.select %broadcast_in_dim3A_1296, %broadcast_in_dim3A_1298, %broadcast_in_dim3A_1300 : vector<1x64x128xi1>, vector<1x64x128xf32>
    %broadcast_in_dim3A_1302 = vector.shape_cast %eq3A_1291 : vector<1x1x128xi1> to vector<1x1x128xi1>
    %broadcast_in_dim3A_1303 = vector.broadcast %broadcast_in_dim3A_1302 : vector<1x1x128xi1> to vector<1x64x128xi1>
    %broadcast_in_dim3A_1304 = vector.shape_cast %get3A_1068 : vector<1x64x1xf32> to vector<1x64x1xf32>
    %broadcast_in_dim3A_1305 = vector.broadcast %broadcast_in_dim3A_1304 : vector<1x64x1xf32> to vector<1x64x128xf32>
    %select_n3A_1306 = arith.select %broadcast_in_dim3A_1303, %broadcast_in_dim3A_1305, %select_n3A_1301 : vector<1x64x128xi1>, vector<1x64x128xf32>
    %eq3A_1307 = arith.constant 1 : i32
    %eq3A_1308 = vector.broadcast %eq3A_1307 : i32 to vector<1x1x128xi32>
    %eq3A_1309 = arith.cmpi eq, %broadcast_in_dim3A_1288, %eq3A_1308 : vector<1x1x128xi32>
    %eq3A_1310 = arith.constant 2 : i32
    %eq3A_1311 = vector.broadcast %eq3A_1310 : i32 to vector<1x1x128xi32>
    %eq3A_1312 = arith.cmpi eq, %broadcast_in_dim3A_1288, %eq3A_1311 : vector<1x1x128xi32>
    %broadcast_in_dim3A_1313 = vector.shape_cast %eq3A_1312 : vector<1x1x128xi1> to vector<1x1x128xi1>
    %broadcast_in_dim3A_1314 = vector.broadcast %broadcast_in_dim3A_1313 : vector<1x1x128xi1> to vector<1x64x128xi1>
    %broadcast_in_dim3A_1315 = vector.shape_cast %get3A_1072 : vector<1x64x1xf32> to vector<1x64x1xf32>
    %broadcast_in_dim3A_1316 = vector.broadcast %broadcast_in_dim3A_1315 : vector<1x64x1xf32> to vector<1x64x128xf32>
    %broadcast_in_dim3A_1317 = vector.shape_cast %broadcast_in_dim3A_1074 : vector<1x1x1xf32> to vector<1x1x1xf32>
    %broadcast_in_dim3A_1318 = vector.broadcast %broadcast_in_dim3A_1317 : vector<1x1x1xf32> to vector<1x64x128xf32>
    %select_n3A_1319 = arith.select %broadcast_in_dim3A_1314, %broadcast_in_dim3A_1316, %broadcast_in_dim3A_1318 : vector<1x64x128xi1>, vector<1x64x128xf32>
    %broadcast_in_dim3A_1320 = vector.shape_cast %eq3A_1309 : vector<1x1x128xi1> to vector<1x1x128xi1>
    %broadcast_in_dim3A_1321 = vector.broadcast %broadcast_in_dim3A_1320 : vector<1x1x128xi1> to vector<1x64x128xi1>
    %broadcast_in_dim3A_1322 = vector.shape_cast %get3A_1068 : vector<1x64x1xf32> to vector<1x64x1xf32>
    %broadcast_in_dim3A_1323 = vector.broadcast %broadcast_in_dim3A_1322 : vector<1x64x1xf32> to vector<1x64x128xf32>
    %select_n3A_1324 = arith.select %broadcast_in_dim3A_1321, %broadcast_in_dim3A_1323, %select_n3A_1319 : vector<1x64x128xi1>, vector<1x64x128xf32>
    %lt3A_1325 = vector.broadcast %iota3A : vector<48x1x1xi32> to vector<48x1x128xi32>
    %lt3A_1326 = vector.broadcast %broadcast_in_dim3A_1282 : vector<1x1x128xi32> to vector<48x1x128xi32>
    %lt3A_1327 = arith.cmpi slt, %lt3A_1325, %lt3A_1326 : vector<48x1x128xi32>
    %lt3A_1328 = vector.broadcast %iota3A : vector<48x1x1xi32> to vector<48x1x128xi32>
    %lt3A_1329 = vector.broadcast %broadcast_in_dim3A_1284 : vector<1x1x128xi32> to vector<48x1x128xi32>
    %lt3A_1330 = arith.cmpi slt, %lt3A_1328, %lt3A_1329 : vector<48x1x128xi32>
    %broadcast_in_dim3A_1331 = vector.shape_cast %lt3A_1330 : vector<48x1x128xi1> to vector<48x1x128xi1>
    %broadcast_in_dim3A_1332 = vector.broadcast %broadcast_in_dim3A_1331 : vector<48x1x128xi1> to vector<48x64x128xi1>
    %broadcast_in_dim3A_1333 = vector.shape_cast %select_n3A_1324 : vector<1x64x128xf32> to vector<1x64x128xf32>
    %broadcast_in_dim3A_1334 = vector.broadcast %broadcast_in_dim3A_1333 : vector<1x64x128xf32> to vector<48x64x128xf32>
    %broadcast_in_dim3A_1335 = vector.shape_cast %broadcast_in_dim3A_1074 : vector<1x1x1xf32> to vector<1x1x1xf32>
    %broadcast_in_dim3A_1336 = vector.broadcast %broadcast_in_dim3A_1335 : vector<1x1x1xf32> to vector<48x64x128xf32>
    %select_n3A_1337 = arith.select %broadcast_in_dim3A_1332, %broadcast_in_dim3A_1334, %broadcast_in_dim3A_1336 : vector<48x64x128xi1>, vector<48x64x128xf32>
    %broadcast_in_dim3A_1338 = vector.shape_cast %lt3A_1327 : vector<48x1x128xi1> to vector<48x1x128xi1>
    %broadcast_in_dim3A_1339 = vector.broadcast %broadcast_in_dim3A_1338 : vector<48x1x128xi1> to vector<48x64x128xi1>
    %broadcast_in_dim3A_1340 = vector.shape_cast %select_n3A_1306 : vector<1x64x128xf32> to vector<1x64x128xf32>
    %broadcast_in_dim3A_1341 = vector.broadcast %broadcast_in_dim3A_1340 : vector<1x64x128xf32> to vector<48x64x128xf32>
    %select_n3A_1342 = arith.select %broadcast_in_dim3A_1339, %broadcast_in_dim3A_1341, %select_n3A_1337 : vector<48x64x128xi1>, vector<48x64x128xf32>
    %swap3A_1343 = arith.constant 3 : index
    %swap3A_1344 = arith.constant 0 : index
    %swap3A_1345 = arith.constant 0 : index
    %swap3A_1346 = arith.constant 0 : index
    %swap3A_1347 = vector.load %arg13[%swap3A_1343, %swap3A_1344, %swap3A_1345, %swap3A_1346] : memref<4x48x64x128xf32, #tpu.memory_space<vmem>>, vector<1x48x64x128xf32>
    %swap3A_1348 = vector.shape_cast %swap3A_1347 : vector<1x48x64x128xf32> to vector<48x64x128xf32>
    %swap3A_1349 = vector.shape_cast %select_n3A_1342 : vector<48x64x128xf32> to vector<1x48x64x128xf32>
    tpu.vector_store %arg13[%swap3A_1343, %swap3A_1344, %swap3A_1345, %swap3A_1346], %swap3A_1349 {strides = array<i32>} : memref<4x48x64x128xf32, #tpu.memory_space<vmem>>, vector<1x48x64x128xf32>,
    return
  }
  func.func @transform_0(%arg0: i32) -> (i32, i32) {
    %c0_i32 = arith.constant 0 : i32
    %c0_i32_0 = arith.constant 0 : i32
    %c0_i32_1 = arith.constant 0 : i32
    return %c0_i32, %c0_i32_0 : i32, i32
  }
  func.func @transform_1(%arg0: i32) -> (i32, i32) {
    %c0_i32 = arith.constant 0 : i32
    %c0_i32_0 = arith.constant 0 : i32
    %c0_i32_1 = arith.constant 0 : i32
    return %c0_i32, %c0_i32_0 : i32, i32
  }
  func.func @transform_2(%arg0: i32) -> (i32, i32) {
    %c0_i32 = arith.constant 0 : i32
    %c0_i32_0 = arith.constant 0 : i32
    %c0_i32_1 = arith.constant 0 : i32
    return %c0_i32, %c0_i32_0 : i32, i32
  }
  func.func @transform_3(%arg0: i32) -> (i32, i32) {
    %c0_i32 = arith.constant 0 : i32
    %c0_i32_0 = arith.constant 0 : i32
    %c0_i32_1 = arith.constant 0 : i32
    return %c0_i32, %c0_i32_0 : i32, i32
  }
  func.func @transform_4(%arg0: i32) -> (i32, i32) {
    %c0_i32 = arith.constant 0 : i32
    %c0_i32_0 = arith.constant 0 : i32
    %c0_i32_1 = arith.constant 0 : i32
    return %c0_i32, %c0_i32_0 : i32, i32
  }
  func.func @transform_5(%arg0: i32) -> (i32, i32, i32) {
    %c0_i32 = arith.constant 0 : i32
    %c0_i32_0 = arith.constant 0 : i32
    %c0_i32_1 = arith.constant 0 : i32
    return %arg0, %c0_i32, %c0_i32_0 : i32, i32, i32
  }
  func.func @transform_6(%arg0: i32) -> (i32, i32, i32) {
    %c0_i32 = arith.constant 0 : i32
    %c0_i32_0 = arith.constant 0 : i32
    %c0_i32_1 = arith.constant 0 : i32
    return %arg0, %c0_i32, %c0_i32_0 : i32, i32, i32
  }
  func.func @transform_7(%arg0: i32) -> (i32, i32, i32) {
    %c0_i32 = arith.constant 0 : i32
    %c0_i32_0 = arith.constant 0 : i32
    %c0_i32_1 = arith.constant 0 : i32
    return %arg0, %c0_i32, %c0_i32_0 : i32, i32, i32
  }
  func.func @transform_8(%arg0: i32) -> (i32, i32, i32) {
    %c0_i32 = arith.constant 0 : i32
    %c0_i32_0 = arith.constant 0 : i32
    %c0_i32_1 = arith.constant 0 : i32
    return %arg0, %c0_i32, %c0_i32_0 : i32, i32, i32
  }
  func.func @transform_9(%arg0: i32) -> (i32, i32, i32) {
    %c0_i32 = arith.constant 0 : i32
    %c0_i32_0 = arith.constant 0 : i32
    %c0_i32_1 = arith.constant 0 : i32
    return %arg0, %c0_i32, %c0_i32_0 : i32, i32, i32
  }
  func.func @transform_10(%arg0: i32) -> (i32, i32, i32) {
    %c0_i32 = arith.constant 0 : i32
    %c0_i32_0 = arith.constant 0 : i32
    %c0_i32_1 = arith.constant 0 : i32
    %c0_i32_2 = arith.constant 0 : i32
    return %c0_i32, %c0_i32_0, %c0_i32_1 : i32, i32, i32
  }
  func.func @transform_11(%arg0: i32) -> (i32, i32, i32) {
    %c0_i32 = arith.constant 0 : i32
    %c0_i32_0 = arith.constant 0 : i32
    %c0_i32_1 = arith.constant 0 : i32
    %c0_i32_2 = arith.constant 0 : i32
    return %c0_i32, %c0_i32_0, %c0_i32_1 : i32, i32, i32
  }
  func.func @transform_12(%arg0: i32) -> (i32, i32, i32, i32) {
    %c0_i32 = arith.constant 0 : i32
    %c0_i32_0 = arith.constant 0 : i32
    %c0_i32_1 = arith.constant 0 : i32
    %c0_i32_2 = arith.constant 0 : i32
    return %arg0, %c0_i32, %c0_i32_0, %c0_i32_1 : i32, i32, i32, i32
  }
}

</mosaic_0001>

<sc_bundles>
// kernel: kernel.4.cloned.1.call-start
scs
__scs_entry_jumppad:
0x0: {  	(pc) =	sbr.rel $0x88, $3  }
0x1: {  	(tag) =	ssettag $0x0;
	lr =	simm.s32 $0x1  }
0x2: {  	[smem:$0x3F9B] =	sst lr;
	_ =	strace $0xD0000000  }
0x3: {  	_ = 	snop  }
0x4: {  	_ = 	snop  }
0x5: {  	_ = 	snop  }
0x6: {  	_ = 	snop  }
0x7: {  	_ = 	snop  }
__scs_overlays_trampoline_lowered:
0x8: {  	[smem:$0x3FAA] =	sst s0  }
0x9: {  	[smem:$0x3FAB] =	sst s1  }
0xa: {  	[smem:$0x3FAC] =	sst s2  }
0xb: {  	[smem:$0x3FAD] =	sst s3  }
0xc: {  	[smem:$0x3FAE] =	sst s4  }
0xd: {  	[smem:$0x3FAF] =	sst s5  }
0xe: {  	[smem:$0x3FB0] =	sst s6  }
0xf: {  	[smem:$0x3FB1] =	sst s7  }
0x10: {  	[smem:$0x3FB2] =	sst s8  }
0x11: {  	[smem:$0x3FB3] =	sst s9;
	s0 =	simm.s32 @!p0 $0x0  }
0x12: {  	s1 =	sld [smem:$0x3F99];
	s0 =	simm.s32 @p0 $0x1  }
0x13: {  	[smem:$0x3FB4] =	sst s0;
	s0 =	simm.s32 @!p1 $0x0  }
0x14: {  	s2 =	sld [smem:$0x3F98];
	s0 =	simm.s32 @p1 $0x1  }
0x15: {  	[smem:$0x3FB5] =	sst s0;
	s0 =	simm.s32 @!p2 $0x0  }
0x16: {  	s3 =	sld [smem:$0x3FDB];
	s0 =	simm.s32 @p2 $0x1  }
0x17: {  	s4 =	simm.s32 $0x1BF5;
	[smem:$0x3FB7] =	sst s0  }
0x18: {  	s0 =	sld [smem:$0x3F9A];
	_ =	swait.ge [sflag:s4], $0x0  }
0x19: {  	s7 =	sld [smem:$0x3F9B]  }
0x1a: {  	s8 =	sadd.s32 $0xFFFFE003, lr  }
0x1b: {  	s9 =	sadd.s32 $0xFFFFFEF7, lr;
	s5 =	simm.s32 $0xFFFFFFFF;
	p2 =	slt.u32 s8, $0xFFFFF086  }
0x1c: {  	p1 =	slt.u32 s9, $0xF7A;
	s5 =	simm.s32 @!p2 $0x0  }
0x1d: {  	s5 =	simm.s32 @p1 $0x1;
	p0 =	seq.s32 s7, s2  }
0x1e: {  	s7 =	smul.u32 @!p0 $0xF7A, s2;
	p2 =	seq.s32 @!p0 s5, $0x0  }
0x1f: {  	s9 =	smul.u32 $0xF7A, s1;
	s8 =	simm.s32 @!p0 $0x1BF5;
	p2 =	por !p2, p0  }
0x20: {  	[sflag:s8] =	ssyncset.s32 @!p0 $0xFFFFF086;
	s6 =	sadd.s32 @!p0 s3, s7;
	s7 =	simm.s32 @!p0 $0x108  }
0x21: {  	s3 =	sadd.s32 s3, s9;
	s6 =	sadd.s32 @!p0 $0x88, s6;
	s7 =	simm.s32 @p2 $0x1082  }
0x22: {  	[simem:s7], [sflag:s8] =	dma.local @!p0 [hbm:s6], $0xF7A  }
0x23: {  	s9 =	sor.u32 $0xD0000000, s2;
	s6 =	simm.s32 $0x108;
	_ =	swait.ge @!p0 [sflag:s8], $0x0  }
0x24: {  	s3 =	sadd.s32 $0x88, s3;
	s6 =	simm.s32 @!p1 $0x1082;
	[sflag:s4] =	ssyncset.s32 $0xFFFFF086  }
0x25: {  	[simem:s6], [sflag:s4] =	dma.local [hbm:s3], $0xF7A  }
0x26: {  	[smem:$0x3F9B] =	sst s1;
	(tag) =	ssettag s2;
	_ =	strace s9  }
0x27: {  	s1 =	sld [smem:$0x3FAB]  }
0x28: {  	s2 =	sld [smem:$0x3FAC]  }
0x29: {  	s4 =	sld [smem:$0x3FAE]  }
0x2a: {  	p0 =	seq.s32 s5, $0x0;
	s5 =	sld [smem:$0x3FAF]  }
0x2b: {  	s6 =	sld [smem:$0x3FB0]  }
0x2c: {  	s7 =	sld [smem:$0x3FB1]  }
0x2d: {  	s3 =	simm.s32 $0x108;
	s8 =	sld [smem:$0x3FB2]  }
0x2e: {  	s3 =	simm.s32 @!p0 $0x1082;
	s9 =	sld [smem:$0x3FB3]  }
0x2f: {  	lr =	sadd.s32 s0, s3;
	s0 =	sld [smem:$0x3FAA]  }
0x30: {  	s3 =	sld [smem:$0x3FAD]  }
0x31: {  	[smem:$0x3FB6] =	sst s10  }
0x32: {  	s10 =	sld [smem:$0x3FB4];
	_ =	sdelay $0x3  }
0x33: {  	p0 =	seq.s32 s10, $0x1;
	s10 =	sld [smem:$0x3FB6];
	_ =	sdelay $0x3  }
0x34: {  	[smem:$0x3FB6] =	sst s10  }
0x35: {  	s10 =	sld [smem:$0x3FB5];
	_ =	sdelay $0x3  }
0x36: {  	p1 =	seq.s32 s10, $0x1;
	s10 =	sld [smem:$0x3FB6];
	_ =	sdelay $0x3  }
0x37: {  	[smem:$0x3FB6] =	sst s10  }
0x38: {  	s10 =	sld [smem:$0x3FB7]  }
0x39: {  	_ = 	snop;
	(pc) =	sbr.ind lr, $3  }
0x3a: {  	_ = 	snop  }
0x3b: {  	_ = 	snop  }
0x3c: {  	p2 =	seq.s32 s10, $0x1;
	s10 =	sld [smem:$0x3FB6]  }
0x3d: {  	_ =	shalt  }
0x3e: {  	_ =	shalt  }
0x3f: {  	_ =	shalt  }
0x40: {  	_ =	shalt  }
0x41: {  	_ =	shalt  }
0x42: {  	_ =	shalt  }
0x43: {  	_ =	shalt  }
0x44: {  	_ =	shalt  }
0x45: {  	_ =	shalt  }
0x46: {  	_ =	shalt  }
0x47: {  	_ =	shalt  }
0x48: {  	_ =	shalt  }
0x49: {  	_ =	shalt  }
0x4a: {  	_ =	shalt  }
0x4b: {  	_ =	shalt  }
0x4c: {  	_ =	shalt  }
0x4d: {  	_ =	shalt  }
0x4e: {  	_ =	shalt  }
0x4f: {  	_ =	shalt  }
0x50: {  	_ =	shalt  }
0x51: {  	_ =	shalt  }
0x52: {  	_ =	shalt  }
0x53: {  	_ =	shalt  }
0x54: {  	_ =	shalt  }
0x55: {  	_ =	shalt  }
0x56: {  	_ =	shalt  }
0x57: {  	_ =	shalt  }
0x58: {  	_ =	shalt  }
0x59: {  	_ =	shalt  }
0x5a: {  	_ =	shalt  }
0x5b: {  	_ =	shalt  }
0x5c: {  	_ =	shalt  }
0x5d: {  	_ =	shalt  }
0x5e: {  	_ =	shalt  }
0x5f: {  	_ =	shalt  }
0x60: {  	_ =	shalt  }
0x61: {  	_ =	shalt  }
0x62: {  	_ =	shalt  }
0x63: {  	_ =	shalt  }
0x64: {  	_ =	shalt  }
0x65: {  	_ =	shalt  }
0x66: {  	_ =	shalt  }
0x67: {  	_ =	shalt  }
0x68: {  	_ =	shalt  }
0x69: {  	_ =	shalt  }
0x6a: {  	_ =	shalt  }
0x6b: {  	_ =	shalt  }
0x6c: {  	_ =	shalt  }
0x6d: {  	_ =	shalt  }
0x6e: {  	_ =	shalt  }
0x6f: {  	_ =	shalt  }
0x70: {  	_ =	shalt  }
0x71: {  	_ =	shalt  }
0x72: {  	_ =	shalt  }
0x73: {  	_ =	shalt  }
0x74: {  	_ =	shalt  }
0x75: {  	_ =	shalt  }
0x76: {  	_ =	shalt  }
0x77: {  	_ =	shalt  }
0x78: {  	_ =	shalt  }
0x79: {  	_ =	shalt  }
0x7a: {  	_ =	shalt  }
0x7b: {  	_ =	shalt  }
0x7c: {  	_ =	shalt  }
0x7d: {  	_ =	shalt  }
0x7e: {  	_ =	shalt  }
0x7f: {  	_ =	shalt  }
0x80: {  	_ =	shalt  }
0x81: {  	_ =	shalt  }
0x82: {  	_ =	shalt  }
0x83: {  	_ =	shalt  }
0x84: {  	_ =	shalt  }
0x85: {  	_ =	shalt  }
0x86: {  	_ =	shalt  }
0x87: {  	_ =	shalt  }
.Lfunc_end0:
.L_simem_size_0:
called_computation_lowered:
.L_overlay_start_0:
0x88: {  	s2 =	sld [smem:$0x3FD9]  }
0x89: {  	s3 =	sld [smem:$0x3FFE];
	_ =	sdelay $0x1  }
0x8a: {  	s1 =	srdreg.scid  }
0x8b: {  	s0 =	sand.u32 $0x1, s1  }
0x8c: {  	s14 =	sshll.u32 s0, $0xA;
	s2 =	sadd.s32 s3, s2  }
0x8d: {  	s2 =	sadd.s32 s2, s14  }
0x8e: {  	[smem:$0x3FC2] =	sst s2  }
0x8f: {  	_ = 	snop  }
0x90: {  	s2 =	sld [smem:$0x3FC9]  }
0x91: {  	s15 =	sld [smem:$0x3FD0]  }
0x92: {  	s4 =	sld [smem:$0x3FC8]  }
0x93: {  	s5 =	sld [smem:$0x3FC6]  }
0x94: {  	s7 =	simm.s32 $0xA;
	s8 =	simm.s32 $0x10;
	s6 =	sld [smem:$0x3FC5]  }
0x95: {  	[smem:s8], [sflag:s7] =	dma.local [hbm:s15], $0x1  }
0x96: {  	_ =	swait.eq [sflag:s7], $0x1  }
0x97: {  	[sflag:s7] =	ssyncset.done $0x0  }
0x98: {  	[sflag:s7] =	ssyncadd.s32 $0xFFFFFFFF  }
0x99: {  	s16 =	sld [smem:$0x11];
	(tm) =	ssettm $0x1  }
0x9a: {  	s17 =	sld [smem:$0x3FFB];
	_ =	sdelay $0x3  }
0x9b: {  	_ =	strace s17  }
0x9c: {  	s7 =	sld [smem:$0x3FFC];
	_ =	sdelay $0x3  }
0x9d: {  	_ =	strace s7  }
0x9e: {  	s7 =	sld [smem:$0x3FFD];
	_ =	sdelay $0x3  }
0x9f: {  	_ =	strace s7  }
0xa0: {  	_ =	strace $0x8FFFFFFF  }
0xa1: {  	s18 =	sld [smem:$0x3FDB];
	_ =	sdelay $0x1  }
0xa2: {  	s19 =	simm.s32 $_scs_section_size  }
0xa3: {  	s9 =	simm.s32 $_size__tile_overlayer_lowered;
	s10 =	simm.s32 $_tile_overlayer_lowered  }
0xa4: {  	s22 =	simm.s32 $0x1BFF;
	s21 =	sshll.u32 s10, $0x1;
	s7 =	sadd.s32 s19, s18  }
0xa5: {  	s11 =	simm.s32 $0x0;
	s20 =	sshll.u32 s9, $0x1;
	s9 =	sadd.s32 s21, s7  }
0xa6: {  	[timem:s11], [sflag:s22] =	dma.local [hbm:s9], s20  }
0xa7: {  	_ =	swait.ge [sflag:s22], s20  }
0xa8: {  	s8 =	ssub.s32 $0x0, s20;
	[sflag:s22] =	ssyncset.done $0x0  }
0xa9: {  	[sflag:s22] =	ssyncadd.s32 s8;
	_ =	sdelay $0x1  }
0xaa: {  	s23 =	simm.s32 $0x1B8B  }
0xab: {  	_ =	swait.ge [sflag:s23], $0x1  }
0xac: {  	[sflag:s23] =	ssyncset.done $0x0  }
0xad: {  	s25 =	simm.s32 $0x1B8E;
	s24 =	sld [smem:$0x3FFE];
	[sflag:s23] =	ssyncadd.s32 $0xFFFFFFFF  }
0xae: {  	s26 =	simm.s32 $execute0_lowered;
	[smem:$0x3FD2] =	sst s25  }
0xaf: {  	s9 =	sshll.u32 s26, $0x1;
	_ =	strace $0x80000046;
	[dreg:$0x1] =	wrdreg $0xFFFFFFFF  }
0xb0: {  	s28 =	simm.s32 $_size_execute0_lowered;
	s7 =	sadd.s32 s7, s9;
	[dreg:$0x0] =	wrdreg $0x0  }
0xb1: {  	s9 =	sshll.u32 s28, $0x1;
	[dreg:$0x2] =	wrdreg s7  }
0xb2: {  	[dreg:$0x3] =	wrdreg s9  }
0xb3: {  	[dreg:$0x4] =	wrdreg $0xC0  }
0xb4: {  	_ =	task [dreg:s11], $0x5FFFF  }
0xb5: {  	[dreg:$0x1] =	wrdreg $0xFFFFFFFF  }
0xb6: {  	[dreg:$0x0] =	wrdreg $0x60  }
0xb7: {  	[dreg:$0x2] =	wrdreg s2  }
0xb8: {  	[dreg:$0x3] =	wrdreg s4  }
0xb9: {  	[dreg:$0x4] =	wrdreg s24  }
0xba: {  	[dreg:$0x5] =	wrdreg s5  }
0xbb: {  	[dreg:$0x6] =	wrdreg s6  }
0xbc: {  	[dreg:$0x7] =	wrdreg s16  }
0xbd: {  	[dreg:$0x8] =	wrdreg $0x61800  }
0xbe: {  	[dreg:$0x9] =	wrdreg $0x9  }
0xbf: {  	_ =	task.clear_ibuf [dreg:s11], $0xAFFFF;
	_ =	strace $0x90000046  }
0xc0: {  	s29 =	simm.s32 $0x9;
	_ =	strace $0x80000048  }
0xc1: {  	_ =	swait.ge [sflag:s29], $0x1  }
0xc2: {  	[sflag:s29] =	ssyncadd.s32 $0xFFFFFFFF  }
0xc3: {  	_ =	strace $0x90000048  }
0xc4: {  	_ =	sfence  }
0xc5: {  	s30 =	sld [smem:$0x0];
	_ =	sdelay $0x2  }
0xc6: {  	s31 =	sshll.u32 s1, $0xD;
	s1 =	sshrl.u32 s1, $0x2  }
0xc7: {  	s3 =	sand.u32 $0x4000, s31;
	s1 =	sadd.s32 s1, s30  }
0xc8: {  	s0 =	sor.u32 s3, s0;
	s1 =	sshll.u32 s1, $0x11  }
0xc9: {  	s0 =	sor.u32 s1, s0  }
0xca: {  	s0 =	sadd.s32 $0x8F2B, s0  }
0xcb: {  	[sflag:s0] =	ssyncadd.remote.s32 $0x1  }
0xcc: {  	_ =	sfence.sel $0xFFFF  }
0xcd: {  	[dreg:$0x0] =	wrdreg $0xFFFFFFFF;
	(pc) =	sbr.abs _section_cstart, $3  }
0xce: {  	[dreg:$0x1] =	wrdreg $0xFFFFFFFF  }
0xcf: {  	_ =	task.clear_ibuf [dreg:s11], $0x2FFFF;
	_ =	strace $0x9FFFFFFF  }
0xd0: {  	(tm) =	ssettm $0x7FFFFFFF  }
0xd1: {  	_ =	shalt  }
tec
execute0_lowered:
.L_overlay_start_1:
0x0: {  	(tag) =	ssettag $0x1  }
0x1: {  	s0 =	rddreg [dreg:$0x0]  }
0x2: {  	s18 =	rddreg [dreg:$0x1]  }
0x3: {  	s19 =	rddreg [dreg:$0x2]  }
0x4: {  	s1 =	rddreg [dreg:$0x3]  }
0x5: {  	s20 =	rddreg [dreg:$0x4]  }
0x6: {  	s3 =	rddreg [dreg:$0x5]  }
0x7: {  	s21 =	rddreg [dreg:$0x6]  }
0x8: {  	s4 =	srdreg.scid;
	[dreg:$0x8] =	wrdreg s0  }
0x9: {  	s2 =	simm.s32 $0x0;
	s6 =	stileid.u32;
	[dreg:$0x9] =	wrdreg s18  }
0xa: {  	s23 =	simm.s32 $0x3000;
	s24 =	simm.s32 $0x4000;
	[dreg:$0xb] =	wrdreg s1  }
0xb: {  	s25 =	simm.s32 $0x6000;
	s26 =	simm.s32 $0x6100;
	[dreg:$0xc] =	wrdreg s20  }
0xc: {  	s30 =	simm.s32 $0x1;
	[smem:$0x7FF] =	sst s2;
	s0 =	sadd.s32 $0x1000, s19  }
0xd: {  	s13 =	sand.u32 $0x1, s4;
	_ =	strace $0x80000047;
	[dreg:$0xa] =	wrdreg s0  }
0xe: {  	s31 =	simm.s32 $0x1000;
	s4 =	ssub.s32 $0x2, s13;
	[dreg:$0xf] =	wrdreg s23  }
0xf: {  	s15 =	sshll.u32 s13, $0x7;
	[dreg:$0x10] =	wrdreg s24;
	s5 =	sshrl.u32 s4, $0x1  }
0x10: {  	[dreg:$0x11] =	wrdreg s25;
	s0 =	ssub.s32 s4, s5;
	s4 =	sshll.u32 s6, $0x8  }
0x11: {  	[dreg:$0x12] =	wrdreg s26;
	s22 =	sor.u32 $0x10, s4;
	s6 =	sor.u32 $0x20, s4  }
0x12: {  	s7 =	sor.u32 $0x30, s4;
	s8 =	sor.u32 $0x40, s4;
	s9 =	sor.u32 $0x50, s4  }
0x13: {  	s10 =	sor.u32 $0x60, s4;
	s11 =	sor.u32 $0x70, s4;
	s12 =	sor.u32 $0x80, s4  }
0x14: {  	s13 =	sor.u32 $0x90, s4;
	s14 =	sor.u32 $0xA0, s4;
	s15 =	sor.u32 s15, s4  }
0x15: {  	s16 =	sor.u32 $0xB0, s4;
	s18 =	sadd.s32 s4, s21;
	s17 =	sor.u32 $0xC0, s4  }
0x16: {  	s20 =	sor.u32 $0xF0, s4;
	s25 =	smax.u32 s0, $0x1;
	[dreg:$0x13] =	wrdreg s22  }
0x17: {  	s0 =	simm.s32 $0x2000;
	s19 =	sshrl.u32 s15, $0x3;
	[dreg:$0xd] =	wrdreg s18  }
0x18: {  	v0 =	vlaneseq.u32;
	s18 =	sor.u32 $0xD0, s4;
	s21 =	sor.u32 $0x10, s15;
	s22 =	sor.u32 $0x20, s15  }
0x19: {  	v1 =	vor.u32 $0x10, v0;
	s23 =	sor.u32 $0x30, s15;
	s24 =	sor.u32 $0x40, s15;
	s26 =	sor.u32 $0x50, s15  }
0x1a: {  	v2 =	vor.u32 $0x20, v0;
	v3 =	vor.u32 $0x30, v0;
	v4 =	vor.u32 $0x40, v0;
	s28 =	sor.u32 $0x60, s15;
	s29 =	sor.u32 $0x70, s15;
	s3 =	sadd.s32 s3, s19  }
0x1b: {  	v5 =	vor.u32 $0x50, v0;
	v6 =	vor.u32 $0x60, v0;
	v7 =	vor.u32 $0x70, v0;
	s19 =	sor.u32 $0xE0, s4;
	[dreg:$0xe] =	wrdreg s3;
	s3 =	simm.s32 $0x5000  }
.LBB2_1:
0x1c: {  	s1 =	rddreg [dreg:$0x8]  }
0x1d: {  	[tilespmem:s2], [sflag:$0x1] =	stream.linear.gather [hbm4b:s1+s2], $0x1000, $0x38;
	[tilespmem:$0x6280] =	vst v63  }
0x1e: {  	_ =	swait.ge [sflag:s30], $0x1000  }
0x1f: {  	[sflag:s30] =	ssyncset.done $0x0  }
0x20: {  	s5 =	rddreg [dreg:$0x9];
	[sflag:s30] =	ssyncadd.s32 $0xFFFFF000  }
0x21: {  	[tilespmem:s31], [sflag:$0x1] =	stream.linear.gather [hbm4b:s5+s2], $0x1000, $0x38;
	[tilespmem:$0x6280] =	vst v63  }
0x22: {  	_ =	swait.ge [sflag:s30], $0x1000  }
0x23: {  	[sflag:s30] =	ssyncset.done $0x0  }
0x24: {  	s5 =	rddreg [dreg:$0xa];
	[sflag:s30] =	ssyncadd.s32 $0xFFFFF000  }
0x25: {  	[tilespmem:s0], [sflag:$0x1] =	stream.linear.gather [hbm4b:s5+s2], $0x1000, $0x38;
	[tilespmem:$0x6280] =	vst v63  }
0x26: {  	_ =	swait.ge [sflag:s30], $0x1000  }
0x27: {  	s1 =	rddreg [dreg:$0xb];
	[sflag:s30] =	ssyncset.done $0x0  }
0x28: {  	s5 =	rddreg [dreg:$0xf];
	[sflag:s30] =	ssyncadd.s32 $0xFFFFF000  }
0x29: {  	[tilespmem:s5], [sflag:$0x1] =	stream.linear.gather [hbm4b:s1+s2], $0x1000, $0x38;
	[tilespmem:$0x6280] =	vst v63  }
0x2a: {  	_ =	swait.ge [sflag:s30], $0x1000  }
0x2b: {  	s1 =	rddreg [dreg:$0xc];
	[sflag:s30] =	ssyncset.done $0x0  }
0x2c: {  	s5 =	rddreg [dreg:$0x10];
	[sflag:s30] =	ssyncadd.s32 $0xFFFFF000  }
0x2d: {  	[tilespmem:s5], [sflag:$0x1] =	stream.linear.gather [hbm4b:s1+s2], $0x1000, $0x38;
	[tilespmem:$0x6280] =	vst v63  }
0x2e: {  	_ =	swait.ge [sflag:s30], $0x1000  }
0x2f: {  	[sflag:s30] =	ssyncset.done $0x0  }
0x30: {  	[sflag:s30] =	ssyncadd.s32 $0xFFFFF000  }
0x31: {  	v8 =	vld [tilespmem:s4+$0x3000];
	_ =	sdelay $0x4  }
0x32: {  	vm0 =	vgt.s32 v8, $0x0  }
0x33: {  	v8 =	vnsel vm0, $0x0, v8  }
0x34: {  	v8 =	vmin.u32 v8, $0x1F  }
0x35: {  	v8 =	vshll.u32 v8, $0x7  }
0x36: {  	v8 =	vor.u32 v0, v8;
	_ =	sdelay $0x1  }
0x37: {  	v9 =	vld [tilespmem:s4+$0x0]  }
0x38: {  	v10 =	vld [tilespmem:s4+$0x2000]  }
0x39: {  	v11 =	vld [tilespmem:s4+$0x1000]  }
0x3a: {  	v12 =	vld.idx.msk [tilespmem:v8+s2+$0x0], $0xffff  }
0x3b: {  	v13 =	vld.idx.msk [tilespmem:v8+s0+$0x0], $0xffff;
	_ =	sdelay $0x1  }
0x3c: {  	vm7 =	veq.s32 v10, $0x0  }
0x3d: {  	v9 =	vsel vm7, $0x3, v9;
	v8 =	vld.idx.msk [tilespmem:v8+s31+$0x0], $0xffff  }
0x3e: {  	vm0 =	veq.s32 v9, $0x1;
	vm1 =	veq.s32 v12, $0x0  }
0x3f: {  	v57 =	vshll.u32 v11, $0x3;
	vm2 =	vne.s32 v13, $0x0;
	vm0 =	vmand vm1, vm0  }
0x40: {  	v10 =	vadd.s32 $0x10, v57;
	vm0 =	vmand vm0, vm2  }
0x41: {  	vm8 =	veq.s32 v9, $0x0;
	v58 =	vnsel vm0, $0x0, v10  }
0x42: {  	v8 =	vsel vm8, v11, v8;
	v9 =	vsel vm8, $0x8, v58  }
0x43: {  	v8 =	vadd.s32 v9, v8  }
0x44: {  	v8 =	vadd.s32 $0x1, v8  }
0x45: {  	s5 =	rddreg [dreg:$0x13];
	[tilespmem:$0x6000] =	vst v8  }
0x46: {  	v8 =	vld [tilespmem:s5+$0x3000];
	_ =	sdelay $0x4  }
0x47: {  	vm9 =	vgt.s32 v8, $0x0  }
0x48: {  	v8 =	vnsel vm9, $0x0, v8  }
0x49: {  	v8 =	vmin.u32 v8, $0x1F  }
0x4a: {  	v8 =	vshll.u32 v8, $0x7  }
0x4b: {  	v8 =	vor.u32 v1, v8;
	_ =	sdelay $0x1  }
0x4c: {  	v59 =	vld [tilespmem:s5+$0x0]  }
0x4d: {  	v60 =	vld [tilespmem:s5+$0x2000]  }
0x4e: {  	v61 =	vld [tilespmem:s5+$0x1000]  }
0x4f: {  	v62 =	vld.idx.msk [tilespmem:v8+s2+$0x0], $0xffff  }
0x50: {  	v63 =	vld.idx.msk [tilespmem:v8+s0+$0x0], $0xffff;
	_ =	sdelay $0x1  }
0x51: {  	vm10 =	veq.s32 v60, $0x0  }
0x52: {  	v9 =	vsel vm10, $0x3, v59;
	v8 =	vld.idx.msk [tilespmem:v8+s31+$0x0], $0xffff  }
0x53: {  	vm0 =	veq.s32 v9, $0x1;
	vm11 =	veq.s32 v62, $0x0  }
0x54: {  	v15 =	vshll.u32 v61, $0x3;
	vm12 =	vne.s32 v63, $0x0;
	vm0 =	vmand vm11, vm0  }
0x55: {  	v10 =	vadd.s32 $0x10, v15;
	vm0 =	vmand vm0, vm12  }
0x56: {  	vm13 =	veq.s32 v9, $0x0;
	v16 =	vnsel vm0, $0x0, v10  }
0x57: {  	v8 =	vsel vm13, v61, v8;
	v9 =	vsel vm13, $0x8, v16  }
0x58: {  	v8 =	vadd.s32 v9, v8  }
0x59: {  	v8 =	vadd.s32 $0x1, v8  }
0x5a: {  	[tilespmem:$0x6010] =	vst v8  }
0x5b: {  	v8 =	vld [tilespmem:s6+$0x3000];
	_ =	sdelay $0x4  }
0x5c: {  	vm14 =	vgt.s32 v8, $0x0  }
0x5d: {  	v8 =	vnsel vm14, $0x0, v8  }
0x5e: {  	v8 =	vmin.u32 v8, $0x1F  }
0x5f: {  	v8 =	vshll.u32 v8, $0x7  }
0x60: {  	v8 =	vor.u32 v2, v8;
	_ =	sdelay $0x1  }
0x61: {  	v17 =	vld [tilespmem:s6+$0x0]  }
0x62: {  	v18 =	vld [tilespmem:s6+$0x2000]  }
0x63: {  	v19 =	vld [tilespmem:s6+$0x1000]  }
0x64: {  	v20 =	vld.idx.msk [tilespmem:v8+s2+$0x0], $0xffff  }
0x65: {  	v21 =	vld.idx.msk [tilespmem:v8+s0+$0x0], $0xffff;
	_ =	sdelay $0x1  }
0x66: {  	vm15 =	veq.s32 v18, $0x0  }
0x67: {  	v9 =	vsel vm15, $0x3, v17;
	v8 =	vld.idx.msk [tilespmem:v8+s31+$0x0], $0xffff  }
0x68: {  	vm0 =	veq.s32 v9, $0x1;
	vm4 =	veq.s32 v20, $0x0  }
0x69: {  	v22 =	vshll.u32 v19, $0x3;
	vm5 =	vne.s32 v21, $0x0;
	vm0 =	vmand vm4, vm0  }
0x6a: {  	v10 =	vadd.s32 $0x10, v22;
	vm0 =	vmand vm0, vm5  }
0x6b: {  	vm6 =	veq.s32 v9, $0x0;
	v23 =	vnsel vm0, $0x0, v10  }
0x6c: {  	v8 =	vsel vm6, v19, v8;
	v9 =	vsel vm6, $0x8, v23  }
0x6d: {  	v8 =	vadd.s32 v9, v8  }
0x6e: {  	v8 =	vadd.s32 $0x1, v8  }
0x6f: {  	[tilespmem:$0x6020] =	vst v8  }
0x70: {  	v8 =	vld [tilespmem:s7+$0x3000];
	_ =	sdelay $0x4  }
0x71: {  	vm7 =	vgt.s32 v8, $0x0  }
0x72: {  	v8 =	vnsel vm7, $0x0, v8  }
0x73: {  	v8 =	vmin.u32 v8, $0x1F  }
0x74: {  	v8 =	vshll.u32 v8, $0x7  }
0x75: {  	v8 =	vor.u32 v3, v8;
	_ =	sdelay $0x1  }
0x76: {  	v24 =	vld [tilespmem:s7+$0x0]  }
0x77: {  	v25 =	vld [tilespmem:s7+$0x2000]  }
0x78: {  	v26 =	vld [tilespmem:s7+$0x1000]  }
0x79: {  	v27 =	vld.idx.msk [tilespmem:v8+s2+$0x0], $0xffff  }
0x7a: {  	v28 =	vld.idx.msk [tilespmem:v8+s0+$0x0], $0xffff;
	_ =	sdelay $0x1  }
0x7b: {  	vm8 =	veq.s32 v25, $0x0  }
0x7c: {  	v9 =	vsel vm8, $0x3, v24;
	v8 =	vld.idx.msk [tilespmem:v8+s31+$0x0], $0xffff  }
0x7d: {  	vm0 =	veq.s32 v9, $0x1;
	vm9 =	veq.s32 v27, $0x0  }
0x7e: {  	v29 =	vshll.u32 v26, $0x3;
	vm10 =	vne.s32 v28, $0x0;
	vm0 =	vmand vm9, vm0  }
0x7f: {  	v10 =	vadd.s32 $0x10, v29;
	vm0 =	vmand vm0, vm10  }
0x80: {  	vm11 =	veq.s32 v9, $0x0;
	v30 =	vnsel vm0, $0x0, v10  }
0x81: {  	v8 =	vsel vm11, v26, v8;
	v9 =	vsel vm11, $0x8, v30  }
0x82: {  	v8 =	vadd.s32 v9, v8  }
0x83: {  	v8 =	vadd.s32 $0x1, v8  }
0x84: {  	[tilespmem:$0x6030] =	vst v8  }
0x85: {  	v8 =	vld [tilespmem:s8+$0x3000];
	_ =	sdelay $0x4  }
0x86: {  	vm12 =	vgt.s32 v8, $0x0  }
0x87: {  	v8 =	vnsel vm12, $0x0, v8  }
0x88: {  	v8 =	vmin.u32 v8, $0x1F  }
0x89: {  	v8 =	vshll.u32 v8, $0x7  }
0x8a: {  	v8 =	vor.u32 v4, v8;
	_ =	sdelay $0x1  }
0x8b: {  	v31 =	vld [tilespmem:s8+$0x0]  }
0x8c: {  	v32 =	vld [tilespmem:s8+$0x2000]  }
0x8d: {  	v33 =	vld [tilespmem:s8+$0x1000]  }
0x8e: {  	v34 =	vld.idx.msk [tilespmem:v8+s2+$0x0], $0xffff  }
0x8f: {  	v35 =	vld.idx.msk [tilespmem:v8+s0+$0x0], $0xffff;
	_ =	sdelay $0x1  }
0x90: {  	vm13 =	veq.s32 v32, $0x0  }
0x91: {  	v9 =	vsel vm13, $0x3, v31;
	v8 =	vld.idx.msk [tilespmem:v8+s31+$0x0], $0xffff  }
0x92: {  	vm0 =	veq.s32 v9, $0x1;
	vm14 =	veq.s32 v34, $0x0  }
0x93: {  	v36 =	vshll.u32 v33, $0x3;
	vm15 =	vne.s32 v35, $0x0;
	vm0 =	vmand vm14, vm0  }
0x94: {  	v10 =	vadd.s32 $0x10, v36;
	vm0 =	vmand vm0, vm15  }
0x95: {  	vm4 =	veq.s32 v9, $0x0;
	v37 =	vnsel vm0, $0x0, v10  }
0x96: {  	v8 =	vsel vm4, v33, v8;
	v9 =	vsel vm4, $0x8, v37  }
0x97: {  	v8 =	vadd.s32 v9, v8  }
0x98: {  	v8 =	vadd.s32 $0x1, v8  }
0x99: {  	[tilespmem:$0x6040] =	vst v8  }
0x9a: {  	v8 =	vld [tilespmem:s9+$0x3000];
	_ =	sdelay $0x4  }
0x9b: {  	vm5 =	vgt.s32 v8, $0x0  }
0x9c: {  	v8 =	vnsel vm5, $0x0, v8  }
0x9d: {  	v8 =	vmin.u32 v8, $0x1F  }
0x9e: {  	v8 =	vshll.u32 v8, $0x7  }
0x9f: {  	v8 =	vor.u32 v5, v8;
	_ =	sdelay $0x1  }
0xa0: {  	v38 =	vld [tilespmem:s9+$0x0]  }
0xa1: {  	v39 =	vld [tilespmem:s9+$0x2000]  }
0xa2: {  	v40 =	vld [tilespmem:s9+$0x1000]  }
0xa3: {  	v41 =	vld.idx.msk [tilespmem:v8+s2+$0x0], $0xffff  }
0xa4: {  	v42 =	vld.idx.msk [tilespmem:v8+s0+$0x0], $0xffff;
	_ =	sdelay $0x1  }
0xa5: {  	vm6 =	veq.s32 v39, $0x0  }
0xa6: {  	v9 =	vsel vm6, $0x3, v38;
	v8 =	vld.idx.msk [tilespmem:v8+s31+$0x0], $0xffff  }
0xa7: {  	vm0 =	veq.s32 v9, $0x1;
	vm7 =	veq.s32 v41, $0x0  }
0xa8: {  	v43 =	vshll.u32 v40, $0x3;
	vm8 =	vne.s32 v42, $0x0;
	vm0 =	vmand vm7, vm0  }
0xa9: {  	v10 =	vadd.s32 $0x10, v43;
	vm0 =	vmand vm0, vm8  }
0xaa: {  	vm9 =	veq.s32 v9, $0x0;
	v44 =	vnsel vm0, $0x0, v10  }
0xab: {  	v8 =	vsel vm9, v40, v8;
	v9 =	vsel vm9, $0x8, v44  }
0xac: {  	v8 =	vadd.s32 v9, v8  }
0xad: {  	v8 =	vadd.s32 $0x1, v8  }
0xae: {  	[tilespmem:$0x6050] =	vst v8  }
0xaf: {  	v8 =	vld [tilespmem:s10+$0x3000];
	_ =	sdelay $0x4  }
0xb0: {  	vm10 =	vgt.s32 v8, $0x0  }
0xb1: {  	v8 =	vnsel vm10, $0x0, v8  }
0xb2: {  	v8 =	vmin.u32 v8, $0x1F  }
0xb3: {  	v8 =	vshll.u32 v8, $0x7  }
0xb4: {  	v8 =	vor.u32 v6, v8;
	_ =	sdelay $0x1  }
0xb5: {  	v45 =	vld [tilespmem:s10+$0x0]  }
0xb6: {  	v46 =	vld [tilespmem:s10+$0x2000]  }
0xb7: {  	v47 =	vld [tilespmem:s10+$0x1000]  }
0xb8: {  	v48 =	vld.idx.msk [tilespmem:v8+s2+$0x0], $0xffff  }
0xb9: {  	v49 =	vld.idx.msk [tilespmem:v8+s0+$0x0], $0xffff;
	_ =	sdelay $0x1  }
0xba: {  	vm11 =	veq.s32 v46, $0x0  }
0xbb: {  	v9 =	vsel vm11, $0x3, v45;
	v8 =	vld.idx.msk [tilespmem:v8+s31+$0x0], $0xffff  }
0xbc: {  	vm0 =	veq.s32 v9, $0x1;
	vm12 =	veq.s32 v48, $0x0  }
0xbd: {  	v50 =	vshll.u32 v47, $0x3;
	vm13 =	vne.s32 v49, $0x0;
	vm0 =	vmand vm12, vm0  }
0xbe: {  	v10 =	vadd.s32 $0x10, v50;
	vm0 =	vmand vm0, vm13  }
0xbf: {  	vm14 =	veq.s32 v9, $0x0;
	v51 =	vnsel vm0, $0x0, v10  }
0xc0: {  	v8 =	vsel vm14, v47, v8;
	v9 =	vsel vm14, $0x8, v51  }
0xc1: {  	v8 =	vadd.s32 v9, v8  }
0xc2: {  	v8 =	vadd.s32 $0x1, v8  }
0xc3: {  	[tilespmem:$0x6060] =	vst v8  }
0xc4: {  	v8 =	vld [tilespmem:s11+$0x3000];
	_ =	sdelay $0x4  }
0xc5: {  	vm15 =	vgt.s32 v8, $0x0  }
0xc6: {  	v8 =	vnsel vm15, $0x0, v8  }
0xc7: {  	v8 =	vmin.u32 v8, $0x1F  }
0xc8: {  	v8 =	vshll.u32 v8, $0x7  }
0xc9: {  	v8 =	vor.u32 v7, v8;
	_ =	sdelay $0x1  }
0xca: {  	v52 =	vld [tilespmem:s11+$0x0]  }
0xcb: {  	v53 =	vld [tilespmem:s11+$0x2000]  }
0xcc: {  	v54 =	vld [tilespmem:s11+$0x1000]  }
0xcd: {  	v55 =	vld.idx.msk [tilespmem:v8+s2+$0x0], $0xffff  }
0xce: {  	v56 =	vld.idx.msk [tilespmem:v8+s0+$0x0], $0xffff;
	_ =	sdelay $0x1  }
0xcf: {  	vm4 =	veq.s32 v53, $0x0  }
0xd0: {  	v9 =	vsel vm4, $0x3, v52;
	v8 =	vld.idx.msk [tilespmem:v8+s31+$0x0], $0xffff  }
0xd1: {  	vm0 =	veq.s32 v9, $0x1;
	vm5 =	veq.s32 v55, $0x0  }
0xd2: {  	v57 =	vshll.u32 v54, $0x3;
	vm6 =	vne.s32 v56, $0x0;
	vm0 =	vmand vm5, vm0  }
0xd3: {  	v10 =	vadd.s32 $0x10, v57;
	vm0 =	vmand vm0, vm6  }
0xd4: {  	vm7 =	veq.s32 v9, $0x0;
	v58 =	vnsel vm0, $0x0, v10  }
0xd5: {  	v8 =	vsel vm7, v54, v8;
	v9 =	vsel vm7, $0x8, v58  }
0xd6: {  	v8 =	vadd.s32 v9, v8  }
0xd7: {  	v8 =	vadd.s32 $0x1, v8  }
0xd8: {  	[tilespmem:$0x6070] =	vst v8  }
0xd9: {  	v8 =	vld [tilespmem:s12+$0x3000];
	_ =	sdelay $0x4  }
0xda: {  	vm8 =	vgt.s32 v8, $0x0  }
0xdb: {  	v8 =	vnsel vm8, $0x0, v8  }
0xdc: {  	v8 =	vmin.u32 v8, $0x1F  }
0xdd: {  	v8 =	vshll.u32 v8, $0x7  }
0xde: {  	v8 =	vor.u32 v0, v8;
	_ =	sdelay $0x1  }
0xdf: {  	v59 =	vld [tilespmem:s12+$0x0]  }
0xe0: {  	v60 =	vld [tilespmem:s12+$0x2000]  }
0xe1: {  	v61 =	vld [tilespmem:s12+$0x1000]  }
0xe2: {  	v62 =	vld.idx.msk [tilespmem:v8+s2+$0x0], $0xffff  }
0xe3: {  	v63 =	vld.idx.msk [tilespmem:v8+s0+$0x0], $0xffff;
	_ =	sdelay $0x1  }
0xe4: {  	vm9 =	veq.s32 v60, $0x0  }
0xe5: {  	v9 =	vsel vm9, $0x3, v59;
	v8 =	vld.idx.msk [tilespmem:v8+s31+$0x0], $0xffff  }
0xe6: {  	vm0 =	veq.s32 v9, $0x1;
	vm10 =	veq.s32 v62, $0x0  }
0xe7: {  	v15 =	vshll.u32 v61, $0x3;
	vm11 =	vne.s32 v63, $0x0;
	vm0 =	vmand vm10, vm0  }
0xe8: {  	v10 =	vadd.s32 $0x10, v15;
	vm0 =	vmand vm0, vm11  }
0xe9: {  	vm12 =	veq.s32 v9, $0x0;
	v16 =	vnsel vm0, $0x0, v10  }
0xea: {  	v8 =	vsel vm12, v61, v8;
	v9 =	vsel vm12, $0x8, v16  }
0xeb: {  	v8 =	vadd.s32 v9, v8  }
0xec: {  	v8 =	vadd.s32 $0x1, v8  }
0xed: {  	[tilespmem:$0x6080] =	vst v8  }
0xee: {  	v8 =	vld [tilespmem:s13+$0x3000];
	_ =	sdelay $0x4  }
0xef: {  	vm13 =	vgt.s32 v8, $0x0  }
0xf0: {  	v8 =	vnsel vm13, $0x0, v8  }
0xf1: {  	v8 =	vmin.u32 v8, $0x1F  }
0xf2: {  	v8 =	vshll.u32 v8, $0x7  }
0xf3: {  	v8 =	vor.u32 v1, v8;
	_ =	sdelay $0x1  }
0xf4: {  	v17 =	vld [tilespmem:s13+$0x0]  }
0xf5: {  	v18 =	vld [tilespmem:s13+$0x2000]  }
0xf6: {  	v19 =	vld [tilespmem:s13+$0x1000]  }
0xf7: {  	v20 =	vld.idx.msk [tilespmem:v8+s2+$0x0], $0xffff  }
0xf8: {  	v21 =	vld.idx.msk [tilespmem:v8+s0+$0x0], $0xffff;
	_ =	sdelay $0x1  }
0xf9: {  	vm14 =	veq.s32 v18, $0x0  }
0xfa: {  	v9 =	vsel vm14, $0x3, v17;
	v8 =	vld.idx.msk [tilespmem:v8+s31+$0x0], $0xffff  }
0xfb: {  	vm0 =	veq.s32 v9, $0x1;
	vm15 =	veq.s32 v20, $0x0  }
0xfc: {  	v22 =	vshll.u32 v19, $0x3;
	vm4 =	vne.s32 v21, $0x0;
	vm0 =	vmand vm15, vm0  }
0xfd: {  	v10 =	vadd.s32 $0x10, v22;
	vm0 =	vmand vm0, vm4  }
0xfe: {  	vm5 =	veq.s32 v9, $0x0;
	v23 =	vnsel vm0, $0x0, v10  }
0xff: {  	v8 =	vsel vm5, v19, v8;
	v9 =	vsel vm5, $0x8, v23  }
0x100: {  	v8 =	vadd.s32 v9, v8  }
0x101: {  	v8 =	vadd.s32 $0x1, v8  }
0x102: {  	[tilespmem:$0x6090] =	vst v8  }
0x103: {  	v8 =	vld [tilespmem:s14+$0x3000];
	_ =	sdelay $0x4  }
0x104: {  	vm6 =	vgt.s32 v8, $0x0  }
0x105: {  	v8 =	vnsel vm6, $0x0, v8  }
0x106: {  	v8 =	vmin.u32 v8, $0x1F  }
0x107: {  	v8 =	vshll.u32 v8, $0x7  }
0x108: {  	v8 =	vor.u32 v2, v8;
	_ =	sdelay $0x1  }
0x109: {  	v24 =	vld [tilespmem:s14+$0x0]  }
0x10a: {  	v25 =	vld [tilespmem:s14+$0x2000]  }
0x10b: {  	v26 =	vld [tilespmem:s14+$0x1000]  }
0x10c: {  	v27 =	vld.idx.msk [tilespmem:v8+s2+$0x0], $0xffff  }
0x10d: {  	v28 =	vld.idx.msk [tilespmem:v8+s0+$0x0], $0xffff;
	_ =	sdelay $0x1  }
0x10e: {  	vm7 =	veq.s32 v25, $0x0  }
0x10f: {  	v9 =	vsel vm7, $0x3, v24;
	v8 =	vld.idx.msk [tilespmem:v8+s31+$0x0], $0xffff  }
0x110: {  	vm0 =	veq.s32 v9, $0x1;
	vm8 =	veq.s32 v27, $0x0  }
0x111: {  	v29 =	vshll.u32 v26, $0x3;
	vm9 =	vne.s32 v28, $0x0;
	vm0 =	vmand vm8, vm0  }
0x112: {  	v10 =	vadd.s32 $0x10, v29;
	vm0 =	vmand vm0, vm9  }
0x113: {  	vm10 =	veq.s32 v9, $0x0;
	v30 =	vnsel vm0, $0x0, v10  }
0x114: {  	v8 =	vsel vm10, v26, v8;
	v9 =	vsel vm10, $0x8, v30  }
0x115: {  	v8 =	vadd.s32 v9, v8  }
0x116: {  	v8 =	vadd.s32 $0x1, v8  }
0x117: {  	[tilespmem:$0x60A0] =	vst v8  }
0x118: {  	v8 =	vld [tilespmem:s16+$0x3000];
	_ =	sdelay $0x4  }
0x119: {  	vm11 =	vgt.s32 v8, $0x0  }
0x11a: {  	v8 =	vnsel vm11, $0x0, v8  }
0x11b: {  	v8 =	vmin.u32 v8, $0x1F  }
0x11c: {  	v8 =	vshll.u32 v8, $0x7  }
0x11d: {  	v8 =	vor.u32 v3, v8;
	_ =	sdelay $0x1  }
0x11e: {  	v31 =	vld [tilespmem:s16+$0x0]  }
0x11f: {  	v32 =	vld [tilespmem:s16+$0x2000]  }
0x120: {  	v33 =	vld [tilespmem:s16+$0x1000]  }
0x121: {  	v34 =	vld.idx.msk [tilespmem:v8+s2+$0x0], $0xffff  }
0x122: {  	v35 =	vld.idx.msk [tilespmem:v8+s0+$0x0], $0xffff;
	_ =	sdelay $0x1  }
0x123: {  	vm12 =	veq.s32 v32, $0x0  }
0x124: {  	v9 =	vsel vm12, $0x3, v31;
	v8 =	vld.idx.msk [tilespmem:v8+s31+$0x0], $0xffff  }
0x125: {  	vm0 =	veq.s32 v9, $0x1;
	vm13 =	veq.s32 v34, $0x0  }
0x126: {  	v36 =	vshll.u32 v33, $0x3;
	vm14 =	vne.s32 v35, $0x0;
	vm0 =	vmand vm13, vm0  }
0x127: {  	v10 =	vadd.s32 $0x10, v36;
	vm0 =	vmand vm0, vm14  }
0x128: {  	vm15 =	veq.s32 v9, $0x0;
	v37 =	vnsel vm0, $0x0, v10  }
0x129: {  	v8 =	vsel vm15, v33, v8;
	v9 =	vsel vm15, $0x8, v37  }
0x12a: {  	v8 =	vadd.s32 v9, v8  }
0x12b: {  	v8 =	vadd.s32 $0x1, v8  }
0x12c: {  	[tilespmem:$0x60B0] =	vst v8  }
0x12d: {  	v8 =	vld [tilespmem:s17+$0x3000];
	_ =	sdelay $0x4  }
0x12e: {  	vm4 =	vgt.s32 v8, $0x0  }
0x12f: {  	v8 =	vnsel vm4, $0x0, v8  }
0x130: {  	v8 =	vmin.u32 v8, $0x1F  }
0x131: {  	v8 =	vshll.u32 v8, $0x7  }
0x132: {  	v8 =	vor.u32 v4, v8;
	_ =	sdelay $0x1  }
0x133: {  	v38 =	vld [tilespmem:s17+$0x0]  }
0x134: {  	v39 =	vld [tilespmem:s17+$0x2000]  }
0x135: {  	v40 =	vld [tilespmem:s17+$0x1000]  }
0x136: {  	v41 =	vld.idx.msk [tilespmem:v8+s2+$0x0], $0xffff  }
0x137: {  	v42 =	vld.idx.msk [tilespmem:v8+s0+$0x0], $0xffff;
	_ =	sdelay $0x1  }
0x138: {  	vm5 =	veq.s32 v39, $0x0  }
0x139: {  	v9 =	vsel vm5, $0x3, v38;
	v8 =	vld.idx.msk [tilespmem:v8+s31+$0x0], $0xffff  }
0x13a: {  	vm0 =	veq.s32 v9, $0x1;
	vm6 =	veq.s32 v41, $0x0  }
0x13b: {  	v43 =	vshll.u32 v40, $0x3;
	vm7 =	vne.s32 v42, $0x0;
	vm0 =	vmand vm6, vm0  }
0x13c: {  	v10 =	vadd.s32 $0x10, v43;
	vm0 =	vmand vm0, vm7  }
0x13d: {  	vm8 =	veq.s32 v9, $0x0;
	v44 =	vnsel vm0, $0x0, v10  }
0x13e: {  	v8 =	vsel vm8, v40, v8;
	v9 =	vsel vm8, $0x8, v44  }
0x13f: {  	v8 =	vadd.s32 v9, v8  }
0x140: {  	v8 =	vadd.s32 $0x1, v8  }
0x141: {  	[tilespmem:$0x60C0] =	vst v8  }
0x142: {  	v8 =	vld [tilespmem:s18+$0x3000];
	_ =	sdelay $0x4  }
0x143: {  	vm9 =	vgt.s32 v8, $0x0  }
0x144: {  	v8 =	vnsel vm9, $0x0, v8  }
0x145: {  	v8 =	vmin.u32 v8, $0x1F  }
0x146: {  	v8 =	vshll.u32 v8, $0x7  }
0x147: {  	v8 =	vor.u32 v5, v8;
	_ =	sdelay $0x1  }
0x148: {  	v45 =	vld [tilespmem:s18+$0x0]  }
0x149: {  	v46 =	vld [tilespmem:s18+$0x2000]  }
0x14a: {  	v47 =	vld [tilespmem:s18+$0x1000]  }
0x14b: {  	v48 =	vld.idx.msk [tilespmem:v8+s2+$0x0], $0xffff  }
0x14c: {  	v49 =	vld.idx.msk [tilespmem:v8+s0+$0x0], $0xffff;
	_ =	sdelay $0x1  }
0x14d: {  	vm10 =	veq.s32 v46, $0x0  }
0x14e: {  	v9 =	vsel vm10, $0x3, v45;
	v8 =	vld.idx.msk [tilespmem:v8+s31+$0x0], $0xffff  }
0x14f: {  	vm0 =	veq.s32 v9, $0x1;
	vm11 =	veq.s32 v48, $0x0  }
0x150: {  	v50 =	vshll.u32 v47, $0x3;
	vm12 =	vne.s32 v49, $0x0;
	vm0 =	vmand vm11, vm0  }
0x151: {  	v10 =	vadd.s32 $0x10, v50;
	vm0 =	vmand vm0, vm12  }
0x152: {  	vm13 =	veq.s32 v9, $0x0;
	v51 =	vnsel vm0, $0x0, v10  }
0x153: {  	v8 =	vsel vm13, v47, v8;
	v9 =	vsel vm13, $0x8, v51  }
0x154: {  	v8 =	vadd.s32 v9, v8  }
0x155: {  	v8 =	vadd.s32 $0x1, v8  }
0x156: {  	[tilespmem:$0x60D0] =	vst v8  }
0x157: {  	v8 =	vld [tilespmem:s19+$0x3000];
	_ =	sdelay $0x4  }
0x158: {  	vm14 =	vgt.s32 v8, $0x0  }
0x159: {  	v8 =	vnsel vm14, $0x0, v8  }
0x15a: {  	v8 =	vmin.u32 v8, $0x1F  }
0x15b: {  	v8 =	vshll.u32 v8, $0x7  }
0x15c: {  	v8 =	vor.u32 v6, v8;
	_ =	sdelay $0x1  }
0x15d: {  	v52 =	vld [tilespmem:s19+$0x0]  }
0x15e: {  	v53 =	vld [tilespmem:s19+$0x2000]  }
0x15f: {  	v54 =	vld [tilespmem:s19+$0x1000]  }
0x160: {  	v55 =	vld.idx.msk [tilespmem:v8+s2+$0x0], $0xffff  }
0x161: {  	v56 =	vld.idx.msk [tilespmem:v8+s0+$0x0], $0xffff;
	_ =	sdelay $0x1  }
0x162: {  	vm15 =	veq.s32 v53, $0x0  }
0x163: {  	v9 =	vsel vm15, $0x3, v52;
	v8 =	vld.idx.msk [tilespmem:v8+s31+$0x0], $0xffff  }
0x164: {  	vm0 =	veq.s32 v9, $0x1;
	vm4 =	veq.s32 v55, $0x0  }
0x165: {  	v57 =	vshll.u32 v54, $0x3;
	vm5 =	vne.s32 v56, $0x0;
	vm0 =	vmand vm4, vm0  }
0x166: {  	v10 =	vadd.s32 $0x10, v57;
	vm0 =	vmand vm0, vm5  }
0x167: {  	vm6 =	veq.s32 v9, $0x0;
	v58 =	vnsel vm0, $0x0, v10  }
0x168: {  	v8 =	vsel vm6, v54, v8;
	v9 =	vsel vm6, $0x8, v58  }
0x169: {  	v8 =	vadd.s32 v9, v8  }
0x16a: {  	v8 =	vadd.s32 $0x1, v8  }
0x16b: {  	[tilespmem:$0x60E0] =	vst v8  }
0x16c: {  	v8 =	vld [tilespmem:s20+$0x3000];
	_ =	sdelay $0x4  }
0x16d: {  	vm7 =	vgt.s32 v8, $0x0  }
0x16e: {  	v8 =	vnsel vm7, $0x0, v8  }
0x16f: {  	v8 =	vmin.u32 v8, $0x1F  }
0x170: {  	v8 =	vshll.u32 v8, $0x7  }
0x171: {  	v8 =	vor.u32 v7, v8;
	_ =	sdelay $0x1  }
0x172: {  	v59 =	vld [tilespmem:s20+$0x0]  }
0x173: {  	v60 =	vld [tilespmem:s20+$0x2000]  }
0x174: {  	v61 =	vld [tilespmem:s20+$0x1000]  }
0x175: {  	v62 =	vld.idx.msk [tilespmem:v8+s2+$0x0], $0xffff  }
0x176: {  	v63 =	vld.idx.msk [tilespmem:v8+s0+$0x0], $0xffff;
	_ =	sdelay $0x1  }
0x177: {  	vm8 =	veq.s32 v60, $0x0  }
0x178: {  	v9 =	vsel vm8, $0x3, v59;
	v8 =	vld.idx.msk [tilespmem:v8+s31+$0x0], $0xffff  }
0x179: {  	vm0 =	veq.s32 v9, $0x1;
	vm9 =	veq.s32 v62, $0x0  }
0x17a: {  	v14 =	vshll.u32 v61, $0x3;
	vm10 =	vne.s32 v63, $0x0;
	vm0 =	vmand vm9, vm0  }
0x17b: {  	v10 =	vadd.s32 $0x10, v14;
	vm0 =	vmand vm0, vm10  }
0x17c: {  	vm11 =	veq.s32 v9, $0x0;
	v15 =	vnsel vm0, $0x0, v10  }
0x17d: {  	v8 =	vsel vm11, v61, v8;
	v9 =	vsel vm11, $0x8, v15  }
0x17e: {  	v8 =	vadd.s32 v9, v8  }
0x17f: {  	s1 =	rddreg [dreg:$0xd];
	v8 =	vadd.s32 $0x1, v8  }
0x180: {  	s5 =	rddreg [dreg:$0x11];
	[tilespmem:$0x60F0] =	vst v8  }
0x181: {  	[spmem:s1] =	stream.linear.scatter [tilespmem:s5], [sflag:$0x1], $0x100, $0x38;
	[tilespmem:$0x6280] =	vst v63  }
0x182: {  	_ =	swait.ge [sflag:s30], $0x100  }
0x183: {  	[sflag:s30] =	ssyncset.done $0x0  }
0x184: {  	[sflag:s30] =	ssyncadd.s32 $0xFFFFFF00  }
0x185: {  	[bflag:$0x0] =	sbarrier.arrive $0xFFFF  }
0x186: {  	s5 =	rddreg [dreg:$0x6]  }
0x187: {  	[tilespmem:s3], [sflag:$0x1] =	stream.linear.gather [spmem:s5], $0x1000, $0x38;
	[tilespmem:$0x6280] =	vst v63  }
0x188: {  	_ =	swait.ge [sflag:s30], $0x1000  }
0x189: {  	[sflag:s30] =	ssyncset.done $0x0  }
0x18a: {  	[sflag:s30] =	ssyncadd.s32 $0xFFFFF000  }
0x18b: {  	v8 =	vld [tilespmem:s15+$0x3000]  }
0x18c: {  	v16 =	vld [tilespmem:s15+$0x4000];
	_ =	sdelay $0x1  }
0x18d: {  	v17 =	vld [tilespmem:s15+$0x1000];
	_ =	sdelay $0x2  }
0x18e: {  	vm12 =	vgt.s32 v8, $0x0;
	vm13 =	vgt.s32 v16, $0x0  }
0x18f: {  	v8 =	vnsel vm12, $0x0, v8;
	v9 =	vnsel vm13, $0x0, v16  }
0x190: {  	vm14 =	veq.s32 v17, $0x1;
	v8 =	vmin.u32 v8, $0x1F;
	v9 =	vmin.u32 v9, $0x1F  }
0x191: {  	v10 =	vsel vm14, v9, v8  }
0x192: {  	v8 =	vsel vm14, v8, v9;
	v18 =	vshll.u32 v10, $0x7  }
0x193: {  	v8 =	vshll.u32 v8, $0x7;
	v9 =	vor.u32 v0, v18  }
0x194: {  	v8 =	vor.u32 v0, v8  }
0x195: {  	v19 =	vld [tilespmem:s15+$0x0]  }
0x196: {  	v20 =	vld [tilespmem:s15+$0x2000]  }
0x197: {  	v21 =	vld [tilespmem:s15+$0x5000]  }
0x198: {  	v9 =	vld.idx.msk [tilespmem:v9+s3+$0x0], $0xffff  }
0x199: {  	v8 =	vld.idx.msk [tilespmem:v8+s3+$0x0], $0xffff;
	_ =	sdelay $0x2  }
0x19a: {  	vm15 =	vne.s32 v20, $0x0;
	vm4 =	veq.s32 v19, $0x2  }
0x19b: {  	vm0 =	vmand vm15, vm4  }
0x19c: {  	v9 =	vsel vm0, v9, v21;
	v8 =	vshra.s32 v8, $0x3  }
0x19d: {  	v9 =	vshra.s32 v9, $0x3;
	v8 =	vnsel vm0, $0x0, v8  }
0x19e: {  	v8 =	vadd.s32 v9, v8  }
0x19f: {  	v8 =	vcvt.s32.f32 v8;
	_ =	sdelay $0x1  }
0x1a0: {  	[tilespmem:$0x6100] =	vst v8  }
0x1a1: {  	v8 =	vld [tilespmem:s21+$0x3000]  }
0x1a2: {  	v22 =	vld [tilespmem:s21+$0x4000];
	_ =	sdelay $0x1  }
0x1a3: {  	v23 =	vld [tilespmem:s21+$0x1000];
	_ =	sdelay $0x2  }
0x1a4: {  	vm5 =	vgt.s32 v8, $0x0;
	vm6 =	vgt.s32 v22, $0x0  }
0x1a5: {  	v8 =	vnsel vm5, $0x0, v8;
	v9 =	vnsel vm6, $0x0, v22  }
0x1a6: {  	vm7 =	veq.s32 v23, $0x1;
	v8 =	vmin.u32 v8, $0x1F;
	v9 =	vmin.u32 v9, $0x1F  }
0x1a7: {  	v10 =	vsel vm7, v9, v8  }
0x1a8: {  	v8 =	vsel vm7, v8, v9;
	v24 =	vshll.u32 v10, $0x7  }
0x1a9: {  	v8 =	vshll.u32 v8, $0x7;
	v9 =	vor.u32 v1, v24  }
0x1aa: {  	v8 =	vor.u32 v1, v8  }
0x1ab: {  	v25 =	vld [tilespmem:s21+$0x0]  }
0x1ac: {  	v26 =	vld [tilespmem:s21+$0x2000]  }
0x1ad: {  	v27 =	vld [tilespmem:s21+$0x5000]  }
0x1ae: {  	v9 =	vld.idx.msk [tilespmem:v9+s3+$0x0], $0xffff  }
0x1af: {  	v8 =	vld.idx.msk [tilespmem:v8+s3+$0x0], $0xffff;
	_ =	sdelay $0x2  }
0x1b0: {  	vm8 =	vne.s32 v26, $0x0;
	vm9 =	veq.s32 v25, $0x2  }
0x1b1: {  	vm0 =	vmand vm8, vm9  }
0x1b2: {  	v9 =	vsel vm0, v9, v27;
	v8 =	vshra.s32 v8, $0x3  }
0x1b3: {  	v9 =	vshra.s32 v9, $0x3;
	v8 =	vnsel vm0, $0x0, v8  }
0x1b4: {  	v8 =	vadd.s32 v9, v8  }
0x1b5: {  	v8 =	vcvt.s32.f32 v8;
	_ =	sdelay $0x1  }
0x1b6: {  	[tilespmem:$0x6110] =	vst v8  }
0x1b7: {  	v8 =	vld [tilespmem:s22+$0x3000]  }
0x1b8: {  	v28 =	vld [tilespmem:s22+$0x4000];
	_ =	sdelay $0x1  }
0x1b9: {  	v29 =	vld [tilespmem:s22+$0x1000];
	_ =	sdelay $0x2  }
0x1ba: {  	vm10 =	vgt.s32 v8, $0x0;
	vm11 =	vgt.s32 v28, $0x0  }
0x1bb: {  	v8 =	vnsel vm10, $0x0, v8;
	v9 =	vnsel vm11, $0x0, v28  }
0x1bc: {  	vm12 =	veq.s32 v29, $0x1;
	v8 =	vmin.u32 v8, $0x1F;
	v9 =	vmin.u32 v9, $0x1F  }
0x1bd: {  	v10 =	vsel vm12, v9, v8  }
0x1be: {  	v8 =	vsel vm12, v8, v9;
	v30 =	vshll.u32 v10, $0x7  }
0x1bf: {  	v8 =	vshll.u32 v8, $0x7;
	v9 =	vor.u32 v2, v30  }
0x1c0: {  	v8 =	vor.u32 v2, v8  }
0x1c1: {  	v31 =	vld [tilespmem:s22+$0x0]  }
0x1c2: {  	v32 =	vld [tilespmem:s22+$0x2000]  }
0x1c3: {  	v33 =	vld [tilespmem:s22+$0x5000]  }
0x1c4: {  	v9 =	vld.idx.msk [tilespmem:v9+s3+$0x0], $0xffff  }
0x1c5: {  	v8 =	vld.idx.msk [tilespmem:v8+s3+$0x0], $0xffff;
	_ =	sdelay $0x2  }
0x1c6: {  	vm13 =	vne.s32 v32, $0x0;
	vm14 =	veq.s32 v31, $0x2  }
0x1c7: {  	vm0 =	vmand vm13, vm14  }
0x1c8: {  	v9 =	vsel vm0, v9, v33;
	v8 =	vshra.s32 v8, $0x3  }
0x1c9: {  	v9 =	vshra.s32 v9, $0x3;
	v8 =	vnsel vm0, $0x0, v8  }
0x1ca: {  	v8 =	vadd.s32 v9, v8  }
0x1cb: {  	v8 =	vcvt.s32.f32 v8;
	_ =	sdelay $0x1  }
0x1cc: {  	[tilespmem:$0x6120] =	vst v8  }
0x1cd: {  	v8 =	vld [tilespmem:s23+$0x3000]  }
0x1ce: {  	v34 =	vld [tilespmem:s23+$0x4000];
	_ =	sdelay $0x1  }
0x1cf: {  	v35 =	vld [tilespmem:s23+$0x1000];
	_ =	sdelay $0x2  }
0x1d0: {  	vm15 =	vgt.s32 v8, $0x0;
	vm4 =	vgt.s32 v34, $0x0  }
0x1d1: {  	v8 =	vnsel vm15, $0x0, v8;
	v9 =	vnsel vm4, $0x0, v34  }
0x1d2: {  	vm5 =	veq.s32 v35, $0x1;
	v8 =	vmin.u32 v8, $0x1F;
	v9 =	vmin.u32 v9, $0x1F  }
0x1d3: {  	v10 =	vsel vm5, v9, v8  }
0x1d4: {  	v8 =	vsel vm5, v8, v9;
	v36 =	vshll.u32 v10, $0x7  }
0x1d5: {  	v8 =	vshll.u32 v8, $0x7;
	v9 =	vor.u32 v3, v36  }
0x1d6: {  	v8 =	vor.u32 v3, v8  }
0x1d7: {  	v37 =	vld [tilespmem:s23+$0x0]  }
0x1d8: {  	v38 =	vld [tilespmem:s23+$0x2000]  }
0x1d9: {  	v39 =	vld [tilespmem:s23+$0x5000]  }
0x1da: {  	v9 =	vld.idx.msk [tilespmem:v9+s3+$0x0], $0xffff  }
0x1db: {  	v8 =	vld.idx.msk [tilespmem:v8+s3+$0x0], $0xffff;
	_ =	sdelay $0x2  }
0x1dc: {  	vm6 =	vne.s32 v38, $0x0;
	vm7 =	veq.s32 v37, $0x2  }
0x1dd: {  	vm0 =	vmand vm6, vm7  }
0x1de: {  	v9 =	vsel vm0, v9, v39;
	v8 =	vshra.s32 v8, $0x3  }
0x1df: {  	v9 =	vshra.s32 v9, $0x3;
	v8 =	vnsel vm0, $0x0, v8  }
0x1e0: {  	v8 =	vadd.s32 v9, v8  }
0x1e1: {  	v8 =	vcvt.s32.f32 v8;
	_ =	sdelay $0x1  }
0x1e2: {  	[tilespmem:$0x6130] =	vst v8  }
0x1e3: {  	v8 =	vld [tilespmem:s24+$0x3000]  }
0x1e4: {  	v40 =	vld [tilespmem:s24+$0x4000];
	_ =	sdelay $0x1  }
0x1e5: {  	v41 =	vld [tilespmem:s24+$0x1000];
	_ =	sdelay $0x2  }
0x1e6: {  	vm8 =	vgt.s32 v8, $0x0;
	vm9 =	vgt.s32 v40, $0x0  }
0x1e7: {  	v8 =	vnsel vm8, $0x0, v8;
	v9 =	vnsel vm9, $0x0, v40  }
0x1e8: {  	vm10 =	veq.s32 v41, $0x1;
	v8 =	vmin.u32 v8, $0x1F;
	v9 =	vmin.u32 v9, $0x1F  }
0x1e9: {  	v10 =	vsel vm10, v9, v8  }
0x1ea: {  	v8 =	vsel vm10, v8, v9;
	v42 =	vshll.u32 v10, $0x7  }
0x1eb: {  	v8 =	vshll.u32 v8, $0x7;
	v9 =	vor.u32 v4, v42  }
0x1ec: {  	v8 =	vor.u32 v4, v8  }
0x1ed: {  	v43 =	vld [tilespmem:s24+$0x0]  }
0x1ee: {  	v44 =	vld [tilespmem:s24+$0x2000]  }
0x1ef: {  	v45 =	vld [tilespmem:s24+$0x5000]  }
0x1f0: {  	v9 =	vld.idx.msk [tilespmem:v9+s3+$0x0], $0xffff  }
0x1f1: {  	v8 =	vld.idx.msk [tilespmem:v8+s3+$0x0], $0xffff;
	_ =	sdelay $0x2  }
0x1f2: {  	vm11 =	vne.s32 v44, $0x0;
	vm12 =	veq.s32 v43, $0x2  }
0x1f3: {  	vm0 =	vmand vm11, vm12  }
0x1f4: {  	v9 =	vsel vm0, v9, v45;
	v8 =	vshra.s32 v8, $0x3  }
0x1f5: {  	v9 =	vshra.s32 v9, $0x3;
	v8 =	vnsel vm0, $0x0, v8  }
0x1f6: {  	v8 =	vadd.s32 v9, v8  }
0x1f7: {  	v8 =	vcvt.s32.f32 v8;
	_ =	sdelay $0x1  }
0x1f8: {  	[tilespmem:$0x6140] =	vst v8  }
0x1f9: {  	v8 =	vld [tilespmem:s26+$0x3000]  }
0x1fa: {  	v46 =	vld [tilespmem:s26+$0x4000];
	_ =	sdelay $0x1  }
0x1fb: {  	v47 =	vld [tilespmem:s26+$0x1000];
	_ =	sdelay $0x2  }
0x1fc: {  	vm13 =	vgt.s32 v8, $0x0;
	vm14 =	vgt.s32 v46, $0x0  }
0x1fd: {  	v8 =	vnsel vm13, $0x0, v8;
	v9 =	vnsel vm14, $0x0, v46  }
0x1fe: {  	vm15 =	veq.s32 v47, $0x1;
	v8 =	vmin.u32 v8, $0x1F;
	v9 =	vmin.u32 v9, $0x1F  }
0x1ff: {  	v10 =	vsel vm15, v9, v8  }
0x200: {  	v8 =	vsel vm15, v8, v9;
	v48 =	vshll.u32 v10, $0x7  }
0x201: {  	v8 =	vshll.u32 v8, $0x7;
	v9 =	vor.u32 v5, v48  }
0x202: {  	v8 =	vor.u32 v5, v8  }
0x203: {  	v49 =	vld [tilespmem:s26+$0x0]  }
0x204: {  	v50 =	vld [tilespmem:s26+$0x2000]  }
0x205: {  	v51 =	vld [tilespmem:s26+$0x5000]  }
0x206: {  	v9 =	vld.idx.msk [tilespmem:v9+s3+$0x0], $0xffff  }
0x207: {  	v8 =	vld.idx.msk [tilespmem:v8+s3+$0x0], $0xffff;
	_ =	sdelay $0x2  }
0x208: {  	vm4 =	vne.s32 v50, $0x0;
	vm5 =	veq.s32 v49, $0x2  }
0x209: {  	vm0 =	vmand vm4, vm5  }
0x20a: {  	v9 =	vsel vm0, v9, v51;
	v8 =	vshra.s32 v8, $0x3  }
0x20b: {  	v9 =	vshra.s32 v9, $0x3;
	v8 =	vnsel vm0, $0x0, v8  }
0x20c: {  	v8 =	vadd.s32 v9, v8  }
0x20d: {  	v8 =	vcvt.s32.f32 v8;
	_ =	sdelay $0x1  }
0x20e: {  	[tilespmem:$0x6150] =	vst v8  }
0x20f: {  	v8 =	vld [tilespmem:s28+$0x3000]  }
0x210: {  	v52 =	vld [tilespmem:s28+$0x4000];
	_ =	sdelay $0x1  }
0x211: {  	v53 =	vld [tilespmem:s28+$0x1000];
	_ =	sdelay $0x2  }
0x212: {  	vm6 =	vgt.s32 v8, $0x0;
	vm7 =	vgt.s32 v52, $0x0  }
0x213: {  	v8 =	vnsel vm6, $0x0, v8;
	v9 =	vnsel vm7, $0x0, v52  }
0x214: {  	vm8 =	veq.s32 v53, $0x1;
	v8 =	vmin.u32 v8, $0x1F;
	v9 =	vmin.u32 v9, $0x1F  }
0x215: {  	v10 =	vsel vm8, v9, v8  }
0x216: {  	v8 =	vsel vm8, v8, v9;
	v54 =	vshll.u32 v10, $0x7  }
0x217: {  	v8 =	vshll.u32 v8, $0x7;
	v9 =	vor.u32 v6, v54  }
0x218: {  	v8 =	vor.u32 v6, v8  }
0x219: {  	v55 =	vld [tilespmem:s28+$0x0]  }
0x21a: {  	v56 =	vld [tilespmem:s28+$0x2000]  }
0x21b: {  	v57 =	vld [tilespmem:s28+$0x5000]  }
0x21c: {  	v9 =	vld.idx.msk [tilespmem:v9+s3+$0x0], $0xffff  }
0x21d: {  	v8 =	vld.idx.msk [tilespmem:v8+s3+$0x0], $0xffff;
	_ =	sdelay $0x2  }
0x21e: {  	vm9 =	vne.s32 v56, $0x0;
	vm10 =	veq.s32 v55, $0x2  }
0x21f: {  	vm0 =	vmand vm9, vm10  }
0x220: {  	v9 =	vsel vm0, v9, v57;
	v8 =	vshra.s32 v8, $0x3  }
0x221: {  	v9 =	vshra.s32 v9, $0x3;
	v8 =	vnsel vm0, $0x0, v8  }
0x222: {  	v8 =	vadd.s32 v9, v8  }
0x223: {  	v8 =	vcvt.s32.f32 v8;
	_ =	sdelay $0x1  }
0x224: {  	[tilespmem:$0x6160] =	vst v8  }
0x225: {  	v8 =	vld [tilespmem:s29+$0x3000]  }
0x226: {  	v58 =	vld [tilespmem:s29+$0x4000];
	_ =	sdelay $0x1  }
0x227: {  	v59 =	vld [tilespmem:s29+$0x1000];
	_ =	sdelay $0x2  }
0x228: {  	vm11 =	vgt.s32 v8, $0x0;
	vm12 =	vgt.s32 v58, $0x0  }
0x229: {  	v8 =	vnsel vm11, $0x0, v8;
	v9 =	vnsel vm12, $0x0, v58  }
0x22a: {  	vm13 =	veq.s32 v59, $0x1;
	v8 =	vmin.u32 v8, $0x1F;
	v9 =	vmin.u32 v9, $0x1F  }
0x22b: {  	v10 =	vsel vm13, v9, v8  }
0x22c: {  	v8 =	vsel vm13, v8, v9;
	v60 =	vshll.u32 v10, $0x7  }
0x22d: {  	v8 =	vshll.u32 v8, $0x7;
	v9 =	vor.u32 v7, v60  }
0x22e: {  	v8 =	vor.u32 v7, v8  }
0x22f: {  	v61 =	vld [tilespmem:s29+$0x0]  }
0x230: {  	v62 =	vld [tilespmem:s29+$0x2000]  }
0x231: {  	v63 =	vld [tilespmem:s29+$0x5000]  }
0x232: {  	v9 =	vld.idx.msk [tilespmem:v9+s3+$0x0], $0xffff  }
0x233: {  	v8 =	vld.idx.msk [tilespmem:v8+s3+$0x0], $0xffff;
	_ =	sdelay $0x2  }
0x234: {  	vm14 =	vne.s32 v62, $0x0;
	vm15 =	veq.s32 v61, $0x2  }
0x235: {  	vm0 =	vmand vm14, vm15  }
0x236: {  	v9 =	vsel vm0, v9, v63;
	v8 =	vshra.s32 v8, $0x3  }
0x237: {  	v9 =	vshra.s32 v9, $0x3;
	v8 =	vnsel vm0, $0x0, v8  }
0x238: {  	v8 =	vadd.s32 v9, v8  }
0x239: {  	v8 =	vcvt.s32.f32 v8  }
0x23a: {  	p0 =	sne.s32 s25, $0x1;
	s1 =	rddreg [dreg:$0xe]  }
.Ltmp0:
0x23b: {  	s5 =	rddreg [dreg:$0x12];
	[tilespmem:$0x6170] =	vst v8;
	(pc) =	sbr.rel @p0 .LBB2_1-.Ltmp0, $4  }
0x23c: {  	[hbm4b:s1+s2] =	stream.linear.scatter [tilespmem:s5], [sflag:$0x1], $0x80, $0x38;
	[tilespmem:$0x6280] =	vst v63  }
0x23d: {  	_ =	swait.ge [sflag:s30], $0x80  }
0x23e: {  	[sflag:s30] =	ssyncset.done $0x0  }
0x23f: {  	s25 =	sadd.s32 $0xFFFFFFFF, s25;
	[sflag:s30] =	ssyncadd.s32 $0xFFFFFF80  }
0x240: {  	_ =	sfence.sel $0x180000  }
0x241: {  	[bflag:$0x0] =	sbarrier.arrive $0xFFFF  }
0x242: {  	_ =	strace $0x90000047  }
0x243: {  	s0 =	stileid.u32;
	[bflag:$0x2] =	sbarrier.arrive $0xFFFF  }
0x244: {  	p0 =	sne.s32 s0, $0x0;
	s0 =	rddreg [dreg:$0x7]  }
0x245: {  	s0 =	sadd.s32 @!p0 $0x100000, s0  }
0x246: {  	[sflag:s0] =	ssyncadd.tile.s32 @!p0 $0x1;
	_ =	shalt  }
.Lfunc_end2:
_tile_overlayer_lowered:
.L_overlay_start_2:
0x247: {  	(tag) =	ssettag $0x2  }
0x248: {  	s0 =	rddreg [dreg:$0x0];
	s2 =	stileid.u32  }
0x249: {  	s1 =	rddreg [dreg:$0x1];
	p0 =	sne.s32 s2, $0x0  }
0x24a: {  	s3 =	rddreg [dreg:$0x2];
	[bflag:$0x3] =	sbarrier.arrive $0xFFFF;
	s2 =	simm.s32 @!p0 $0x1C01  }
0x24b: {  	[timem:s3], [sflag:s2] =	dma.local @!p0 [hbm:s0], s1  }
0x24c: {  	s0 =	simm.s32 @!p0 $0x1  }
0x24d: {  	_ =	swait.ge @!p0 [sflag:s0], s1  }
0x24e: {  	s1 =	ssub.s32 @!p0 $0x0, s1;
	[sflag:s0] =	ssyncset.done @!p0 $0x0  }
0x24f: {  	[sflag:s0] =	ssyncadd.s32 @!p0 s1  }
0x250: {  	[bflag:$0x3] =	sbarrier.arrive $0xFFFF  }
0x251: {  	_ =	shalt  }

</sc_bundles>
